<compile_context>
chip_gen: v7x
topology: tpu7x:2x2x1
jax: 0.10.2.dev20260603
libtpu: 0.0.44.dev20260713+nightly
codegen_flags: <defaults>
</compile_context>

<pallas_src>
import functools

import jax
import jax.numpy as jnp
from jax import lax
from jax.experimental import pallas as pl
from jax.experimental.pallas import tpu as pltpu
from jax.experimental.pallas import tpu_sc as plsc

N_NODES = 10000
F = 128
FH = 64
N_EDGES = 320000
E_TOT = N_EDGES + N_NODES
CHUNK = 240
CHUNKS = E_TOT // CHUNK
K_ITERS = -(-CHUNKS // 16)
N_PAD = 10240
STRIDE = 640
NH = 5120
W_SPLIT = -(-CHUNKS // 2)
ROWS_T = NH // 16
AGG_ROWS = NH + 8


def _mm_body(x_ref, w_ref, a2_ref, act_ref, sp_ref):
    act = lax.dot_general(x_ref[...], w_ref[...], (((1,), (1,)), ((), ())),
                          preferred_element_type=jnp.float32)
    act_ref[...] = act
    sp_ref[...] = lax.dot_general(act, a2_ref[...], (((1,), (0,)), ((), ())),
                                  preferred_element_type=jnp.float32)


def _node_stage(x, W, a2):
    grid = N_NODES // 1000
    return pl.pallas_call(
        _mm_body,
        grid=(grid,),
        in_specs=[
            pl.BlockSpec((1000, F), lambda i: (i, 0)),
            pl.BlockSpec((F, F), lambda i: (0, 0)),
            pl.BlockSpec((F, F), lambda i: (0, 0)),
        ],
        out_specs=[
            pl.BlockSpec((1000, F), lambda i: (i, 0)),
            pl.BlockSpec((1000, F), lambda i: (i, 0)),
        ],
        out_shape=[
            jax.ShapeDtypeStruct((N_NODES, F), jnp.float32),
            jax.ShapeDtypeStruct((N_NODES, F), jnp.float32),
        ],
    )(x, W, a2)


def _combine_body(aggp_ref, den_ref, agg_ref, dout_ref):
    d = den_ref[...]
    dout_ref[...] = d
    agg_ref[...] = aggp_ref[...] / d


def _combine_stage(aggp, den):
    grid = N_NODES // 1000
    return pl.pallas_call(
        _combine_body,
        grid=(grid,),
        in_specs=[
            pl.BlockSpec((1000, F), lambda i: (i, 0)),
            pl.BlockSpec((1000, 1), lambda i: (i, 0)),
        ],
        out_specs=[
            pl.BlockSpec((1000, F), lambda i: (i, 0)),
            pl.BlockSpec((1000, 1), lambda i: (i, 0)),
        ],
        out_shape=[
            jax.ShapeDtypeStruct((N_NODES, F), jnp.float32),
            jax.ShapeDtypeStruct((N_NODES, 1), jnp.float32),
        ],
    )(aggp, den)


def _sc_body(act_hbm, sd_hbm, ss_hbm, src_hbm, dst_hbm,
             msg_hbm, w_hbm, aggp_hbm, denp_hbm,
             sdst_t, ssrc_t, src_a, src_b, dst_a, dst_b,
             dstl_a, dstl_b, rows, wrows, wbuf, idx_z,
             src_a2, src_b2, dst_a2, dst_b2,
             agg_s, den_s, sem, sem2, sem_i0, sem_i1):
    sid = lax.axis_index("s")
    cid = lax.axis_index("c")
    nbase = cid * NH

    def _set_idx_z(j, stride):
        for g in range(4):
            idx_z[pl.ds(g * 16, 16)] = (
                jnp.full((16,), sid * stride + j * 64 + g * 16, jnp.int32)
                + lax.iota(jnp.int32, 16))

    pltpu.sync_copy(sd_hbm, sdst_t)
    pltpu.sync_copy(ss_hbm, ssrc_t)

    def _zw(g, carry):
        wbuf[pl.ds(g * 16, 16)] = jnp.zeros((16,), jnp.float32)
        return carry

    lax.fori_loop(0, STRIDE // 16, _zw, None)

    def _zrow(r, carry):
        for f in range(F // 16):
            wrows[r, pl.ds(f * 16, 16)] = jnp.zeros((16,), jnp.float32)
        return carry

    lax.fori_loop(0, 64, _zrow, None)
    for j in range(5):
        _set_idx_z(j, ROWS_T)
        pltpu.sync_copy(wrows.at[pl.ds(0, 64)], agg_s.at[idx_z])

    @pl.when(cid == 0)
    def _den_zero():
        for j in range(10):
            _set_idx_z(j, STRIDE)
            pltpu.sync_copy(wbuf.at[pl.ds(0, 64)], den_s.at[idx_z])

    plsc.subcore_barrier()

    iset0 = (src_a, src_b, dst_a, dst_b, sem_i0)
    iset1 = (src_a2, src_b2, dst_a2, dst_b2, sem_i1)

    def _fire_idx(c, st):
        sa, sb, da, db, semi = st
        base = c * CHUNK
        pltpu.async_copy(src_hbm.at[pl.ds(base, 128)], sa, semi)
        pltpu.async_copy(src_hbm.at[pl.ds(base + 128, 112)], sb, semi)
        pltpu.async_copy(dst_hbm.at[pl.ds(base, 128)], da, semi)
        pltpu.async_copy(dst_hbm.at[pl.ds(base + 128, 112)], db, semi)

    def _drain_idx(c, st):
        sa, sb, da, db, semi = st
        base = c * CHUNK
        pltpu.make_async_copy(src_hbm.at[pl.ds(base, 128)], sa, semi).wait()
        pltpu.make_async_copy(src_hbm.at[pl.ds(base + 128, 112)], sb,
                              semi).wait()
        pltpu.make_async_copy(dst_hbm.at[pl.ds(base, 128)], da, semi).wait()
        pltpu.make_async_copy(dst_hbm.at[pl.ds(base + 128, 112)], db,
                              semi).wait()

    def _step(k, cur, nxt):
        c = sid + k * 16

        @pl.when(c < CHUNKS)
        def _():
            sa_c, sb_c, da_c, db_c, _ = cur
            base = c * CHUNK
            owner = (c < W_SPLIT) == (cid == 0)
            _drain_idx(c, cur)
            cp_a = pltpu.async_copy(act_hbm.at[sa_c],
                                    rows.at[pl.ds(0, 128)], sem)
            cp_b = pltpu.async_copy(act_hbm.at[sb_c],
                                    rows.at[pl.ds(128, 112)], sem)

            @pl.when(c + 16 < CHUNKS)
            def _prefetch_idx():
                _fire_idx(c + 16, nxt)

            for g in range(CHUNK // 16):
                if g < 8:
                    dv = da_c[pl.ds(g * 16, 16)]
                    sv = sa_c[pl.ds(g * 16, 16)]
                else:
                    dv = db_c[pl.ds((g - 8) * 16, 16)]
                    sv = sb_c[pl.ds((g - 8) * 16, 16)]
                e = (plsc.load_gather(sdst_t, [dv])
                     + plsc.load_gather(ssrc_t, [sv]))
                e = jnp.where(e > 0.0, e, e * 0.2)
                wbuf[pl.ds(g * 16, 16)] = jnp.exp(e)
                ld = dv - nbase
                ok = (ld >= 0) & (ld < NH)
                ld = jnp.where(ok, ld, NH)
                if g < 8:
                    dstl_a[pl.ds(g * 16, 16)] = ld
                else:
                    dstl_b[pl.ds((g - 8) * 16, 16)] = ld

            cp_a.wait()
            cp_b.wait()

            @pl.when(owner)
            def _own_out():
                pltpu.async_copy(rows, msg_hbm.at[pl.ds(base, CHUNK)], sem2)
                pltpu.async_copy(wbuf.at[pl.ds(0, CHUNK)],
                                 w_hbm.at[pl.ds(base, CHUNK)], sem2)

            @plsc.parallel_loop(0, CHUNK, 1, unroll=4)
            def _mul_row(r):
                wsp = plsc.load_gather(wbuf, [jnp.full((16,), r, jnp.int32)])
                for f in range(F // 16):
                    sl = pl.ds(f * 16, 16)
                    wrows[r, sl] = rows[r, sl] * wsp

            @pl.when(owner)
            def _own_drain():
                pltpu.make_async_copy(
                    rows, msg_hbm.at[pl.ds(base, CHUNK)], sem2).wait()
                pltpu.make_async_copy(
                    wbuf.at[pl.ds(0, CHUNK)],
                    w_hbm.at[pl.ds(base, CHUNK)], sem2).wait()

            s1 = pltpu.async_copy(wrows.at[pl.ds(0, 128)], agg_s.at[dstl_a],
                                  sem, add=True)
            s2 = pltpu.async_copy(wrows.at[pl.ds(128, 112)], agg_s.at[dstl_b],
                                  sem, add=True)

            @pl.when(cid == 0)
            def _den_add():
                pltpu.async_copy(wbuf.at[pl.ds(0, 128)], den_s.at[da_c],
                                 sem2, add=True)
                pltpu.async_copy(wbuf.at[pl.ds(128, 112)], den_s.at[db_c],
                                 sem2, add=True)

            s1.wait()
            s2.wait()

            @pl.when(cid == 0)
            def _den_drain():
                pltpu.make_async_copy(
                    wbuf.at[pl.ds(0, 128)], den_s.at[da_c], sem2).wait()
                pltpu.make_async_copy(
                    wbuf.at[pl.ds(128, 112)], den_s.at[db_c], sem2).wait()

    _fire_idx(sid, iset0)

    def _chunk2(j, carry):
        _step(2 * j, iset0, iset1)
        _step(2 * j + 1, iset1, iset0)
        return carry

    lax.fori_loop(0, K_ITERS // 2, _chunk2, None)
    plsc.subcore_barrier()

    for j in range(5):
        _set_idx_z(j, ROWS_T)
        pltpu.sync_copy(agg_s.at[idx_z], wrows.at[pl.ds(0, 64)])
        pltpu.sync_copy(
            wrows.at[pl.ds(0, 64)],
            aggp_hbm.at[cid, pl.ds(sid * ROWS_T + j * 64, 64)])

    @pl.when(cid == 0)
    def _den_out():
        for j in range(10):
            _set_idx_z(j, STRIDE)
            pltpu.sync_copy(den_s.at[idx_z], wbuf.at[pl.ds(0, 64)])
            pltpu.sync_copy(
                wbuf.at[pl.ds(0, 64)],
                denp_hbm.at[pl.ds(sid * STRIDE + j * 64, 64)])


def _edge_stage(act, sd, ss, src, dst):
    mesh = plsc.VectorSubcoreMesh(core_axis_name="c", subcore_axis_name="s",
                                  num_cores=2)
    fn = pl.kernel(
        _sc_body,
        mesh=mesh,
        compiler_params=pltpu.CompilerParams(needs_layout_passes=False),
        out_type=[
            jax.ShapeDtypeStruct((E_TOT, F), jnp.float32),
            jax.ShapeDtypeStruct((E_TOT,), jnp.float32),
            jax.ShapeDtypeStruct((2, NH, F), jnp.float32),
            jax.ShapeDtypeStruct((N_PAD,), jnp.float32),
        ],
        scratch_types=[
            pltpu.VMEM((N_NODES,), jnp.float32),
            pltpu.VMEM((N_NODES,), jnp.float32),
            pltpu.VMEM((128,), jnp.int32),
            pltpu.VMEM((112,), jnp.int32),
            pltpu.VMEM((128,), jnp.int32),
            pltpu.VMEM((112,), jnp.int32),
            pltpu.VMEM((128,), jnp.int32),
            pltpu.VMEM((112,), jnp.int32),
            pltpu.VMEM((CHUNK, F), jnp.float32),
            pltpu.VMEM((CHUNK, F), jnp.float32),
            pltpu.VMEM((STRIDE,), jnp.float32),
            pltpu.VMEM((64,), jnp.int32),
            pltpu.VMEM((128,), jnp.int32),
            pltpu.VMEM((112,), jnp.int32),
            pltpu.VMEM((128,), jnp.int32),
            pltpu.VMEM((112,), jnp.int32),
            pltpu.VMEM_SHARED((AGG_ROWS, F), jnp.float32),
            pltpu.VMEM_SHARED((N_PAD,), jnp.float32),
            pltpu.SemaphoreType.DMA,
            pltpu.SemaphoreType.DMA,
            pltpu.SemaphoreType.DMA,
            pltpu.SemaphoreType.DMA,
        ],
    )
    return fn(act, sd, ss, src, dst)


def kernel(x, edge_index, W, a):
    ei = edge_index.astype(jnp.int32)
    loops = jnp.arange(N_NODES, dtype=jnp.int32)
    src = jnp.concatenate([ei[0], loops])
    dst = jnp.concatenate([ei[1], loops])

    a2 = jnp.zeros((F, F), jnp.float32)
    a2 = a2.at[:, 0].set(a[:F]).at[:, 1].set(a[F:])
    act, s_pair = _node_stage(x, W, a2)
    sd = s_pair[:, 0]
    ss = s_pair[:, 1]

    msg, w, aggp, denp = _edge_stage(act, sd, ss, src, dst)

    den = denp[:N_NODES].reshape(N_NODES, 1)
    agg, dout = _combine_stage(aggp.reshape(2 * NH, F), den)
    return (agg, w, dout.reshape(N_NODES), msg)

# --- scband reference (transcript-rebuilt; emitter-appended) ---
"""Pipeline reference for scband-graph-attention-39032662786125 (READ-ONLY COPY).

The authoritative reference and input builder live on the scoring server;
editing this copy changes nothing except your own understanding.
"""

import jax, jax.numpy as jnp
import numpy as np

N_NODES = 10000
N_EDGES = 320000
IN_FEAT = 128
OUT_FEAT = 128


def setup_inputs(seed: int = 0) -> dict:
    key = jax.random.key(seed)
    k_x, k_ei, k_w, k_a = jax.random.split(key, 4)
    x = jax.random.normal(k_x, (N_NODES, IN_FEAT), dtype=jnp.float32)
    edge_index = jax.random.randint(k_ei, (2, N_EDGES), 0, N_NODES, dtype=jnp.int64)
    # xavier_uniform for W: limit = sqrt(6 / (fan_in + fan_out))
    limit = float(np.sqrt(6.0 / (IN_FEAT + OUT_FEAT)))
    W = jax.random.uniform(k_w, (OUT_FEAT, IN_FEAT), dtype=jnp.float32, minval=-limit, maxval=limit)
    # a ~ U(0, 1)
    a = jax.random.uniform(k_a, (OUT_FEAT * 2,), dtype=jnp.float32, minval=0.0, maxval=1.0)
    return {"x": x, "edge_index": edge_index, "W": W, "a": a}


def reference(x, edge_index, W, a):
    num_nodes = x.shape[0]
    out_features = W.shape[0]
    # add self loops
    loops = jnp.arange(num_nodes, dtype=edge_index.dtype)
    edge_index = jnp.concatenate([edge_index, jnp.stack([loops, loops], axis=0)], axis=1)
    sources = edge_index[0]
    destinations = edge_index[1]
    activations = x @ W.T                                   # [N, F_out]
    messages = activations[sources]                          # gather [E, F_out]
    attention_inputs = jnp.concatenate([activations[destinations], activations[sources]], axis=1)  # [E, 2*F_out]
    e = attention_inputs @ a                                 # [E]
    e = jnp.where(e > 0, e, 0.2 * e)                         # leaky_relu(negative_slope=0.2)
    edge_weights_numerator = jnp.exp(e)                      # [E]
    weighted_messages = messages * edge_weights_numerator[:, None]
    softmax_denominator = jnp.zeros((num_nodes,), dtype=x.dtype).at[destinations].add(edge_weights_numerator)
    aggregated_messages = jnp.zeros((num_nodes, out_features), dtype=x.dtype).at[destinations].add(weighted_messages)
    aggregated_messages = aggregated_messages / softmax_denominator[:, None]
    return (aggregated_messages, edge_weights_numerator, softmax_denominator, messages)

if __name__ == "__main__":
    import jax
    _d = setup_inputs()
    print(jax.jit(kernel)(*tuple(_d.values())))

</pallas_src>

<mosaic_0001>
#map = affine_map<(d0, d1) -> (0, 0)>
#map1 = affine_map<(d0, d1) -> (0)>
#map2 = affine_map<(d0, d1) -> (0, 0, 0)>
module attributes {stable_mosaic.version = 14 : i64} {
  func.func @_sc_body(%arg0: i32, %arg1: i32, %arg2: memref<10000x128xf32, #tpu.memory_space<hbm>>, %arg3: memref<10000xf32, #tpu.memory_space<hbm>>, %arg4: memref<10000xf32, #tpu.memory_space<hbm>>, %arg5: memref<330000xi32, #tpu.memory_space<hbm>>, %arg6: memref<330000xi32, #tpu.memory_space<hbm>>, %arg7: memref<330000x128xf32, #tpu.memory_space<hbm>>, %arg8: memref<330000xf32, #tpu.memory_space<hbm>>, %arg9: memref<2x5120x128xf32, #tpu.memory_space<hbm>>, %arg10: memref<10240xf32, #tpu.memory_space<hbm>>, %arg11: memref<10000xf32, #tpu.memory_space<vmem>>, %arg12: memref<10000xf32, #tpu.memory_space<vmem>>, %arg13: memref<128xi32, #tpu.memory_space<vmem>>, %arg14: memref<112xi32, #tpu.memory_space<vmem>>, %arg15: memref<128xi32, #tpu.memory_space<vmem>>, %arg16: memref<112xi32, #tpu.memory_space<vmem>>, %arg17: memref<128xi32, #tpu.memory_space<vmem>>, %arg18: memref<112xi32, #tpu.memory_space<vmem>>, %arg19: memref<240x128xf32, #tpu.memory_space<vmem>>, %arg20: memref<240x128xf32, #tpu.memory_space<vmem>>, %arg21: memref<640xf32, #tpu.memory_space<vmem>>, %arg22: memref<64xi32, #tpu.memory_space<vmem>>, %arg23: memref<128xi32, #tpu.memory_space<vmem>>, %arg24: memref<112xi32, #tpu.memory_space<vmem>>, %arg25: memref<128xi32, #tpu.memory_space<vmem>>, %arg26: memref<112xi32, #tpu.memory_space<vmem>>, %arg27: memref<5128x128xf32, #tpu.memory_space<vmem_shared>>, %arg28: memref<10240xf32, #tpu.memory_space<vmem_shared>>, %arg29: memref<!tpu.dma_semaphore, #tpu.memory_space<semaphore_mem>>, %arg30: memref<!tpu.dma_semaphore, #tpu.memory_space<semaphore_mem>>, %arg31: memref<!tpu.dma_semaphore, #tpu.memory_space<semaphore_mem>>, %arg32: memref<!tpu.dma_semaphore, #tpu.memory_space<semaphore_mem>>) attributes {dimension_semantics = [#tpu.dimension_semantics<core_parallel>, #tpu.dimension_semantics<subcore_parallel>], iteration_bounds = array<i64: 2, 16>, scalar_prefetch = 0 : i64, scratch_operands = 22 : i64, tpu.core_type = #tpu.core_type<sc_vector_subcore>, window_params = [{transform_indices = #map}, {transform_indices = #map1}, {transform_indices = #map1}, {transform_indices = #map1}, {transform_indices = #map1}, {transform_indices = #map}, {transform_indices = #map1}, {transform_indices = #map2}, {transform_indices = #map1}]} {
    %mul3A = arith.constant 5120 : i32
    %mul3A_0 = arith.muli %arg0, %mul3A : i32
    "tpu.region"() ({
      %run_scoped3A = tpu.sem_alloc : memref<!tpu.dma_semaphore, #tpu.memory_space<semaphore_mem>>
      tpu.enqueue_dma source(%arg3 : memref<10000xf32, #tpu.memory_space<hbm>>) target(%arg11 : memref<10000xf32, #tpu.memory_space<vmem>>) target_semaphore(%run_scoped3A : memref<!tpu.dma_semaphore, #tpu.memory_space<semaphore_mem>>)
      tpu.wait_dma2 semaphore(%run_scoped3A : memref<!tpu.dma_semaphore, #tpu.memory_space<semaphore_mem>>) src(%arg3 : memref<10000xf32, #tpu.memory_space<hbm>>) dst(%arg11 : memref<10000xf32, #tpu.memory_space<vmem>>)
      tpu.yield
    }) : () -> ()
    "tpu.region"() ({
      %run_scoped3A = tpu.sem_alloc : memref<!tpu.dma_semaphore, #tpu.memory_space<semaphore_mem>>
      tpu.enqueue_dma source(%arg4 : memref<10000xf32, #tpu.memory_space<hbm>>) target(%arg12 : memref<10000xf32, #tpu.memory_space<vmem>>) target_semaphore(%run_scoped3A : memref<!tpu.dma_semaphore, #tpu.memory_space<semaphore_mem>>)
      tpu.wait_dma2 semaphore(%run_scoped3A : memref<!tpu.dma_semaphore, #tpu.memory_space<semaphore_mem>>) src(%arg4 : memref<10000xf32, #tpu.memory_space<hbm>>) dst(%arg12 : memref<10000xf32, #tpu.memory_space<vmem>>)
      tpu.yield
    }) : () -> ()
    %scan3A = arith.constant 0 : i32
    %scan3A_1 = arith.constant 40 : i32
    %scan3A_2 = arith.addi %scan3A, %scan3A_1 : i32
    %scan3A_3 = arith.constant 1 : i32
    scf.for %scan3A_492 = %scan3A to %scan3A_2 step %scan3A_3  : i32 {
      %broadcast_in_dim3A_493 = arith.constant 0.000000e+00 : f32
      %broadcast_in_dim3A_494 = vector.broadcast %broadcast_in_dim3A_493 : f32 to vector<16xf32>
      %mul3A_495 = arith.constant 16 : i32
      %mul3A_496 = arith.muli %scan3A_492, %mul3A_495 : i32
      %swap3A_497 = arith.index_cast %mul3A_496 : i32 to index
      %swap3A_498 = tpu.vector_load %arg21[%swap3A_497] {strides = array<i32>} : memref<640xf32, #tpu.memory_space<vmem>>, vector<16xf32>,
      tpu.vector_store %arg21[%swap3A_497], %broadcast_in_dim3A_494 {strides = array<i32>} : memref<640xf32, #tpu.memory_space<vmem>>, vector<16xf32>,
    }
    %scan3A_4 = arith.constant 40 : i32
    %scan3A_5 = arith.constant 0 : i32
    %scan3A_6 = arith.constant 64 : i32
    %scan3A_7 = arith.addi %scan3A_5, %scan3A_6 : i32
    %scan3A_8 = arith.constant 1 : i32
    scf.for %scan3A_492 = %scan3A_5 to %scan3A_7 step %scan3A_8  : i32 {
      %broadcast_in_dim3A_493 = arith.constant 0.000000e+00 : f32
      %broadcast_in_dim3A_494 = vector.broadcast %broadcast_in_dim3A_493 : f32 to vector<16xf32>
      %swap3A_495 = arith.index_cast %scan3A_492 : i32 to index
      %swap3A_496 = arith.constant 0 : index
      %swap3A_497 = tpu.vector_load %arg20[%swap3A_495, %swap3A_496] {strides = array<i32>} : memref<240x128xf32, #tpu.memory_space<vmem>>, vector<16xf32>,
      tpu.vector_store %arg20[%swap3A_495, %swap3A_496], %broadcast_in_dim3A_494 {strides = array<i32>} : memref<240x128xf32, #tpu.memory_space<vmem>>, vector<16xf32>,
      %broadcast_in_dim3A_498 = arith.constant 0.000000e+00 : f32
      %broadcast_in_dim3A_499 = vector.broadcast %broadcast_in_dim3A_498 : f32 to vector<16xf32>
      %swap3A_500 = arith.index_cast %scan3A_492 : i32 to index
      %swap3A_501 = arith.constant 16 : index
      %swap3A_502 = tpu.vector_load %arg20[%swap3A_500, %swap3A_501] {strides = array<i32>} : memref<240x128xf32, #tpu.memory_space<vmem>>, vector<16xf32>,
      tpu.vector_store %arg20[%swap3A_500, %swap3A_501], %broadcast_in_dim3A_499 {strides = array<i32>} : memref<240x128xf32, #tpu.memory_space<vmem>>, vector<16xf32>,
      %broadcast_in_dim3A_503 = arith.constant 0.000000e+00 : f32
      %broadcast_in_dim3A_504 = vector.broadcast %broadcast_in_dim3A_503 : f32 to vector<16xf32>
      %swap3A_505 = arith.index_cast %scan3A_492 : i32 to index
      %swap3A_506 = arith.constant 32 : index
      %swap3A_507 = tpu.vector_load %arg20[%swap3A_505, %swap3A_506] {strides = array<i32>} : memref<240x128xf32, #tpu.memory_space<vmem>>, vector<16xf32>,
      tpu.vector_store %arg20[%swap3A_505, %swap3A_506], %broadcast_in_dim3A_504 {strides = array<i32>} : memref<240x128xf32, #tpu.memory_space<vmem>>, vector<16xf32>,
      %broadcast_in_dim3A_508 = arith.constant 0.000000e+00 : f32
      %broadcast_in_dim3A_509 = vector.broadcast %broadcast_in_dim3A_508 : f32 to vector<16xf32>
      %swap3A_510 = arith.index_cast %scan3A_492 : i32 to index
      %swap3A_511 = arith.constant 48 : index
      %swap3A_512 = tpu.vector_load %arg20[%swap3A_510, %swap3A_511] {strides = array<i32>} : memref<240x128xf32, #tpu.memory_space<vmem>>, vector<16xf32>,
      tpu.vector_store %arg20[%swap3A_510, %swap3A_511], %broadcast_in_dim3A_509 {strides = array<i32>} : memref<240x128xf32, #tpu.memory_space<vmem>>, vector<16xf32>,
      %broadcast_in_dim3A_513 = arith.constant 0.000000e+00 : f32
      %broadcast_in_dim3A_514 = vector.broadcast %broadcast_in_dim3A_513 : f32 to vector<16xf32>
      %swap3A_515 = arith.index_cast %scan3A_492 : i32 to index
      %swap3A_516 = arith.constant 64 : index
      %swap3A_517 = tpu.vector_load %arg20[%swap3A_515, %swap3A_516] {strides = array<i32>} : memref<240x128xf32, #tpu.memory_space<vmem>>, vector<16xf32>,
      tpu.vector_store %arg20[%swap3A_515, %swap3A_516], %broadcast_in_dim3A_514 {strides = array<i32>} : memref<240x128xf32, #tpu.memory_space<vmem>>, vector<16xf32>,
      %broadcast_in_dim3A_518 = arith.constant 0.000000e+00 : f32
      %broadcast_in_dim3A_519 = vector.broadcast %broadcast_in_dim3A_518 : f32 to vector<16xf32>
      %swap3A_520 = arith.index_cast %scan3A_492 : i32 to index
      %swap3A_521 = arith.constant 80 : index
      %swap3A_522 = tpu.vector_load %arg20[%swap3A_520, %swap3A_521] {strides = array<i32>} : memref<240x128xf32, #tpu.memory_space<vmem>>, vector<16xf32>,
      tpu.vector_store %arg20[%swap3A_520, %swap3A_521], %broadcast_in_dim3A_519 {strides = array<i32>} : memref<240x128xf32, #tpu.memory_space<vmem>>, vector<16xf32>,
      %broadcast_in_dim3A_523 = arith.constant 0.000000e+00 : f32
      %broadcast_in_dim3A_524 = vector.broadcast %broadcast_in_dim3A_523 : f32 to vector<16xf32>
      %swap3A_525 = arith.index_cast %scan3A_492 : i32 to index
      %swap3A_526 = arith.constant 96 : index
      %swap3A_527 = tpu.vector_load %arg20[%swap3A_525, %swap3A_526] {strides = array<i32>} : memref<240x128xf32, #tpu.memory_space<vmem>>, vector<16xf32>,
      tpu.vector_store %arg20[%swap3A_525, %swap3A_526], %broadcast_in_dim3A_524 {strides = array<i32>} : memref<240x128xf32, #tpu.memory_space<vmem>>, vector<16xf32>,
      %broadcast_in_dim3A_528 = arith.constant 0.000000e+00 : f32
      %broadcast_in_dim3A_529 = vector.broadcast %broadcast_in_dim3A_528 : f32 to vector<16xf32>
      %swap3A_530 = arith.index_cast %scan3A_492 : i32 to index
      %swap3A_531 = arith.constant 112 : index
      %swap3A_532 = tpu.vector_load %arg20[%swap3A_530, %swap3A_531] {strides = array<i32>} : memref<240x128xf32, #tpu.memory_space<vmem>>, vector<16xf32>,
      tpu.vector_store %arg20[%swap3A_530, %swap3A_531], %broadcast_in_dim3A_529 {strides = array<i32>} : memref<240x128xf32, #tpu.memory_space<vmem>>, vector<16xf32>,
    }
    %scan3A_9 = arith.constant 64 : i32
    %mul3A_10 = arith.constant 320 : i32
    %mul3A_11 = arith.muli %arg1, %mul3A_10 : i32
    %add3A = arith.constant 0 : i32
    %add3A_12 = arith.addi %mul3A_11, %add3A : i32
    %add3A_13 = arith.constant 0 : i32
    %add3A_14 = arith.addi %add3A_12, %add3A_13 : i32
    %broadcast_in_dim3A = vector.broadcast %add3A_14 : i32 to vector<16xi32>
    %iota3A = tpu.iota {dimensions = array<i32: 0>} : vector<16xi32>
    %add3A_15 = arith.addi %broadcast_in_dim3A, %iota3A : vector<16xi32>
    %swap3A = arith.constant 0 : index
    %swap3A_16 = tpu.vector_load %arg22[%swap3A] {strides = array<i32>} : memref<64xi32, #tpu.memory_space<vmem>>, vector<16xi32>,
    tpu.vector_store %arg22[%swap3A], %add3A_15 {strides = array<i32>} : memref<64xi32, #tpu.memory_space<vmem>>, vector<16xi32>,
    %mul3A_17 = arith.constant 320 : i32
    %mul3A_18 = arith.muli %arg1, %mul3A_17 : i32
    %add3A_19 = arith.constant 0 : i32
    %add3A_20 = arith.addi %mul3A_18, %add3A_19 : i32
    %add3A_21 = arith.constant 16 : i32
    %add3A_22 = arith.addi %add3A_20, %add3A_21 : i32
    %broadcast_in_dim3A_23 = vector.broadcast %add3A_22 : i32 to vector<16xi32>
    %iota3A_24 = tpu.iota {dimensions = array<i32: 0>} : vector<16xi32>
    %add3A_25 = arith.addi %broadcast_in_dim3A_23, %iota3A_24 : vector<16xi32>
    %swap3A_26 = arith.constant 16 : index
    %swap3A_27 = tpu.vector_load %arg22[%swap3A_26] {strides = array<i32>} : memref<64xi32, #tpu.memory_space<vmem>>, vector<16xi32>,
    tpu.vector_store %arg22[%swap3A_26], %add3A_25 {strides = array<i32>} : memref<64xi32, #tpu.memory_space<vmem>>, vector<16xi32>,
    %mul3A_28 = arith.constant 320 : i32
    %mul3A_29 = arith.muli %arg1, %mul3A_28 : i32
    %add3A_30 = arith.constant 0 : i32
    %add3A_31 = arith.addi %mul3A_29, %add3A_30 : i32
    %add3A_32 = arith.constant 32 : i32
    %add3A_33 = arith.addi %add3A_31, %add3A_32 : i32
    %broadcast_in_dim3A_34 = vector.broadcast %add3A_33 : i32 to vector<16xi32>
    %iota3A_35 = tpu.iota {dimensions = array<i32: 0>} : vector<16xi32>
    %add3A_36 = arith.addi %broadcast_in_dim3A_34, %iota3A_35 : vector<16xi32>
    %swap3A_37 = arith.constant 32 : index
    %swap3A_38 = tpu.vector_load %arg22[%swap3A_37] {strides = array<i32>} : memref<64xi32, #tpu.memory_space<vmem>>, vector<16xi32>,
    tpu.vector_store %arg22[%swap3A_37], %add3A_36 {strides = array<i32>} : memref<64xi32, #tpu.memory_space<vmem>>, vector<16xi32>,
    %mul3A_39 = arith.constant 320 : i32
    %mul3A_40 = arith.muli %arg1, %mul3A_39 : i32
    %add3A_41 = arith.constant 0 : i32
    %add3A_42 = arith.addi %mul3A_40, %add3A_41 : i32
    %add3A_43 = arith.constant 48 : i32
    %add3A_44 = arith.addi %add3A_42, %add3A_43 : i32
    %broadcast_in_dim3A_45 = vector.broadcast %add3A_44 : i32 to vector<16xi32>
    %iota3A_46 = tpu.iota {dimensions = array<i32: 0>} : vector<16xi32>
    %add3A_47 = arith.addi %broadcast_in_dim3A_45, %iota3A_46 : vector<16xi32>
    %swap3A_48 = arith.constant 48 : index
    %swap3A_49 = tpu.vector_load %arg22[%swap3A_48] {strides = array<i32>} : memref<64xi32, #tpu.memory_space<vmem>>, vector<16xi32>,
    tpu.vector_store %arg22[%swap3A_48], %add3A_47 {strides = array<i32>} : memref<64xi32, #tpu.memory_space<vmem>>, vector<16xi32>,
    "tpu.region"() ({
      %run_scoped3A = tpu.sem_alloc : memref<!tpu.dma_semaphore, #tpu.memory_space<semaphore_mem>>
      %dma_start3A_492 = arith.constant 0 : i32
      %dma_start3A_493 = arith.constant 0 : i32
      %dma_start3A_494 = tpu.memref_slice %arg20[%dma_start3A_492, %dma_start3A_493] : memref<240x128xf32, #tpu.memory_space<vmem>> -> memref<64x128xf32, #tpu.memory_space<vmem>>
      %dma_start3A_495 = arith.constant 0 : i32
      %dma_start3A_496 = arith.constant 0 : i32
      %dma_start3A_497 = tpu.memref_slice %arg27[%dma_start3A_495, %dma_start3A_496] : memref<5128x128xf32, #tpu.memory_space<vmem_shared>> -> memref<5128x128xf32, #tpu.memory_space<vmem_shared>>
      tpu.enqueue_indirect_dma source(%dma_start3A_494 : memref<64x128xf32, #tpu.memory_space<vmem>>) target(%dma_start3A_497 : memref<5128x128xf32, #tpu.memory_space<vmem_shared>>) offsets(%arg22 : memref<64xi32, #tpu.memory_space<vmem>>) semaphore(%run_scoped3A : memref<!tpu.dma_semaphore, #tpu.memory_space<semaphore_mem>>)
      %dma_wait3A = arith.constant 0 : i32
      %dma_wait3A_498 = arith.constant 0 : i32
      %dma_wait3A_499 = tpu.memref_slice %arg20[%dma_wait3A, %dma_wait3A_498] : memref<240x128xf32, #tpu.memory_space<vmem>> -> memref<64x128xf32, #tpu.memory_space<vmem>>
      %dma_wait3A_500 = arith.constant 0 : i32
      %dma_wait3A_501 = arith.constant 0 : i32
      %dma_wait3A_502 = tpu.memref_slice %arg27[%dma_wait3A_500, %dma_wait3A_501] : memref<5128x128xf32, #tpu.memory_space<vmem_shared>> -> memref<5128x128xf32, #tpu.memory_space<vmem_shared>>
      tpu.wait_indirect_dma semaphore(%run_scoped3A : memref<!tpu.dma_semaphore, #tpu.memory_space<semaphore_mem>>) src(%dma_wait3A_499 : memref<64x128xf32, #tpu.memory_space<vmem>>) dst(%dma_wait3A_502 : memref<5128x128xf32, #tpu.memory_space<vmem_shared>>)
      tpu.yield
    }) : () -> ()
    %mul3A_50 = arith.constant 320 : i32
    %mul3A_51 = arith.muli %arg1, %mul3A_50 : i32
    %add3A_52 = arith.constant 64 : i32
    %add3A_53 = arith.addi %mul3A_51, %add3A_52 : i32
    %add3A_54 = arith.constant 0 : i32
    %add3A_55 = arith.addi %add3A_53, %add3A_54 : i32
    %broadcast_in_dim3A_56 = vector.broadcast %add3A_55 : i32 to vector<16xi32>
    %iota3A_57 = tpu.iota {dimensions = array<i32: 0>} : vector<16xi32>
    %add3A_58 = arith.addi %broadcast_in_dim3A_56, %iota3A_57 : vector<16xi32>
    %swap3A_59 = arith.constant 0 : index
    %swap3A_60 = tpu.vector_load %arg22[%swap3A_59] {strides = array<i32>} : memref<64xi32, #tpu.memory_space<vmem>>, vector<16xi32>,
    tpu.vector_store %arg22[%swap3A_59], %add3A_58 {strides = array<i32>} : memref<64xi32, #tpu.memory_space<vmem>>, vector<16xi32>,
    %mul3A_61 = arith.constant 320 : i32
    %mul3A_62 = arith.muli %arg1, %mul3A_61 : i32
    %add3A_63 = arith.constant 64 : i32
    %add3A_64 = arith.addi %mul3A_62, %add3A_63 : i32
    %add3A_65 = arith.constant 16 : i32
    %add3A_66 = arith.addi %add3A_64, %add3A_65 : i32
    %broadcast_in_dim3A_67 = vector.broadcast %add3A_66 : i32 to vector<16xi32>
    %iota3A_68 = tpu.iota {dimensions = array<i32: 0>} : vector<16xi32>
    %add3A_69 = arith.addi %broadcast_in_dim3A_67, %iota3A_68 : vector<16xi32>
    %swap3A_70 = arith.constant 16 : index
    %swap3A_71 = tpu.vector_load %arg22[%swap3A_70] {strides = array<i32>} : memref<64xi32, #tpu.memory_space<vmem>>, vector<16xi32>,
    tpu.vector_store %arg22[%swap3A_70], %add3A_69 {strides = array<i32>} : memref<64xi32, #tpu.memory_space<vmem>>, vector<16xi32>,
    %mul3A_72 = arith.constant 320 : i32
    %mul3A_73 = arith.muli %arg1, %mul3A_72 : i32
    %add3A_74 = arith.constant 64 : i32
    %add3A_75 = arith.addi %mul3A_73, %add3A_74 : i32
    %add3A_76 = arith.constant 32 : i32
    %add3A_77 = arith.addi %add3A_75, %add3A_76 : i32
    %broadcast_in_dim3A_78 = vector.broadcast %add3A_77 : i32 to vector<16xi32>
    %iota3A_79 = tpu.iota {dimensions = array<i32: 0>} : vector<16xi32>
    %add3A_80 = arith.addi %broadcast_in_dim3A_78, %iota3A_79 : vector<16xi32>
    %swap3A_81 = arith.constant 32 : index
    %swap3A_82 = tpu.vector_load %arg22[%swap3A_81] {strides = array<i32>} : memref<64xi32, #tpu.memory_space<vmem>>, vector<16xi32>,
    tpu.vector_store %arg22[%swap3A_81], %add3A_80 {strides = array<i32>} : memref<64xi32, #tpu.memory_space<vmem>>, vector<16xi32>,
    %mul3A_83 = arith.constant 320 : i32
    %mul3A_84 = arith.muli %arg1, %mul3A_83 : i32
    %add3A_85 = arith.constant 64 : i32
    %add3A_86 = arith.addi %mul3A_84, %add3A_85 : i32
    %add3A_87 = arith.constant 48 : i32
    %add3A_88 = arith.addi %add3A_86, %add3A_87 : i32
    %broadcast_in_dim3A_89 = vector.broadcast %add3A_88 : i32 to vector<16xi32>
    %iota3A_90 = tpu.iota {dimensions = array<i32: 0>} : vector<16xi32>
    %add3A_91 = arith.addi %broadcast_in_dim3A_89, %iota3A_90 : vector<16xi32>
    %swap3A_92 = arith.constant 48 : index
    %swap3A_93 = tpu.vector_load %arg22[%swap3A_92] {strides = array<i32>} : memref<64xi32, #tpu.memory_space<vmem>>, vector<16xi32>,
    tpu.vector_store %arg22[%swap3A_92], %add3A_91 {strides = array<i32>} : memref<64xi32, #tpu.memory_space<vmem>>, vector<16xi32>,
    "tpu.region"() ({
      %run_scoped3A = tpu.sem_alloc : memref<!tpu.dma_semaphore, #tpu.memory_space<semaphore_mem>>
      %dma_start3A_492 = arith.constant 0 : i32
      %dma_start3A_493 = arith.constant 0 : i32
      %dma_start3A_494 = tpu.memref_slice %arg20[%dma_start3A_492, %dma_start3A_493] : memref<240x128xf32, #tpu.memory_space<vmem>> -> memref<64x128xf32, #tpu.memory_space<vmem>>
      %dma_start3A_495 = arith.constant 0 : i32
      %dma_start3A_496 = arith.constant 0 : i32
      %dma_start3A_497 = tpu.memref_slice %arg27[%dma_start3A_495, %dma_start3A_496] : memref<5128x128xf32, #tpu.memory_space<vmem_shared>> -> memref<5128x128xf32, #tpu.memory_space<vmem_shared>>
      tpu.enqueue_indirect_dma source(%dma_start3A_494 : memref<64x128xf32, #tpu.memory_space<vmem>>) target(%dma_start3A_497 : memref<5128x128xf32, #tpu.memory_space<vmem_shared>>) offsets(%arg22 : memref<64xi32, #tpu.memory_space<vmem>>) semaphore(%run_scoped3A : memref<!tpu.dma_semaphore, #tpu.memory_space<semaphore_mem>>)
      %dma_wait3A = arith.constant 0 : i32
      %dma_wait3A_498 = arith.constant 0 : i32
      %dma_wait3A_499 = tpu.memref_slice %arg20[%dma_wait3A, %dma_wait3A_498] : memref<240x128xf32, #tpu.memory_space<vmem>> -> memref<64x128xf32, #tpu.memory_space<vmem>>
      %dma_wait3A_500 = arith.constant 0 : i32
      %dma_wait3A_501 = arith.constant 0 : i32
      %dma_wait3A_502 = tpu.memref_slice %arg27[%dma_wait3A_500, %dma_wait3A_501] : memref<5128x128xf32, #tpu.memory_space<vmem_shared>> -> memref<5128x128xf32, #tpu.memory_space<vmem_shared>>
      tpu.wait_indirect_dma semaphore(%run_scoped3A : memref<!tpu.dma_semaphore, #tpu.memory_space<semaphore_mem>>) src(%dma_wait3A_499 : memref<64x128xf32, #tpu.memory_space<vmem>>) dst(%dma_wait3A_502 : memref<5128x128xf32, #tpu.memory_space<vmem_shared>>)
      tpu.yield
    }) : () -> ()
    %mul3A_94 = arith.constant 320 : i32
    %mul3A_95 = arith.muli %arg1, %mul3A_94 : i32
    %add3A_96 = arith.constant 128 : i32
    %add3A_97 = arith.addi %mul3A_95, %add3A_96 : i32
    %add3A_98 = arith.constant 0 : i32
    %add3A_99 = arith.addi %add3A_97, %add3A_98 : i32
    %broadcast_in_dim3A_100 = vector.broadcast %add3A_99 : i32 to vector<16xi32>
    %iota3A_101 = tpu.iota {dimensions = array<i32: 0>} : vector<16xi32>
    %add3A_102 = arith.addi %broadcast_in_dim3A_100, %iota3A_101 : vector<16xi32>
    %swap3A_103 = arith.constant 0 : index
    %swap3A_104 = tpu.vector_load %arg22[%swap3A_103] {strides = array<i32>} : memref<64xi32, #tpu.memory_space<vmem>>, vector<16xi32>,
    tpu.vector_store %arg22[%swap3A_103], %add3A_102 {strides = array<i32>} : memref<64xi32, #tpu.memory_space<vmem>>, vector<16xi32>,
    %mul3A_105 = arith.constant 320 : i32
    %mul3A_106 = arith.muli %arg1, %mul3A_105 : i32
    %add3A_107 = arith.constant 128 : i32
    %add3A_108 = arith.addi %mul3A_106, %add3A_107 : i32
    %add3A_109 = arith.constant 16 : i32
    %add3A_110 = arith.addi %add3A_108, %add3A_109 : i32
    %broadcast_in_dim3A_111 = vector.broadcast %add3A_110 : i32 to vector<16xi32>
    %iota3A_112 = tpu.iota {dimensions = array<i32: 0>} : vector<16xi32>
    %add3A_113 = arith.addi %broadcast_in_dim3A_111, %iota3A_112 : vector<16xi32>
    %swap3A_114 = arith.constant 16 : index
    %swap3A_115 = tpu.vector_load %arg22[%swap3A_114] {strides = array<i32>} : memref<64xi32, #tpu.memory_space<vmem>>, vector<16xi32>,
    tpu.vector_store %arg22[%swap3A_114], %add3A_113 {strides = array<i32>} : memref<64xi32, #tpu.memory_space<vmem>>, vector<16xi32>,
    %mul3A_116 = arith.constant 320 : i32
    %mul3A_117 = arith.muli %arg1, %mul3A_116 : i32
    %add3A_118 = arith.constant 128 : i32
    %add3A_119 = arith.addi %mul3A_117, %add3A_118 : i32
    %add3A_120 = arith.constant 32 : i32
    %add3A_121 = arith.addi %add3A_119, %add3A_120 : i32
    %broadcast_in_dim3A_122 = vector.broadcast %add3A_121 : i32 to vector<16xi32>
    %iota3A_123 = tpu.iota {dimensions = array<i32: 0>} : vector<16xi32>
    %add3A_124 = arith.addi %broadcast_in_dim3A_122, %iota3A_123 : vector<16xi32>
    %swap3A_125 = arith.constant 32 : index
    %swap3A_126 = tpu.vector_load %arg22[%swap3A_125] {strides = array<i32>} : memref<64xi32, #tpu.memory_space<vmem>>, vector<16xi32>,
    tpu.vector_store %arg22[%swap3A_125], %add3A_124 {strides = array<i32>} : memref<64xi32, #tpu.memory_space<vmem>>, vector<16xi32>,
    %mul3A_127 = arith.constant 320 : i32
    %mul3A_128 = arith.muli %arg1, %mul3A_127 : i32
    %add3A_129 = arith.constant 128 : i32
    %add3A_130 = arith.addi %mul3A_128, %add3A_129 : i32
    %add3A_131 = arith.constant 48 : i32
    %add3A_132 = arith.addi %add3A_130, %add3A_131 : i32
    %broadcast_in_dim3A_133 = vector.broadcast %add3A_132 : i32 to vector<16xi32>
    %iota3A_134 = tpu.iota {dimensions = array<i32: 0>} : vector<16xi32>
    %add3A_135 = arith.addi %broadcast_in_dim3A_133, %iota3A_134 : vector<16xi32>
    %swap3A_136 = arith.constant 48 : index
    %swap3A_137 = tpu.vector_load %arg22[%swap3A_136] {strides = array<i32>} : memref<64xi32, #tpu.memory_space<vmem>>, vector<16xi32>,
    tpu.vector_store %arg22[%swap3A_136], %add3A_135 {strides = array<i32>} : memref<64xi32, #tpu.memory_space<vmem>>, vector<16xi32>,
    "tpu.region"() ({
      %run_scoped3A = tpu.sem_alloc : memref<!tpu.dma_semaphore, #tpu.memory_space<semaphore_mem>>
      %dma_start3A_492 = arith.constant 0 : i32
      %dma_start3A_493 = arith.constant 0 : i32
      %dma_start3A_494 = tpu.memref_slice %arg20[%dma_start3A_492, %dma_start3A_493] : memref<240x128xf32, #tpu.memory_space<vmem>> -> memref<64x128xf32, #tpu.memory_space<vmem>>
      %dma_start3A_495 = arith.constant 0 : i32
      %dma_start3A_496 = arith.constant 0 : i32
      %dma_start3A_497 = tpu.memref_slice %arg27[%dma_start3A_495, %dma_start3A_496] : memref<5128x128xf32, #tpu.memory_space<vmem_shared>> -> memref<5128x128xf32, #tpu.memory_space<vmem_shared>>
      tpu.enqueue_indirect_dma source(%dma_start3A_494 : memref<64x128xf32, #tpu.memory_space<vmem>>) target(%dma_start3A_497 : memref<5128x128xf32, #tpu.memory_space<vmem_shared>>) offsets(%arg22 : memref<64xi32, #tpu.memory_space<vmem>>) semaphore(%run_scoped3A : memref<!tpu.dma_semaphore, #tpu.memory_space<semaphore_mem>>)
      %dma_wait3A = arith.constant 0 : i32
      %dma_wait3A_498 = arith.constant 0 : i32
      %dma_wait3A_499 = tpu.memref_slice %arg20[%dma_wait3A, %dma_wait3A_498] : memref<240x128xf32, #tpu.memory_space<vmem>> -> memref<64x128xf32, #tpu.memory_space<vmem>>
      %dma_wait3A_500 = arith.constant 0 : i32
      %dma_wait3A_501 = arith.constant 0 : i32
      %dma_wait3A_502 = tpu.memref_slice %arg27[%dma_wait3A_500, %dma_wait3A_501] : memref<5128x128xf32, #tpu.memory_space<vmem_shared>> -> memref<5128x128xf32, #tpu.memory_space<vmem_shared>>
      tpu.wait_indirect_dma semaphore(%run_scoped3A : memref<!tpu.dma_semaphore, #tpu.memory_space<semaphore_mem>>) src(%dma_wait3A_499 : memref<64x128xf32, #tpu.memory_space<vmem>>) dst(%dma_wait3A_502 : memref<5128x128xf32, #tpu.memory_space<vmem_shared>>)
      tpu.yield
    }) : () -> ()
    %mul3A_138 = arith.constant 320 : i32
    %mul3A_139 = arith.muli %arg1, %mul3A_138 : i32
    %add3A_140 = arith.constant 192 : i32
    %add3A_141 = arith.addi %mul3A_139, %add3A_140 : i32
    %add3A_142 = arith.constant 0 : i32
    %add3A_143 = arith.addi %add3A_141, %add3A_142 : i32
    %broadcast_in_dim3A_144 = vector.broadcast %add3A_143 : i32 to vector<16xi32>
    %iota3A_145 = tpu.iota {dimensions = array<i32: 0>} : vector<16xi32>
    %add3A_146 = arith.addi %broadcast_in_dim3A_144, %iota3A_145 : vector<16xi32>
    %swap3A_147 = arith.constant 0 : index
    %swap3A_148 = tpu.vector_load %arg22[%swap3A_147] {strides = array<i32>} : memref<64xi32, #tpu.memory_space<vmem>>, vector<16xi32>,
    tpu.vector_store %arg22[%swap3A_147], %add3A_146 {strides = array<i32>} : memref<64xi32, #tpu.memory_space<vmem>>, vector<16xi32>,
    %mul3A_149 = arith.constant 320 : i32
    %mul3A_150 = arith.muli %arg1, %mul3A_149 : i32
    %add3A_151 = arith.constant 192 : i32
    %add3A_152 = arith.addi %mul3A_150, %add3A_151 : i32
    %add3A_153 = arith.constant 16 : i32
    %add3A_154 = arith.addi %add3A_152, %add3A_153 : i32
    %broadcast_in_dim3A_155 = vector.broadcast %add3A_154 : i32 to vector<16xi32>
    %iota3A_156 = tpu.iota {dimensions = array<i32: 0>} : vector<16xi32>
    %add3A_157 = arith.addi %broadcast_in_dim3A_155, %iota3A_156 : vector<16xi32>
    %swap3A_158 = arith.constant 16 : index
    %swap3A_159 = tpu.vector_load %arg22[%swap3A_158] {strides = array<i32>} : memref<64xi32, #tpu.memory_space<vmem>>, vector<16xi32>,
    tpu.vector_store %arg22[%swap3A_158], %add3A_157 {strides = array<i32>} : memref<64xi32, #tpu.memory_space<vmem>>, vector<16xi32>,
    %mul3A_160 = arith.constant 320 : i32
    %mul3A_161 = arith.muli %arg1, %mul3A_160 : i32
    %add3A_162 = arith.constant 192 : i32
    %add3A_163 = arith.addi %mul3A_161, %add3A_162 : i32
    %add3A_164 = arith.constant 32 : i32
    %add3A_165 = arith.addi %add3A_163, %add3A_164 : i32
    %broadcast_in_dim3A_166 = vector.broadcast %add3A_165 : i32 to vector<16xi32>
    %iota3A_167 = tpu.iota {dimensions = array<i32: 0>} : vector<16xi32>
    %add3A_168 = arith.addi %broadcast_in_dim3A_166, %iota3A_167 : vector<16xi32>
    %swap3A_169 = arith.constant 32 : index
    %swap3A_170 = tpu.vector_load %arg22[%swap3A_169] {strides = array<i32>} : memref<64xi32, #tpu.memory_space<vmem>>, vector<16xi32>,
    tpu.vector_store %arg22[%swap3A_169], %add3A_168 {strides = array<i32>} : memref<64xi32, #tpu.memory_space<vmem>>, vector<16xi32>,
    %mul3A_171 = arith.constant 320 : i32
    %mul3A_172 = arith.muli %arg1, %mul3A_171 : i32
    %add3A_173 = arith.constant 192 : i32
    %add3A_174 = arith.addi %mul3A_172, %add3A_173 : i32
    %add3A_175 = arith.constant 48 : i32
    %add3A_176 = arith.addi %add3A_174, %add3A_175 : i32
    %broadcast_in_dim3A_177 = vector.broadcast %add3A_176 : i32 to vector<16xi32>
    %iota3A_178 = tpu.iota {dimensions = array<i32: 0>} : vector<16xi32>
    %add3A_179 = arith.addi %broadcast_in_dim3A_177, %iota3A_178 : vector<16xi32>
    %swap3A_180 = arith.constant 48 : index
    %swap3A_181 = tpu.vector_load %arg22[%swap3A_180] {strides = array<i32>} : memref<64xi32, #tpu.memory_space<vmem>>, vector<16xi32>,
    tpu.vector_store %arg22[%swap3A_180], %add3A_179 {strides = array<i32>} : memref<64xi32, #tpu.memory_space<vmem>>, vector<16xi32>,
    "tpu.region"() ({
      %run_scoped3A = tpu.sem_alloc : memref<!tpu.dma_semaphore, #tpu.memory_space<semaphore_mem>>
      %dma_start3A_492 = arith.constant 0 : i32
      %dma_start3A_493 = arith.constant 0 : i32
      %dma_start3A_494 = tpu.memref_slice %arg20[%dma_start3A_492, %dma_start3A_493] : memref<240x128xf32, #tpu.memory_space<vmem>> -> memref<64x128xf32, #tpu.memory_space<vmem>>
      %dma_start3A_495 = arith.constant 0 : i32
      %dma_start3A_496 = arith.constant 0 : i32
      %dma_start3A_497 = tpu.memref_slice %arg27[%dma_start3A_495, %dma_start3A_496] : memref<5128x128xf32, #tpu.memory_space<vmem_shared>> -> memref<5128x128xf32, #tpu.memory_space<vmem_shared>>
      tpu.enqueue_indirect_dma source(%dma_start3A_494 : memref<64x128xf32, #tpu.memory_space<vmem>>) target(%dma_start3A_497 : memref<5128x128xf32, #tpu.memory_space<vmem_shared>>) offsets(%arg22 : memref<64xi32, #tpu.memory_space<vmem>>) semaphore(%run_scoped3A : memref<!tpu.dma_semaphore, #tpu.memory_space<semaphore_mem>>)
      %dma_wait3A = arith.constant 0 : i32
      %dma_wait3A_498 = arith.constant 0 : i32
      %dma_wait3A_499 = tpu.memref_slice %arg20[%dma_wait3A, %dma_wait3A_498] : memref<240x128xf32, #tpu.memory_space<vmem>> -> memref<64x128xf32, #tpu.memory_space<vmem>>
      %dma_wait3A_500 = arith.constant 0 : i32
      %dma_wait3A_501 = arith.constant 0 : i32
      %dma_wait3A_502 = tpu.memref_slice %arg27[%dma_wait3A_500, %dma_wait3A_501] : memref<5128x128xf32, #tpu.memory_space<vmem_shared>> -> memref<5128x128xf32, #tpu.memory_space<vmem_shared>>
      tpu.wait_indirect_dma semaphore(%run_scoped3A : memref<!tpu.dma_semaphore, #tpu.memory_space<semaphore_mem>>) src(%dma_wait3A_499 : memref<64x128xf32, #tpu.memory_space<vmem>>) dst(%dma_wait3A_502 : memref<5128x128xf32, #tpu.memory_space<vmem_shared>>)
      tpu.yield
    }) : () -> ()
    %mul3A_182 = arith.constant 320 : i32
    %mul3A_183 = arith.muli %arg1, %mul3A_182 : i32
    %add3A_184 = arith.constant 256 : i32
    %add3A_185 = arith.addi %mul3A_183, %add3A_184 : i32
    %add3A_186 = arith.constant 0 : i32
    %add3A_187 = arith.addi %add3A_185, %add3A_186 : i32
    %broadcast_in_dim3A_188 = vector.broadcast %add3A_187 : i32 to vector<16xi32>
    %iota3A_189 = tpu.iota {dimensions = array<i32: 0>} : vector<16xi32>
    %add3A_190 = arith.addi %broadcast_in_dim3A_188, %iota3A_189 : vector<16xi32>
    %swap3A_191 = arith.constant 0 : index
    %swap3A_192 = tpu.vector_load %arg22[%swap3A_191] {strides = array<i32>} : memref<64xi32, #tpu.memory_space<vmem>>, vector<16xi32>,
    tpu.vector_store %arg22[%swap3A_191], %add3A_190 {strides = array<i32>} : memref<64xi32, #tpu.memory_space<vmem>>, vector<16xi32>,
    %mul3A_193 = arith.constant 320 : i32
    %mul3A_194 = arith.muli %arg1, %mul3A_193 : i32
    %add3A_195 = arith.constant 256 : i32
    %add3A_196 = arith.addi %mul3A_194, %add3A_195 : i32
    %add3A_197 = arith.constant 16 : i32
    %add3A_198 = arith.addi %add3A_196, %add3A_197 : i32
    %broadcast_in_dim3A_199 = vector.broadcast %add3A_198 : i32 to vector<16xi32>
    %iota3A_200 = tpu.iota {dimensions = array<i32: 0>} : vector<16xi32>
    %add3A_201 = arith.addi %broadcast_in_dim3A_199, %iota3A_200 : vector<16xi32>
    %swap3A_202 = arith.constant 16 : index
    %swap3A_203 = tpu.vector_load %arg22[%swap3A_202] {strides = array<i32>} : memref<64xi32, #tpu.memory_space<vmem>>, vector<16xi32>,
    tpu.vector_store %arg22[%swap3A_202], %add3A_201 {strides = array<i32>} : memref<64xi32, #tpu.memory_space<vmem>>, vector<16xi32>,
    %mul3A_204 = arith.constant 320 : i32
    %mul3A_205 = arith.muli %arg1, %mul3A_204 : i32
    %add3A_206 = arith.constant 256 : i32
    %add3A_207 = arith.addi %mul3A_205, %add3A_206 : i32
    %add3A_208 = arith.constant 32 : i32
    %add3A_209 = arith.addi %add3A_207, %add3A_208 : i32
    %broadcast_in_dim3A_210 = vector.broadcast %add3A_209 : i32 to vector<16xi32>
    %iota3A_211 = tpu.iota {dimensions = array<i32: 0>} : vector<16xi32>
    %add3A_212 = arith.addi %broadcast_in_dim3A_210, %iota3A_211 : vector<16xi32>
    %swap3A_213 = arith.constant 32 : index
    %swap3A_214 = tpu.vector_load %arg22[%swap3A_213] {strides = array<i32>} : memref<64xi32, #tpu.memory_space<vmem>>, vector<16xi32>,
    tpu.vector_store %arg22[%swap3A_213], %add3A_212 {strides = array<i32>} : memref<64xi32, #tpu.memory_space<vmem>>, vector<16xi32>,
    %mul3A_215 = arith.constant 320 : i32
    %mul3A_216 = arith.muli %arg1, %mul3A_215 : i32
    %add3A_217 = arith.constant 256 : i32
    %add3A_218 = arith.addi %mul3A_216, %add3A_217 : i32
    %add3A_219 = arith.constant 48 : i32
    %add3A_220 = arith.addi %add3A_218, %add3A_219 : i32
    %broadcast_in_dim3A_221 = vector.broadcast %add3A_220 : i32 to vector<16xi32>
    %iota3A_222 = tpu.iota {dimensions = array<i32: 0>} : vector<16xi32>
    %add3A_223 = arith.addi %broadcast_in_dim3A_221, %iota3A_222 : vector<16xi32>
    %swap3A_224 = arith.constant 48 : index
    %swap3A_225 = tpu.vector_load %arg22[%swap3A_224] {strides = array<i32>} : memref<64xi32, #tpu.memory_space<vmem>>, vector<16xi32>,
    tpu.vector_store %arg22[%swap3A_224], %add3A_223 {strides = array<i32>} : memref<64xi32, #tpu.memory_space<vmem>>, vector<16xi32>,
    "tpu.region"() ({
      %run_scoped3A = tpu.sem_alloc : memref<!tpu.dma_semaphore, #tpu.memory_space<semaphore_mem>>
      %dma_start3A_492 = arith.constant 0 : i32
      %dma_start3A_493 = arith.constant 0 : i32
      %dma_start3A_494 = tpu.memref_slice %arg20[%dma_start3A_492, %dma_start3A_493] : memref<240x128xf32, #tpu.memory_space<vmem>> -> memref<64x128xf32, #tpu.memory_space<vmem>>
      %dma_start3A_495 = arith.constant 0 : i32
      %dma_start3A_496 = arith.constant 0 : i32
      %dma_start3A_497 = tpu.memref_slice %arg27[%dma_start3A_495, %dma_start3A_496] : memref<5128x128xf32, #tpu.memory_space<vmem_shared>> -> memref<5128x128xf32, #tpu.memory_space<vmem_shared>>
      tpu.enqueue_indirect_dma source(%dma_start3A_494 : memref<64x128xf32, #tpu.memory_space<vmem>>) target(%dma_start3A_497 : memref<5128x128xf32, #tpu.memory_space<vmem_shared>>) offsets(%arg22 : memref<64xi32, #tpu.memory_space<vmem>>) semaphore(%run_scoped3A : memref<!tpu.dma_semaphore, #tpu.memory_space<semaphore_mem>>)
      %dma_wait3A = arith.constant 0 : i32
      %dma_wait3A_498 = arith.constant 0 : i32
      %dma_wait3A_499 = tpu.memref_slice %arg20[%dma_wait3A, %dma_wait3A_498] : memref<240x128xf32, #tpu.memory_space<vmem>> -> memref<64x128xf32, #tpu.memory_space<vmem>>
      %dma_wait3A_500 = arith.constant 0 : i32
      %dma_wait3A_501 = arith.constant 0 : i32
      %dma_wait3A_502 = tpu.memref_slice %arg27[%dma_wait3A_500, %dma_wait3A_501] : memref<5128x128xf32, #tpu.memory_space<vmem_shared>> -> memref<5128x128xf32, #tpu.memory_space<vmem_shared>>
      tpu.wait_indirect_dma semaphore(%run_scoped3A : memref<!tpu.dma_semaphore, #tpu.memory_space<semaphore_mem>>) src(%dma_wait3A_499 : memref<64x128xf32, #tpu.memory_space<vmem>>) dst(%dma_wait3A_502 : memref<5128x128xf32, #tpu.memory_space<vmem_shared>>)
      tpu.yield
    }) : () -> ()
    %eq3A = arith.constant 0 : i32
    %eq3A_226 = arith.cmpi eq, %arg0, %eq3A : i32
    %convert_element_type3A = arith.extui %eq3A_226 : i1 to i32
    %cond3A = arith.constant 0 : i32
    %cond3A_227 = arith.cmpi ne, %convert_element_type3A, %cond3A : i32
    scf.if %cond3A_227 {
      %mul3A_492 = arith.constant 640 : i32
      %mul3A_493 = arith.muli %arg1, %mul3A_492 : i32
      %add3A_494 = arith.constant 0 : i32
      %add3A_495 = arith.addi %mul3A_493, %add3A_494 : i32
      %add3A_496 = arith.constant 0 : i32
      %add3A_497 = arith.addi %add3A_495, %add3A_496 : i32
      %broadcast_in_dim3A_498 = vector.broadcast %add3A_497 : i32 to vector<16xi32>
      %iota3A_499 = tpu.iota {dimensions = array<i32: 0>} : vector<16xi32>
      %add3A_500 = arith.addi %broadcast_in_dim3A_498, %iota3A_499 : vector<16xi32>
      %swap3A_501 = arith.constant 0 : index
      %swap3A_502 = tpu.vector_load %arg22[%swap3A_501] {strides = array<i32>} : memref<64xi32, #tpu.memory_space<vmem>>, vector<16xi32>,
      tpu.vector_store %arg22[%swap3A_501], %add3A_500 {strides = array<i32>} : memref<64xi32, #tpu.memory_space<vmem>>, vector<16xi32>,
      %mul3A_503 = arith.constant 640 : i32
      %mul3A_504 = arith.muli %arg1, %mul3A_503 : i32
      %add3A_505 = arith.constant 0 : i32
      %add3A_506 = arith.addi %mul3A_504, %add3A_505 : i32
      %add3A_507 = arith.constant 16 : i32
      %add3A_508 = arith.addi %add3A_506, %add3A_507 : i32
      %broadcast_in_dim3A_509 = vector.broadcast %add3A_508 : i32 to vector<16xi32>
      %iota3A_510 = tpu.iota {dimensions = array<i32: 0>} : vector<16xi32>
      %add3A_511 = arith.addi %broadcast_in_dim3A_509, %iota3A_510 : vector<16xi32>
      %swap3A_512 = arith.constant 16 : index
      %swap3A_513 = tpu.vector_load %arg22[%swap3A_512] {strides = array<i32>} : memref<64xi32, #tpu.memory_space<vmem>>, vector<16xi32>,
      tpu.vector_store %arg22[%swap3A_512], %add3A_511 {strides = array<i32>} : memref<64xi32, #tpu.memory_space<vmem>>, vector<16xi32>,
      %mul3A_514 = arith.constant 640 : i32
      %mul3A_515 = arith.muli %arg1, %mul3A_514 : i32
      %add3A_516 = arith.constant 0 : i32
      %add3A_517 = arith.addi %mul3A_515, %add3A_516 : i32
      %add3A_518 = arith.constant 32 : i32
      %add3A_519 = arith.addi %add3A_517, %add3A_518 : i32
      %broadcast_in_dim3A_520 = vector.broadcast %add3A_519 : i32 to vector<16xi32>
      %iota3A_521 = tpu.iota {dimensions = array<i32: 0>} : vector<16xi32>
      %add3A_522 = arith.addi %broadcast_in_dim3A_520, %iota3A_521 : vector<16xi32>
      %swap3A_523 = arith.constant 32 : index
      %swap3A_524 = tpu.vector_load %arg22[%swap3A_523] {strides = array<i32>} : memref<64xi32, #tpu.memory_space<vmem>>, vector<16xi32>,
      tpu.vector_store %arg22[%swap3A_523], %add3A_522 {strides = array<i32>} : memref<64xi32, #tpu.memory_space<vmem>>, vector<16xi32>,
      %mul3A_525 = arith.constant 640 : i32
      %mul3A_526 = arith.muli %arg1, %mul3A_525 : i32
      %add3A_527 = arith.constant 0 : i32
      %add3A_528 = arith.addi %mul3A_526, %add3A_527 : i32
      %add3A_529 = arith.constant 48 : i32
      %add3A_530 = arith.addi %add3A_528, %add3A_529 : i32
      %broadcast_in_dim3A_531 = vector.broadcast %add3A_530 : i32 to vector<16xi32>
      %iota3A_532 = tpu.iota {dimensions = array<i32: 0>} : vector<16xi32>
      %add3A_533 = arith.addi %broadcast_in_dim3A_531, %iota3A_532 : vector<16xi32>
      %swap3A_534 = arith.constant 48 : index
      %swap3A_535 = tpu.vector_load %arg22[%swap3A_534] {strides = array<i32>} : memref<64xi32, #tpu.memory_space<vmem>>, vector<16xi32>,
      tpu.vector_store %arg22[%swap3A_534], %add3A_533 {strides = array<i32>} : memref<64xi32, #tpu.memory_space<vmem>>, vector<16xi32>,
      "tpu.region"() ({
        %run_scoped3A = tpu.sem_alloc : memref<!tpu.dma_semaphore, #tpu.memory_space<semaphore_mem>>
        %dma_start3A_932 = arith.constant 0 : i32
        %dma_start3A_933 = tpu.memref_slice %arg21[%dma_start3A_932] : memref<640xf32, #tpu.memory_space<vmem>> -> memref<64xf32, #tpu.memory_space<vmem>>
        %dma_start3A_934 = arith.constant 0 : i32
        %dma_start3A_935 = tpu.memref_slice %arg28[%dma_start3A_934] : memref<10240xf32, #tpu.memory_space<vmem_shared>> -> memref<10240xf32, #tpu.memory_space<vmem_shared>>
        tpu.enqueue_indirect_dma source(%dma_start3A_933 : memref<64xf32, #tpu.memory_space<vmem>>) target(%dma_start3A_935 : memref<10240xf32, #tpu.memory_space<vmem_shared>>) offsets(%arg22 : memref<64xi32, #tpu.memory_space<vmem>>) semaphore(%run_scoped3A : memref<!tpu.dma_semaphore, #tpu.memory_space<semaphore_mem>>)
        %dma_wait3A = arith.constant 0 : i32
        %dma_wait3A_936 = tpu.memref_slice %arg21[%dma_wait3A] : memref<640xf32, #tpu.memory_space<vmem>> -> memref<64xf32, #tpu.memory_space<vmem>>
        %dma_wait3A_937 = arith.constant 0 : i32
        %dma_wait3A_938 = tpu.memref_slice %arg28[%dma_wait3A_937] : memref<10240xf32, #tpu.memory_space<vmem_shared>> -> memref<10240xf32, #tpu.memory_space<vmem_shared>>
        tpu.wait_indirect_dma semaphore(%run_scoped3A : memref<!tpu.dma_semaphore, #tpu.memory_space<semaphore_mem>>) src(%dma_wait3A_936 : memref<64xf32, #tpu.memory_space<vmem>>) dst(%dma_wait3A_938 : memref<10240xf32, #tpu.memory_space<vmem_shared>>)
        tpu.yield
      }) : () -> ()
      %mul3A_536 = arith.constant 640 : i32
      %mul3A_537 = arith.muli %arg1, %mul3A_536 : i32
      %add3A_538 = arith.constant 64 : i32
      %add3A_539 = arith.addi %mul3A_537, %add3A_538 : i32
      %add3A_540 = arith.constant 0 : i32
      %add3A_541 = arith.addi %add3A_539, %add3A_540 : i32
      %broadcast_in_dim3A_542 = vector.broadcast %add3A_541 : i32 to vector<16xi32>
      %iota3A_543 = tpu.iota {dimensions = array<i32: 0>} : vector<16xi32>
      %add3A_544 = arith.addi %broadcast_in_dim3A_542, %iota3A_543 : vector<16xi32>
      %swap3A_545 = arith.constant 0 : index
      %swap3A_546 = tpu.vector_load %arg22[%swap3A_545] {strides = array<i32>} : memref<64xi32, #tpu.memory_space<vmem>>, vector<16xi32>,
      tpu.vector_store %arg22[%swap3A_545], %add3A_544 {strides = array<i32>} : memref<64xi32, #tpu.memory_space<vmem>>, vector<16xi32>,
      %mul3A_547 = arith.constant 640 : i32
      %mul3A_548 = arith.muli %arg1, %mul3A_547 : i32
      %add3A_549 = arith.constant 64 : i32
      %add3A_550 = arith.addi %mul3A_548, %add3A_549 : i32
      %add3A_551 = arith.constant 16 : i32
      %add3A_552 = arith.addi %add3A_550, %add3A_551 : i32
      %broadcast_in_dim3A_553 = vector.broadcast %add3A_552 : i32 to vector<16xi32>
      %iota3A_554 = tpu.iota {dimensions = array<i32: 0>} : vector<16xi32>
      %add3A_555 = arith.addi %broadcast_in_dim3A_553, %iota3A_554 : vector<16xi32>
      %swap3A_556 = arith.constant 16 : index
      %swap3A_557 = tpu.vector_load %arg22[%swap3A_556] {strides = array<i32>} : memref<64xi32, #tpu.memory_space<vmem>>, vector<16xi32>,
      tpu.vector_store %arg22[%swap3A_556], %add3A_555 {strides = array<i32>} : memref<64xi32, #tpu.memory_space<vmem>>, vector<16xi32>,
      %mul3A_558 = arith.constant 640 : i32
      %mul3A_559 = arith.muli %arg1, %mul3A_558 : i32
      %add3A_560 = arith.constant 64 : i32
      %add3A_561 = arith.addi %mul3A_559, %add3A_560 : i32
      %add3A_562 = arith.constant 32 : i32
      %add3A_563 = arith.addi %add3A_561, %add3A_562 : i32
      %broadcast_in_dim3A_564 = vector.broadcast %add3A_563 : i32 to vector<16xi32>
      %iota3A_565 = tpu.iota {dimensions = array<i32: 0>} : vector<16xi32>
      %add3A_566 = arith.addi %broadcast_in_dim3A_564, %iota3A_565 : vector<16xi32>
      %swap3A_567 = arith.constant 32 : index
      %swap3A_568 = tpu.vector_load %arg22[%swap3A_567] {strides = array<i32>} : memref<64xi32, #tpu.memory_space<vmem>>, vector<16xi32>,
      tpu.vector_store %arg22[%swap3A_567], %add3A_566 {strides = array<i32>} : memref<64xi32, #tpu.memory_space<vmem>>, vector<16xi32>,
      %mul3A_569 = arith.constant 640 : i32
      %mul3A_570 = arith.muli %arg1, %mul3A_569 : i32
      %add3A_571 = arith.constant 64 : i32
      %add3A_572 = arith.addi %mul3A_570, %add3A_571 : i32
      %add3A_573 = arith.constant 48 : i32
      %add3A_574 = arith.addi %add3A_572, %add3A_573 : i32
      %broadcast_in_dim3A_575 = vector.broadcast %add3A_574 : i32 to vector<16xi32>
      %iota3A_576 = tpu.iota {dimensions = array<i32: 0>} : vector<16xi32>
      %add3A_577 = arith.addi %broadcast_in_dim3A_575, %iota3A_576 : vector<16xi32>
      %swap3A_578 = arith.constant 48 : index
      %swap3A_579 = tpu.vector_load %arg22[%swap3A_578] {strides = array<i32>} : memref<64xi32, #tpu.memory_space<vmem>>, vector<16xi32>,
      tpu.vector_store %arg22[%swap3A_578], %add3A_577 {strides = array<i32>} : memref<64xi32, #tpu.memory_space<vmem>>, vector<16xi32>,
      "tpu.region"() ({
        %run_scoped3A = tpu.sem_alloc : memref<!tpu.dma_semaphore, #tpu.memory_space<semaphore_mem>>
        %dma_start3A_932 = arith.constant 0 : i32
        %dma_start3A_933 = tpu.memref_slice %arg21[%dma_start3A_932] : memref<640xf32, #tpu.memory_space<vmem>> -> memref<64xf32, #tpu.memory_space<vmem>>
        %dma_start3A_934 = arith.constant 0 : i32
        %dma_start3A_935 = tpu.memref_slice %arg28[%dma_start3A_934] : memref<10240xf32, #tpu.memory_space<vmem_shared>> -> memref<10240xf32, #tpu.memory_space<vmem_shared>>
        tpu.enqueue_indirect_dma source(%dma_start3A_933 : memref<64xf32, #tpu.memory_space<vmem>>) target(%dma_start3A_935 : memref<10240xf32, #tpu.memory_space<vmem_shared>>) offsets(%arg22 : memref<64xi32, #tpu.memory_space<vmem>>) semaphore(%run_scoped3A : memref<!tpu.dma_semaphore, #tpu.memory_space<semaphore_mem>>)
        %dma_wait3A = arith.constant 0 : i32
        %dma_wait3A_936 = tpu.memref_slice %arg21[%dma_wait3A] : memref<640xf32, #tpu.memory_space<vmem>> -> memref<64xf32, #tpu.memory_space<vmem>>
        %dma_wait3A_937 = arith.constant 0 : i32
        %dma_wait3A_938 = tpu.memref_slice %arg28[%dma_wait3A_937] : memref<10240xf32, #tpu.memory_space<vmem_shared>> -> memref<10240xf32, #tpu.memory_space<vmem_shared>>
        tpu.wait_indirect_dma semaphore(%run_scoped3A : memref<!tpu.dma_semaphore, #tpu.memory_space<semaphore_mem>>) src(%dma_wait3A_936 : memref<64xf32, #tpu.memory_space<vmem>>) dst(%dma_wait3A_938 : memref<10240xf32, #tpu.memory_space<vmem_shared>>)
        tpu.yield
      }) : () -> ()
      %mul3A_580 = arith.constant 640 : i32
      %mul3A_581 = arith.muli %arg1, %mul3A_580 : i32
      %add3A_582 = arith.constant 128 : i32
      %add3A_583 = arith.addi %mul3A_581, %add3A_582 : i32
      %add3A_584 = arith.constant 0 : i32
      %add3A_585 = arith.addi %add3A_583, %add3A_584 : i32
      %broadcast_in_dim3A_586 = vector.broadcast %add3A_585 : i32 to vector<16xi32>
      %iota3A_587 = tpu.iota {dimensions = array<i32: 0>} : vector<16xi32>
      %add3A_588 = arith.addi %broadcast_in_dim3A_586, %iota3A_587 : vector<16xi32>
      %swap3A_589 = arith.constant 0 : index
      %swap3A_590 = tpu.vector_load %arg22[%swap3A_589] {strides = array<i32>} : memref<64xi32, #tpu.memory_space<vmem>>, vector<16xi32>,
      tpu.vector_store %arg22[%swap3A_589], %add3A_588 {strides = array<i32>} : memref<64xi32, #tpu.memory_space<vmem>>, vector<16xi32>,
      %mul3A_591 = arith.constant 640 : i32
      %mul3A_592 = arith.muli %arg1, %mul3A_591 : i32
      %add3A_593 = arith.constant 128 : i32
      %add3A_594 = arith.addi %mul3A_592, %add3A_593 : i32
      %add3A_595 = arith.constant 16 : i32
      %add3A_596 = arith.addi %add3A_594, %add3A_595 : i32
      %broadcast_in_dim3A_597 = vector.broadcast %add3A_596 : i32 to vector<16xi32>
      %iota3A_598 = tpu.iota {dimensions = array<i32: 0>} : vector<16xi32>
      %add3A_599 = arith.addi %broadcast_in_dim3A_597, %iota3A_598 : vector<16xi32>
      %swap3A_600 = arith.constant 16 : index
      %swap3A_601 = tpu.vector_load %arg22[%swap3A_600] {strides = array<i32>} : memref<64xi32, #tpu.memory_space<vmem>>, vector<16xi32>,
      tpu.vector_store %arg22[%swap3A_600], %add3A_599 {strides = array<i32>} : memref<64xi32, #tpu.memory_space<vmem>>, vector<16xi32>,
      %mul3A_602 = arith.constant 640 : i32
      %mul3A_603 = arith.muli %arg1, %mul3A_602 : i32
      %add3A_604 = arith.constant 128 : i32
      %add3A_605 = arith.addi %mul3A_603, %add3A_604 : i32
      %add3A_606 = arith.constant 32 : i32
      %add3A_607 = arith.addi %add3A_605, %add3A_606 : i32
      %broadcast_in_dim3A_608 = vector.broadcast %add3A_607 : i32 to vector<16xi32>
      %iota3A_609 = tpu.iota {dimensions = array<i32: 0>} : vector<16xi32>
      %add3A_610 = arith.addi %broadcast_in_dim3A_608, %iota3A_609 : vector<16xi32>
      %swap3A_611 = arith.constant 32 : index
      %swap3A_612 = tpu.vector_load %arg22[%swap3A_611] {strides = array<i32>} : memref<64xi32, #tpu.memory_space<vmem>>, vector<16xi32>,
      tpu.vector_store %arg22[%swap3A_611], %add3A_610 {strides = array<i32>} : memref<64xi32, #tpu.memory_space<vmem>>, vector<16xi32>,
      %mul3A_613 = arith.constant 640 : i32
      %mul3A_614 = arith.muli %arg1, %mul3A_613 : i32
      %add3A_615 = arith.constant 128 : i32
      %add3A_616 = arith.addi %mul3A_614, %add3A_615 : i32
      %add3A_617 = arith.constant 48 : i32
      %add3A_618 = arith.addi %add3A_616, %add3A_617 : i32
      %broadcast_in_dim3A_619 = vector.broadcast %add3A_618 : i32 to vector<16xi32>
      %iota3A_620 = tpu.iota {dimensions = array<i32: 0>} : vector<16xi32>
      %add3A_621 = arith.addi %broadcast_in_dim3A_619, %iota3A_620 : vector<16xi32>
      %swap3A_622 = arith.constant 48 : index
      %swap3A_623 = tpu.vector_load %arg22[%swap3A_622] {strides = array<i32>} : memref<64xi32, #tpu.memory_space<vmem>>, vector<16xi32>,
      tpu.vector_store %arg22[%swap3A_622], %add3A_621 {strides = array<i32>} : memref<64xi32, #tpu.memory_space<vmem>>, vector<16xi32>,
      "tpu.region"() ({
        %run_scoped3A = tpu.sem_alloc : memref<!tpu.dma_semaphore, #tpu.memory_space<semaphore_mem>>
        %dma_start3A_932 = arith.constant 0 : i32
        %dma_start3A_933 = tpu.memref_slice %arg21[%dma_start3A_932] : memref<640xf32, #tpu.memory_space<vmem>> -> memref<64xf32, #tpu.memory_space<vmem>>
        %dma_start3A_934 = arith.constant 0 : i32
        %dma_start3A_935 = tpu.memref_slice %arg28[%dma_start3A_934] : memref<10240xf32, #tpu.memory_space<vmem_shared>> -> memref<10240xf32, #tpu.memory_space<vmem_shared>>
        tpu.enqueue_indirect_dma source(%dma_start3A_933 : memref<64xf32, #tpu.memory_space<vmem>>) target(%dma_start3A_935 : memref<10240xf32, #tpu.memory_space<vmem_shared>>) offsets(%arg22 : memref<64xi32, #tpu.memory_space<vmem>>) semaphore(%run_scoped3A : memref<!tpu.dma_semaphore, #tpu.memory_space<semaphore_mem>>)
        %dma_wait3A = arith.constant 0 : i32
        %dma_wait3A_936 = tpu.memref_slice %arg21[%dma_wait3A] : memref<640xf32, #tpu.memory_space<vmem>> -> memref<64xf32, #tpu.memory_space<vmem>>
        %dma_wait3A_937 = arith.constant 0 : i32
        %dma_wait3A_938 = tpu.memref_slice %arg28[%dma_wait3A_937] : memref<10240xf32, #tpu.memory_space<vmem_shared>> -> memref<10240xf32, #tpu.memory_space<vmem_shared>>
        tpu.wait_indirect_dma semaphore(%run_scoped3A : memref<!tpu.dma_semaphore, #tpu.memory_space<semaphore_mem>>) src(%dma_wait3A_936 : memref<64xf32, #tpu.memory_space<vmem>>) dst(%dma_wait3A_938 : memref<10240xf32, #tpu.memory_space<vmem_shared>>)
        tpu.yield
      }) : () -> ()
      %mul3A_624 = arith.constant 640 : i32
      %mul3A_625 = arith.muli %arg1, %mul3A_624 : i32
      %add3A_626 = arith.constant 192 : i32
      %add3A_627 = arith.addi %mul3A_625, %add3A_626 : i32
      %add3A_628 = arith.constant 0 : i32
      %add3A_629 = arith.addi %add3A_627, %add3A_628 : i32
      %broadcast_in_dim3A_630 = vector.broadcast %add3A_629 : i32 to vector<16xi32>
      %iota3A_631 = tpu.iota {dimensions = array<i32: 0>} : vector<16xi32>
      %add3A_632 = arith.addi %broadcast_in_dim3A_630, %iota3A_631 : vector<16xi32>
      %swap3A_633 = arith.constant 0 : index
      %swap3A_634 = tpu.vector_load %arg22[%swap3A_633] {strides = array<i32>} : memref<64xi32, #tpu.memory_space<vmem>>, vector<16xi32>,
      tpu.vector_store %arg22[%swap3A_633], %add3A_632 {strides = array<i32>} : memref<64xi32, #tpu.memory_space<vmem>>, vector<16xi32>,
      %mul3A_635 = arith.constant 640 : i32
      %mul3A_636 = arith.muli %arg1, %mul3A_635 : i32
      %add3A_637 = arith.constant 192 : i32
      %add3A_638 = arith.addi %mul3A_636, %add3A_637 : i32
      %add3A_639 = arith.constant 16 : i32
      %add3A_640 = arith.addi %add3A_638, %add3A_639 : i32
      %broadcast_in_dim3A_641 = vector.broadcast %add3A_640 : i32 to vector<16xi32>
      %iota3A_642 = tpu.iota {dimensions = array<i32: 0>} : vector<16xi32>
      %add3A_643 = arith.addi %broadcast_in_dim3A_641, %iota3A_642 : vector<16xi32>
      %swap3A_644 = arith.constant 16 : index
      %swap3A_645 = tpu.vector_load %arg22[%swap3A_644] {strides = array<i32>} : memref<64xi32, #tpu.memory_space<vmem>>, vector<16xi32>,
      tpu.vector_store %arg22[%swap3A_644], %add3A_643 {strides = array<i32>} : memref<64xi32, #tpu.memory_space<vmem>>, vector<16xi32>,
      %mul3A_646 = arith.constant 640 : i32
      %mul3A_647 = arith.muli %arg1, %mul3A_646 : i32
      %add3A_648 = arith.constant 192 : i32
      %add3A_649 = arith.addi %mul3A_647, %add3A_648 : i32
      %add3A_650 = arith.constant 32 : i32
      %add3A_651 = arith.addi %add3A_649, %add3A_650 : i32
      %broadcast_in_dim3A_652 = vector.broadcast %add3A_651 : i32 to vector<16xi32>
      %iota3A_653 = tpu.iota {dimensions = array<i32: 0>} : vector<16xi32>
      %add3A_654 = arith.addi %broadcast_in_dim3A_652, %iota3A_653 : vector<16xi32>
      %swap3A_655 = arith.constant 32 : index
      %swap3A_656 = tpu.vector_load %arg22[%swap3A_655] {strides = array<i32>} : memref<64xi32, #tpu.memory_space<vmem>>, vector<16xi32>,
      tpu.vector_store %arg22[%swap3A_655], %add3A_654 {strides = array<i32>} : memref<64xi32, #tpu.memory_space<vmem>>, vector<16xi32>,
      %mul3A_657 = arith.constant 640 : i32
      %mul3A_658 = arith.muli %arg1, %mul3A_657 : i32
      %add3A_659 = arith.constant 192 : i32
      %add3A_660 = arith.addi %mul3A_658, %add3A_659 : i32
      %add3A_661 = arith.constant 48 : i32
      %add3A_662 = arith.addi %add3A_660, %add3A_661 : i32
      %broadcast_in_dim3A_663 = vector.broadcast %add3A_662 : i32 to vector<16xi32>
      %iota3A_664 = tpu.iota {dimensions = array<i32: 0>} : vector<16xi32>
      %add3A_665 = arith.addi %broadcast_in_dim3A_663, %iota3A_664 : vector<16xi32>
      %swap3A_666 = arith.constant 48 : index
      %swap3A_667 = tpu.vector_load %arg22[%swap3A_666] {strides = array<i32>} : memref<64xi32, #tpu.memory_space<vmem>>, vector<16xi32>,
      tpu.vector_store %arg22[%swap3A_666], %add3A_665 {strides = array<i32>} : memref<64xi32, #tpu.memory_space<vmem>>, vector<16xi32>,
      "tpu.region"() ({
        %run_scoped3A = tpu.sem_alloc : memref<!tpu.dma_semaphore, #tpu.memory_space<semaphore_mem>>
        %dma_start3A_932 = arith.constant 0 : i32
        %dma_start3A_933 = tpu.memref_slice %arg21[%dma_start3A_932] : memref<640xf32, #tpu.memory_space<vmem>> -> memref<64xf32, #tpu.memory_space<vmem>>
        %dma_start3A_934 = arith.constant 0 : i32
        %dma_start3A_935 = tpu.memref_slice %arg28[%dma_start3A_934] : memref<10240xf32, #tpu.memory_space<vmem_shared>> -> memref<10240xf32, #tpu.memory_space<vmem_shared>>
        tpu.enqueue_indirect_dma source(%dma_start3A_933 : memref<64xf32, #tpu.memory_space<vmem>>) target(%dma_start3A_935 : memref<10240xf32, #tpu.memory_space<vmem_shared>>) offsets(%arg22 : memref<64xi32, #tpu.memory_space<vmem>>) semaphore(%run_scoped3A : memref<!tpu.dma_semaphore, #tpu.memory_space<semaphore_mem>>)
        %dma_wait3A = arith.constant 0 : i32
        %dma_wait3A_936 = tpu.memref_slice %arg21[%dma_wait3A] : memref<640xf32, #tpu.memory_space<vmem>> -> memref<64xf32, #tpu.memory_space<vmem>>
        %dma_wait3A_937 = arith.constant 0 : i32
        %dma_wait3A_938 = tpu.memref_slice %arg28[%dma_wait3A_937] : memref<10240xf32, #tpu.memory_space<vmem_shared>> -> memref<10240xf32, #tpu.memory_space<vmem_shared>>
        tpu.wait_indirect_dma semaphore(%run_scoped3A : memref<!tpu.dma_semaphore, #tpu.memory_space<semaphore_mem>>) src(%dma_wait3A_936 : memref<64xf32, #tpu.memory_space<vmem>>) dst(%dma_wait3A_938 : memref<10240xf32, #tpu.memory_space<vmem_shared>>)
        tpu.yield
      }) : () -> ()
      %mul3A_668 = arith.constant 640 : i32
      %mul3A_669 = arith.muli %arg1, %mul3A_668 : i32
      %add3A_670 = arith.constant 256 : i32
      %add3A_671 = arith.addi %mul3A_669, %add3A_670 : i32
      %add3A_672 = arith.constant 0 : i32
      %add3A_673 = arith.addi %add3A_671, %add3A_672 : i32
      %broadcast_in_dim3A_674 = vector.broadcast %add3A_673 : i32 to vector<16xi32>
      %iota3A_675 = tpu.iota {dimensions = array<i32: 0>} : vector<16xi32>
      %add3A_676 = arith.addi %broadcast_in_dim3A_674, %iota3A_675 : vector<16xi32>
      %swap3A_677 = arith.constant 0 : index
      %swap3A_678 = tpu.vector_load %arg22[%swap3A_677] {strides = array<i32>} : memref<64xi32, #tpu.memory_space<vmem>>, vector<16xi32>,
      tpu.vector_store %arg22[%swap3A_677], %add3A_676 {strides = array<i32>} : memref<64xi32, #tpu.memory_space<vmem>>, vector<16xi32>,
      %mul3A_679 = arith.constant 640 : i32
      %mul3A_680 = arith.muli %arg1, %mul3A_679 : i32
      %add3A_681 = arith.constant 256 : i32
      %add3A_682 = arith.addi %mul3A_680, %add3A_681 : i32
      %add3A_683 = arith.constant 16 : i32
      %add3A_684 = arith.addi %add3A_682, %add3A_683 : i32
      %broadcast_in_dim3A_685 = vector.broadcast %add3A_684 : i32 to vector<16xi32>
      %iota3A_686 = tpu.iota {dimensions = array<i32: 0>} : vector<16xi32>
      %add3A_687 = arith.addi %broadcast_in_dim3A_685, %iota3A_686 : vector<16xi32>
      %swap3A_688 = arith.constant 16 : index
      %swap3A_689 = tpu.vector_load %arg22[%swap3A_688] {strides = array<i32>} : memref<64xi32, #tpu.memory_space<vmem>>, vector<16xi32>,
      tpu.vector_store %arg22[%swap3A_688], %add3A_687 {strides = array<i32>} : memref<64xi32, #tpu.memory_space<vmem>>, vector<16xi32>,
      %mul3A_690 = arith.constant 640 : i32
      %mul3A_691 = arith.muli %arg1, %mul3A_690 : i32
      %add3A_692 = arith.constant 256 : i32
      %add3A_693 = arith.addi %mul3A_691, %add3A_692 : i32
      %add3A_694 = arith.constant 32 : i32
      %add3A_695 = arith.addi %add3A_693, %add3A_694 : i32
      %broadcast_in_dim3A_696 = vector.broadcast %add3A_695 : i32 to vector<16xi32>
      %iota3A_697 = tpu.iota {dimensions = array<i32: 0>} : vector<16xi32>
      %add3A_698 = arith.addi %broadcast_in_dim3A_696, %iota3A_697 : vector<16xi32>
      %swap3A_699 = arith.constant 32 : index
      %swap3A_700 = tpu.vector_load %arg22[%swap3A_699] {strides = array<i32>} : memref<64xi32, #tpu.memory_space<vmem>>, vector<16xi32>,
      tpu.vector_store %arg22[%swap3A_699], %add3A_698 {strides = array<i32>} : memref<64xi32, #tpu.memory_space<vmem>>, vector<16xi32>,
      %mul3A_701 = arith.constant 640 : i32
      %mul3A_702 = arith.muli %arg1, %mul3A_701 : i32
      %add3A_703 = arith.constant 256 : i32
      %add3A_704 = arith.addi %mul3A_702, %add3A_703 : i32
      %add3A_705 = arith.constant 48 : i32
      %add3A_706 = arith.addi %add3A_704, %add3A_705 : i32
      %broadcast_in_dim3A_707 = vector.broadcast %add3A_706 : i32 to vector<16xi32>
      %iota3A_708 = tpu.iota {dimensions = array<i32: 0>} : vector<16xi32>
      %add3A_709 = arith.addi %broadcast_in_dim3A_707, %iota3A_708 : vector<16xi32>
      %swap3A_710 = arith.constant 48 : index
      %swap3A_711 = tpu.vector_load %arg22[%swap3A_710] {strides = array<i32>} : memref<64xi32, #tpu.memory_space<vmem>>, vector<16xi32>,
      tpu.vector_store %arg22[%swap3A_710], %add3A_709 {strides = array<i32>} : memref<64xi32, #tpu.memory_space<vmem>>, vector<16xi32>,
      "tpu.region"() ({
        %run_scoped3A = tpu.sem_alloc : memref<!tpu.dma_semaphore, #tpu.memory_space<semaphore_mem>>
        %dma_start3A_932 = arith.constant 0 : i32
        %dma_start3A_933 = tpu.memref_slice %arg21[%dma_start3A_932] : memref<640xf32, #tpu.memory_space<vmem>> -> memref<64xf32, #tpu.memory_space<vmem>>
        %dma_start3A_934 = arith.constant 0 : i32
        %dma_start3A_935 = tpu.memref_slice %arg28[%dma_start3A_934] : memref<10240xf32, #tpu.memory_space<vmem_shared>> -> memref<10240xf32, #tpu.memory_space<vmem_shared>>
        tpu.enqueue_indirect_dma source(%dma_start3A_933 : memref<64xf32, #tpu.memory_space<vmem>>) target(%dma_start3A_935 : memref<10240xf32, #tpu.memory_space<vmem_shared>>) offsets(%arg22 : memref<64xi32, #tpu.memory_space<vmem>>) semaphore(%run_scoped3A : memref<!tpu.dma_semaphore, #tpu.memory_space<semaphore_mem>>)
        %dma_wait3A = arith.constant 0 : i32
        %dma_wait3A_936 = tpu.memref_slice %arg21[%dma_wait3A] : memref<640xf32, #tpu.memory_space<vmem>> -> memref<64xf32, #tpu.memory_space<vmem>>
        %dma_wait3A_937 = arith.constant 0 : i32
        %dma_wait3A_938 = tpu.memref_slice %arg28[%dma_wait3A_937] : memref<10240xf32, #tpu.memory_space<vmem_shared>> -> memref<10240xf32, #tpu.memory_space<vmem_shared>>
        tpu.wait_indirect_dma semaphore(%run_scoped3A : memref<!tpu.dma_semaphore, #tpu.memory_space<semaphore_mem>>) src(%dma_wait3A_936 : memref<64xf32, #tpu.memory_space<vmem>>) dst(%dma_wait3A_938 : memref<10240xf32, #tpu.memory_space<vmem_shared>>)
        tpu.yield
      }) : () -> ()
      %mul3A_712 = arith.constant 640 : i32
      %mul3A_713 = arith.muli %arg1, %mul3A_712 : i32
      %add3A_714 = arith.constant 320 : i32
      %add3A_715 = arith.addi %mul3A_713, %add3A_714 : i32
      %add3A_716 = arith.constant 0 : i32
      %add3A_717 = arith.addi %add3A_715, %add3A_716 : i32
      %broadcast_in_dim3A_718 = vector.broadcast %add3A_717 : i32 to vector<16xi32>
      %iota3A_719 = tpu.iota {dimensions = array<i32: 0>} : vector<16xi32>
      %add3A_720 = arith.addi %broadcast_in_dim3A_718, %iota3A_719 : vector<16xi32>
      %swap3A_721 = arith.constant 0 : index
      %swap3A_722 = tpu.vector_load %arg22[%swap3A_721] {strides = array<i32>} : memref<64xi32, #tpu.memory_space<vmem>>, vector<16xi32>,
      tpu.vector_store %arg22[%swap3A_721], %add3A_720 {strides = array<i32>} : memref<64xi32, #tpu.memory_space<vmem>>, vector<16xi32>,
      %mul3A_723 = arith.constant 640 : i32
      %mul3A_724 = arith.muli %arg1, %mul3A_723 : i32
      %add3A_725 = arith.constant 320 : i32
      %add3A_726 = arith.addi %mul3A_724, %add3A_725 : i32
      %add3A_727 = arith.constant 16 : i32
      %add3A_728 = arith.addi %add3A_726, %add3A_727 : i32
      %broadcast_in_dim3A_729 = vector.broadcast %add3A_728 : i32 to vector<16xi32>
      %iota3A_730 = tpu.iota {dimensions = array<i32: 0>} : vector<16xi32>
      %add3A_731 = arith.addi %broadcast_in_dim3A_729, %iota3A_730 : vector<16xi32>
      %swap3A_732 = arith.constant 16 : index
      %swap3A_733 = tpu.vector_load %arg22[%swap3A_732] {strides = array<i32>} : memref<64xi32, #tpu.memory_space<vmem>>, vector<16xi32>,
      tpu.vector_store %arg22[%swap3A_732], %add3A_731 {strides = array<i32>} : memref<64xi32, #tpu.memory_space<vmem>>, vector<16xi32>,
      %mul3A_734 = arith.constant 640 : i32
      %mul3A_735 = arith.muli %arg1, %mul3A_734 : i32
      %add3A_736 = arith.constant 320 : i32
      %add3A_737 = arith.addi %mul3A_735, %add3A_736 : i32
      %add3A_738 = arith.constant 32 : i32
      %add3A_739 = arith.addi %add3A_737, %add3A_738 : i32
      %broadcast_in_dim3A_740 = vector.broadcast %add3A_739 : i32 to vector<16xi32>
      %iota3A_741 = tpu.iota {dimensions = array<i32: 0>} : vector<16xi32>
      %add3A_742 = arith.addi %broadcast_in_dim3A_740, %iota3A_741 : vector<16xi32>
      %swap3A_743 = arith.constant 32 : index
      %swap3A_744 = tpu.vector_load %arg22[%swap3A_743] {strides = array<i32>} : memref<64xi32, #tpu.memory_space<vmem>>, vector<16xi32>,
      tpu.vector_store %arg22[%swap3A_743], %add3A_742 {strides = array<i32>} : memref<64xi32, #tpu.memory_space<vmem>>, vector<16xi32>,
      %mul3A_745 = arith.constant 640 : i32
      %mul3A_746 = arith.muli %arg1, %mul3A_745 : i32
      %add3A_747 = arith.constant 320 : i32
      %add3A_748 = arith.addi %mul3A_746, %add3A_747 : i32
      %add3A_749 = arith.constant 48 : i32
      %add3A_750 = arith.addi %add3A_748, %add3A_749 : i32
      %broadcast_in_dim3A_751 = vector.broadcast %add3A_750 : i32 to vector<16xi32>
      %iota3A_752 = tpu.iota {dimensions = array<i32: 0>} : vector<16xi32>
      %add3A_753 = arith.addi %broadcast_in_dim3A_751, %iota3A_752 : vector<16xi32>
      %swap3A_754 = arith.constant 48 : index
      %swap3A_755 = tpu.vector_load %arg22[%swap3A_754] {strides = array<i32>} : memref<64xi32, #tpu.memory_space<vmem>>, vector<16xi32>,
      tpu.vector_store %arg22[%swap3A_754], %add3A_753 {strides = array<i32>} : memref<64xi32, #tpu.memory_space<vmem>>, vector<16xi32>,
      "tpu.region"() ({
        %run_scoped3A = tpu.sem_alloc : memref<!tpu.dma_semaphore, #tpu.memory_space<semaphore_mem>>
        %dma_start3A_932 = arith.constant 0 : i32
        %dma_start3A_933 = tpu.memref_slice %arg21[%dma_start3A_932] : memref<640xf32, #tpu.memory_space<vmem>> -> memref<64xf32, #tpu.memory_space<vmem>>
        %dma_start3A_934 = arith.constant 0 : i32
        %dma_start3A_935 = tpu.memref_slice %arg28[%dma_start3A_934] : memref<10240xf32, #tpu.memory_space<vmem_shared>> -> memref<10240xf32, #tpu.memory_space<vmem_shared>>
        tpu.enqueue_indirect_dma source(%dma_start3A_933 : memref<64xf32, #tpu.memory_space<vmem>>) target(%dma_start3A_935 : memref<10240xf32, #tpu.memory_space<vmem_shared>>) offsets(%arg22 : memref<64xi32, #tpu.memory_space<vmem>>) semaphore(%run_scoped3A : memref<!tpu.dma_semaphore, #tpu.memory_space<semaphore_mem>>)
        %dma_wait3A = arith.constant 0 : i32
        %dma_wait3A_936 = tpu.memref_slice %arg21[%dma_wait3A] : memref<640xf32, #tpu.memory_space<vmem>> -> memref<64xf32, #tpu.memory_space<vmem>>
        %dma_wait3A_937 = arith.constant 0 : i32
        %dma_wait3A_938 = tpu.memref_slice %arg28[%dma_wait3A_937] : memref<10240xf32, #tpu.memory_space<vmem_shared>> -> memref<10240xf32, #tpu.memory_space<vmem_shared>>
        tpu.wait_indirect_dma semaphore(%run_scoped3A : memref<!tpu.dma_semaphore, #tpu.memory_space<semaphore_mem>>) src(%dma_wait3A_936 : memref<64xf32, #tpu.memory_space<vmem>>) dst(%dma_wait3A_938 : memref<10240xf32, #tpu.memory_space<vmem_shared>>)
        tpu.yield
      }) : () -> ()
      %mul3A_756 = arith.constant 640 : i32
      %mul3A_757 = arith.muli %arg1, %mul3A_756 : i32
      %add3A_758 = arith.constant 384 : i32
      %add3A_759 = arith.addi %mul3A_757, %add3A_758 : i32
      %add3A_760 = arith.constant 0 : i32
      %add3A_761 = arith.addi %add3A_759, %add3A_760 : i32
      %broadcast_in_dim3A_762 = vector.broadcast %add3A_761 : i32 to vector<16xi32>
      %iota3A_763 = tpu.iota {dimensions = array<i32: 0>} : vector<16xi32>
      %add3A_764 = arith.addi %broadcast_in_dim3A_762, %iota3A_763 : vector<16xi32>
      %swap3A_765 = arith.constant 0 : index
      %swap3A_766 = tpu.vector_load %arg22[%swap3A_765] {strides = array<i32>} : memref<64xi32, #tpu.memory_space<vmem>>, vector<16xi32>,
      tpu.vector_store %arg22[%swap3A_765], %add3A_764 {strides = array<i32>} : memref<64xi32, #tpu.memory_space<vmem>>, vector<16xi32>,
      %mul3A_767 = arith.constant 640 : i32
      %mul3A_768 = arith.muli %arg1, %mul3A_767 : i32
      %add3A_769 = arith.constant 384 : i32
      %add3A_770 = arith.addi %mul3A_768, %add3A_769 : i32
      %add3A_771 = arith.constant 16 : i32
      %add3A_772 = arith.addi %add3A_770, %add3A_771 : i32
      %broadcast_in_dim3A_773 = vector.broadcast %add3A_772 : i32 to vector<16xi32>
      %iota3A_774 = tpu.iota {dimensions = array<i32: 0>} : vector<16xi32>
      %add3A_775 = arith.addi %broadcast_in_dim3A_773, %iota3A_774 : vector<16xi32>
      %swap3A_776 = arith.constant 16 : index
      %swap3A_777 = tpu.vector_load %arg22[%swap3A_776] {strides = array<i32>} : memref<64xi32, #tpu.memory_space<vmem>>, vector<16xi32>,
      tpu.vector_store %arg22[%swap3A_776], %add3A_775 {strides = array<i32>} : memref<64xi32, #tpu.memory_space<vmem>>, vector<16xi32>,
      %mul3A_778 = arith.constant 640 : i32
      %mul3A_779 = arith.muli %arg1, %mul3A_778 : i32
      %add3A_780 = arith.constant 384 : i32
      %add3A_781 = arith.addi %mul3A_779, %add3A_780 : i32
      %add3A_782 = arith.constant 32 : i32
      %add3A_783 = arith.addi %add3A_781, %add3A_782 : i32
      %broadcast_in_dim3A_784 = vector.broadcast %add3A_783 : i32 to vector<16xi32>
      %iota3A_785 = tpu.iota {dimensions = array<i32: 0>} : vector<16xi32>
      %add3A_786 = arith.addi %broadcast_in_dim3A_784, %iota3A_785 : vector<16xi32>
      %swap3A_787 = arith.constant 32 : index
      %swap3A_788 = tpu.vector_load %arg22[%swap3A_787] {strides = array<i32>} : memref<64xi32, #tpu.memory_space<vmem>>, vector<16xi32>,
      tpu.vector_store %arg22[%swap3A_787], %add3A_786 {strides = array<i32>} : memref<64xi32, #tpu.memory_space<vmem>>, vector<16xi32>,
      %mul3A_789 = arith.constant 640 : i32
      %mul3A_790 = arith.muli %arg1, %mul3A_789 : i32
      %add3A_791 = arith.constant 384 : i32
      %add3A_792 = arith.addi %mul3A_790, %add3A_791 : i32
      %add3A_793 = arith.constant 48 : i32
      %add3A_794 = arith.addi %add3A_792, %add3A_793 : i32
      %broadcast_in_dim3A_795 = vector.broadcast %add3A_794 : i32 to vector<16xi32>
      %iota3A_796 = tpu.iota {dimensions = array<i32: 0>} : vector<16xi32>
      %add3A_797 = arith.addi %broadcast_in_dim3A_795, %iota3A_796 : vector<16xi32>
      %swap3A_798 = arith.constant 48 : index
      %swap3A_799 = tpu.vector_load %arg22[%swap3A_798] {strides = array<i32>} : memref<64xi32, #tpu.memory_space<vmem>>, vector<16xi32>,
      tpu.vector_store %arg22[%swap3A_798], %add3A_797 {strides = array<i32>} : memref<64xi32, #tpu.memory_space<vmem>>, vector<16xi32>,
      "tpu.region"() ({
        %run_scoped3A = tpu.sem_alloc : memref<!tpu.dma_semaphore, #tpu.memory_space<semaphore_mem>>
        %dma_start3A_932 = arith.constant 0 : i32
        %dma_start3A_933 = tpu.memref_slice %arg21[%dma_start3A_932] : memref<640xf32, #tpu.memory_space<vmem>> -> memref<64xf32, #tpu.memory_space<vmem>>
        %dma_start3A_934 = arith.constant 0 : i32
        %dma_start3A_935 = tpu.memref_slice %arg28[%dma_start3A_934] : memref<10240xf32, #tpu.memory_space<vmem_shared>> -> memref<10240xf32, #tpu.memory_space<vmem_shared>>
        tpu.enqueue_indirect_dma source(%dma_start3A_933 : memref<64xf32, #tpu.memory_space<vmem>>) target(%dma_start3A_935 : memref<10240xf32, #tpu.memory_space<vmem_shared>>) offsets(%arg22 : memref<64xi32, #tpu.memory_space<vmem>>) semaphore(%run_scoped3A : memref<!tpu.dma_semaphore, #tpu.memory_space<semaphore_mem>>)
        %dma_wait3A = arith.constant 0 : i32
        %dma_wait3A_936 = tpu.memref_slice %arg21[%dma_wait3A] : memref<640xf32, #tpu.memory_space<vmem>> -> memref<64xf32, #tpu.memory_space<vmem>>
        %dma_wait3A_937 = arith.constant 0 : i32
        %dma_wait3A_938 = tpu.memref_slice %arg28[%dma_wait3A_937] : memref<10240xf32, #tpu.memory_space<vmem_shared>> -> memref<10240xf32, #tpu.memory_space<vmem_shared>>
        tpu.wait_indirect_dma semaphore(%run_scoped3A : memref<!tpu.dma_semaphore, #tpu.memory_space<semaphore_mem>>) src(%dma_wait3A_936 : memref<64xf32, #tpu.memory_space<vmem>>) dst(%dma_wait3A_938 : memref<10240xf32, #tpu.memory_space<vmem_shared>>)
        tpu.yield
      }) : () -> ()
      %mul3A_800 = arith.constant 640 : i32
      %mul3A_801 = arith.muli %arg1, %mul3A_800 : i32
      %add3A_802 = arith.constant 448 : i32
      %add3A_803 = arith.addi %mul3A_801, %add3A_802 : i32
      %add3A_804 = arith.constant 0 : i32
      %add3A_805 = arith.addi %add3A_803, %add3A_804 : i32
      %broadcast_in_dim3A_806 = vector.broadcast %add3A_805 : i32 to vector<16xi32>
      %iota3A_807 = tpu.iota {dimensions = array<i32: 0>} : vector<16xi32>
      %add3A_808 = arith.addi %broadcast_in_dim3A_806, %iota3A_807 : vector<16xi32>
      %swap3A_809 = arith.constant 0 : index
      %swap3A_810 = tpu.vector_load %arg22[%swap3A_809] {strides = array<i32>} : memref<64xi32, #tpu.memory_space<vmem>>, vector<16xi32>,
      tpu.vector_store %arg22[%swap3A_809], %add3A_808 {strides = array<i32>} : memref<64xi32, #tpu.memory_space<vmem>>, vector<16xi32>,
      %mul3A_811 = arith.constant 640 : i32
      %mul3A_812 = arith.muli %arg1, %mul3A_811 : i32
      %add3A_813 = arith.constant 448 : i32
      %add3A_814 = arith.addi %mul3A_812, %add3A_813 : i32
      %add3A_815 = arith.constant 16 : i32
      %add3A_816 = arith.addi %add3A_814, %add3A_815 : i32
      %broadcast_in_dim3A_817 = vector.broadcast %add3A_816 : i32 to vector<16xi32>
      %iota3A_818 = tpu.iota {dimensions = array<i32: 0>} : vector<16xi32>
      %add3A_819 = arith.addi %broadcast_in_dim3A_817, %iota3A_818 : vector<16xi32>
      %swap3A_820 = arith.constant 16 : index
      %swap3A_821 = tpu.vector_load %arg22[%swap3A_820] {strides = array<i32>} : memref<64xi32, #tpu.memory_space<vmem>>, vector<16xi32>,
      tpu.vector_store %arg22[%swap3A_820], %add3A_819 {strides = array<i32>} : memref<64xi32, #tpu.memory_space<vmem>>, vector<16xi32>,
      %mul3A_822 = arith.constant 640 : i32
      %mul3A_823 = arith.muli %arg1, %mul3A_822 : i32
      %add3A_824 = arith.constant 448 : i32
      %add3A_825 = arith.addi %mul3A_823, %add3A_824 : i32
      %add3A_826 = arith.constant 32 : i32
      %add3A_827 = arith.addi %add3A_825, %add3A_826 : i32
      %broadcast_in_dim3A_828 = vector.broadcast %add3A_827 : i32 to vector<16xi32>
      %iota3A_829 = tpu.iota {dimensions = array<i32: 0>} : vector<16xi32>
      %add3A_830 = arith.addi %broadcast_in_dim3A_828, %iota3A_829 : vector<16xi32>
      %swap3A_831 = arith.constant 32 : index
      %swap3A_832 = tpu.vector_load %arg22[%swap3A_831] {strides = array<i32>} : memref<64xi32, #tpu.memory_space<vmem>>, vector<16xi32>,
      tpu.vector_store %arg22[%swap3A_831], %add3A_830 {strides = array<i32>} : memref<64xi32, #tpu.memory_space<vmem>>, vector<16xi32>,
      %mul3A_833 = arith.constant 640 : i32
      %mul3A_834 = arith.muli %arg1, %mul3A_833 : i32
      %add3A_835 = arith.constant 448 : i32
      %add3A_836 = arith.addi %mul3A_834, %add3A_835 : i32
      %add3A_837 = arith.constant 48 : i32
      %add3A_838 = arith.addi %add3A_836, %add3A_837 : i32
      %broadcast_in_dim3A_839 = vector.broadcast %add3A_838 : i32 to vector<16xi32>
      %iota3A_840 = tpu.iota {dimensions = array<i32: 0>} : vector<16xi32>
      %add3A_841 = arith.addi %broadcast_in_dim3A_839, %iota3A_840 : vector<16xi32>
      %swap3A_842 = arith.constant 48 : index
      %swap3A_843 = tpu.vector_load %arg22[%swap3A_842] {strides = array<i32>} : memref<64xi32, #tpu.memory_space<vmem>>, vector<16xi32>,
      tpu.vector_store %arg22[%swap3A_842], %add3A_841 {strides = array<i32>} : memref<64xi32, #tpu.memory_space<vmem>>, vector<16xi32>,
      "tpu.region"() ({
        %run_scoped3A = tpu.sem_alloc : memref<!tpu.dma_semaphore, #tpu.memory_space<semaphore_mem>>
        %dma_start3A_932 = arith.constant 0 : i32
        %dma_start3A_933 = tpu.memref_slice %arg21[%dma_start3A_932] : memref<640xf32, #tpu.memory_space<vmem>> -> memref<64xf32, #tpu.memory_space<vmem>>
        %dma_start3A_934 = arith.constant 0 : i32
        %dma_start3A_935 = tpu.memref_slice %arg28[%dma_start3A_934] : memref<10240xf32, #tpu.memory_space<vmem_shared>> -> memref<10240xf32, #tpu.memory_space<vmem_shared>>
        tpu.enqueue_indirect_dma source(%dma_start3A_933 : memref<64xf32, #tpu.memory_space<vmem>>) target(%dma_start3A_935 : memref<10240xf32, #tpu.memory_space<vmem_shared>>) offsets(%arg22 : memref<64xi32, #tpu.memory_space<vmem>>) semaphore(%run_scoped3A : memref<!tpu.dma_semaphore, #tpu.memory_space<semaphore_mem>>)
        %dma_wait3A = arith.constant 0 : i32
        %dma_wait3A_936 = tpu.memref_slice %arg21[%dma_wait3A] : memref<640xf32, #tpu.memory_space<vmem>> -> memref<64xf32, #tpu.memory_space<vmem>>
        %dma_wait3A_937 = arith.constant 0 : i32
        %dma_wait3A_938 = tpu.memref_slice %arg28[%dma_wait3A_937] : memref<10240xf32, #tpu.memory_space<vmem_shared>> -> memref<10240xf32, #tpu.memory_space<vmem_shared>>
        tpu.wait_indirect_dma semaphore(%run_scoped3A : memref<!tpu.dma_semaphore, #tpu.memory_space<semaphore_mem>>) src(%dma_wait3A_936 : memref<64xf32, #tpu.memory_space<vmem>>) dst(%dma_wait3A_938 : memref<10240xf32, #tpu.memory_space<vmem_shared>>)
        tpu.yield
      }) : () -> ()
      %mul3A_844 = arith.constant 640 : i32
      %mul3A_845 = arith.muli %arg1, %mul3A_844 : i32
      %add3A_846 = arith.constant 512 : i32
      %add3A_847 = arith.addi %mul3A_845, %add3A_846 : i32
      %add3A_848 = arith.constant 0 : i32
      %add3A_849 = arith.addi %add3A_847, %add3A_848 : i32
      %broadcast_in_dim3A_850 = vector.broadcast %add3A_849 : i32 to vector<16xi32>
      %iota3A_851 = tpu.iota {dimensions = array<i32: 0>} : vector<16xi32>
      %add3A_852 = arith.addi %broadcast_in_dim3A_850, %iota3A_851 : vector<16xi32>
      %swap3A_853 = arith.constant 0 : index
      %swap3A_854 = tpu.vector_load %arg22[%swap3A_853] {strides = array<i32>} : memref<64xi32, #tpu.memory_space<vmem>>, vector<16xi32>,
      tpu.vector_store %arg22[%swap3A_853], %add3A_852 {strides = array<i32>} : memref<64xi32, #tpu.memory_space<vmem>>, vector<16xi32>,
      %mul3A_855 = arith.constant 640 : i32
      %mul3A_856 = arith.muli %arg1, %mul3A_855 : i32
      %add3A_857 = arith.constant 512 : i32
      %add3A_858 = arith.addi %mul3A_856, %add3A_857 : i32
      %add3A_859 = arith.constant 16 : i32
      %add3A_860 = arith.addi %add3A_858, %add3A_859 : i32
      %broadcast_in_dim3A_861 = vector.broadcast %add3A_860 : i32 to vector<16xi32>
      %iota3A_862 = tpu.iota {dimensions = array<i32: 0>} : vector<16xi32>
      %add3A_863 = arith.addi %broadcast_in_dim3A_861, %iota3A_862 : vector<16xi32>
      %swap3A_864 = arith.constant 16 : index
      %swap3A_865 = tpu.vector_load %arg22[%swap3A_864] {strides = array<i32>} : memref<64xi32, #tpu.memory_space<vmem>>, vector<16xi32>,
      tpu.vector_store %arg22[%swap3A_864], %add3A_863 {strides = array<i32>} : memref<64xi32, #tpu.memory_space<vmem>>, vector<16xi32>,
      %mul3A_866 = arith.constant 640 : i32
      %mul3A_867 = arith.muli %arg1, %mul3A_866 : i32
      %add3A_868 = arith.constant 512 : i32
      %add3A_869 = arith.addi %mul3A_867, %add3A_868 : i32
      %add3A_870 = arith.constant 32 : i32
      %add3A_871 = arith.addi %add3A_869, %add3A_870 : i32
      %broadcast_in_dim3A_872 = vector.broadcast %add3A_871 : i32 to vector<16xi32>
      %iota3A_873 = tpu.iota {dimensions = array<i32: 0>} : vector<16xi32>
      %add3A_874 = arith.addi %broadcast_in_dim3A_872, %iota3A_873 : vector<16xi32>
      %swap3A_875 = arith.constant 32 : index
      %swap3A_876 = tpu.vector_load %arg22[%swap3A_875] {strides = array<i32>} : memref<64xi32, #tpu.memory_space<vmem>>, vector<16xi32>,
      tpu.vector_store %arg22[%swap3A_875], %add3A_874 {strides = array<i32>} : memref<64xi32, #tpu.memory_space<vmem>>, vector<16xi32>,
      %mul3A_877 = arith.constant 640 : i32
      %mul3A_878 = arith.muli %arg1, %mul3A_877 : i32
      %add3A_879 = arith.constant 512 : i32
      %add3A_880 = arith.addi %mul3A_878, %add3A_879 : i32
      %add3A_881 = arith.constant 48 : i32
      %add3A_882 = arith.addi %add3A_880, %add3A_881 : i32
      %broadcast_in_dim3A_883 = vector.broadcast %add3A_882 : i32 to vector<16xi32>
      %iota3A_884 = tpu.iota {dimensions = array<i32: 0>} : vector<16xi32>
      %add3A_885 = arith.addi %broadcast_in_dim3A_883, %iota3A_884 : vector<16xi32>
      %swap3A_886 = arith.constant 48 : index
      %swap3A_887 = tpu.vector_load %arg22[%swap3A_886] {strides = array<i32>} : memref<64xi32, #tpu.memory_space<vmem>>, vector<16xi32>,
      tpu.vector_store %arg22[%swap3A_886], %add3A_885 {strides = array<i32>} : memref<64xi32, #tpu.memory_space<vmem>>, vector<16xi32>,
      "tpu.region"() ({
        %run_scoped3A = tpu.sem_alloc : memref<!tpu.dma_semaphore, #tpu.memory_space<semaphore_mem>>
        %dma_start3A_932 = arith.constant 0 : i32
        %dma_start3A_933 = tpu.memref_slice %arg21[%dma_start3A_932] : memref<640xf32, #tpu.memory_space<vmem>> -> memref<64xf32, #tpu.memory_space<vmem>>
        %dma_start3A_934 = arith.constant 0 : i32
        %dma_start3A_935 = tpu.memref_slice %arg28[%dma_start3A_934] : memref<10240xf32, #tpu.memory_space<vmem_shared>> -> memref<10240xf32, #tpu.memory_space<vmem_shared>>
        tpu.enqueue_indirect_dma source(%dma_start3A_933 : memref<64xf32, #tpu.memory_space<vmem>>) target(%dma_start3A_935 : memref<10240xf32, #tpu.memory_space<vmem_shared>>) offsets(%arg22 : memref<64xi32, #tpu.memory_space<vmem>>) semaphore(%run_scoped3A : memref<!tpu.dma_semaphore, #tpu.memory_space<semaphore_mem>>)
        %dma_wait3A = arith.constant 0 : i32
        %dma_wait3A_936 = tpu.memref_slice %arg21[%dma_wait3A] : memref<640xf32, #tpu.memory_space<vmem>> -> memref<64xf32, #tpu.memory_space<vmem>>
        %dma_wait3A_937 = arith.constant 0 : i32
        %dma_wait3A_938 = tpu.memref_slice %arg28[%dma_wait3A_937] : memref<10240xf32, #tpu.memory_space<vmem_shared>> -> memref<10240xf32, #tpu.memory_space<vmem_shared>>
        tpu.wait_indirect_dma semaphore(%run_scoped3A : memref<!tpu.dma_semaphore, #tpu.memory_space<semaphore_mem>>) src(%dma_wait3A_936 : memref<64xf32, #tpu.memory_space<vmem>>) dst(%dma_wait3A_938 : memref<10240xf32, #tpu.memory_space<vmem_shared>>)
        tpu.yield
      }) : () -> ()
      %mul3A_888 = arith.constant 640 : i32
      %mul3A_889 = arith.muli %arg1, %mul3A_888 : i32
      %add3A_890 = arith.constant 576 : i32
      %add3A_891 = arith.addi %mul3A_889, %add3A_890 : i32
      %add3A_892 = arith.constant 0 : i32
      %add3A_893 = arith.addi %add3A_891, %add3A_892 : i32
      %broadcast_in_dim3A_894 = vector.broadcast %add3A_893 : i32 to vector<16xi32>
      %iota3A_895 = tpu.iota {dimensions = array<i32: 0>} : vector<16xi32>
      %add3A_896 = arith.addi %broadcast_in_dim3A_894, %iota3A_895 : vector<16xi32>
      %swap3A_897 = arith.constant 0 : index
      %swap3A_898 = tpu.vector_load %arg22[%swap3A_897] {strides = array<i32>} : memref<64xi32, #tpu.memory_space<vmem>>, vector<16xi32>,
      tpu.vector_store %arg22[%swap3A_897], %add3A_896 {strides = array<i32>} : memref<64xi32, #tpu.memory_space<vmem>>, vector<16xi32>,
      %mul3A_899 = arith.constant 640 : i32
      %mul3A_900 = arith.muli %arg1, %mul3A_899 : i32
      %add3A_901 = arith.constant 576 : i32
      %add3A_902 = arith.addi %mul3A_900, %add3A_901 : i32
      %add3A_903 = arith.constant 16 : i32
      %add3A_904 = arith.addi %add3A_902, %add3A_903 : i32
      %broadcast_in_dim3A_905 = vector.broadcast %add3A_904 : i32 to vector<16xi32>
      %iota3A_906 = tpu.iota {dimensions = array<i32: 0>} : vector<16xi32>
      %add3A_907 = arith.addi %broadcast_in_dim3A_905, %iota3A_906 : vector<16xi32>
      %swap3A_908 = arith.constant 16 : index
      %swap3A_909 = tpu.vector_load %arg22[%swap3A_908] {strides = array<i32>} : memref<64xi32, #tpu.memory_space<vmem>>, vector<16xi32>,
      tpu.vector_store %arg22[%swap3A_908], %add3A_907 {strides = array<i32>} : memref<64xi32, #tpu.memory_space<vmem>>, vector<16xi32>,
      %mul3A_910 = arith.constant 640 : i32
      %mul3A_911 = arith.muli %arg1, %mul3A_910 : i32
      %add3A_912 = arith.constant 576 : i32
      %add3A_913 = arith.addi %mul3A_911, %add3A_912 : i32
      %add3A_914 = arith.constant 32 : i32
      %add3A_915 = arith.addi %add3A_913, %add3A_914 : i32
      %broadcast_in_dim3A_916 = vector.broadcast %add3A_915 : i32 to vector<16xi32>
      %iota3A_917 = tpu.iota {dimensions = array<i32: 0>} : vector<16xi32>
      %add3A_918 = arith.addi %broadcast_in_dim3A_916, %iota3A_917 : vector<16xi32>
      %swap3A_919 = arith.constant 32 : index
      %swap3A_920 = tpu.vector_load %arg22[%swap3A_919] {strides = array<i32>} : memref<64xi32, #tpu.memory_space<vmem>>, vector<16xi32>,
      tpu.vector_store %arg22[%swap3A_919], %add3A_918 {strides = array<i32>} : memref<64xi32, #tpu.memory_space<vmem>>, vector<16xi32>,
      %mul3A_921 = arith.constant 640 : i32
      %mul3A_922 = arith.muli %arg1, %mul3A_921 : i32
      %add3A_923 = arith.constant 576 : i32
      %add3A_924 = arith.addi %mul3A_922, %add3A_923 : i32
      %add3A_925 = arith.constant 48 : i32
      %add3A_926 = arith.addi %add3A_924, %add3A_925 : i32
      %broadcast_in_dim3A_927 = vector.broadcast %add3A_926 : i32 to vector<16xi32>
      %iota3A_928 = tpu.iota {dimensions = array<i32: 0>} : vector<16xi32>
      %add3A_929 = arith.addi %broadcast_in_dim3A_927, %iota3A_928 : vector<16xi32>
      %swap3A_930 = arith.constant 48 : index
      %swap3A_931 = tpu.vector_load %arg22[%swap3A_930] {strides = array<i32>} : memref<64xi32, #tpu.memory_space<vmem>>, vector<16xi32>,
      tpu.vector_store %arg22[%swap3A_930], %add3A_929 {strides = array<i32>} : memref<64xi32, #tpu.memory_space<vmem>>, vector<16xi32>,
      "tpu.region"() ({
        %run_scoped3A = tpu.sem_alloc : memref<!tpu.dma_semaphore, #tpu.memory_space<semaphore_mem>>
        %dma_start3A_932 = arith.constant 0 : i32
        %dma_start3A_933 = tpu.memref_slice %arg21[%dma_start3A_932] : memref<640xf32, #tpu.memory_space<vmem>> -> memref<64xf32, #tpu.memory_space<vmem>>
        %dma_start3A_934 = arith.constant 0 : i32
        %dma_start3A_935 = tpu.memref_slice %arg28[%dma_start3A_934] : memref<10240xf32, #tpu.memory_space<vmem_shared>> -> memref<10240xf32, #tpu.memory_space<vmem_shared>>
        tpu.enqueue_indirect_dma source(%dma_start3A_933 : memref<64xf32, #tpu.memory_space<vmem>>) target(%dma_start3A_935 : memref<10240xf32, #tpu.memory_space<vmem_shared>>) offsets(%arg22 : memref<64xi32, #tpu.memory_space<vmem>>) semaphore(%run_scoped3A : memref<!tpu.dma_semaphore, #tpu.memory_space<semaphore_mem>>)
        %dma_wait3A = arith.constant 0 : i32
        %dma_wait3A_936 = tpu.memref_slice %arg21[%dma_wait3A] : memref<640xf32, #tpu.memory_space<vmem>> -> memref<64xf32, #tpu.memory_space<vmem>>
        %dma_wait3A_937 = arith.constant 0 : i32
        %dma_wait3A_938 = tpu.memref_slice %arg28[%dma_wait3A_937] : memref<10240xf32, #tpu.memory_space<vmem_shared>> -> memref<10240xf32, #tpu.memory_space<vmem_shared>>
        tpu.wait_indirect_dma semaphore(%run_scoped3A : memref<!tpu.dma_semaphore, #tpu.memory_space<semaphore_mem>>) src(%dma_wait3A_936 : memref<64xf32, #tpu.memory_space<vmem>>) dst(%dma_wait3A_938 : memref<10240xf32, #tpu.memory_space<vmem_shared>>)
        tpu.yield
      }) : () -> ()
    } else {
    }
    %barrier3A = arith.constant 0 : index
    tpu.barrier barrier_id(%barrier3A)
    %mul3A_228 = arith.constant 240 : i32
    %mul3A_229 = arith.muli %arg1, %mul3A_228 : i32
    %dma_start3A = tpu.memref_slice %arg5[%mul3A_229] : memref<330000xi32, #tpu.memory_space<hbm>> -> memref<128xi32, #tpu.memory_space<hbm>>
    %dma_start3A_230 = tpu.memref_slice %arg5[%mul3A_229] : memref<330000xi32, #tpu.memory_space<hbm>> -> memref<128xi32, #tpu.memory_space<hbm>>
    tpu.enqueue_dma source(%dma_start3A_230 : memref<128xi32, #tpu.memory_space<hbm>>) target(%arg13 : memref<128xi32, #tpu.memory_space<vmem>>) target_semaphore(%arg31 : memref<!tpu.dma_semaphore, #tpu.memory_space<semaphore_mem>>)
    %add3A_231 = arith.constant 128 : i32
    %add3A_232 = arith.addi %mul3A_229, %add3A_231 : i32
    %dma_start3A_233 = tpu.memref_slice %arg5[%add3A_232] : memref<330000xi32, #tpu.memory_space<hbm>> -> memref<112xi32, #tpu.memory_space<hbm>>
    %dma_start3A_234 = tpu.memref_slice %arg5[%add3A_232] : memref<330000xi32, #tpu.memory_space<hbm>> -> memref<112xi32, #tpu.memory_space<hbm>>
    tpu.enqueue_dma source(%dma_start3A_234 : memref<112xi32, #tpu.memory_space<hbm>>) target(%arg14 : memref<112xi32, #tpu.memory_space<vmem>>) target_semaphore(%arg31 : memref<!tpu.dma_semaphore, #tpu.memory_space<semaphore_mem>>)
    %dma_start3A_235 = tpu.memref_slice %arg6[%mul3A_229] : memref<330000xi32, #tpu.memory_space<hbm>> -> memref<128xi32, #tpu.memory_space<hbm>>
    %dma_start3A_236 = tpu.memref_slice %arg6[%mul3A_229] : memref<330000xi32, #tpu.memory_space<hbm>> -> memref<128xi32, #tpu.memory_space<hbm>>
    tpu.enqueue_dma source(%dma_start3A_236 : memref<128xi32, #tpu.memory_space<hbm>>) target(%arg15 : memref<128xi32, #tpu.memory_space<vmem>>) target_semaphore(%arg31 : memref<!tpu.dma_semaphore, #tpu.memory_space<semaphore_mem>>)
    %add3A_237 = arith.constant 128 : i32
    %add3A_238 = arith.addi %mul3A_229, %add3A_237 : i32
    %dma_start3A_239 = tpu.memref_slice %arg6[%add3A_238] : memref<330000xi32, #tpu.memory_space<hbm>> -> memref<112xi32, #tpu.memory_space<hbm>>
    %dma_start3A_240 = tpu.memref_slice %arg6[%add3A_238] : memref<330000xi32, #tpu.memory_space<hbm>> -> memref<112xi32, #tpu.memory_space<hbm>>
    tpu.enqueue_dma source(%dma_start3A_240 : memref<112xi32, #tpu.memory_space<hbm>>) target(%arg16 : memref<112xi32, #tpu.memory_space<vmem>>) target_semaphore(%arg31 : memref<!tpu.dma_semaphore, #tpu.memory_space<semaphore_mem>>)
    %scan3A_241 = arith.constant 0 : i32
    %scan3A_242 = arith.constant 43 : i32
    %scan3A_243 = arith.addi %scan3A_241, %scan3A_242 : i32
    %scan3A_244 = arith.constant 1 : i32
    scf.for %scan3A_492 = %scan3A_241 to %scan3A_243 step %scan3A_244  : i32 {
      %mul3A_493 = arith.constant 2 : i32
      %mul3A_494 = arith.muli %mul3A_493, %scan3A_492 : i32
      %mul3A_495 = arith.constant 16 : i32
      %mul3A_496 = arith.muli %mul3A_494, %mul3A_495 : i32
      %add3A_497 = arith.addi %arg1, %mul3A_496 : i32
      %lt3A = arith.constant 1375 : i32
      %lt3A_498 = arith.cmpi slt, %add3A_497, %lt3A : i32
      %convert_element_type3A_499 = arith.extui %lt3A_498 : i1 to i32
      %cond3A_500 = arith.constant 0 : i32
      %cond3A_501 = arith.cmpi ne, %convert_element_type3A_499, %cond3A_500 : i32
      scf.if %cond3A_501 {
        %mul3A_514 = arith.constant 240 : i32
        %mul3A_515 = arith.muli %add3A_497, %mul3A_514 : i32
        %lt3A_516 = arith.constant 688 : i32
        %lt3A_517 = arith.cmpi slt, %add3A_497, %lt3A_516 : i32
        %eq3A_518 = arith.constant 0 : i32
        %eq3A_519 = arith.cmpi eq, %arg0, %eq3A_518 : i32
        %eq3A_520 = arith.xori %lt3A_517, %eq3A_519 : i1
        %eq3A_521 = arith.constant true
        %eq3A_522 = arith.xori %eq3A_520, %eq3A_521 : i1
        %mul3A_523 = arith.constant 240 : i32
        %mul3A_524 = arith.muli %add3A_497, %mul3A_523 : i32
        %dma_wait3A = tpu.memref_slice %arg5[%mul3A_524] : memref<330000xi32, #tpu.memory_space<hbm>> -> memref<128xi32, #tpu.memory_space<hbm>>
        %dma_wait3A_525 = tpu.memref_slice %arg5[%mul3A_524] : memref<330000xi32, #tpu.memory_space<hbm>> -> memref<128xi32, #tpu.memory_space<hbm>>
        tpu.wait_dma2 semaphore(%arg31 : memref<!tpu.dma_semaphore, #tpu.memory_space<semaphore_mem>>) src(%dma_wait3A_525 : memref<128xi32, #tpu.memory_space<hbm>>) dst(%arg13 : memref<128xi32, #tpu.memory_space<vmem>>)
        %add3A_526 = arith.constant 128 : i32
        %add3A_527 = arith.addi %mul3A_524, %add3A_526 : i32
        %dma_wait3A_528 = tpu.memref_slice %arg5[%add3A_527] : memref<330000xi32, #tpu.memory_space<hbm>> -> memref<112xi32, #tpu.memory_space<hbm>>
        %dma_wait3A_529 = tpu.memref_slice %arg5[%add3A_527] : memref<330000xi32, #tpu.memory_space<hbm>> -> memref<112xi32, #tpu.memory_space<hbm>>
        tpu.wait_dma2 semaphore(%arg31 : memref<!tpu.dma_semaphore, #tpu.memory_space<semaphore_mem>>) src(%dma_wait3A_529 : memref<112xi32, #tpu.memory_space<hbm>>) dst(%arg14 : memref<112xi32, #tpu.memory_space<vmem>>)
        %dma_wait3A_530 = tpu.memref_slice %arg6[%mul3A_524] : memref<330000xi32, #tpu.memory_space<hbm>> -> memref<128xi32, #tpu.memory_space<hbm>>
        %dma_wait3A_531 = tpu.memref_slice %arg6[%mul3A_524] : memref<330000xi32, #tpu.memory_space<hbm>> -> memref<128xi32, #tpu.memory_space<hbm>>
        tpu.wait_dma2 semaphore(%arg31 : memref<!tpu.dma_semaphore, #tpu.memory_space<semaphore_mem>>) src(%dma_wait3A_531 : memref<128xi32, #tpu.memory_space<hbm>>) dst(%arg15 : memref<128xi32, #tpu.memory_space<vmem>>)
        %add3A_532 = arith.constant 128 : i32
        %add3A_533 = arith.addi %mul3A_524, %add3A_532 : i32
        %dma_wait3A_534 = tpu.memref_slice %arg6[%add3A_533] : memref<330000xi32, #tpu.memory_space<hbm>> -> memref<112xi32, #tpu.memory_space<hbm>>
        %dma_wait3A_535 = tpu.memref_slice %arg6[%add3A_533] : memref<330000xi32, #tpu.memory_space<hbm>> -> memref<112xi32, #tpu.memory_space<hbm>>
        tpu.wait_dma2 semaphore(%arg31 : memref<!tpu.dma_semaphore, #tpu.memory_space<semaphore_mem>>) src(%dma_wait3A_535 : memref<112xi32, #tpu.memory_space<hbm>>) dst(%arg16 : memref<112xi32, #tpu.memory_space<vmem>>)
        %dma_start3A_536 = arith.constant 0 : i32
        %dma_start3A_537 = arith.constant 0 : i32
        %dma_start3A_538 = tpu.memref_slice %arg19[%dma_start3A_536, %dma_start3A_537] : memref<240x128xf32, #tpu.memory_space<vmem>> -> memref<128x128xf32, #tpu.memory_space<vmem>>
        %dma_start3A_539 = arith.constant 0 : i32
        %dma_start3A_540 = arith.constant 0 : i32
        %dma_start3A_541 = tpu.memref_slice %arg2[%dma_start3A_539, %dma_start3A_540] : memref<10000x128xf32, #tpu.memory_space<hbm>> -> memref<10000x128xf32, #tpu.memory_space<hbm>>
        tpu.enqueue_indirect_dma source(%dma_start3A_541 : memref<10000x128xf32, #tpu.memory_space<hbm>>) target(%dma_start3A_538 : memref<128x128xf32, #tpu.memory_space<vmem>>) offsets(%arg13 : memref<128xi32, #tpu.memory_space<vmem>>) semaphore(%arg29 : memref<!tpu.dma_semaphore, #tpu.memory_space<semaphore_mem>>)
        %dma_start3A_542 = arith.constant 128 : i32
        %dma_start3A_543 = arith.constant 0 : i32
        %dma_start3A_544 = tpu.memref_slice %arg19[%dma_start3A_542, %dma_start3A_543] : memref<240x128xf32, #tpu.memory_space<vmem>> -> memref<112x128xf32, #tpu.memory_space<vmem>>
        %dma_start3A_545 = arith.constant 0 : i32
        %dma_start3A_546 = arith.constant 0 : i32
        %dma_start3A_547 = tpu.memref_slice %arg2[%dma_start3A_545, %dma_start3A_546] : memref<10000x128xf32, #tpu.memory_space<hbm>> -> memref<10000x128xf32, #tpu.memory_space<hbm>>
        tpu.enqueue_indirect_dma source(%dma_start3A_547 : memref<10000x128xf32, #tpu.memory_space<hbm>>) target(%dma_start3A_544 : memref<112x128xf32, #tpu.memory_space<vmem>>) offsets(%arg14 : memref<112xi32, #tpu.memory_space<vmem>>) semaphore(%arg29 : memref<!tpu.dma_semaphore, #tpu.memory_space<semaphore_mem>>)
        %add3A_548 = arith.constant 16 : i32
        %add3A_549 = arith.addi %add3A_497, %add3A_548 : i32
        %lt3A_550 = arith.constant 1375 : i32
        %lt3A_551 = arith.cmpi slt, %add3A_549, %lt3A_550 : i32
        %convert_element_type3A_552 = arith.extui %lt3A_551 : i1 to i32
        %cond3A_553 = arith.constant 0 : i32
        %cond3A_554 = arith.cmpi ne, %convert_element_type3A_552, %cond3A_553 : i32
        scf.if %cond3A_554 {
          %add3A_1065 = arith.constant 16 : i32
          %add3A_1066 = arith.addi %add3A_497, %add3A_1065 : i32
          %mul3A_1067 = arith.constant 240 : i32
          %mul3A_1068 = arith.muli %add3A_1066, %mul3A_1067 : i32
          %dma_start3A_1069 = tpu.memref_slice %arg5[%mul3A_1068] : memref<330000xi32, #tpu.memory_space<hbm>> -> memref<128xi32, #tpu.memory_space<hbm>>
          %dma_start3A_1070 = tpu.memref_slice %arg5[%mul3A_1068] : memref<330000xi32, #tpu.memory_space<hbm>> -> memref<128xi32, #tpu.memory_space<hbm>>
          tpu.enqueue_dma source(%dma_start3A_1070 : memref<128xi32, #tpu.memory_space<hbm>>) target(%arg23 : memref<128xi32, #tpu.memory_space<vmem>>) target_semaphore(%arg32 : memref<!tpu.dma_semaphore, #tpu.memory_space<semaphore_mem>>)
          %add3A_1071 = arith.constant 128 : i32
          %add3A_1072 = arith.addi %mul3A_1068, %add3A_1071 : i32
          %dma_start3A_1073 = tpu.memref_slice %arg5[%add3A_1072] : memref<330000xi32, #tpu.memory_space<hbm>> -> memref<112xi32, #tpu.memory_space<hbm>>
          %dma_start3A_1074 = tpu.memref_slice %arg5[%add3A_1072] : memref<330000xi32, #tpu.memory_space<hbm>> -> memref<112xi32, #tpu.memory_space<hbm>>
          tpu.enqueue_dma source(%dma_start3A_1074 : memref<112xi32, #tpu.memory_space<hbm>>) target(%arg24 : memref<112xi32, #tpu.memory_space<vmem>>) target_semaphore(%arg32 : memref<!tpu.dma_semaphore, #tpu.memory_space<semaphore_mem>>)
          %dma_start3A_1075 = tpu.memref_slice %arg6[%mul3A_1068] : memref<330000xi32, #tpu.memory_space<hbm>> -> memref<128xi32, #tpu.memory_space<hbm>>
          %dma_start3A_1076 = tpu.memref_slice %arg6[%mul3A_1068] : memref<330000xi32, #tpu.memory_space<hbm>> -> memref<128xi32, #tpu.memory_space<hbm>>
          tpu.enqueue_dma source(%dma_start3A_1076 : memref<128xi32, #tpu.memory_space<hbm>>) target(%arg25 : memref<128xi32, #tpu.memory_space<vmem>>) target_semaphore(%arg32 : memref<!tpu.dma_semaphore, #tpu.memory_space<semaphore_mem>>)
          %add3A_1077 = arith.constant 128 : i32
          %add3A_1078 = arith.addi %mul3A_1068, %add3A_1077 : i32
          %dma_start3A_1079 = tpu.memref_slice %arg6[%add3A_1078] : memref<330000xi32, #tpu.memory_space<hbm>> -> memref<112xi32, #tpu.memory_space<hbm>>
          %dma_start3A_1080 = tpu.memref_slice %arg6[%add3A_1078] : memref<330000xi32, #tpu.memory_space<hbm>> -> memref<112xi32, #tpu.memory_space<hbm>>
          tpu.enqueue_dma source(%dma_start3A_1080 : memref<112xi32, #tpu.memory_space<hbm>>) target(%arg26 : memref<112xi32, #tpu.memory_space<vmem>>) target_semaphore(%arg32 : memref<!tpu.dma_semaphore, #tpu.memory_space<semaphore_mem>>)
        } else {
        }
        %get3A = arith.constant 0 : index
        %get3A_555 = tpu.vector_load %arg15[%get3A] {strides = array<i32>} : memref<128xi32, #tpu.memory_space<vmem>>, vector<16xi32>,
        %get3A_556 = arith.constant 0 : index
        %get3A_557 = tpu.vector_load %arg13[%get3A_556] {strides = array<i32>} : memref<128xi32, #tpu.memory_space<vmem>>, vector<16xi32>,
        %gather3A = tpu.vector_load_idx %arg11[%get3A_555] : memref<10000xf32, #tpu.memory_space<vmem>>[vector<16xi32>], vector<16xf32>,
        %gather3A_558 = tpu.vector_load_idx %arg12[%get3A_557] : memref<10000xf32, #tpu.memory_space<vmem>>[vector<16xi32>], vector<16xf32>,
        %add3A_559 = arith.addf %gather3A, %gather3A_558 : vector<16xf32>
        %gt3A = arith.constant 0.000000e+00 : f32
        %gt3A_560 = vector.broadcast %gt3A : f32 to vector<16xf32>
        %gt3A_561 = arith.cmpf ogt, %add3A_559, %gt3A_560 : vector<16xf32>
        %mul3A_562 = arith.constant 2.000000e-01 : f32
        %mul3A_563 = vector.broadcast %mul3A_562 : f32 to vector<16xf32>
        %mul3A_564 = arith.mulf %add3A_559, %mul3A_563 : vector<16xf32>
        %select_n3A = arith.select %gt3A_561, %add3A_559, %mul3A_564 : vector<16xi1>, vector<16xf32>
        %exp3A = math.exp %select_n3A : vector<16xf32>
        %swap3A_565 = arith.constant 0 : index
        %swap3A_566 = tpu.vector_load %arg21[%swap3A_565] {strides = array<i32>} : memref<640xf32, #tpu.memory_space<vmem>>, vector<16xf32>,
        tpu.vector_store %arg21[%swap3A_565], %exp3A {strides = array<i32>} : memref<640xf32, #tpu.memory_space<vmem>>, vector<16xf32>,
        %sub3A = vector.broadcast %mul3A_0 : i32 to vector<16xi32>
        %sub3A_567 = arith.subi %get3A_555, %sub3A : vector<16xi32>
        %ge3A = arith.constant 0 : i32
        %ge3A_568 = vector.broadcast %ge3A : i32 to vector<16xi32>
        %ge3A_569 = arith.cmpi sge, %sub3A_567, %ge3A_568 : vector<16xi32>
        %lt3A_570 = arith.constant 5120 : i32
        %lt3A_571 = vector.broadcast %lt3A_570 : i32 to vector<16xi32>
        %lt3A_572 = arith.cmpi slt, %sub3A_567, %lt3A_571 : vector<16xi32>
        %and3A = arith.andi %ge3A_569, %lt3A_572 : vector<16xi1>
        %jit3A = arith.constant 5120 : i32
        %broadcast_in_dim3A_573 = vector.broadcast %jit3A : i32 to vector<16xi32>
        %select_n3A_574 = arith.select %and3A, %sub3A_567, %broadcast_in_dim3A_573 : vector<16xi1>, vector<16xi32>
        %swap3A_575 = arith.constant 0 : index
        %swap3A_576 = tpu.vector_load %arg17[%swap3A_575] {strides = array<i32>} : memref<128xi32, #tpu.memory_space<vmem>>, vector<16xi32>,
        tpu.vector_store %arg17[%swap3A_575], %select_n3A_574 {strides = array<i32>} : memref<128xi32, #tpu.memory_space<vmem>>, vector<16xi32>,
        %get3A_577 = arith.constant 16 : index
        %get3A_578 = tpu.vector_load %arg15[%get3A_577] {strides = array<i32>} : memref<128xi32, #tpu.memory_space<vmem>>, vector<16xi32>,
        %get3A_579 = arith.constant 16 : index
        %get3A_580 = tpu.vector_load %arg13[%get3A_579] {strides = array<i32>} : memref<128xi32, #tpu.memory_space<vmem>>, vector<16xi32>,
        %gather3A_581 = tpu.vector_load_idx %arg11[%get3A_578] : memref<10000xf32, #tpu.memory_space<vmem>>[vector<16xi32>], vector<16xf32>,
        %gather3A_582 = tpu.vector_load_idx %arg12[%get3A_580] : memref<10000xf32, #tpu.memory_space<vmem>>[vector<16xi32>], vector<16xf32>,
        %add3A_583 = arith.addf %gather3A_581, %gather3A_582 : vector<16xf32>
        %gt3A_584 = arith.constant 0.000000e+00 : f32
        %gt3A_585 = vector.broadcast %gt3A_584 : f32 to vector<16xf32>
        %gt3A_586 = arith.cmpf ogt, %add3A_583, %gt3A_585 : vector<16xf32>
        %mul3A_587 = arith.constant 2.000000e-01 : f32
        %mul3A_588 = vector.broadcast %mul3A_587 : f32 to vector<16xf32>
        %mul3A_589 = arith.mulf %add3A_583, %mul3A_588 : vector<16xf32>
        %select_n3A_590 = arith.select %gt3A_586, %add3A_583, %mul3A_589 : vector<16xi1>, vector<16xf32>
        %exp3A_591 = math.exp %select_n3A_590 : vector<16xf32>
        %swap3A_592 = arith.constant 16 : index
        %swap3A_593 = tpu.vector_load %arg21[%swap3A_592] {strides = array<i32>} : memref<640xf32, #tpu.memory_space<vmem>>, vector<16xf32>,
        tpu.vector_store %arg21[%swap3A_592], %exp3A_591 {strides = array<i32>} : memref<640xf32, #tpu.memory_space<vmem>>, vector<16xf32>,
        %sub3A_594 = vector.broadcast %mul3A_0 : i32 to vector<16xi32>
        %sub3A_595 = arith.subi %get3A_578, %sub3A_594 : vector<16xi32>
        %ge3A_596 = arith.constant 0 : i32
        %ge3A_597 = vector.broadcast %ge3A_596 : i32 to vector<16xi32>
        %ge3A_598 = arith.cmpi sge, %sub3A_595, %ge3A_597 : vector<16xi32>
        %lt3A_599 = arith.constant 5120 : i32
        %lt3A_600 = vector.broadcast %lt3A_599 : i32 to vector<16xi32>
        %lt3A_601 = arith.cmpi slt, %sub3A_595, %lt3A_600 : vector<16xi32>
        %and3A_602 = arith.andi %ge3A_598, %lt3A_601 : vector<16xi1>
        %jit3A_603 = arith.constant 5120 : i32
        %broadcast_in_dim3A_604 = vector.broadcast %jit3A_603 : i32 to vector<16xi32>
        %select_n3A_605 = arith.select %and3A_602, %sub3A_595, %broadcast_in_dim3A_604 : vector<16xi1>, vector<16xi32>
        %swap3A_606 = arith.constant 16 : index
        %swap3A_607 = tpu.vector_load %arg17[%swap3A_606] {strides = array<i32>} : memref<128xi32, #tpu.memory_space<vmem>>, vector<16xi32>,
        tpu.vector_store %arg17[%swap3A_606], %select_n3A_605 {strides = array<i32>} : memref<128xi32, #tpu.memory_space<vmem>>, vector<16xi32>,
        %get3A_608 = arith.constant 32 : index
        %get3A_609 = tpu.vector_load %arg15[%get3A_608] {strides = array<i32>} : memref<128xi32, #tpu.memory_space<vmem>>, vector<16xi32>,
        %get3A_610 = arith.constant 32 : index
        %get3A_611 = tpu.vector_load %arg13[%get3A_610] {strides = array<i32>} : memref<128xi32, #tpu.memory_space<vmem>>, vector<16xi32>,
        %gather3A_612 = tpu.vector_load_idx %arg11[%get3A_609] : memref<10000xf32, #tpu.memory_space<vmem>>[vector<16xi32>], vector<16xf32>,
        %gather3A_613 = tpu.vector_load_idx %arg12[%get3A_611] : memref<10000xf32, #tpu.memory_space<vmem>>[vector<16xi32>], vector<16xf32>,
        %add3A_614 = arith.addf %gather3A_612, %gather3A_613 : vector<16xf32>
        %gt3A_615 = arith.constant 0.000000e+00 : f32
        %gt3A_616 = vector.broadcast %gt3A_615 : f32 to vector<16xf32>
        %gt3A_617 = arith.cmpf ogt, %add3A_614, %gt3A_616 : vector<16xf32>
        %mul3A_618 = arith.constant 2.000000e-01 : f32
        %mul3A_619 = vector.broadcast %mul3A_618 : f32 to vector<16xf32>
        %mul3A_620 = arith.mulf %add3A_614, %mul3A_619 : vector<16xf32>
        %select_n3A_621 = arith.select %gt3A_617, %add3A_614, %mul3A_620 : vector<16xi1>, vector<16xf32>
        %exp3A_622 = math.exp %select_n3A_621 : vector<16xf32>
        %swap3A_623 = arith.constant 32 : index
        %swap3A_624 = tpu.vector_load %arg21[%swap3A_623] {strides = array<i32>} : memref<640xf32, #tpu.memory_space<vmem>>, vector<16xf32>,
        tpu.vector_store %arg21[%swap3A_623], %exp3A_622 {strides = array<i32>} : memref<640xf32, #tpu.memory_space<vmem>>, vector<16xf32>,
        %sub3A_625 = vector.broadcast %mul3A_0 : i32 to vector<16xi32>
        %sub3A_626 = arith.subi %get3A_609, %sub3A_625 : vector<16xi32>
        %ge3A_627 = arith.constant 0 : i32
        %ge3A_628 = vector.broadcast %ge3A_627 : i32 to vector<16xi32>
        %ge3A_629 = arith.cmpi sge, %sub3A_626, %ge3A_628 : vector<16xi32>
        %lt3A_630 = arith.constant 5120 : i32
        %lt3A_631 = vector.broadcast %lt3A_630 : i32 to vector<16xi32>
        %lt3A_632 = arith.cmpi slt, %sub3A_626, %lt3A_631 : vector<16xi32>
        %and3A_633 = arith.andi %ge3A_629, %lt3A_632 : vector<16xi1>
        %jit3A_634 = arith.constant 5120 : i32
        %broadcast_in_dim3A_635 = vector.broadcast %jit3A_634 : i32 to vector<16xi32>
        %select_n3A_636 = arith.select %and3A_633, %sub3A_626, %broadcast_in_dim3A_635 : vector<16xi1>, vector<16xi32>
        %swap3A_637 = arith.constant 32 : index
        %swap3A_638 = tpu.vector_load %arg17[%swap3A_637] {strides = array<i32>} : memref<128xi32, #tpu.memory_space<vmem>>, vector<16xi32>,
        tpu.vector_store %arg17[%swap3A_637], %select_n3A_636 {strides = array<i32>} : memref<128xi32, #tpu.memory_space<vmem>>, vector<16xi32>,
        %get3A_639 = arith.constant 48 : index
        %get3A_640 = tpu.vector_load %arg15[%get3A_639] {strides = array<i32>} : memref<128xi32, #tpu.memory_space<vmem>>, vector<16xi32>,
        %get3A_641 = arith.constant 48 : index
        %get3A_642 = tpu.vector_load %arg13[%get3A_641] {strides = array<i32>} : memref<128xi32, #tpu.memory_space<vmem>>, vector<16xi32>,
        %gather3A_643 = tpu.vector_load_idx %arg11[%get3A_640] : memref<10000xf32, #tpu.memory_space<vmem>>[vector<16xi32>], vector<16xf32>,
        %gather3A_644 = tpu.vector_load_idx %arg12[%get3A_642] : memref<10000xf32, #tpu.memory_space<vmem>>[vector<16xi32>], vector<16xf32>,
        %add3A_645 = arith.addf %gather3A_643, %gather3A_644 : vector<16xf32>
        %gt3A_646 = arith.constant 0.000000e+00 : f32
        %gt3A_647 = vector.broadcast %gt3A_646 : f32 to vector<16xf32>
        %gt3A_648 = arith.cmpf ogt, %add3A_645, %gt3A_647 : vector<16xf32>
        %mul3A_649 = arith.constant 2.000000e-01 : f32
        %mul3A_650 = vector.broadcast %mul3A_649 : f32 to vector<16xf32>
        %mul3A_651 = arith.mulf %add3A_645, %mul3A_650 : vector<16xf32>
        %select_n3A_652 = arith.select %gt3A_648, %add3A_645, %mul3A_651 : vector<16xi1>, vector<16xf32>
        %exp3A_653 = math.exp %select_n3A_652 : vector<16xf32>
        %swap3A_654 = arith.constant 48 : index
        %swap3A_655 = tpu.vector_load %arg21[%swap3A_654] {strides = array<i32>} : memref<640xf32, #tpu.memory_space<vmem>>, vector<16xf32>,
        tpu.vector_store %arg21[%swap3A_654], %exp3A_653 {strides = array<i32>} : memref<640xf32, #tpu.memory_space<vmem>>, vector<16xf32>,
        %sub3A_656 = vector.broadcast %mul3A_0 : i32 to vector<16xi32>
        %sub3A_657 = arith.subi %get3A_640, %sub3A_656 : vector<16xi32>
        %ge3A_658 = arith.constant 0 : i32
        %ge3A_659 = vector.broadcast %ge3A_658 : i32 to vector<16xi32>
        %ge3A_660 = arith.cmpi sge, %sub3A_657, %ge3A_659 : vector<16xi32>
        %lt3A_661 = arith.constant 5120 : i32
        %lt3A_662 = vector.broadcast %lt3A_661 : i32 to vector<16xi32>
        %lt3A_663 = arith.cmpi slt, %sub3A_657, %lt3A_662 : vector<16xi32>
        %and3A_664 = arith.andi %ge3A_660, %lt3A_663 : vector<16xi1>
        %jit3A_665 = arith.constant 5120 : i32
        %broadcast_in_dim3A_666 = vector.broadcast %jit3A_665 : i32 to vector<16xi32>
        %select_n3A_667 = arith.select %and3A_664, %sub3A_657, %broadcast_in_dim3A_666 : vector<16xi1>, vector<16xi32>
        %swap3A_668 = arith.constant 48 : index
        %swap3A_669 = tpu.vector_load %arg17[%swap3A_668] {strides = array<i32>} : memref<128xi32, #tpu.memory_space<vmem>>, vector<16xi32>,
        tpu.vector_store %arg17[%swap3A_668], %select_n3A_667 {strides = array<i32>} : memref<128xi32, #tpu.memory_space<vmem>>, vector<16xi32>,
        %get3A_670 = arith.constant 64 : index
        %get3A_671 = tpu.vector_load %arg15[%get3A_670] {strides = array<i32>} : memref<128xi32, #tpu.memory_space<vmem>>, vector<16xi32>,
        %get3A_672 = arith.constant 64 : index
        %get3A_673 = tpu.vector_load %arg13[%get3A_672] {strides = array<i32>} : memref<128xi32, #tpu.memory_space<vmem>>, vector<16xi32>,
        %gather3A_674 = tpu.vector_load_idx %arg11[%get3A_671] : memref<10000xf32, #tpu.memory_space<vmem>>[vector<16xi32>], vector<16xf32>,
        %gather3A_675 = tpu.vector_load_idx %arg12[%get3A_673] : memref<10000xf32, #tpu.memory_space<vmem>>[vector<16xi32>], vector<16xf32>,
        %add3A_676 = arith.addf %gather3A_674, %gather3A_675 : vector<16xf32>
        %gt3A_677 = arith.constant 0.000000e+00 : f32
        %gt3A_678 = vector.broadcast %gt3A_677 : f32 to vector<16xf32>
        %gt3A_679 = arith.cmpf ogt, %add3A_676, %gt3A_678 : vector<16xf32>
        %mul3A_680 = arith.constant 2.000000e-01 : f32
        %mul3A_681 = vector.broadcast %mul3A_680 : f32 to vector<16xf32>
        %mul3A_682 = arith.mulf %add3A_676, %mul3A_681 : vector<16xf32>
        %select_n3A_683 = arith.select %gt3A_679, %add3A_676, %mul3A_682 : vector<16xi1>, vector<16xf32>
        %exp3A_684 = math.exp %select_n3A_683 : vector<16xf32>
        %swap3A_685 = arith.constant 64 : index
        %swap3A_686 = tpu.vector_load %arg21[%swap3A_685] {strides = array<i32>} : memref<640xf32, #tpu.memory_space<vmem>>, vector<16xf32>,
        tpu.vector_store %arg21[%swap3A_685], %exp3A_684 {strides = array<i32>} : memref<640xf32, #tpu.memory_space<vmem>>, vector<16xf32>,
        %sub3A_687 = vector.broadcast %mul3A_0 : i32 to vector<16xi32>
        %sub3A_688 = arith.subi %get3A_671, %sub3A_687 : vector<16xi32>
        %ge3A_689 = arith.constant 0 : i32
        %ge3A_690 = vector.broadcast %ge3A_689 : i32 to vector<16xi32>
        %ge3A_691 = arith.cmpi sge, %sub3A_688, %ge3A_690 : vector<16xi32>
        %lt3A_692 = arith.constant 5120 : i32
        %lt3A_693 = vector.broadcast %lt3A_692 : i32 to vector<16xi32>
        %lt3A_694 = arith.cmpi slt, %sub3A_688, %lt3A_693 : vector<16xi32>
        %and3A_695 = arith.andi %ge3A_691, %lt3A_694 : vector<16xi1>
        %jit3A_696 = arith.constant 5120 : i32
        %broadcast_in_dim3A_697 = vector.broadcast %jit3A_696 : i32 to vector<16xi32>
        %select_n3A_698 = arith.select %and3A_695, %sub3A_688, %broadcast_in_dim3A_697 : vector<16xi1>, vector<16xi32>
        %swap3A_699 = arith.constant 64 : index
        %swap3A_700 = tpu.vector_load %arg17[%swap3A_699] {strides = array<i32>} : memref<128xi32, #tpu.memory_space<vmem>>, vector<16xi32>,
        tpu.vector_store %arg17[%swap3A_699], %select_n3A_698 {strides = array<i32>} : memref<128xi32, #tpu.memory_space<vmem>>, vector<16xi32>,
        %get3A_701 = arith.constant 80 : index
        %get3A_702 = tpu.vector_load %arg15[%get3A_701] {strides = array<i32>} : memref<128xi32, #tpu.memory_space<vmem>>, vector<16xi32>,
        %get3A_703 = arith.constant 80 : index
        %get3A_704 = tpu.vector_load %arg13[%get3A_703] {strides = array<i32>} : memref<128xi32, #tpu.memory_space<vmem>>, vector<16xi32>,
        %gather3A_705 = tpu.vector_load_idx %arg11[%get3A_702] : memref<10000xf32, #tpu.memory_space<vmem>>[vector<16xi32>], vector<16xf32>,
        %gather3A_706 = tpu.vector_load_idx %arg12[%get3A_704] : memref<10000xf32, #tpu.memory_space<vmem>>[vector<16xi32>], vector<16xf32>,
        %add3A_707 = arith.addf %gather3A_705, %gather3A_706 : vector<16xf32>
        %gt3A_708 = arith.constant 0.000000e+00 : f32
        %gt3A_709 = vector.broadcast %gt3A_708 : f32 to vector<16xf32>
        %gt3A_710 = arith.cmpf ogt, %add3A_707, %gt3A_709 : vector<16xf32>
        %mul3A_711 = arith.constant 2.000000e-01 : f32
        %mul3A_712 = vector.broadcast %mul3A_711 : f32 to vector<16xf32>
        %mul3A_713 = arith.mulf %add3A_707, %mul3A_712 : vector<16xf32>
        %select_n3A_714 = arith.select %gt3A_710, %add3A_707, %mul3A_713 : vector<16xi1>, vector<16xf32>
        %exp3A_715 = math.exp %select_n3A_714 : vector<16xf32>
        %swap3A_716 = arith.constant 80 : index
        %swap3A_717 = tpu.vector_load %arg21[%swap3A_716] {strides = array<i32>} : memref<640xf32, #tpu.memory_space<vmem>>, vector<16xf32>,
        tpu.vector_store %arg21[%swap3A_716], %exp3A_715 {strides = array<i32>} : memref<640xf32, #tpu.memory_space<vmem>>, vector<16xf32>,
        %sub3A_718 = vector.broadcast %mul3A_0 : i32 to vector<16xi32>
        %sub3A_719 = arith.subi %get3A_702, %sub3A_718 : vector<16xi32>
        %ge3A_720 = arith.constant 0 : i32
        %ge3A_721 = vector.broadcast %ge3A_720 : i32 to vector<16xi32>
        %ge3A_722 = arith.cmpi sge, %sub3A_719, %ge3A_721 : vector<16xi32>
        %lt3A_723 = arith.constant 5120 : i32
        %lt3A_724 = vector.broadcast %lt3A_723 : i32 to vector<16xi32>
        %lt3A_725 = arith.cmpi slt, %sub3A_719, %lt3A_724 : vector<16xi32>
        %and3A_726 = arith.andi %ge3A_722, %lt3A_725 : vector<16xi1>
        %jit3A_727 = arith.constant 5120 : i32
        %broadcast_in_dim3A_728 = vector.broadcast %jit3A_727 : i32 to vector<16xi32>
        %select_n3A_729 = arith.select %and3A_726, %sub3A_719, %broadcast_in_dim3A_728 : vector<16xi1>, vector<16xi32>
        %swap3A_730 = arith.constant 80 : index
        %swap3A_731 = tpu.vector_load %arg17[%swap3A_730] {strides = array<i32>} : memref<128xi32, #tpu.memory_space<vmem>>, vector<16xi32>,
        tpu.vector_store %arg17[%swap3A_730], %select_n3A_729 {strides = array<i32>} : memref<128xi32, #tpu.memory_space<vmem>>, vector<16xi32>,
        %get3A_732 = arith.constant 96 : index
        %get3A_733 = tpu.vector_load %arg15[%get3A_732] {strides = array<i32>} : memref<128xi32, #tpu.memory_space<vmem>>, vector<16xi32>,
        %get3A_734 = arith.constant 96 : index
        %get3A_735 = tpu.vector_load %arg13[%get3A_734] {strides = array<i32>} : memref<128xi32, #tpu.memory_space<vmem>>, vector<16xi32>,
        %gather3A_736 = tpu.vector_load_idx %arg11[%get3A_733] : memref<10000xf32, #tpu.memory_space<vmem>>[vector<16xi32>], vector<16xf32>,
        %gather3A_737 = tpu.vector_load_idx %arg12[%get3A_735] : memref<10000xf32, #tpu.memory_space<vmem>>[vector<16xi32>], vector<16xf32>,
        %add3A_738 = arith.addf %gather3A_736, %gather3A_737 : vector<16xf32>
        %gt3A_739 = arith.constant 0.000000e+00 : f32
        %gt3A_740 = vector.broadcast %gt3A_739 : f32 to vector<16xf32>
        %gt3A_741 = arith.cmpf ogt, %add3A_738, %gt3A_740 : vector<16xf32>
        %mul3A_742 = arith.constant 2.000000e-01 : f32
        %mul3A_743 = vector.broadcast %mul3A_742 : f32 to vector<16xf32>
        %mul3A_744 = arith.mulf %add3A_738, %mul3A_743 : vector<16xf32>
        %select_n3A_745 = arith.select %gt3A_741, %add3A_738, %mul3A_744 : vector<16xi1>, vector<16xf32>
        %exp3A_746 = math.exp %select_n3A_745 : vector<16xf32>
        %swap3A_747 = arith.constant 96 : index
        %swap3A_748 = tpu.vector_load %arg21[%swap3A_747] {strides = array<i32>} : memref<640xf32, #tpu.memory_space<vmem>>, vector<16xf32>,
        tpu.vector_store %arg21[%swap3A_747], %exp3A_746 {strides = array<i32>} : memref<640xf32, #tpu.memory_space<vmem>>, vector<16xf32>,
        %sub3A_749 = vector.broadcast %mul3A_0 : i32 to vector<16xi32>
        %sub3A_750 = arith.subi %get3A_733, %sub3A_749 : vector<16xi32>
        %ge3A_751 = arith.constant 0 : i32
        %ge3A_752 = vector.broadcast %ge3A_751 : i32 to vector<16xi32>
        %ge3A_753 = arith.cmpi sge, %sub3A_750, %ge3A_752 : vector<16xi32>
        %lt3A_754 = arith.constant 5120 : i32
        %lt3A_755 = vector.broadcast %lt3A_754 : i32 to vector<16xi32>
        %lt3A_756 = arith.cmpi slt, %sub3A_750, %lt3A_755 : vector<16xi32>
        %and3A_757 = arith.andi %ge3A_753, %lt3A_756 : vector<16xi1>
        %jit3A_758 = arith.constant 5120 : i32
        %broadcast_in_dim3A_759 = vector.broadcast %jit3A_758 : i32 to vector<16xi32>
        %select_n3A_760 = arith.select %and3A_757, %sub3A_750, %broadcast_in_dim3A_759 : vector<16xi1>, vector<16xi32>
        %swap3A_761 = arith.constant 96 : index
        %swap3A_762 = tpu.vector_load %arg17[%swap3A_761] {strides = array<i32>} : memref<128xi32, #tpu.memory_space<vmem>>, vector<16xi32>,
        tpu.vector_store %arg17[%swap3A_761], %select_n3A_760 {strides = array<i32>} : memref<128xi32, #tpu.memory_space<vmem>>, vector<16xi32>,
        %get3A_763 = arith.constant 112 : index
        %get3A_764 = tpu.vector_load %arg15[%get3A_763] {strides = array<i32>} : memref<128xi32, #tpu.memory_space<vmem>>, vector<16xi32>,
        %get3A_765 = arith.constant 112 : index
        %get3A_766 = tpu.vector_load %arg13[%get3A_765] {strides = array<i32>} : memref<128xi32, #tpu.memory_space<vmem>>, vector<16xi32>,
        %gather3A_767 = tpu.vector_load_idx %arg11[%get3A_764] : memref<10000xf32, #tpu.memory_space<vmem>>[vector<16xi32>], vector<16xf32>,
        %gather3A_768 = tpu.vector_load_idx %arg12[%get3A_766] : memref<10000xf32, #tpu.memory_space<vmem>>[vector<16xi32>], vector<16xf32>,
        %add3A_769 = arith.addf %gather3A_767, %gather3A_768 : vector<16xf32>
        %gt3A_770 = arith.constant 0.000000e+00 : f32
        %gt3A_771 = vector.broadcast %gt3A_770 : f32 to vector<16xf32>
        %gt3A_772 = arith.cmpf ogt, %add3A_769, %gt3A_771 : vector<16xf32>
        %mul3A_773 = arith.constant 2.000000e-01 : f32
        %mul3A_774 = vector.broadcast %mul3A_773 : f32 to vector<16xf32>
        %mul3A_775 = arith.mulf %add3A_769, %mul3A_774 : vector<16xf32>
        %select_n3A_776 = arith.select %gt3A_772, %add3A_769, %mul3A_775 : vector<16xi1>, vector<16xf32>
        %exp3A_777 = math.exp %select_n3A_776 : vector<16xf32>
        %swap3A_778 = arith.constant 112 : index
        %swap3A_779 = tpu.vector_load %arg21[%swap3A_778] {strides = array<i32>} : memref<640xf32, #tpu.memory_space<vmem>>, vector<16xf32>,
        tpu.vector_store %arg21[%swap3A_778], %exp3A_777 {strides = array<i32>} : memref<640xf32, #tpu.memory_space<vmem>>, vector<16xf32>,
        %sub3A_780 = vector.broadcast %mul3A_0 : i32 to vector<16xi32>
        %sub3A_781 = arith.subi %get3A_764, %sub3A_780 : vector<16xi32>
        %ge3A_782 = arith.constant 0 : i32
        %ge3A_783 = vector.broadcast %ge3A_782 : i32 to vector<16xi32>
        %ge3A_784 = arith.cmpi sge, %sub3A_781, %ge3A_783 : vector<16xi32>
        %lt3A_785 = arith.constant 5120 : i32
        %lt3A_786 = vector.broadcast %lt3A_785 : i32 to vector<16xi32>
        %lt3A_787 = arith.cmpi slt, %sub3A_781, %lt3A_786 : vector<16xi32>
        %and3A_788 = arith.andi %ge3A_784, %lt3A_787 : vector<16xi1>
        %jit3A_789 = arith.constant 5120 : i32
        %broadcast_in_dim3A_790 = vector.broadcast %jit3A_789 : i32 to vector<16xi32>
        %select_n3A_791 = arith.select %and3A_788, %sub3A_781, %broadcast_in_dim3A_790 : vector<16xi1>, vector<16xi32>
        %swap3A_792 = arith.constant 112 : index
        %swap3A_793 = tpu.vector_load %arg17[%swap3A_792] {strides = array<i32>} : memref<128xi32, #tpu.memory_space<vmem>>, vector<16xi32>,
        tpu.vector_store %arg17[%swap3A_792], %select_n3A_791 {strides = array<i32>} : memref<128xi32, #tpu.memory_space<vmem>>, vector<16xi32>,
        %get3A_794 = arith.constant 0 : index
        %get3A_795 = tpu.vector_load %arg16[%get3A_794] {strides = array<i32>} : memref<112xi32, #tpu.memory_space<vmem>>, vector<16xi32>,
        %get3A_796 = arith.constant 0 : index
        %get3A_797 = tpu.vector_load %arg14[%get3A_796] {strides = array<i32>} : memref<112xi32, #tpu.memory_space<vmem>>, vector<16xi32>,
        %gather3A_798 = tpu.vector_load_idx %arg11[%get3A_795] : memref<10000xf32, #tpu.memory_space<vmem>>[vector<16xi32>], vector<16xf32>,
        %gather3A_799 = tpu.vector_load_idx %arg12[%get3A_797] : memref<10000xf32, #tpu.memory_space<vmem>>[vector<16xi32>], vector<16xf32>,
        %add3A_800 = arith.addf %gather3A_798, %gather3A_799 : vector<16xf32>
        %gt3A_801 = arith.constant 0.000000e+00 : f32
        %gt3A_802 = vector.broadcast %gt3A_801 : f32 to vector<16xf32>
        %gt3A_803 = arith.cmpf ogt, %add3A_800, %gt3A_802 : vector<16xf32>
        %mul3A_804 = arith.constant 2.000000e-01 : f32
        %mul3A_805 = vector.broadcast %mul3A_804 : f32 to vector<16xf32>
        %mul3A_806 = arith.mulf %add3A_800, %mul3A_805 : vector<16xf32>
        %select_n3A_807 = arith.select %gt3A_803, %add3A_800, %mul3A_806 : vector<16xi1>, vector<16xf32>
        %exp3A_808 = math.exp %select_n3A_807 : vector<16xf32>
        %swap3A_809 = arith.constant 128 : index
        %swap3A_810 = tpu.vector_load %arg21[%swap3A_809] {strides = array<i32>} : memref<640xf32, #tpu.memory_space<vmem>>, vector<16xf32>,
        tpu.vector_store %arg21[%swap3A_809], %exp3A_808 {strides = array<i32>} : memref<640xf32, #tpu.memory_space<vmem>>, vector<16xf32>,
        %sub3A_811 = vector.broadcast %mul3A_0 : i32 to vector<16xi32>
        %sub3A_812 = arith.subi %get3A_795, %sub3A_811 : vector<16xi32>
        %ge3A_813 = arith.constant 0 : i32
        %ge3A_814 = vector.broadcast %ge3A_813 : i32 to vector<16xi32>
        %ge3A_815 = arith.cmpi sge, %sub3A_812, %ge3A_814 : vector<16xi32>
        %lt3A_816 = arith.constant 5120 : i32
        %lt3A_817 = vector.broadcast %lt3A_816 : i32 to vector<16xi32>
        %lt3A_818 = arith.cmpi slt, %sub3A_812, %lt3A_817 : vector<16xi32>
        %and3A_819 = arith.andi %ge3A_815, %lt3A_818 : vector<16xi1>
        %jit3A_820 = arith.constant 5120 : i32
        %broadcast_in_dim3A_821 = vector.broadcast %jit3A_820 : i32 to vector<16xi32>
        %select_n3A_822 = arith.select %and3A_819, %sub3A_812, %broadcast_in_dim3A_821 : vector<16xi1>, vector<16xi32>
        %swap3A_823 = arith.constant 0 : index
        %swap3A_824 = tpu.vector_load %arg18[%swap3A_823] {strides = array<i32>} : memref<112xi32, #tpu.memory_space<vmem>>, vector<16xi32>,
        tpu.vector_store %arg18[%swap3A_823], %select_n3A_822 {strides = array<i32>} : memref<112xi32, #tpu.memory_space<vmem>>, vector<16xi32>,
        %get3A_825 = arith.constant 16 : index
        %get3A_826 = tpu.vector_load %arg16[%get3A_825] {strides = array<i32>} : memref<112xi32, #tpu.memory_space<vmem>>, vector<16xi32>,
        %get3A_827 = arith.constant 16 : index
        %get3A_828 = tpu.vector_load %arg14[%get3A_827] {strides = array<i32>} : memref<112xi32, #tpu.memory_space<vmem>>, vector<16xi32>,
        %gather3A_829 = tpu.vector_load_idx %arg11[%get3A_826] : memref<10000xf32, #tpu.memory_space<vmem>>[vector<16xi32>], vector<16xf32>,
        %gather3A_830 = tpu.vector_load_idx %arg12[%get3A_828] : memref<10000xf32, #tpu.memory_space<vmem>>[vector<16xi32>], vector<16xf32>,
        %add3A_831 = arith.addf %gather3A_829, %gather3A_830 : vector<16xf32>
        %gt3A_832 = arith.constant 0.000000e+00 : f32
        %gt3A_833 = vector.broadcast %gt3A_832 : f32 to vector<16xf32>
        %gt3A_834 = arith.cmpf ogt, %add3A_831, %gt3A_833 : vector<16xf32>
        %mul3A_835 = arith.constant 2.000000e-01 : f32
        %mul3A_836 = vector.broadcast %mul3A_835 : f32 to vector<16xf32>
        %mul3A_837 = arith.mulf %add3A_831, %mul3A_836 : vector<16xf32>
        %select_n3A_838 = arith.select %gt3A_834, %add3A_831, %mul3A_837 : vector<16xi1>, vector<16xf32>
        %exp3A_839 = math.exp %select_n3A_838 : vector<16xf32>
        %swap3A_840 = arith.constant 144 : index
        %swap3A_841 = tpu.vector_load %arg21[%swap3A_840] {strides = array<i32>} : memref<640xf32, #tpu.memory_space<vmem>>, vector<16xf32>,
        tpu.vector_store %arg21[%swap3A_840], %exp3A_839 {strides = array<i32>} : memref<640xf32, #tpu.memory_space<vmem>>, vector<16xf32>,
        %sub3A_842 = vector.broadcast %mul3A_0 : i32 to vector<16xi32>
        %sub3A_843 = arith.subi %get3A_826, %sub3A_842 : vector<16xi32>
        %ge3A_844 = arith.constant 0 : i32
        %ge3A_845 = vector.broadcast %ge3A_844 : i32 to vector<16xi32>
        %ge3A_846 = arith.cmpi sge, %sub3A_843, %ge3A_845 : vector<16xi32>
        %lt3A_847 = arith.constant 5120 : i32
        %lt3A_848 = vector.broadcast %lt3A_847 : i32 to vector<16xi32>
        %lt3A_849 = arith.cmpi slt, %sub3A_843, %lt3A_848 : vector<16xi32>
        %and3A_850 = arith.andi %ge3A_846, %lt3A_849 : vector<16xi1>
        %jit3A_851 = arith.constant 5120 : i32
        %broadcast_in_dim3A_852 = vector.broadcast %jit3A_851 : i32 to vector<16xi32>
        %select_n3A_853 = arith.select %and3A_850, %sub3A_843, %broadcast_in_dim3A_852 : vector<16xi1>, vector<16xi32>
        %swap3A_854 = arith.constant 16 : index
        %swap3A_855 = tpu.vector_load %arg18[%swap3A_854] {strides = array<i32>} : memref<112xi32, #tpu.memory_space<vmem>>, vector<16xi32>,
        tpu.vector_store %arg18[%swap3A_854], %select_n3A_853 {strides = array<i32>} : memref<112xi32, #tpu.memory_space<vmem>>, vector<16xi32>,
        %get3A_856 = arith.constant 32 : index
        %get3A_857 = tpu.vector_load %arg16[%get3A_856] {strides = array<i32>} : memref<112xi32, #tpu.memory_space<vmem>>, vector<16xi32>,
        %get3A_858 = arith.constant 32 : index
        %get3A_859 = tpu.vector_load %arg14[%get3A_858] {strides = array<i32>} : memref<112xi32, #tpu.memory_space<vmem>>, vector<16xi32>,
        %gather3A_860 = tpu.vector_load_idx %arg11[%get3A_857] : memref<10000xf32, #tpu.memory_space<vmem>>[vector<16xi32>], vector<16xf32>,
        %gather3A_861 = tpu.vector_load_idx %arg12[%get3A_859] : memref<10000xf32, #tpu.memory_space<vmem>>[vector<16xi32>], vector<16xf32>,
        %add3A_862 = arith.addf %gather3A_860, %gather3A_861 : vector<16xf32>
        %gt3A_863 = arith.constant 0.000000e+00 : f32
        %gt3A_864 = vector.broadcast %gt3A_863 : f32 to vector<16xf32>
        %gt3A_865 = arith.cmpf ogt, %add3A_862, %gt3A_864 : vector<16xf32>
        %mul3A_866 = arith.constant 2.000000e-01 : f32
        %mul3A_867 = vector.broadcast %mul3A_866 : f32 to vector<16xf32>
        %mul3A_868 = arith.mulf %add3A_862, %mul3A_867 : vector<16xf32>
        %select_n3A_869 = arith.select %gt3A_865, %add3A_862, %mul3A_868 : vector<16xi1>, vector<16xf32>
        %exp3A_870 = math.exp %select_n3A_869 : vector<16xf32>
        %swap3A_871 = arith.constant 160 : index
        %swap3A_872 = tpu.vector_load %arg21[%swap3A_871] {strides = array<i32>} : memref<640xf32, #tpu.memory_space<vmem>>, vector<16xf32>,
        tpu.vector_store %arg21[%swap3A_871], %exp3A_870 {strides = array<i32>} : memref<640xf32, #tpu.memory_space<vmem>>, vector<16xf32>,
        %sub3A_873 = vector.broadcast %mul3A_0 : i32 to vector<16xi32>
        %sub3A_874 = arith.subi %get3A_857, %sub3A_873 : vector<16xi32>
        %ge3A_875 = arith.constant 0 : i32
        %ge3A_876 = vector.broadcast %ge3A_875 : i32 to vector<16xi32>
        %ge3A_877 = arith.cmpi sge, %sub3A_874, %ge3A_876 : vector<16xi32>
        %lt3A_878 = arith.constant 5120 : i32
        %lt3A_879 = vector.broadcast %lt3A_878 : i32 to vector<16xi32>
        %lt3A_880 = arith.cmpi slt, %sub3A_874, %lt3A_879 : vector<16xi32>
        %and3A_881 = arith.andi %ge3A_877, %lt3A_880 : vector<16xi1>
        %jit3A_882 = arith.constant 5120 : i32
        %broadcast_in_dim3A_883 = vector.broadcast %jit3A_882 : i32 to vector<16xi32>
        %select_n3A_884 = arith.select %and3A_881, %sub3A_874, %broadcast_in_dim3A_883 : vector<16xi1>, vector<16xi32>
        %swap3A_885 = arith.constant 32 : index
        %swap3A_886 = tpu.vector_load %arg18[%swap3A_885] {strides = array<i32>} : memref<112xi32, #tpu.memory_space<vmem>>, vector<16xi32>,
        tpu.vector_store %arg18[%swap3A_885], %select_n3A_884 {strides = array<i32>} : memref<112xi32, #tpu.memory_space<vmem>>, vector<16xi32>,
        %get3A_887 = arith.constant 48 : index
        %get3A_888 = tpu.vector_load %arg16[%get3A_887] {strides = array<i32>} : memref<112xi32, #tpu.memory_space<vmem>>, vector<16xi32>,
        %get3A_889 = arith.constant 48 : index
        %get3A_890 = tpu.vector_load %arg14[%get3A_889] {strides = array<i32>} : memref<112xi32, #tpu.memory_space<vmem>>, vector<16xi32>,
        %gather3A_891 = tpu.vector_load_idx %arg11[%get3A_888] : memref<10000xf32, #tpu.memory_space<vmem>>[vector<16xi32>], vector<16xf32>,
        %gather3A_892 = tpu.vector_load_idx %arg12[%get3A_890] : memref<10000xf32, #tpu.memory_space<vmem>>[vector<16xi32>], vector<16xf32>,
        %add3A_893 = arith.addf %gather3A_891, %gather3A_892 : vector<16xf32>
        %gt3A_894 = arith.constant 0.000000e+00 : f32
        %gt3A_895 = vector.broadcast %gt3A_894 : f32 to vector<16xf32>
        %gt3A_896 = arith.cmpf ogt, %add3A_893, %gt3A_895 : vector<16xf32>
        %mul3A_897 = arith.constant 2.000000e-01 : f32
        %mul3A_898 = vector.broadcast %mul3A_897 : f32 to vector<16xf32>
        %mul3A_899 = arith.mulf %add3A_893, %mul3A_898 : vector<16xf32>
        %select_n3A_900 = arith.select %gt3A_896, %add3A_893, %mul3A_899 : vector<16xi1>, vector<16xf32>
        %exp3A_901 = math.exp %select_n3A_900 : vector<16xf32>
        %swap3A_902 = arith.constant 176 : index
        %swap3A_903 = tpu.vector_load %arg21[%swap3A_902] {strides = array<i32>} : memref<640xf32, #tpu.memory_space<vmem>>, vector<16xf32>,
        tpu.vector_store %arg21[%swap3A_902], %exp3A_901 {strides = array<i32>} : memref<640xf32, #tpu.memory_space<vmem>>, vector<16xf32>,
        %sub3A_904 = vector.broadcast %mul3A_0 : i32 to vector<16xi32>
        %sub3A_905 = arith.subi %get3A_888, %sub3A_904 : vector<16xi32>
        %ge3A_906 = arith.constant 0 : i32
        %ge3A_907 = vector.broadcast %ge3A_906 : i32 to vector<16xi32>
        %ge3A_908 = arith.cmpi sge, %sub3A_905, %ge3A_907 : vector<16xi32>
        %lt3A_909 = arith.constant 5120 : i32
        %lt3A_910 = vector.broadcast %lt3A_909 : i32 to vector<16xi32>
        %lt3A_911 = arith.cmpi slt, %sub3A_905, %lt3A_910 : vector<16xi32>
        %and3A_912 = arith.andi %ge3A_908, %lt3A_911 : vector<16xi1>
        %jit3A_913 = arith.constant 5120 : i32
        %broadcast_in_dim3A_914 = vector.broadcast %jit3A_913 : i32 to vector<16xi32>
        %select_n3A_915 = arith.select %and3A_912, %sub3A_905, %broadcast_in_dim3A_914 : vector<16xi1>, vector<16xi32>
        %swap3A_916 = arith.constant 48 : index
        %swap3A_917 = tpu.vector_load %arg18[%swap3A_916] {strides = array<i32>} : memref<112xi32, #tpu.memory_space<vmem>>, vector<16xi32>,
        tpu.vector_store %arg18[%swap3A_916], %select_n3A_915 {strides = array<i32>} : memref<112xi32, #tpu.memory_space<vmem>>, vector<16xi32>,
        %get3A_918 = arith.constant 64 : index
        %get3A_919 = tpu.vector_load %arg16[%get3A_918] {strides = array<i32>} : memref<112xi32, #tpu.memory_space<vmem>>, vector<16xi32>,
        %get3A_920 = arith.constant 64 : index
        %get3A_921 = tpu.vector_load %arg14[%get3A_920] {strides = array<i32>} : memref<112xi32, #tpu.memory_space<vmem>>, vector<16xi32>,
        %gather3A_922 = tpu.vector_load_idx %arg11[%get3A_919] : memref<10000xf32, #tpu.memory_space<vmem>>[vector<16xi32>], vector<16xf32>,
        %gather3A_923 = tpu.vector_load_idx %arg12[%get3A_921] : memref<10000xf32, #tpu.memory_space<vmem>>[vector<16xi32>], vector<16xf32>,
        %add3A_924 = arith.addf %gather3A_922, %gather3A_923 : vector<16xf32>
        %gt3A_925 = arith.constant 0.000000e+00 : f32
        %gt3A_926 = vector.broadcast %gt3A_925 : f32 to vector<16xf32>
        %gt3A_927 = arith.cmpf ogt, %add3A_924, %gt3A_926 : vector<16xf32>
        %mul3A_928 = arith.constant 2.000000e-01 : f32
        %mul3A_929 = vector.broadcast %mul3A_928 : f32 to vector<16xf32>
        %mul3A_930 = arith.mulf %add3A_924, %mul3A_929 : vector<16xf32>
        %select_n3A_931 = arith.select %gt3A_927, %add3A_924, %mul3A_930 : vector<16xi1>, vector<16xf32>
        %exp3A_932 = math.exp %select_n3A_931 : vector<16xf32>
        %swap3A_933 = arith.constant 192 : index
        %swap3A_934 = tpu.vector_load %arg21[%swap3A_933] {strides = array<i32>} : memref<640xf32, #tpu.memory_space<vmem>>, vector<16xf32>,
        tpu.vector_store %arg21[%swap3A_933], %exp3A_932 {strides = array<i32>} : memref<640xf32, #tpu.memory_space<vmem>>, vector<16xf32>,
        %sub3A_935 = vector.broadcast %mul3A_0 : i32 to vector<16xi32>
        %sub3A_936 = arith.subi %get3A_919, %sub3A_935 : vector<16xi32>
        %ge3A_937 = arith.constant 0 : i32
        %ge3A_938 = vector.broadcast %ge3A_937 : i32 to vector<16xi32>
        %ge3A_939 = arith.cmpi sge, %sub3A_936, %ge3A_938 : vector<16xi32>
        %lt3A_940 = arith.constant 5120 : i32
        %lt3A_941 = vector.broadcast %lt3A_940 : i32 to vector<16xi32>
        %lt3A_942 = arith.cmpi slt, %sub3A_936, %lt3A_941 : vector<16xi32>
        %and3A_943 = arith.andi %ge3A_939, %lt3A_942 : vector<16xi1>
        %jit3A_944 = arith.constant 5120 : i32
        %broadcast_in_dim3A_945 = vector.broadcast %jit3A_944 : i32 to vector<16xi32>
        %select_n3A_946 = arith.select %and3A_943, %sub3A_936, %broadcast_in_dim3A_945 : vector<16xi1>, vector<16xi32>
        %swap3A_947 = arith.constant 64 : index
        %swap3A_948 = tpu.vector_load %arg18[%swap3A_947] {strides = array<i32>} : memref<112xi32, #tpu.memory_space<vmem>>, vector<16xi32>,
        tpu.vector_store %arg18[%swap3A_947], %select_n3A_946 {strides = array<i32>} : memref<112xi32, #tpu.memory_space<vmem>>, vector<16xi32>,
        %get3A_949 = arith.constant 80 : index
        %get3A_950 = tpu.vector_load %arg16[%get3A_949] {strides = array<i32>} : memref<112xi32, #tpu.memory_space<vmem>>, vector<16xi32>,
        %get3A_951 = arith.constant 80 : index
        %get3A_952 = tpu.vector_load %arg14[%get3A_951] {strides = array<i32>} : memref<112xi32, #tpu.memory_space<vmem>>, vector<16xi32>,
        %gather3A_953 = tpu.vector_load_idx %arg11[%get3A_950] : memref<10000xf32, #tpu.memory_space<vmem>>[vector<16xi32>], vector<16xf32>,
        %gather3A_954 = tpu.vector_load_idx %arg12[%get3A_952] : memref<10000xf32, #tpu.memory_space<vmem>>[vector<16xi32>], vector<16xf32>,
        %add3A_955 = arith.addf %gather3A_953, %gather3A_954 : vector<16xf32>
        %gt3A_956 = arith.constant 0.000000e+00 : f32
        %gt3A_957 = vector.broadcast %gt3A_956 : f32 to vector<16xf32>
        %gt3A_958 = arith.cmpf ogt, %add3A_955, %gt3A_957 : vector<16xf32>
        %mul3A_959 = arith.constant 2.000000e-01 : f32
        %mul3A_960 = vector.broadcast %mul3A_959 : f32 to vector<16xf32>
        %mul3A_961 = arith.mulf %add3A_955, %mul3A_960 : vector<16xf32>
        %select_n3A_962 = arith.select %gt3A_958, %add3A_955, %mul3A_961 : vector<16xi1>, vector<16xf32>
        %exp3A_963 = math.exp %select_n3A_962 : vector<16xf32>
        %swap3A_964 = arith.constant 208 : index
        %swap3A_965 = tpu.vector_load %arg21[%swap3A_964] {strides = array<i32>} : memref<640xf32, #tpu.memory_space<vmem>>, vector<16xf32>,
        tpu.vector_store %arg21[%swap3A_964], %exp3A_963 {strides = array<i32>} : memref<640xf32, #tpu.memory_space<vmem>>, vector<16xf32>,
        %sub3A_966 = vector.broadcast %mul3A_0 : i32 to vector<16xi32>
        %sub3A_967 = arith.subi %get3A_950, %sub3A_966 : vector<16xi32>
        %ge3A_968 = arith.constant 0 : i32
        %ge3A_969 = vector.broadcast %ge3A_968 : i32 to vector<16xi32>
        %ge3A_970 = arith.cmpi sge, %sub3A_967, %ge3A_969 : vector<16xi32>
        %lt3A_971 = arith.constant 5120 : i32
        %lt3A_972 = vector.broadcast %lt3A_971 : i32 to vector<16xi32>
        %lt3A_973 = arith.cmpi slt, %sub3A_967, %lt3A_972 : vector<16xi32>
        %and3A_974 = arith.andi %ge3A_970, %lt3A_973 : vector<16xi1>
        %jit3A_975 = arith.constant 5120 : i32
        %broadcast_in_dim3A_976 = vector.broadcast %jit3A_975 : i32 to vector<16xi32>
        %select_n3A_977 = arith.select %and3A_974, %sub3A_967, %broadcast_in_dim3A_976 : vector<16xi1>, vector<16xi32>
        %swap3A_978 = arith.constant 80 : index
        %swap3A_979 = tpu.vector_load %arg18[%swap3A_978] {strides = array<i32>} : memref<112xi32, #tpu.memory_space<vmem>>, vector<16xi32>,
        tpu.vector_store %arg18[%swap3A_978], %select_n3A_977 {strides = array<i32>} : memref<112xi32, #tpu.memory_space<vmem>>, vector<16xi32>,
        %get3A_980 = arith.constant 96 : index
        %get3A_981 = tpu.vector_load %arg16[%get3A_980] {strides = array<i32>} : memref<112xi32, #tpu.memory_space<vmem>>, vector<16xi32>,
        %get3A_982 = arith.constant 96 : index
        %get3A_983 = tpu.vector_load %arg14[%get3A_982] {strides = array<i32>} : memref<112xi32, #tpu.memory_space<vmem>>, vector<16xi32>,
        %gather3A_984 = tpu.vector_load_idx %arg11[%get3A_981] : memref<10000xf32, #tpu.memory_space<vmem>>[vector<16xi32>], vector<16xf32>,
        %gather3A_985 = tpu.vector_load_idx %arg12[%get3A_983] : memref<10000xf32, #tpu.memory_space<vmem>>[vector<16xi32>], vector<16xf32>,
        %add3A_986 = arith.addf %gather3A_984, %gather3A_985 : vector<16xf32>
        %gt3A_987 = arith.constant 0.000000e+00 : f32
        %gt3A_988 = vector.broadcast %gt3A_987 : f32 to vector<16xf32>
        %gt3A_989 = arith.cmpf ogt, %add3A_986, %gt3A_988 : vector<16xf32>
        %mul3A_990 = arith.constant 2.000000e-01 : f32
        %mul3A_991 = vector.broadcast %mul3A_990 : f32 to vector<16xf32>
        %mul3A_992 = arith.mulf %add3A_986, %mul3A_991 : vector<16xf32>
        %select_n3A_993 = arith.select %gt3A_989, %add3A_986, %mul3A_992 : vector<16xi1>, vector<16xf32>
        %exp3A_994 = math.exp %select_n3A_993 : vector<16xf32>
        %swap3A_995 = arith.constant 224 : index
        %swap3A_996 = tpu.vector_load %arg21[%swap3A_995] {strides = array<i32>} : memref<640xf32, #tpu.memory_space<vmem>>, vector<16xf32>,
        tpu.vector_store %arg21[%swap3A_995], %exp3A_994 {strides = array<i32>} : memref<640xf32, #tpu.memory_space<vmem>>, vector<16xf32>,
        %sub3A_997 = vector.broadcast %mul3A_0 : i32 to vector<16xi32>
        %sub3A_998 = arith.subi %get3A_981, %sub3A_997 : vector<16xi32>
        %ge3A_999 = arith.constant 0 : i32
        %ge3A_1000 = vector.broadcast %ge3A_999 : i32 to vector<16xi32>
        %ge3A_1001 = arith.cmpi sge, %sub3A_998, %ge3A_1000 : vector<16xi32>
        %lt3A_1002 = arith.constant 5120 : i32
        %lt3A_1003 = vector.broadcast %lt3A_1002 : i32 to vector<16xi32>
        %lt3A_1004 = arith.cmpi slt, %sub3A_998, %lt3A_1003 : vector<16xi32>
        %and3A_1005 = arith.andi %ge3A_1001, %lt3A_1004 : vector<16xi1>
        %jit3A_1006 = arith.constant 5120 : i32
        %broadcast_in_dim3A_1007 = vector.broadcast %jit3A_1006 : i32 to vector<16xi32>
        %select_n3A_1008 = arith.select %and3A_1005, %sub3A_998, %broadcast_in_dim3A_1007 : vector<16xi1>, vector<16xi32>
        %swap3A_1009 = arith.constant 96 : index
        %swap3A_1010 = tpu.vector_load %arg18[%swap3A_1009] {strides = array<i32>} : memref<112xi32, #tpu.memory_space<vmem>>, vector<16xi32>,
        tpu.vector_store %arg18[%swap3A_1009], %select_n3A_1008 {strides = array<i32>} : memref<112xi32, #tpu.memory_space<vmem>>, vector<16xi32>,
        %dma_wait3A_1011 = arith.constant 0 : i32
        %dma_wait3A_1012 = arith.constant 0 : i32
        %dma_wait3A_1013 = tpu.memref_slice %arg19[%dma_wait3A_1011, %dma_wait3A_1012] : memref<240x128xf32, #tpu.memory_space<vmem>> -> memref<128x128xf32, #tpu.memory_space<vmem>>
        %dma_wait3A_1014 = arith.constant 0 : i32
        %dma_wait3A_1015 = arith.constant 0 : i32
        %dma_wait3A_1016 = tpu.memref_slice %arg2[%dma_wait3A_1014, %dma_wait3A_1015] : memref<10000x128xf32, #tpu.memory_space<hbm>> -> memref<10000x128xf32, #tpu.memory_space<hbm>>
        tpu.wait_indirect_dma semaphore(%arg29 : memref<!tpu.dma_semaphore, #tpu.memory_space<semaphore_mem>>) src(%dma_wait3A_1016 : memref<10000x128xf32, #tpu.memory_space<hbm>>) dst(%dma_wait3A_1013 : memref<128x128xf32, #tpu.memory_space<vmem>>)
        %dma_wait3A_1017 = arith.constant 128 : i32
        %dma_wait3A_1018 = arith.constant 0 : i32
        %dma_wait3A_1019 = tpu.memref_slice %arg19[%dma_wait3A_1017, %dma_wait3A_1018] : memref<240x128xf32, #tpu.memory_space<vmem>> -> memref<112x128xf32, #tpu.memory_space<vmem>>
        %dma_wait3A_1020 = arith.constant 0 : i32
        %dma_wait3A_1021 = arith.constant 0 : i32
        %dma_wait3A_1022 = tpu.memref_slice %arg2[%dma_wait3A_1020, %dma_wait3A_1021] : memref<10000x128xf32, #tpu.memory_space<hbm>> -> memref<10000x128xf32, #tpu.memory_space<hbm>>
        tpu.wait_indirect_dma semaphore(%arg29 : memref<!tpu.dma_semaphore, #tpu.memory_space<semaphore_mem>>) src(%dma_wait3A_1022 : memref<10000x128xf32, #tpu.memory_space<hbm>>) dst(%dma_wait3A_1019 : memref<112x128xf32, #tpu.memory_space<vmem>>)
        %convert_element_type3A_1023 = arith.extui %eq3A_522 : i1 to i32
        %cond3A_1024 = arith.constant 0 : i32
        %cond3A_1025 = arith.cmpi ne, %convert_element_type3A_1023, %cond3A_1024 : i32
        scf.if %cond3A_1025 {
          %dma_start3A_1065 = arith.constant 0 : i32
          %dma_start3A_1066 = tpu.memref_slice %arg7[%mul3A_515, %dma_start3A_1065] : memref<330000x128xf32, #tpu.memory_space<hbm>> -> memref<240x128xf32, #tpu.memory_space<hbm>>
          %dma_start3A_1067 = arith.constant 0 : i32
          %dma_start3A_1068 = tpu.memref_slice %arg7[%mul3A_515, %dma_start3A_1067] : memref<330000x128xf32, #tpu.memory_space<hbm>> -> memref<240x128xf32, #tpu.memory_space<hbm>>
          tpu.enqueue_dma source(%arg19 : memref<240x128xf32, #tpu.memory_space<vmem>>) target(%dma_start3A_1068 : memref<240x128xf32, #tpu.memory_space<hbm>>) target_semaphore(%arg30 : memref<!tpu.dma_semaphore, #tpu.memory_space<semaphore_mem>>)
          %dma_start3A_1069 = arith.constant 0 : i32
          %dma_start3A_1070 = tpu.memref_slice %arg21[%dma_start3A_1069] : memref<640xf32, #tpu.memory_space<vmem>> -> memref<240xf32, #tpu.memory_space<vmem>>
          %dma_start3A_1071 = tpu.memref_slice %arg8[%mul3A_515] : memref<330000xf32, #tpu.memory_space<hbm>> -> memref<240xf32, #tpu.memory_space<hbm>>
          %dma_start3A_1072 = tpu.memref_slice %arg8[%mul3A_515] : memref<330000xf32, #tpu.memory_space<hbm>> -> memref<240xf32, #tpu.memory_space<hbm>>
          %dma_start3A_1073 = arith.constant 0 : i32
          %dma_start3A_1074 = tpu.memref_slice %arg21[%dma_start3A_1073] : memref<640xf32, #tpu.memory_space<vmem>> -> memref<240xf32, #tpu.memory_space<vmem>>
          tpu.enqueue_dma source(%dma_start3A_1074 : memref<240xf32, #tpu.memory_space<vmem>>) target(%dma_start3A_1072 : memref<240xf32, #tpu.memory_space<hbm>>) target_semaphore(%arg30 : memref<!tpu.dma_semaphore, #tpu.memory_space<semaphore_mem>>)
        } else {
        }
        %parallel_loop3A = arith.constant 0 : i32
        %parallel_loop3A_1026 = arith.constant 240 : i32
        %parallel_loop3A_1027 = arith.constant 1 : i32
        scf.for %parallel_loop3A_1065 = %parallel_loop3A to %parallel_loop3A_1026 step %parallel_loop3A_1027  : i32 {
          %parallel_loop3A_1066 = vector.broadcast %parallel_loop3A_1065 : i32 to vector<16xi32>
          %parallel_loop3A_1067 = tpu.vector_load_idx %arg21[%parallel_loop3A_1066] : memref<640xf32, #tpu.memory_space<vmem>>[vector<16xi32>], vector<16xf32>,
          %parallel_loop3A_1068 = arith.index_cast %parallel_loop3A_1065 : i32 to index
          %parallel_loop3A_1069 = arith.constant 0 : index
          %parallel_loop3A_1070 = tpu.vector_load %arg19[%parallel_loop3A_1068, %parallel_loop3A_1069] {strides = array<i32>} : memref<240x128xf32, #tpu.memory_space<vmem>>, vector<16xf32>,
          %parallel_loop3A_1071 = arith.mulf %parallel_loop3A_1070, %parallel_loop3A_1067 : vector<16xf32>
          %parallel_loop3A_1072 = arith.index_cast %parallel_loop3A_1065 : i32 to index
          %parallel_loop3A_1073 = arith.constant 0 : index
          %parallel_loop3A_1074 = tpu.vector_load %arg20[%parallel_loop3A_1072, %parallel_loop3A_1073] {strides = array<i32>} : memref<240x128xf32, #tpu.memory_space<vmem>>, vector<16xf32>,
          tpu.vector_store %arg20[%parallel_loop3A_1072, %parallel_loop3A_1073], %parallel_loop3A_1071 {strides = array<i32>} : memref<240x128xf32, #tpu.memory_space<vmem>>, vector<16xf32>,
          %parallel_loop3A_1075 = arith.index_cast %parallel_loop3A_1065 : i32 to index
          %parallel_loop3A_1076 = arith.constant 16 : index
          %parallel_loop3A_1077 = tpu.vector_load %arg19[%parallel_loop3A_1075, %parallel_loop3A_1076] {strides = array<i32>} : memref<240x128xf32, #tpu.memory_space<vmem>>, vector<16xf32>,
          %parallel_loop3A_1078 = arith.mulf %parallel_loop3A_1077, %parallel_loop3A_1067 : vector<16xf32>
          %parallel_loop3A_1079 = arith.index_cast %parallel_loop3A_1065 : i32 to index
          %parallel_loop3A_1080 = arith.constant 16 : index
          %parallel_loop3A_1081 = tpu.vector_load %arg20[%parallel_loop3A_1079, %parallel_loop3A_1080] {strides = array<i32>} : memref<240x128xf32, #tpu.memory_space<vmem>>, vector<16xf32>,
          tpu.vector_store %arg20[%parallel_loop3A_1079, %parallel_loop3A_1080], %parallel_loop3A_1078 {strides = array<i32>} : memref<240x128xf32, #tpu.memory_space<vmem>>, vector<16xf32>,
          %parallel_loop3A_1082 = arith.index_cast %parallel_loop3A_1065 : i32 to index
          %parallel_loop3A_1083 = arith.constant 32 : index
          %parallel_loop3A_1084 = tpu.vector_load %arg19[%parallel_loop3A_1082, %parallel_loop3A_1083] {strides = array<i32>} : memref<240x128xf32, #tpu.memory_space<vmem>>, vector<16xf32>,
          %parallel_loop3A_1085 = arith.mulf %parallel_loop3A_1084, %parallel_loop3A_1067 : vector<16xf32>
          %parallel_loop3A_1086 = arith.index_cast %parallel_loop3A_1065 : i32 to index
          %parallel_loop3A_1087 = arith.constant 32 : index
          %parallel_loop3A_1088 = tpu.vector_load %arg20[%parallel_loop3A_1086, %parallel_loop3A_1087] {strides = array<i32>} : memref<240x128xf32, #tpu.memory_space<vmem>>, vector<16xf32>,
          tpu.vector_store %arg20[%parallel_loop3A_1086, %parallel_loop3A_1087], %parallel_loop3A_1085 {strides = array<i32>} : memref<240x128xf32, #tpu.memory_space<vmem>>, vector<16xf32>,
          %parallel_loop3A_1089 = arith.index_cast %parallel_loop3A_1065 : i32 to index
          %parallel_loop3A_1090 = arith.constant 48 : index
          %parallel_loop3A_1091 = tpu.vector_load %arg19[%parallel_loop3A_1089, %parallel_loop3A_1090] {strides = array<i32>} : memref<240x128xf32, #tpu.memory_space<vmem>>, vector<16xf32>,
          %parallel_loop3A_1092 = arith.mulf %parallel_loop3A_1091, %parallel_loop3A_1067 : vector<16xf32>
          %parallel_loop3A_1093 = arith.index_cast %parallel_loop3A_1065 : i32 to index
          %parallel_loop3A_1094 = arith.constant 48 : index
          %parallel_loop3A_1095 = tpu.vector_load %arg20[%parallel_loop3A_1093, %parallel_loop3A_1094] {strides = array<i32>} : memref<240x128xf32, #tpu.memory_space<vmem>>, vector<16xf32>,
          tpu.vector_store %arg20[%parallel_loop3A_1093, %parallel_loop3A_1094], %parallel_loop3A_1092 {strides = array<i32>} : memref<240x128xf32, #tpu.memory_space<vmem>>, vector<16xf32>,
          %parallel_loop3A_1096 = arith.index_cast %parallel_loop3A_1065 : i32 to index
          %parallel_loop3A_1097 = arith.constant 64 : index
          %parallel_loop3A_1098 = tpu.vector_load %arg19[%parallel_loop3A_1096, %parallel_loop3A_1097] {strides = array<i32>} : memref<240x128xf32, #tpu.memory_space<vmem>>, vector<16xf32>,
          %parallel_loop3A_1099 = arith.mulf %parallel_loop3A_1098, %parallel_loop3A_1067 : vector<16xf32>
          %parallel_loop3A_1100 = arith.index_cast %parallel_loop3A_1065 : i32 to index
          %parallel_loop3A_1101 = arith.constant 64 : index
          %parallel_loop3A_1102 = tpu.vector_load %arg20[%parallel_loop3A_1100, %parallel_loop3A_1101] {strides = array<i32>} : memref<240x128xf32, #tpu.memory_space<vmem>>, vector<16xf32>,
          tpu.vector_store %arg20[%parallel_loop3A_1100, %parallel_loop3A_1101], %parallel_loop3A_1099 {strides = array<i32>} : memref<240x128xf32, #tpu.memory_space<vmem>>, vector<16xf32>,
          %parallel_loop3A_1103 = arith.index_cast %parallel_loop3A_1065 : i32 to index
          %parallel_loop3A_1104 = arith.constant 80 : index
          %parallel_loop3A_1105 = tpu.vector_load %arg19[%parallel_loop3A_1103, %parallel_loop3A_1104] {strides = array<i32>} : memref<240x128xf32, #tpu.memory_space<vmem>>, vector<16xf32>,
          %parallel_loop3A_1106 = arith.mulf %parallel_loop3A_1105, %parallel_loop3A_1067 : vector<16xf32>
          %parallel_loop3A_1107 = arith.index_cast %parallel_loop3A_1065 : i32 to index
          %parallel_loop3A_1108 = arith.constant 80 : index
          %parallel_loop3A_1109 = tpu.vector_load %arg20[%parallel_loop3A_1107, %parallel_loop3A_1108] {strides = array<i32>} : memref<240x128xf32, #tpu.memory_space<vmem>>, vector<16xf32>,
          tpu.vector_store %arg20[%parallel_loop3A_1107, %parallel_loop3A_1108], %parallel_loop3A_1106 {strides = array<i32>} : memref<240x128xf32, #tpu.memory_space<vmem>>, vector<16xf32>,
          %parallel_loop3A_1110 = arith.index_cast %parallel_loop3A_1065 : i32 to index
          %parallel_loop3A_1111 = arith.constant 96 : index
          %parallel_loop3A_1112 = tpu.vector_load %arg19[%parallel_loop3A_1110, %parallel_loop3A_1111] {strides = array<i32>} : memref<240x128xf32, #tpu.memory_space<vmem>>, vector<16xf32>,
          %parallel_loop3A_1113 = arith.mulf %parallel_loop3A_1112, %parallel_loop3A_1067 : vector<16xf32>
          %parallel_loop3A_1114 = arith.index_cast %parallel_loop3A_1065 : i32 to index
          %parallel_loop3A_1115 = arith.constant 96 : index
          %parallel_loop3A_1116 = tpu.vector_load %arg20[%parallel_loop3A_1114, %parallel_loop3A_1115] {strides = array<i32>} : memref<240x128xf32, #tpu.memory_space<vmem>>, vector<16xf32>,
          tpu.vector_store %arg20[%parallel_loop3A_1114, %parallel_loop3A_1115], %parallel_loop3A_1113 {strides = array<i32>} : memref<240x128xf32, #tpu.memory_space<vmem>>, vector<16xf32>,
          %parallel_loop3A_1117 = arith.index_cast %parallel_loop3A_1065 : i32 to index
          %parallel_loop3A_1118 = arith.constant 112 : index
          %parallel_loop3A_1119 = tpu.vector_load %arg19[%parallel_loop3A_1117, %parallel_loop3A_1118] {strides = array<i32>} : memref<240x128xf32, #tpu.memory_space<vmem>>, vector<16xf32>,
          %parallel_loop3A_1120 = arith.mulf %parallel_loop3A_1119, %parallel_loop3A_1067 : vector<16xf32>
          %parallel_loop3A_1121 = arith.index_cast %parallel_loop3A_1065 : i32 to index
          %parallel_loop3A_1122 = arith.constant 112 : index
          %parallel_loop3A_1123 = tpu.vector_load %arg20[%parallel_loop3A_1121, %parallel_loop3A_1122] {strides = array<i32>} : memref<240x128xf32, #tpu.memory_space<vmem>>, vector<16xf32>,
          tpu.vector_store %arg20[%parallel_loop3A_1121, %parallel_loop3A_1122], %parallel_loop3A_1120 {strides = array<i32>} : memref<240x128xf32, #tpu.memory_space<vmem>>, vector<16xf32>,
        } {sc.loop_unroll_factor = 4 : i64, sc.parallel_access}
        %convert_element_type3A_1028 = arith.extui %eq3A_522 : i1 to i32
        %cond3A_1029 = arith.constant 0 : i32
        %cond3A_1030 = arith.cmpi ne, %convert_element_type3A_1028, %cond3A_1029 : i32
        scf.if %cond3A_1030 {
          %dma_wait3A_1065 = arith.constant 0 : i32
          %dma_wait3A_1066 = tpu.memref_slice %arg7[%mul3A_515, %dma_wait3A_1065] : memref<330000x128xf32, #tpu.memory_space<hbm>> -> memref<240x128xf32, #tpu.memory_space<hbm>>
          %dma_wait3A_1067 = arith.constant 0 : i32
          %dma_wait3A_1068 = tpu.memref_slice %arg7[%mul3A_515, %dma_wait3A_1067] : memref<330000x128xf32, #tpu.memory_space<hbm>> -> memref<240x128xf32, #tpu.memory_space<hbm>>
          tpu.wait_dma2 semaphore(%arg30 : memref<!tpu.dma_semaphore, #tpu.memory_space<semaphore_mem>>) src(%arg19 : memref<240x128xf32, #tpu.memory_space<vmem>>) dst(%dma_wait3A_1068 : memref<240x128xf32, #tpu.memory_space<hbm>>)
          %dma_wait3A_1069 = arith.constant 0 : i32
          %dma_wait3A_1070 = tpu.memref_slice %arg21[%dma_wait3A_1069] : memref<640xf32, #tpu.memory_space<vmem>> -> memref<240xf32, #tpu.memory_space<vmem>>
          %dma_wait3A_1071 = tpu.memref_slice %arg8[%mul3A_515] : memref<330000xf32, #tpu.memory_space<hbm>> -> memref<240xf32, #tpu.memory_space<hbm>>
          %dma_wait3A_1072 = tpu.memref_slice %arg8[%mul3A_515] : memref<330000xf32, #tpu.memory_space<hbm>> -> memref<240xf32, #tpu.memory_space<hbm>>
          %dma_wait3A_1073 = arith.constant 0 : i32
          %dma_wait3A_1074 = tpu.memref_slice %arg21[%dma_wait3A_1073] : memref<640xf32, #tpu.memory_space<vmem>> -> memref<240xf32, #tpu.memory_space<vmem>>
          tpu.wait_dma2 semaphore(%arg30 : memref<!tpu.dma_semaphore, #tpu.memory_space<semaphore_mem>>) src(%dma_wait3A_1074 : memref<240xf32, #tpu.memory_space<vmem>>) dst(%dma_wait3A_1072 : memref<240xf32, #tpu.memory_space<hbm>>)
        } else {
        }
        %dma_start3A_1031 = arith.constant 0 : i32
        %dma_start3A_1032 = arith.constant 0 : i32
        %dma_start3A_1033 = tpu.memref_slice %arg20[%dma_start3A_1031, %dma_start3A_1032] : memref<240x128xf32, #tpu.memory_space<vmem>> -> memref<128x128xf32, #tpu.memory_space<vmem>>
        %dma_start3A_1034 = arith.constant 0 : i32
        %dma_start3A_1035 = arith.constant 0 : i32
        %dma_start3A_1036 = tpu.memref_slice %arg27[%dma_start3A_1034, %dma_start3A_1035] : memref<5128x128xf32, #tpu.memory_space<vmem_shared>> -> memref<5128x128xf32, #tpu.memory_space<vmem_shared>>
        tpu.enqueue_indirect_dma source(%dma_start3A_1033 : memref<128x128xf32, #tpu.memory_space<vmem>>) target(%dma_start3A_1036 : memref<5128x128xf32, #tpu.memory_space<vmem_shared>>) offsets(%arg17 : memref<128xi32, #tpu.memory_space<vmem>>) semaphore(%arg29 : memref<!tpu.dma_semaphore, #tpu.memory_space<semaphore_mem>>) {add = true}
        %dma_start3A_1037 = arith.constant 128 : i32
        %dma_start3A_1038 = arith.constant 0 : i32
        %dma_start3A_1039 = tpu.memref_slice %arg20[%dma_start3A_1037, %dma_start3A_1038] : memref<240x128xf32, #tpu.memory_space<vmem>> -> memref<112x128xf32, #tpu.memory_space<vmem>>
        %dma_start3A_1040 = arith.constant 0 : i32
        %dma_start3A_1041 = arith.constant 0 : i32
        %dma_start3A_1042 = tpu.memref_slice %arg27[%dma_start3A_1040, %dma_start3A_1041] : memref<5128x128xf32, #tpu.memory_space<vmem_shared>> -> memref<5128x128xf32, #tpu.memory_space<vmem_shared>>
        tpu.enqueue_indirect_dma source(%dma_start3A_1039 : memref<112x128xf32, #tpu.memory_space<vmem>>) target(%dma_start3A_1042 : memref<5128x128xf32, #tpu.memory_space<vmem_shared>>) offsets(%arg18 : memref<112xi32, #tpu.memory_space<vmem>>) semaphore(%arg29 : memref<!tpu.dma_semaphore, #tpu.memory_space<semaphore_mem>>) {add = true}
        %eq3A_1043 = arith.constant 0 : i32
        %eq3A_1044 = arith.cmpi eq, %arg0, %eq3A_1043 : i32
        %convert_element_type3A_1045 = arith.extui %eq3A_1044 : i1 to i32
        %cond3A_1046 = arith.constant 0 : i32
        %cond3A_1047 = arith.cmpi ne, %convert_element_type3A_1045, %cond3A_1046 : i32
        scf.if %cond3A_1047 {
          %dma_start3A_1065 = arith.constant 0 : i32
          %dma_start3A_1066 = tpu.memref_slice %arg21[%dma_start3A_1065] : memref<640xf32, #tpu.memory_space<vmem>> -> memref<128xf32, #tpu.memory_space<vmem>>
          %dma_start3A_1067 = arith.constant 0 : i32
          %dma_start3A_1068 = tpu.memref_slice %arg28[%dma_start3A_1067] : memref<10240xf32, #tpu.memory_space<vmem_shared>> -> memref<10240xf32, #tpu.memory_space<vmem_shared>>
          tpu.enqueue_indirect_dma source(%dma_start3A_1066 : memref<128xf32, #tpu.memory_space<vmem>>) target(%dma_start3A_1068 : memref<10240xf32, #tpu.memory_space<vmem_shared>>) offsets(%arg15 : memref<128xi32, #tpu.memory_space<vmem>>) semaphore(%arg30 : memref<!tpu.dma_semaphore, #tpu.memory_space<semaphore_mem>>) {add = true}
          %dma_start3A_1069 = arith.constant 128 : i32
          %dma_start3A_1070 = tpu.memref_slice %arg21[%dma_start3A_1069] : memref<640xf32, #tpu.memory_space<vmem>> -> memref<112xf32, #tpu.memory_space<vmem>>
          %dma_start3A_1071 = arith.constant 0 : i32
          %dma_start3A_1072 = tpu.memref_slice %arg28[%dma_start3A_1071] : memref<10240xf32, #tpu.memory_space<vmem_shared>> -> memref<10240xf32, #tpu.memory_space<vmem_shared>>
          tpu.enqueue_indirect_dma source(%dma_start3A_1070 : memref<112xf32, #tpu.memory_space<vmem>>) target(%dma_start3A_1072 : memref<10240xf32, #tpu.memory_space<vmem_shared>>) offsets(%arg16 : memref<112xi32, #tpu.memory_space<vmem>>) semaphore(%arg30 : memref<!tpu.dma_semaphore, #tpu.memory_space<semaphore_mem>>) {add = true}
        } else {
        }
        %dma_wait3A_1048 = arith.constant 0 : i32
        %dma_wait3A_1049 = arith.constant 0 : i32
        %dma_wait3A_1050 = tpu.memref_slice %arg20[%dma_wait3A_1048, %dma_wait3A_1049] : memref<240x128xf32, #tpu.memory_space<vmem>> -> memref<128x128xf32, #tpu.memory_space<vmem>>
        %dma_wait3A_1051 = arith.constant 0 : i32
        %dma_wait3A_1052 = arith.constant 0 : i32
        %dma_wait3A_1053 = tpu.memref_slice %arg27[%dma_wait3A_1051, %dma_wait3A_1052] : memref<5128x128xf32, #tpu.memory_space<vmem_shared>> -> memref<5128x128xf32, #tpu.memory_space<vmem_shared>>
        tpu.wait_indirect_dma semaphore(%arg29 : memref<!tpu.dma_semaphore, #tpu.memory_space<semaphore_mem>>) src(%dma_wait3A_1050 : memref<128x128xf32, #tpu.memory_space<vmem>>) dst(%dma_wait3A_1053 : memref<5128x128xf32, #tpu.memory_space<vmem_shared>>)
        %dma_wait3A_1054 = arith.constant 128 : i32
        %dma_wait3A_1055 = arith.constant 0 : i32
        %dma_wait3A_1056 = tpu.memref_slice %arg20[%dma_wait3A_1054, %dma_wait3A_1055] : memref<240x128xf32, #tpu.memory_space<vmem>> -> memref<112x128xf32, #tpu.memory_space<vmem>>
        %dma_wait3A_1057 = arith.constant 0 : i32
        %dma_wait3A_1058 = arith.constant 0 : i32
        %dma_wait3A_1059 = tpu.memref_slice %arg27[%dma_wait3A_1057, %dma_wait3A_1058] : memref<5128x128xf32, #tpu.memory_space<vmem_shared>> -> memref<5128x128xf32, #tpu.memory_space<vmem_shared>>
        tpu.wait_indirect_dma semaphore(%arg29 : memref<!tpu.dma_semaphore, #tpu.memory_space<semaphore_mem>>) src(%dma_wait3A_1056 : memref<112x128xf32, #tpu.memory_space<vmem>>) dst(%dma_wait3A_1059 : memref<5128x128xf32, #tpu.memory_space<vmem_shared>>)
        %eq3A_1060 = arith.constant 0 : i32
        %eq3A_1061 = arith.cmpi eq, %arg0, %eq3A_1060 : i32
        %convert_element_type3A_1062 = arith.extui %eq3A_1061 : i1 to i32
        %cond3A_1063 = arith.constant 0 : i32
        %cond3A_1064 = arith.cmpi ne, %convert_element_type3A_1062, %cond3A_1063 : i32
        scf.if %cond3A_1064 {
          %dma_wait3A_1065 = arith.constant 0 : i32
          %dma_wait3A_1066 = tpu.memref_slice %arg21[%dma_wait3A_1065] : memref<640xf32, #tpu.memory_space<vmem>> -> memref<128xf32, #tpu.memory_space<vmem>>
          %dma_wait3A_1067 = arith.constant 0 : i32
          %dma_wait3A_1068 = tpu.memref_slice %arg28[%dma_wait3A_1067] : memref<10240xf32, #tpu.memory_space<vmem_shared>> -> memref<10240xf32, #tpu.memory_space<vmem_shared>>
          tpu.wait_indirect_dma semaphore(%arg30 : memref<!tpu.dma_semaphore, #tpu.memory_space<semaphore_mem>>) src(%dma_wait3A_1066 : memref<128xf32, #tpu.memory_space<vmem>>) dst(%dma_wait3A_1068 : memref<10240xf32, #tpu.memory_space<vmem_shared>>)
          %dma_wait3A_1069 = arith.constant 128 : i32
          %dma_wait3A_1070 = tpu.memref_slice %arg21[%dma_wait3A_1069] : memref<640xf32, #tpu.memory_space<vmem>> -> memref<112xf32, #tpu.memory_space<vmem>>
          %dma_wait3A_1071 = arith.constant 0 : i32
          %dma_wait3A_1072 = tpu.memref_slice %arg28[%dma_wait3A_1071] : memref<10240xf32, #tpu.memory_space<vmem_shared>> -> memref<10240xf32, #tpu.memory_space<vmem_shared>>
          tpu.wait_indirect_dma semaphore(%arg30 : memref<!tpu.dma_semaphore, #tpu.memory_space<semaphore_mem>>) src(%dma_wait3A_1070 : memref<112xf32, #tpu.memory_space<vmem>>) dst(%dma_wait3A_1072 : memref<10240xf32, #tpu.memory_space<vmem_shared>>)
        } else {
        }
      } else {
      }
      %mul3A_502 = arith.constant 2 : i32
      %mul3A_503 = arith.muli %mul3A_502, %scan3A_492 : i32
      %add3A_504 = arith.constant 1 : i32
      %add3A_505 = arith.addi %mul3A_503, %add3A_504 : i32
      %mul3A_506 = arith.constant 16 : i32
      %mul3A_507 = arith.muli %add3A_505, %mul3A_506 : i32
      %add3A_508 = arith.addi %arg1, %mul3A_507 : i32
      %lt3A_509 = arith.constant 1375 : i32
      %lt3A_510 = arith.cmpi slt, %add3A_508, %lt3A_509 : i32
      %convert_element_type3A_511 = arith.extui %lt3A_510 : i1 to i32
      %cond3A_512 = arith.constant 0 : i32
      %cond3A_513 = arith.cmpi ne, %convert_element_type3A_511, %cond3A_512 : i32
      scf.if %cond3A_513 {
        %mul3A_514 = arith.constant 240 : i32
        %mul3A_515 = arith.muli %add3A_508, %mul3A_514 : i32
        %lt3A_516 = arith.constant 688 : i32
        %lt3A_517 = arith.cmpi slt, %add3A_508, %lt3A_516 : i32
        %eq3A_518 = arith.constant 0 : i32
        %eq3A_519 = arith.cmpi eq, %arg0, %eq3A_518 : i32
        %eq3A_520 = arith.xori %lt3A_517, %eq3A_519 : i1
        %eq3A_521 = arith.constant true
        %eq3A_522 = arith.xori %eq3A_520, %eq3A_521 : i1
        %mul3A_523 = arith.constant 240 : i32
        %mul3A_524 = arith.muli %add3A_508, %mul3A_523 : i32
        %dma_wait3A = tpu.memref_slice %arg5[%mul3A_524] : memref<330000xi32, #tpu.memory_space<hbm>> -> memref<128xi32, #tpu.memory_space<hbm>>
        %dma_wait3A_525 = tpu.memref_slice %arg5[%mul3A_524] : memref<330000xi32, #tpu.memory_space<hbm>> -> memref<128xi32, #tpu.memory_space<hbm>>
        tpu.wait_dma2 semaphore(%arg32 : memref<!tpu.dma_semaphore, #tpu.memory_space<semaphore_mem>>) src(%dma_wait3A_525 : memref<128xi32, #tpu.memory_space<hbm>>) dst(%arg23 : memref<128xi32, #tpu.memory_space<vmem>>)
        %add3A_526 = arith.constant 128 : i32
        %add3A_527 = arith.addi %mul3A_524, %add3A_526 : i32
        %dma_wait3A_528 = tpu.memref_slice %arg5[%add3A_527] : memref<330000xi32, #tpu.memory_space<hbm>> -> memref<112xi32, #tpu.memory_space<hbm>>
        %dma_wait3A_529 = tpu.memref_slice %arg5[%add3A_527] : memref<330000xi32, #tpu.memory_space<hbm>> -> memref<112xi32, #tpu.memory_space<hbm>>
        tpu.wait_dma2 semaphore(%arg32 : memref<!tpu.dma_semaphore, #tpu.memory_space<semaphore_mem>>) src(%dma_wait3A_529 : memref<112xi32, #tpu.memory_space<hbm>>) dst(%arg24 : memref<112xi32, #tpu.memory_space<vmem>>)
        %dma_wait3A_530 = tpu.memref_slice %arg6[%mul3A_524] : memref<330000xi32, #tpu.memory_space<hbm>> -> memref<128xi32, #tpu.memory_space<hbm>>
        %dma_wait3A_531 = tpu.memref_slice %arg6[%mul3A_524] : memref<330000xi32, #tpu.memory_space<hbm>> -> memref<128xi32, #tpu.memory_space<hbm>>
        tpu.wait_dma2 semaphore(%arg32 : memref<!tpu.dma_semaphore, #tpu.memory_space<semaphore_mem>>) src(%dma_wait3A_531 : memref<128xi32, #tpu.memory_space<hbm>>) dst(%arg25 : memref<128xi32, #tpu.memory_space<vmem>>)
        %add3A_532 = arith.constant 128 : i32
        %add3A_533 = arith.addi %mul3A_524, %add3A_532 : i32
        %dma_wait3A_534 = tpu.memref_slice %arg6[%add3A_533] : memref<330000xi32, #tpu.memory_space<hbm>> -> memref<112xi32, #tpu.memory_space<hbm>>
        %dma_wait3A_535 = tpu.memref_slice %arg6[%add3A_533] : memref<330000xi32, #tpu.memory_space<hbm>> -> memref<112xi32, #tpu.memory_space<hbm>>
        tpu.wait_dma2 semaphore(%arg32 : memref<!tpu.dma_semaphore, #tpu.memory_space<semaphore_mem>>) src(%dma_wait3A_535 : memref<112xi32, #tpu.memory_space<hbm>>) dst(%arg26 : memref<112xi32, #tpu.memory_space<vmem>>)
        %dma_start3A_536 = arith.constant 0 : i32
        %dma_start3A_537 = arith.constant 0 : i32
        %dma_start3A_538 = tpu.memref_slice %arg19[%dma_start3A_536, %dma_start3A_537] : memref<240x128xf32, #tpu.memory_space<vmem>> -> memref<128x128xf32, #tpu.memory_space<vmem>>
        %dma_start3A_539 = arith.constant 0 : i32
        %dma_start3A_540 = arith.constant 0 : i32
        %dma_start3A_541 = tpu.memref_slice %arg2[%dma_start3A_539, %dma_start3A_540] : memref<10000x128xf32, #tpu.memory_space<hbm>> -> memref<10000x128xf32, #tpu.memory_space<hbm>>
        tpu.enqueue_indirect_dma source(%dma_start3A_541 : memref<10000x128xf32, #tpu.memory_space<hbm>>) target(%dma_start3A_538 : memref<128x128xf32, #tpu.memory_space<vmem>>) offsets(%arg23 : memref<128xi32, #tpu.memory_space<vmem>>) semaphore(%arg29 : memref<!tpu.dma_semaphore, #tpu.memory_space<semaphore_mem>>)
        %dma_start3A_542 = arith.constant 128 : i32
        %dma_start3A_543 = arith.constant 0 : i32
        %dma_start3A_544 = tpu.memref_slice %arg19[%dma_start3A_542, %dma_start3A_543] : memref<240x128xf32, #tpu.memory_space<vmem>> -> memref<112x128xf32, #tpu.memory_space<vmem>>
        %dma_start3A_545 = arith.constant 0 : i32
        %dma_start3A_546 = arith.constant 0 : i32
        %dma_start3A_547 = tpu.memref_slice %arg2[%dma_start3A_545, %dma_start3A_546] : memref<10000x128xf32, #tpu.memory_space<hbm>> -> memref<10000x128xf32, #tpu.memory_space<hbm>>
        tpu.enqueue_indirect_dma source(%dma_start3A_547 : memref<10000x128xf32, #tpu.memory_space<hbm>>) target(%dma_start3A_544 : memref<112x128xf32, #tpu.memory_space<vmem>>) offsets(%arg24 : memref<112xi32, #tpu.memory_space<vmem>>) semaphore(%arg29 : memref<!tpu.dma_semaphore, #tpu.memory_space<semaphore_mem>>)
        %add3A_548 = arith.constant 16 : i32
        %add3A_549 = arith.addi %add3A_508, %add3A_548 : i32
        %lt3A_550 = arith.constant 1375 : i32
        %lt3A_551 = arith.cmpi slt, %add3A_549, %lt3A_550 : i32
        %convert_element_type3A_552 = arith.extui %lt3A_551 : i1 to i32
        %cond3A_553 = arith.constant 0 : i32
        %cond3A_554 = arith.cmpi ne, %convert_element_type3A_552, %cond3A_553 : i32
        scf.if %cond3A_554 {
          %add3A_1065 = arith.constant 16 : i32
          %add3A_1066 = arith.addi %add3A_508, %add3A_1065 : i32
          %mul3A_1067 = arith.constant 240 : i32
          %mul3A_1068 = arith.muli %add3A_1066, %mul3A_1067 : i32
          %dma_start3A_1069 = tpu.memref_slice %arg5[%mul3A_1068] : memref<330000xi32, #tpu.memory_space<hbm>> -> memref<128xi32, #tpu.memory_space<hbm>>
          %dma_start3A_1070 = tpu.memref_slice %arg5[%mul3A_1068] : memref<330000xi32, #tpu.memory_space<hbm>> -> memref<128xi32, #tpu.memory_space<hbm>>
          tpu.enqueue_dma source(%dma_start3A_1070 : memref<128xi32, #tpu.memory_space<hbm>>) target(%arg13 : memref<128xi32, #tpu.memory_space<vmem>>) target_semaphore(%arg31 : memref<!tpu.dma_semaphore, #tpu.memory_space<semaphore_mem>>)
          %add3A_1071 = arith.constant 128 : i32
          %add3A_1072 = arith.addi %mul3A_1068, %add3A_1071 : i32
          %dma_start3A_1073 = tpu.memref_slice %arg5[%add3A_1072] : memref<330000xi32, #tpu.memory_space<hbm>> -> memref<112xi32, #tpu.memory_space<hbm>>
          %dma_start3A_1074 = tpu.memref_slice %arg5[%add3A_1072] : memref<330000xi32, #tpu.memory_space<hbm>> -> memref<112xi32, #tpu.memory_space<hbm>>
          tpu.enqueue_dma source(%dma_start3A_1074 : memref<112xi32, #tpu.memory_space<hbm>>) target(%arg14 : memref<112xi32, #tpu.memory_space<vmem>>) target_semaphore(%arg31 : memref<!tpu.dma_semaphore, #tpu.memory_space<semaphore_mem>>)
          %dma_start3A_1075 = tpu.memref_slice %arg6[%mul3A_1068] : memref<330000xi32, #tpu.memory_space<hbm>> -> memref<128xi32, #tpu.memory_space<hbm>>
          %dma_start3A_1076 = tpu.memref_slice %arg6[%mul3A_1068] : memref<330000xi32, #tpu.memory_space<hbm>> -> memref<128xi32, #tpu.memory_space<hbm>>
          tpu.enqueue_dma source(%dma_start3A_1076 : memref<128xi32, #tpu.memory_space<hbm>>) target(%arg15 : memref<128xi32, #tpu.memory_space<vmem>>) target_semaphore(%arg31 : memref<!tpu.dma_semaphore, #tpu.memory_space<semaphore_mem>>)
          %add3A_1077 = arith.constant 128 : i32
          %add3A_1078 = arith.addi %mul3A_1068, %add3A_1077 : i32
          %dma_start3A_1079 = tpu.memref_slice %arg6[%add3A_1078] : memref<330000xi32, #tpu.memory_space<hbm>> -> memref<112xi32, #tpu.memory_space<hbm>>
          %dma_start3A_1080 = tpu.memref_slice %arg6[%add3A_1078] : memref<330000xi32, #tpu.memory_space<hbm>> -> memref<112xi32, #tpu.memory_space<hbm>>
          tpu.enqueue_dma source(%dma_start3A_1080 : memref<112xi32, #tpu.memory_space<hbm>>) target(%arg16 : memref<112xi32, #tpu.memory_space<vmem>>) target_semaphore(%arg31 : memref<!tpu.dma_semaphore, #tpu.memory_space<semaphore_mem>>)
        } else {
        }
        %get3A = arith.constant 0 : index
        %get3A_555 = tpu.vector_load %arg25[%get3A] {strides = array<i32>} : memref<128xi32, #tpu.memory_space<vmem>>, vector<16xi32>,
        %get3A_556 = arith.constant 0 : index
        %get3A_557 = tpu.vector_load %arg23[%get3A_556] {strides = array<i32>} : memref<128xi32, #tpu.memory_space<vmem>>, vector<16xi32>,
        %gather3A = tpu.vector_load_idx %arg11[%get3A_555] : memref<10000xf32, #tpu.memory_space<vmem>>[vector<16xi32>], vector<16xf32>,
        %gather3A_558 = tpu.vector_load_idx %arg12[%get3A_557] : memref<10000xf32, #tpu.memory_space<vmem>>[vector<16xi32>], vector<16xf32>,
        %add3A_559 = arith.addf %gather3A, %gather3A_558 : vector<16xf32>
        %gt3A = arith.constant 0.000000e+00 : f32
        %gt3A_560 = vector.broadcast %gt3A : f32 to vector<16xf32>
        %gt3A_561 = arith.cmpf ogt, %add3A_559, %gt3A_560 : vector<16xf32>
        %mul3A_562 = arith.constant 2.000000e-01 : f32
        %mul3A_563 = vector.broadcast %mul3A_562 : f32 to vector<16xf32>
        %mul3A_564 = arith.mulf %add3A_559, %mul3A_563 : vector<16xf32>
        %select_n3A = arith.select %gt3A_561, %add3A_559, %mul3A_564 : vector<16xi1>, vector<16xf32>
        %exp3A = math.exp %select_n3A : vector<16xf32>
        %swap3A_565 = arith.constant 0 : index
        %swap3A_566 = tpu.vector_load %arg21[%swap3A_565] {strides = array<i32>} : memref<640xf32, #tpu.memory_space<vmem>>, vector<16xf32>,
        tpu.vector_store %arg21[%swap3A_565], %exp3A {strides = array<i32>} : memref<640xf32, #tpu.memory_space<vmem>>, vector<16xf32>,
        %sub3A = vector.broadcast %mul3A_0 : i32 to vector<16xi32>
        %sub3A_567 = arith.subi %get3A_555, %sub3A : vector<16xi32>
        %ge3A = arith.constant 0 : i32
        %ge3A_568 = vector.broadcast %ge3A : i32 to vector<16xi32>
        %ge3A_569 = arith.cmpi sge, %sub3A_567, %ge3A_568 : vector<16xi32>
        %lt3A_570 = arith.constant 5120 : i32
        %lt3A_571 = vector.broadcast %lt3A_570 : i32 to vector<16xi32>
        %lt3A_572 = arith.cmpi slt, %sub3A_567, %lt3A_571 : vector<16xi32>
        %and3A = arith.andi %ge3A_569, %lt3A_572 : vector<16xi1>
        %jit3A = arith.constant 5120 : i32
        %broadcast_in_dim3A_573 = vector.broadcast %jit3A : i32 to vector<16xi32>
        %select_n3A_574 = arith.select %and3A, %sub3A_567, %broadcast_in_dim3A_573 : vector<16xi1>, vector<16xi32>
        %swap3A_575 = arith.constant 0 : index
        %swap3A_576 = tpu.vector_load %arg17[%swap3A_575] {strides = array<i32>} : memref<128xi32, #tpu.memory_space<vmem>>, vector<16xi32>,
        tpu.vector_store %arg17[%swap3A_575], %select_n3A_574 {strides = array<i32>} : memref<128xi32, #tpu.memory_space<vmem>>, vector<16xi32>,
        %get3A_577 = arith.constant 16 : index
        %get3A_578 = tpu.vector_load %arg25[%get3A_577] {strides = array<i32>} : memref<128xi32, #tpu.memory_space<vmem>>, vector<16xi32>,
        %get3A_579 = arith.constant 16 : index
        %get3A_580 = tpu.vector_load %arg23[%get3A_579] {strides = array<i32>} : memref<128xi32, #tpu.memory_space<vmem>>, vector<16xi32>,
        %gather3A_581 = tpu.vector_load_idx %arg11[%get3A_578] : memref<10000xf32, #tpu.memory_space<vmem>>[vector<16xi32>], vector<16xf32>,
        %gather3A_582 = tpu.vector_load_idx %arg12[%get3A_580] : memref<10000xf32, #tpu.memory_space<vmem>>[vector<16xi32>], vector<16xf32>,
        %add3A_583 = arith.addf %gather3A_581, %gather3A_582 : vector<16xf32>
        %gt3A_584 = arith.constant 0.000000e+00 : f32
        %gt3A_585 = vector.broadcast %gt3A_584 : f32 to vector<16xf32>
        %gt3A_586 = arith.cmpf ogt, %add3A_583, %gt3A_585 : vector<16xf32>
        %mul3A_587 = arith.constant 2.000000e-01 : f32
        %mul3A_588 = vector.broadcast %mul3A_587 : f32 to vector<16xf32>
        %mul3A_589 = arith.mulf %add3A_583, %mul3A_588 : vector<16xf32>
        %select_n3A_590 = arith.select %gt3A_586, %add3A_583, %mul3A_589 : vector<16xi1>, vector<16xf32>
        %exp3A_591 = math.exp %select_n3A_590 : vector<16xf32>
        %swap3A_592 = arith.constant 16 : index
        %swap3A_593 = tpu.vector_load %arg21[%swap3A_592] {strides = array<i32>} : memref<640xf32, #tpu.memory_space<vmem>>, vector<16xf32>,
        tpu.vector_store %arg21[%swap3A_592], %exp3A_591 {strides = array<i32>} : memref<640xf32, #tpu.memory_space<vmem>>, vector<16xf32>,
        %sub3A_594 = vector.broadcast %mul3A_0 : i32 to vector<16xi32>
        %sub3A_595 = arith.subi %get3A_578, %sub3A_594 : vector<16xi32>
        %ge3A_596 = arith.constant 0 : i32
        %ge3A_597 = vector.broadcast %ge3A_596 : i32 to vector<16xi32>
        %ge3A_598 = arith.cmpi sge, %sub3A_595, %ge3A_597 : vector<16xi32>
        %lt3A_599 = arith.constant 5120 : i32
        %lt3A_600 = vector.broadcast %lt3A_599 : i32 to vector<16xi32>
        %lt3A_601 = arith.cmpi slt, %sub3A_595, %lt3A_600 : vector<16xi32>
        %and3A_602 = arith.andi %ge3A_598, %lt3A_601 : vector<16xi1>
        %jit3A_603 = arith.constant 5120 : i32
        %broadcast_in_dim3A_604 = vector.broadcast %jit3A_603 : i32 to vector<16xi32>
        %select_n3A_605 = arith.select %and3A_602, %sub3A_595, %broadcast_in_dim3A_604 : vector<16xi1>, vector<16xi32>
        %swap3A_606 = arith.constant 16 : index
        %swap3A_607 = tpu.vector_load %arg17[%swap3A_606] {strides = array<i32>} : memref<128xi32, #tpu.memory_space<vmem>>, vector<16xi32>,
        tpu.vector_store %arg17[%swap3A_606], %select_n3A_605 {strides = array<i32>} : memref<128xi32, #tpu.memory_space<vmem>>, vector<16xi32>,
        %get3A_608 = arith.constant 32 : index
        %get3A_609 = tpu.vector_load %arg25[%get3A_608] {strides = array<i32>} : memref<128xi32, #tpu.memory_space<vmem>>, vector<16xi32>,
        %get3A_610 = arith.constant 32 : index
        %get3A_611 = tpu.vector_load %arg23[%get3A_610] {strides = array<i32>} : memref<128xi32, #tpu.memory_space<vmem>>, vector<16xi32>,
        %gather3A_612 = tpu.vector_load_idx %arg11[%get3A_609] : memref<10000xf32, #tpu.memory_space<vmem>>[vector<16xi32>], vector<16xf32>,
        %gather3A_613 = tpu.vector_load_idx %arg12[%get3A_611] : memref<10000xf32, #tpu.memory_space<vmem>>[vector<16xi32>], vector<16xf32>,
        %add3A_614 = arith.addf %gather3A_612, %gather3A_613 : vector<16xf32>
        %gt3A_615 = arith.constant 0.000000e+00 : f32
        %gt3A_616 = vector.broadcast %gt3A_615 : f32 to vector<16xf32>
        %gt3A_617 = arith.cmpf ogt, %add3A_614, %gt3A_616 : vector<16xf32>
        %mul3A_618 = arith.constant 2.000000e-01 : f32
        %mul3A_619 = vector.broadcast %mul3A_618 : f32 to vector<16xf32>
        %mul3A_620 = arith.mulf %add3A_614, %mul3A_619 : vector<16xf32>
        %select_n3A_621 = arith.select %gt3A_617, %add3A_614, %mul3A_620 : vector<16xi1>, vector<16xf32>
        %exp3A_622 = math.exp %select_n3A_621 : vector<16xf32>
        %swap3A_623 = arith.constant 32 : index
        %swap3A_624 = tpu.vector_load %arg21[%swap3A_623] {strides = array<i32>} : memref<640xf32, #tpu.memory_space<vmem>>, vector<16xf32>,
        tpu.vector_store %arg21[%swap3A_623], %exp3A_622 {strides = array<i32>} : memref<640xf32, #tpu.memory_space<vmem>>, vector<16xf32>,
        %sub3A_625 = vector.broadcast %mul3A_0 : i32 to vector<16xi32>
        %sub3A_626 = arith.subi %get3A_609, %sub3A_625 : vector<16xi32>
        %ge3A_627 = arith.constant 0 : i32
        %ge3A_628 = vector.broadcast %ge3A_627 : i32 to vector<16xi32>
        %ge3A_629 = arith.cmpi sge, %sub3A_626, %ge3A_628 : vector<16xi32>
        %lt3A_630 = arith.constant 5120 : i32
        %lt3A_631 = vector.broadcast %lt3A_630 : i32 to vector<16xi32>
        %lt3A_632 = arith.cmpi slt, %sub3A_626, %lt3A_631 : vector<16xi32>
        %and3A_633 = arith.andi %ge3A_629, %lt3A_632 : vector<16xi1>
        %jit3A_634 = arith.constant 5120 : i32
        %broadcast_in_dim3A_635 = vector.broadcast %jit3A_634 : i32 to vector<16xi32>
        %select_n3A_636 = arith.select %and3A_633, %sub3A_626, %broadcast_in_dim3A_635 : vector<16xi1>, vector<16xi32>
        %swap3A_637 = arith.constant 32 : index
        %swap3A_638 = tpu.vector_load %arg17[%swap3A_637] {strides = array<i32>} : memref<128xi32, #tpu.memory_space<vmem>>, vector<16xi32>,
        tpu.vector_store %arg17[%swap3A_637], %select_n3A_636 {strides = array<i32>} : memref<128xi32, #tpu.memory_space<vmem>>, vector<16xi32>,
        %get3A_639 = arith.constant 48 : index
        %get3A_640 = tpu.vector_load %arg25[%get3A_639] {strides = array<i32>} : memref<128xi32, #tpu.memory_space<vmem>>, vector<16xi32>,
        %get3A_641 = arith.constant 48 : index
        %get3A_642 = tpu.vector_load %arg23[%get3A_641] {strides = array<i32>} : memref<128xi32, #tpu.memory_space<vmem>>, vector<16xi32>,
        %gather3A_643 = tpu.vector_load_idx %arg11[%get3A_640] : memref<10000xf32, #tpu.memory_space<vmem>>[vector<16xi32>], vector<16xf32>,
        %gather3A_644 = tpu.vector_load_idx %arg12[%get3A_642] : memref<10000xf32, #tpu.memory_space<vmem>>[vector<16xi32>], vector<16xf32>,
        %add3A_645 = arith.addf %gather3A_643, %gather3A_644 : vector<16xf32>
        %gt3A_646 = arith.constant 0.000000e+00 : f32
        %gt3A_647 = vector.broadcast %gt3A_646 : f32 to vector<16xf32>
        %gt3A_648 = arith.cmpf ogt, %add3A_645, %gt3A_647 : vector<16xf32>
        %mul3A_649 = arith.constant 2.000000e-01 : f32
        %mul3A_650 = vector.broadcast %mul3A_649 : f32 to vector<16xf32>
        %mul3A_651 = arith.mulf %add3A_645, %mul3A_650 : vector<16xf32>
        %select_n3A_652 = arith.select %gt3A_648, %add3A_645, %mul3A_651 : vector<16xi1>, vector<16xf32>
        %exp3A_653 = math.exp %select_n3A_652 : vector<16xf32>
        %swap3A_654 = arith.constant 48 : index
        %swap3A_655 = tpu.vector_load %arg21[%swap3A_654] {strides = array<i32>} : memref<640xf32, #tpu.memory_space<vmem>>, vector<16xf32>,
        tpu.vector_store %arg21[%swap3A_654], %exp3A_653 {strides = array<i32>} : memref<640xf32, #tpu.memory_space<vmem>>, vector<16xf32>,
        %sub3A_656 = vector.broadcast %mul3A_0 : i32 to vector<16xi32>
        %sub3A_657 = arith.subi %get3A_640, %sub3A_656 : vector<16xi32>
        %ge3A_658 = arith.constant 0 : i32
        %ge3A_659 = vector.broadcast %ge3A_658 : i32 to vector<16xi32>
        %ge3A_660 = arith.cmpi sge, %sub3A_657, %ge3A_659 : vector<16xi32>
        %lt3A_661 = arith.constant 5120 : i32
        %lt3A_662 = vector.broadcast %lt3A_661 : i32 to vector<16xi32>
        %lt3A_663 = arith.cmpi slt, %sub3A_657, %lt3A_662 : vector<16xi32>
        %and3A_664 = arith.andi %ge3A_660, %lt3A_663 : vector<16xi1>
        %jit3A_665 = arith.constant 5120 : i32
        %broadcast_in_dim3A_666 = vector.broadcast %jit3A_665 : i32 to vector<16xi32>
        %select_n3A_667 = arith.select %and3A_664, %sub3A_657, %broadcast_in_dim3A_666 : vector<16xi1>, vector<16xi32>
        %swap3A_668 = arith.constant 48 : index
        %swap3A_669 = tpu.vector_load %arg17[%swap3A_668] {strides = array<i32>} : memref<128xi32, #tpu.memory_space<vmem>>, vector<16xi32>,
        tpu.vector_store %arg17[%swap3A_668], %select_n3A_667 {strides = array<i32>} : memref<128xi32, #tpu.memory_space<vmem>>, vector<16xi32>,
        %get3A_670 = arith.constant 64 : index
        %get3A_671 = tpu.vector_load %arg25[%get3A_670] {strides = array<i32>} : memref<128xi32, #tpu.memory_space<vmem>>, vector<16xi32>,
        %get3A_672 = arith.constant 64 : index
        %get3A_673 = tpu.vector_load %arg23[%get3A_672] {strides = array<i32>} : memref<128xi32, #tpu.memory_space<vmem>>, vector<16xi32>,
        %gather3A_674 = tpu.vector_load_idx %arg11[%get3A_671] : memref<10000xf32, #tpu.memory_space<vmem>>[vector<16xi32>], vector<16xf32>,
        %gather3A_675 = tpu.vector_load_idx %arg12[%get3A_673] : memref<10000xf32, #tpu.memory_space<vmem>>[vector<16xi32>], vector<16xf32>,
        %add3A_676 = arith.addf %gather3A_674, %gather3A_675 : vector<16xf32>
        %gt3A_677 = arith.constant 0.000000e+00 : f32
        %gt3A_678 = vector.broadcast %gt3A_677 : f32 to vector<16xf32>
        %gt3A_679 = arith.cmpf ogt, %add3A_676, %gt3A_678 : vector<16xf32>
        %mul3A_680 = arith.constant 2.000000e-01 : f32
        %mul3A_681 = vector.broadcast %mul3A_680 : f32 to vector<16xf32>
        %mul3A_682 = arith.mulf %add3A_676, %mul3A_681 : vector<16xf32>
        %select_n3A_683 = arith.select %gt3A_679, %add3A_676, %mul3A_682 : vector<16xi1>, vector<16xf32>
        %exp3A_684 = math.exp %select_n3A_683 : vector<16xf32>
        %swap3A_685 = arith.constant 64 : index
        %swap3A_686 = tpu.vector_load %arg21[%swap3A_685] {strides = array<i32>} : memref<640xf32, #tpu.memory_space<vmem>>, vector<16xf32>,
        tpu.vector_store %arg21[%swap3A_685], %exp3A_684 {strides = array<i32>} : memref<640xf32, #tpu.memory_space<vmem>>, vector<16xf32>,
        %sub3A_687 = vector.broadcast %mul3A_0 : i32 to vector<16xi32>
        %sub3A_688 = arith.subi %get3A_671, %sub3A_687 : vector<16xi32>
        %ge3A_689 = arith.constant 0 : i32
        %ge3A_690 = vector.broadcast %ge3A_689 : i32 to vector<16xi32>
        %ge3A_691 = arith.cmpi sge, %sub3A_688, %ge3A_690 : vector<16xi32>
        %lt3A_692 = arith.constant 5120 : i32
        %lt3A_693 = vector.broadcast %lt3A_692 : i32 to vector<16xi32>
        %lt3A_694 = arith.cmpi slt, %sub3A_688, %lt3A_693 : vector<16xi32>
        %and3A_695 = arith.andi %ge3A_691, %lt3A_694 : vector<16xi1>
        %jit3A_696 = arith.constant 5120 : i32
        %broadcast_in_dim3A_697 = vector.broadcast %jit3A_696 : i32 to vector<16xi32>
        %select_n3A_698 = arith.select %and3A_695, %sub3A_688, %broadcast_in_dim3A_697 : vector<16xi1>, vector<16xi32>
        %swap3A_699 = arith.constant 64 : index
        %swap3A_700 = tpu.vector_load %arg17[%swap3A_699] {strides = array<i32>} : memref<128xi32, #tpu.memory_space<vmem>>, vector<16xi32>,
        tpu.vector_store %arg17[%swap3A_699], %select_n3A_698 {strides = array<i32>} : memref<128xi32, #tpu.memory_space<vmem>>, vector<16xi32>,
        %get3A_701 = arith.constant 80 : index
        %get3A_702 = tpu.vector_load %arg25[%get3A_701] {strides = array<i32>} : memref<128xi32, #tpu.memory_space<vmem>>, vector<16xi32>,
        %get3A_703 = arith.constant 80 : index
        %get3A_704 = tpu.vector_load %arg23[%get3A_703] {strides = array<i32>} : memref<128xi32, #tpu.memory_space<vmem>>, vector<16xi32>,
        %gather3A_705 = tpu.vector_load_idx %arg11[%get3A_702] : memref<10000xf32, #tpu.memory_space<vmem>>[vector<16xi32>], vector<16xf32>,
        %gather3A_706 = tpu.vector_load_idx %arg12[%get3A_704] : memref<10000xf32, #tpu.memory_space<vmem>>[vector<16xi32>], vector<16xf32>,
        %add3A_707 = arith.addf %gather3A_705, %gather3A_706 : vector<16xf32>
        %gt3A_708 = arith.constant 0.000000e+00 : f32
        %gt3A_709 = vector.broadcast %gt3A_708 : f32 to vector<16xf32>
        %gt3A_710 = arith.cmpf ogt, %add3A_707, %gt3A_709 : vector<16xf32>
        %mul3A_711 = arith.constant 2.000000e-01 : f32
        %mul3A_712 = vector.broadcast %mul3A_711 : f32 to vector<16xf32>
        %mul3A_713 = arith.mulf %add3A_707, %mul3A_712 : vector<16xf32>
        %select_n3A_714 = arith.select %gt3A_710, %add3A_707, %mul3A_713 : vector<16xi1>, vector<16xf32>
        %exp3A_715 = math.exp %select_n3A_714 : vector<16xf32>
        %swap3A_716 = arith.constant 80 : index
        %swap3A_717 = tpu.vector_load %arg21[%swap3A_716] {strides = array<i32>} : memref<640xf32, #tpu.memory_space<vmem>>, vector<16xf32>,
        tpu.vector_store %arg21[%swap3A_716], %exp3A_715 {strides = array<i32>} : memref<640xf32, #tpu.memory_space<vmem>>, vector<16xf32>,
        %sub3A_718 = vector.broadcast %mul3A_0 : i32 to vector<16xi32>
        %sub3A_719 = arith.subi %get3A_702, %sub3A_718 : vector<16xi32>
        %ge3A_720 = arith.constant 0 : i32
        %ge3A_721 = vector.broadcast %ge3A_720 : i32 to vector<16xi32>
        %ge3A_722 = arith.cmpi sge, %sub3A_719, %ge3A_721 : vector<16xi32>
        %lt3A_723 = arith.constant 5120 : i32
        %lt3A_724 = vector.broadcast %lt3A_723 : i32 to vector<16xi32>
        %lt3A_725 = arith.cmpi slt, %sub3A_719, %lt3A_724 : vector<16xi32>
        %and3A_726 = arith.andi %ge3A_722, %lt3A_725 : vector<16xi1>
        %jit3A_727 = arith.constant 5120 : i32
        %broadcast_in_dim3A_728 = vector.broadcast %jit3A_727 : i32 to vector<16xi32>
        %select_n3A_729 = arith.select %and3A_726, %sub3A_719, %broadcast_in_dim3A_728 : vector<16xi1>, vector<16xi32>
        %swap3A_730 = arith.constant 80 : index
        %swap3A_731 = tpu.vector_load %arg17[%swap3A_730] {strides = array<i32>} : memref<128xi32, #tpu.memory_space<vmem>>, vector<16xi32>,
        tpu.vector_store %arg17[%swap3A_730], %select_n3A_729 {strides = array<i32>} : memref<128xi32, #tpu.memory_space<vmem>>, vector<16xi32>,
        %get3A_732 = arith.constant 96 : index
        %get3A_733 = tpu.vector_load %arg25[%get3A_732] {strides = array<i32>} : memref<128xi32, #tpu.memory_space<vmem>>, vector<16xi32>,
        %get3A_734 = arith.constant 96 : index
        %get3A_735 = tpu.vector_load %arg23[%get3A_734] {strides = array<i32>} : memref<128xi32, #tpu.memory_space<vmem>>, vector<16xi32>,
        %gather3A_736 = tpu.vector_load_idx %arg11[%get3A_733] : memref<10000xf32, #tpu.memory_space<vmem>>[vector<16xi32>], vector<16xf32>,
        %gather3A_737 = tpu.vector_load_idx %arg12[%get3A_735] : memref<10000xf32, #tpu.memory_space<vmem>>[vector<16xi32>], vector<16xf32>,
        %add3A_738 = arith.addf %gather3A_736, %gather3A_737 : vector<16xf32>
        %gt3A_739 = arith.constant 0.000000e+00 : f32
        %gt3A_740 = vector.broadcast %gt3A_739 : f32 to vector<16xf32>
        %gt3A_741 = arith.cmpf ogt, %add3A_738, %gt3A_740 : vector<16xf32>
        %mul3A_742 = arith.constant 2.000000e-01 : f32
        %mul3A_743 = vector.broadcast %mul3A_742 : f32 to vector<16xf32>
        %mul3A_744 = arith.mulf %add3A_738, %mul3A_743 : vector<16xf32>
        %select_n3A_745 = arith.select %gt3A_741, %add3A_738, %mul3A_744 : vector<16xi1>, vector<16xf32>
        %exp3A_746 = math.exp %select_n3A_745 : vector<16xf32>
        %swap3A_747 = arith.constant 96 : index
        %swap3A_748 = tpu.vector_load %arg21[%swap3A_747] {strides = array<i32>} : memref<640xf32, #tpu.memory_space<vmem>>, vector<16xf32>,
        tpu.vector_store %arg21[%swap3A_747], %exp3A_746 {strides = array<i32>} : memref<640xf32, #tpu.memory_space<vmem>>, vector<16xf32>,
        %sub3A_749 = vector.broadcast %mul3A_0 : i32 to vector<16xi32>
        %sub3A_750 = arith.subi %get3A_733, %sub3A_749 : vector<16xi32>
        %ge3A_751 = arith.constant 0 : i32
        %ge3A_752 = vector.broadcast %ge3A_751 : i32 to vector<16xi32>
        %ge3A_753 = arith.cmpi sge, %sub3A_750, %ge3A_752 : vector<16xi32>
        %lt3A_754 = arith.constant 5120 : i32
        %lt3A_755 = vector.broadcast %lt3A_754 : i32 to vector<16xi32>
        %lt3A_756 = arith.cmpi slt, %sub3A_750, %lt3A_755 : vector<16xi32>
        %and3A_757 = arith.andi %ge3A_753, %lt3A_756 : vector<16xi1>
        %jit3A_758 = arith.constant 5120 : i32
        %broadcast_in_dim3A_759 = vector.broadcast %jit3A_758 : i32 to vector<16xi32>
        %select_n3A_760 = arith.select %and3A_757, %sub3A_750, %broadcast_in_dim3A_759 : vector<16xi1>, vector<16xi32>
        %swap3A_761 = arith.constant 96 : index
        %swap3A_762 = tpu.vector_load %arg17[%swap3A_761] {strides = array<i32>} : memref<128xi32, #tpu.memory_space<vmem>>, vector<16xi32>,
        tpu.vector_store %arg17[%swap3A_761], %select_n3A_760 {strides = array<i32>} : memref<128xi32, #tpu.memory_space<vmem>>, vector<16xi32>,
        %get3A_763 = arith.constant 112 : index
        %get3A_764 = tpu.vector_load %arg25[%get3A_763] {strides = array<i32>} : memref<128xi32, #tpu.memory_space<vmem>>, vector<16xi32>,
        %get3A_765 = arith.constant 112 : index
        %get3A_766 = tpu.vector_load %arg23[%get3A_765] {strides = array<i32>} : memref<128xi32, #tpu.memory_space<vmem>>, vector<16xi32>,
        %gather3A_767 = tpu.vector_load_idx %arg11[%get3A_764] : memref<10000xf32, #tpu.memory_space<vmem>>[vector<16xi32>], vector<16xf32>,
        %gather3A_768 = tpu.vector_load_idx %arg12[%get3A_766] : memref<10000xf32, #tpu.memory_space<vmem>>[vector<16xi32>], vector<16xf32>,
        %add3A_769 = arith.addf %gather3A_767, %gather3A_768 : vector<16xf32>
        %gt3A_770 = arith.constant 0.000000e+00 : f32
        %gt3A_771 = vector.broadcast %gt3A_770 : f32 to vector<16xf32>
        %gt3A_772 = arith.cmpf ogt, %add3A_769, %gt3A_771 : vector<16xf32>
        %mul3A_773 = arith.constant 2.000000e-01 : f32
        %mul3A_774 = vector.broadcast %mul3A_773 : f32 to vector<16xf32>
        %mul3A_775 = arith.mulf %add3A_769, %mul3A_774 : vector<16xf32>
        %select_n3A_776 = arith.select %gt3A_772, %add3A_769, %mul3A_775 : vector<16xi1>, vector<16xf32>
        %exp3A_777 = math.exp %select_n3A_776 : vector<16xf32>
        %swap3A_778 = arith.constant 112 : index
        %swap3A_779 = tpu.vector_load %arg21[%swap3A_778] {strides = array<i32>} : memref<640xf32, #tpu.memory_space<vmem>>, vector<16xf32>,
        tpu.vector_store %arg21[%swap3A_778], %exp3A_777 {strides = array<i32>} : memref<640xf32, #tpu.memory_space<vmem>>, vector<16xf32>,
        %sub3A_780 = vector.broadcast %mul3A_0 : i32 to vector<16xi32>
        %sub3A_781 = arith.subi %get3A_764, %sub3A_780 : vector<16xi32>
        %ge3A_782 = arith.constant 0 : i32
        %ge3A_783 = vector.broadcast %ge3A_782 : i32 to vector<16xi32>
        %ge3A_784 = arith.cmpi sge, %sub3A_781, %ge3A_783 : vector<16xi32>
        %lt3A_785 = arith.constant 5120 : i32
        %lt3A_786 = vector.broadcast %lt3A_785 : i32 to vector<16xi32>
        %lt3A_787 = arith.cmpi slt, %sub3A_781, %lt3A_786 : vector<16xi32>
        %and3A_788 = arith.andi %ge3A_784, %lt3A_787 : vector<16xi1>
        %jit3A_789 = arith.constant 5120 : i32
        %broadcast_in_dim3A_790 = vector.broadcast %jit3A_789 : i32 to vector<16xi32>
        %select_n3A_791 = arith.select %and3A_788, %sub3A_781, %broadcast_in_dim3A_790 : vector<16xi1>, vector<16xi32>
        %swap3A_792 = arith.constant 112 : index
        %swap3A_793 = tpu.vector_load %arg17[%swap3A_792] {strides = array<i32>} : memref<128xi32, #tpu.memory_space<vmem>>, vector<16xi32>,
        tpu.vector_store %arg17[%swap3A_792], %select_n3A_791 {strides = array<i32>} : memref<128xi32, #tpu.memory_space<vmem>>, vector<16xi32>,
        %get3A_794 = arith.constant 0 : index
        %get3A_795 = tpu.vector_load %arg26[%get3A_794] {strides = array<i32>} : memref<112xi32, #tpu.memory_space<vmem>>, vector<16xi32>,
        %get3A_796 = arith.constant 0 : index
        %get3A_797 = tpu.vector_load %arg24[%get3A_796] {strides = array<i32>} : memref<112xi32, #tpu.memory_space<vmem>>, vector<16xi32>,
        %gather3A_798 = tpu.vector_load_idx %arg11[%get3A_795] : memref<10000xf32, #tpu.memory_space<vmem>>[vector<16xi32>], vector<16xf32>,
        %gather3A_799 = tpu.vector_load_idx %arg12[%get3A_797] : memref<10000xf32, #tpu.memory_space<vmem>>[vector<16xi32>], vector<16xf32>,
        %add3A_800 = arith.addf %gather3A_798, %gather3A_799 : vector<16xf32>
        %gt3A_801 = arith.constant 0.000000e+00 : f32
        %gt3A_802 = vector.broadcast %gt3A_801 : f32 to vector<16xf32>
        %gt3A_803 = arith.cmpf ogt, %add3A_800, %gt3A_802 : vector<16xf32>
        %mul3A_804 = arith.constant 2.000000e-01 : f32
        %mul3A_805 = vector.broadcast %mul3A_804 : f32 to vector<16xf32>
        %mul3A_806 = arith.mulf %add3A_800, %mul3A_805 : vector<16xf32>
        %select_n3A_807 = arith.select %gt3A_803, %add3A_800, %mul3A_806 : vector<16xi1>, vector<16xf32>
        %exp3A_808 = math.exp %select_n3A_807 : vector<16xf32>
        %swap3A_809 = arith.constant 128 : index
        %swap3A_810 = tpu.vector_load %arg21[%swap3A_809] {strides = array<i32>} : memref<640xf32, #tpu.memory_space<vmem>>, vector<16xf32>,
        tpu.vector_store %arg21[%swap3A_809], %exp3A_808 {strides = array<i32>} : memref<640xf32, #tpu.memory_space<vmem>>, vector<16xf32>,
        %sub3A_811 = vector.broadcast %mul3A_0 : i32 to vector<16xi32>
        %sub3A_812 = arith.subi %get3A_795, %sub3A_811 : vector<16xi32>
        %ge3A_813 = arith.constant 0 : i32
        %ge3A_814 = vector.broadcast %ge3A_813 : i32 to vector<16xi32>
        %ge3A_815 = arith.cmpi sge, %sub3A_812, %ge3A_814 : vector<16xi32>
        %lt3A_816 = arith.constant 5120 : i32
        %lt3A_817 = vector.broadcast %lt3A_816 : i32 to vector<16xi32>
        %lt3A_818 = arith.cmpi slt, %sub3A_812, %lt3A_817 : vector<16xi32>
        %and3A_819 = arith.andi %ge3A_815, %lt3A_818 : vector<16xi1>
        %jit3A_820 = arith.constant 5120 : i32
        %broadcast_in_dim3A_821 = vector.broadcast %jit3A_820 : i32 to vector<16xi32>
        %select_n3A_822 = arith.select %and3A_819, %sub3A_812, %broadcast_in_dim3A_821 : vector<16xi1>, vector<16xi32>
        %swap3A_823 = arith.constant 0 : index
        %swap3A_824 = tpu.vector_load %arg18[%swap3A_823] {strides = array<i32>} : memref<112xi32, #tpu.memory_space<vmem>>, vector<16xi32>,
        tpu.vector_store %arg18[%swap3A_823], %select_n3A_822 {strides = array<i32>} : memref<112xi32, #tpu.memory_space<vmem>>, vector<16xi32>,
        %get3A_825 = arith.constant 16 : index
        %get3A_826 = tpu.vector_load %arg26[%get3A_825] {strides = array<i32>} : memref<112xi32, #tpu.memory_space<vmem>>, vector<16xi32>,
        %get3A_827 = arith.constant 16 : index
        %get3A_828 = tpu.vector_load %arg24[%get3A_827] {strides = array<i32>} : memref<112xi32, #tpu.memory_space<vmem>>, vector<16xi32>,
        %gather3A_829 = tpu.vector_load_idx %arg11[%get3A_826] : memref<10000xf32, #tpu.memory_space<vmem>>[vector<16xi32>], vector<16xf32>,
        %gather3A_830 = tpu.vector_load_idx %arg12[%get3A_828] : memref<10000xf32, #tpu.memory_space<vmem>>[vector<16xi32>], vector<16xf32>,
        %add3A_831 = arith.addf %gather3A_829, %gather3A_830 : vector<16xf32>
        %gt3A_832 = arith.constant 0.000000e+00 : f32
        %gt3A_833 = vector.broadcast %gt3A_832 : f32 to vector<16xf32>
        %gt3A_834 = arith.cmpf ogt, %add3A_831, %gt3A_833 : vector<16xf32>
        %mul3A_835 = arith.constant 2.000000e-01 : f32
        %mul3A_836 = vector.broadcast %mul3A_835 : f32 to vector<16xf32>
        %mul3A_837 = arith.mulf %add3A_831, %mul3A_836 : vector<16xf32>
        %select_n3A_838 = arith.select %gt3A_834, %add3A_831, %mul3A_837 : vector<16xi1>, vector<16xf32>
        %exp3A_839 = math.exp %select_n3A_838 : vector<16xf32>
        %swap3A_840 = arith.constant 144 : index
        %swap3A_841 = tpu.vector_load %arg21[%swap3A_840] {strides = array<i32>} : memref<640xf32, #tpu.memory_space<vmem>>, vector<16xf32>,
        tpu.vector_store %arg21[%swap3A_840], %exp3A_839 {strides = array<i32>} : memref<640xf32, #tpu.memory_space<vmem>>, vector<16xf32>,
        %sub3A_842 = vector.broadcast %mul3A_0 : i32 to vector<16xi32>
        %sub3A_843 = arith.subi %get3A_826, %sub3A_842 : vector<16xi32>
        %ge3A_844 = arith.constant 0 : i32
        %ge3A_845 = vector.broadcast %ge3A_844 : i32 to vector<16xi32>
        %ge3A_846 = arith.cmpi sge, %sub3A_843, %ge3A_845 : vector<16xi32>
        %lt3A_847 = arith.constant 5120 : i32
        %lt3A_848 = vector.broadcast %lt3A_847 : i32 to vector<16xi32>
        %lt3A_849 = arith.cmpi slt, %sub3A_843, %lt3A_848 : vector<16xi32>
        %and3A_850 = arith.andi %ge3A_846, %lt3A_849 : vector<16xi1>
        %jit3A_851 = arith.constant 5120 : i32
        %broadcast_in_dim3A_852 = vector.broadcast %jit3A_851 : i32 to vector<16xi32>
        %select_n3A_853 = arith.select %and3A_850, %sub3A_843, %broadcast_in_dim3A_852 : vector<16xi1>, vector<16xi32>
        %swap3A_854 = arith.constant 16 : index
        %swap3A_855 = tpu.vector_load %arg18[%swap3A_854] {strides = array<i32>} : memref<112xi32, #tpu.memory_space<vmem>>, vector<16xi32>,
        tpu.vector_store %arg18[%swap3A_854], %select_n3A_853 {strides = array<i32>} : memref<112xi32, #tpu.memory_space<vmem>>, vector<16xi32>,
        %get3A_856 = arith.constant 32 : index
        %get3A_857 = tpu.vector_load %arg26[%get3A_856] {strides = array<i32>} : memref<112xi32, #tpu.memory_space<vmem>>, vector<16xi32>,
        %get3A_858 = arith.constant 32 : index
        %get3A_859 = tpu.vector_load %arg24[%get3A_858] {strides = array<i32>} : memref<112xi32, #tpu.memory_space<vmem>>, vector<16xi32>,
        %gather3A_860 = tpu.vector_load_idx %arg11[%get3A_857] : memref<10000xf32, #tpu.memory_space<vmem>>[vector<16xi32>], vector<16xf32>,
        %gather3A_861 = tpu.vector_load_idx %arg12[%get3A_859] : memref<10000xf32, #tpu.memory_space<vmem>>[vector<16xi32>], vector<16xf32>,
        %add3A_862 = arith.addf %gather3A_860, %gather3A_861 : vector<16xf32>
        %gt3A_863 = arith.constant 0.000000e+00 : f32
        %gt3A_864 = vector.broadcast %gt3A_863 : f32 to vector<16xf32>
        %gt3A_865 = arith.cmpf ogt, %add3A_862, %gt3A_864 : vector<16xf32>
        %mul3A_866 = arith.constant 2.000000e-01 : f32
        %mul3A_867 = vector.broadcast %mul3A_866 : f32 to vector<16xf32>
        %mul3A_868 = arith.mulf %add3A_862, %mul3A_867 : vector<16xf32>
        %select_n3A_869 = arith.select %gt3A_865, %add3A_862, %mul3A_868 : vector<16xi1>, vector<16xf32>
        %exp3A_870 = math.exp %select_n3A_869 : vector<16xf32>
        %swap3A_871 = arith.constant 160 : index
        %swap3A_872 = tpu.vector_load %arg21[%swap3A_871] {strides = array<i32>} : memref<640xf32, #tpu.memory_space<vmem>>, vector<16xf32>,
        tpu.vector_store %arg21[%swap3A_871], %exp3A_870 {strides = array<i32>} : memref<640xf32, #tpu.memory_space<vmem>>, vector<16xf32>,
        %sub3A_873 = vector.broadcast %mul3A_0 : i32 to vector<16xi32>
        %sub3A_874 = arith.subi %get3A_857, %sub3A_873 : vector<16xi32>
        %ge3A_875 = arith.constant 0 : i32
        %ge3A_876 = vector.broadcast %ge3A_875 : i32 to vector<16xi32>
        %ge3A_877 = arith.cmpi sge, %sub3A_874, %ge3A_876 : vector<16xi32>
        %lt3A_878 = arith.constant 5120 : i32
        %lt3A_879 = vector.broadcast %lt3A_878 : i32 to vector<16xi32>
        %lt3A_880 = arith.cmpi slt, %sub3A_874, %lt3A_879 : vector<16xi32>
        %and3A_881 = arith.andi %ge3A_877, %lt3A_880 : vector<16xi1>
        %jit3A_882 = arith.constant 5120 : i32
        %broadcast_in_dim3A_883 = vector.broadcast %jit3A_882 : i32 to vector<16xi32>
        %select_n3A_884 = arith.select %and3A_881, %sub3A_874, %broadcast_in_dim3A_883 : vector<16xi1>, vector<16xi32>
        %swap3A_885 = arith.constant 32 : index
        %swap3A_886 = tpu.vector_load %arg18[%swap3A_885] {strides = array<i32>} : memref<112xi32, #tpu.memory_space<vmem>>, vector<16xi32>,
        tpu.vector_store %arg18[%swap3A_885], %select_n3A_884 {strides = array<i32>} : memref<112xi32, #tpu.memory_space<vmem>>, vector<16xi32>,
        %get3A_887 = arith.constant 48 : index
        %get3A_888 = tpu.vector_load %arg26[%get3A_887] {strides = array<i32>} : memref<112xi32, #tpu.memory_space<vmem>>, vector<16xi32>,
        %get3A_889 = arith.constant 48 : index
        %get3A_890 = tpu.vector_load %arg24[%get3A_889] {strides = array<i32>} : memref<112xi32, #tpu.memory_space<vmem>>, vector<16xi32>,
        %gather3A_891 = tpu.vector_load_idx %arg11[%get3A_888] : memref<10000xf32, #tpu.memory_space<vmem>>[vector<16xi32>], vector<16xf32>,
        %gather3A_892 = tpu.vector_load_idx %arg12[%get3A_890] : memref<10000xf32, #tpu.memory_space<vmem>>[vector<16xi32>], vector<16xf32>,
        %add3A_893 = arith.addf %gather3A_891, %gather3A_892 : vector<16xf32>
        %gt3A_894 = arith.constant 0.000000e+00 : f32
        %gt3A_895 = vector.broadcast %gt3A_894 : f32 to vector<16xf32>
        %gt3A_896 = arith.cmpf ogt, %add3A_893, %gt3A_895 : vector<16xf32>
        %mul3A_897 = arith.constant 2.000000e-01 : f32
        %mul3A_898 = vector.broadcast %mul3A_897 : f32 to vector<16xf32>
        %mul3A_899 = arith.mulf %add3A_893, %mul3A_898 : vector<16xf32>
        %select_n3A_900 = arith.select %gt3A_896, %add3A_893, %mul3A_899 : vector<16xi1>, vector<16xf32>
        %exp3A_901 = math.exp %select_n3A_900 : vector<16xf32>
        %swap3A_902 = arith.constant 176 : index
        %swap3A_903 = tpu.vector_load %arg21[%swap3A_902] {strides = array<i32>} : memref<640xf32, #tpu.memory_space<vmem>>, vector<16xf32>,
        tpu.vector_store %arg21[%swap3A_902], %exp3A_901 {strides = array<i32>} : memref<640xf32, #tpu.memory_space<vmem>>, vector<16xf32>,
        %sub3A_904 = vector.broadcast %mul3A_0 : i32 to vector<16xi32>
        %sub3A_905 = arith.subi %get3A_888, %sub3A_904 : vector<16xi32>
        %ge3A_906 = arith.constant 0 : i32
        %ge3A_907 = vector.broadcast %ge3A_906 : i32 to vector<16xi32>
        %ge3A_908 = arith.cmpi sge, %sub3A_905, %ge3A_907 : vector<16xi32>
        %lt3A_909 = arith.constant 5120 : i32
        %lt3A_910 = vector.broadcast %lt3A_909 : i32 to vector<16xi32>
        %lt3A_911 = arith.cmpi slt, %sub3A_905, %lt3A_910 : vector<16xi32>
        %and3A_912 = arith.andi %ge3A_908, %lt3A_911 : vector<16xi1>
        %jit3A_913 = arith.constant 5120 : i32
        %broadcast_in_dim3A_914 = vector.broadcast %jit3A_913 : i32 to vector<16xi32>
        %select_n3A_915 = arith.select %and3A_912, %sub3A_905, %broadcast_in_dim3A_914 : vector<16xi1>, vector<16xi32>
        %swap3A_916 = arith.constant 48 : index
        %swap3A_917 = tpu.vector_load %arg18[%swap3A_916] {strides = array<i32>} : memref<112xi32, #tpu.memory_space<vmem>>, vector<16xi32>,
        tpu.vector_store %arg18[%swap3A_916], %select_n3A_915 {strides = array<i32>} : memref<112xi32, #tpu.memory_space<vmem>>, vector<16xi32>,
        %get3A_918 = arith.constant 64 : index
        %get3A_919 = tpu.vector_load %arg26[%get3A_918] {strides = array<i32>} : memref<112xi32, #tpu.memory_space<vmem>>, vector<16xi32>,
        %get3A_920 = arith.constant 64 : index
        %get3A_921 = tpu.vector_load %arg24[%get3A_920] {strides = array<i32>} : memref<112xi32, #tpu.memory_space<vmem>>, vector<16xi32>,
        %gather3A_922 = tpu.vector_load_idx %arg11[%get3A_919] : memref<10000xf32, #tpu.memory_space<vmem>>[vector<16xi32>], vector<16xf32>,
        %gather3A_923 = tpu.vector_load_idx %arg12[%get3A_921] : memref<10000xf32, #tpu.memory_space<vmem>>[vector<16xi32>], vector<16xf32>,
        %add3A_924 = arith.addf %gather3A_922, %gather3A_923 : vector<16xf32>
        %gt3A_925 = arith.constant 0.000000e+00 : f32
        %gt3A_926 = vector.broadcast %gt3A_925 : f32 to vector<16xf32>
        %gt3A_927 = arith.cmpf ogt, %add3A_924, %gt3A_926 : vector<16xf32>
        %mul3A_928 = arith.constant 2.000000e-01 : f32
        %mul3A_929 = vector.broadcast %mul3A_928 : f32 to vector<16xf32>
        %mul3A_930 = arith.mulf %add3A_924, %mul3A_929 : vector<16xf32>
        %select_n3A_931 = arith.select %gt3A_927, %add3A_924, %mul3A_930 : vector<16xi1>, vector<16xf32>
        %exp3A_932 = math.exp %select_n3A_931 : vector<16xf32>
        %swap3A_933 = arith.constant 192 : index
        %swap3A_934 = tpu.vector_load %arg21[%swap3A_933] {strides = array<i32>} : memref<640xf32, #tpu.memory_space<vmem>>, vector<16xf32>,
        tpu.vector_store %arg21[%swap3A_933], %exp3A_932 {strides = array<i32>} : memref<640xf32, #tpu.memory_space<vmem>>, vector<16xf32>,
        %sub3A_935 = vector.broadcast %mul3A_0 : i32 to vector<16xi32>
        %sub3A_936 = arith.subi %get3A_919, %sub3A_935 : vector<16xi32>
        %ge3A_937 = arith.constant 0 : i32
        %ge3A_938 = vector.broadcast %ge3A_937 : i32 to vector<16xi32>
        %ge3A_939 = arith.cmpi sge, %sub3A_936, %ge3A_938 : vector<16xi32>
        %lt3A_940 = arith.constant 5120 : i32
        %lt3A_941 = vector.broadcast %lt3A_940 : i32 to vector<16xi32>
        %lt3A_942 = arith.cmpi slt, %sub3A_936, %lt3A_941 : vector<16xi32>
        %and3A_943 = arith.andi %ge3A_939, %lt3A_942 : vector<16xi1>
        %jit3A_944 = arith.constant 5120 : i32
        %broadcast_in_dim3A_945 = vector.broadcast %jit3A_944 : i32 to vector<16xi32>
        %select_n3A_946 = arith.select %and3A_943, %sub3A_936, %broadcast_in_dim3A_945 : vector<16xi1>, vector<16xi32>
        %swap3A_947 = arith.constant 64 : index
        %swap3A_948 = tpu.vector_load %arg18[%swap3A_947] {strides = array<i32>} : memref<112xi32, #tpu.memory_space<vmem>>, vector<16xi32>,
        tpu.vector_store %arg18[%swap3A_947], %select_n3A_946 {strides = array<i32>} : memref<112xi32, #tpu.memory_space<vmem>>, vector<16xi32>,
        %get3A_949 = arith.constant 80 : index
        %get3A_950 = tpu.vector_load %arg26[%get3A_949] {strides = array<i32>} : memref<112xi32, #tpu.memory_space<vmem>>, vector<16xi32>,
        %get3A_951 = arith.constant 80 : index
        %get3A_952 = tpu.vector_load %arg24[%get3A_951] {strides = array<i32>} : memref<112xi32, #tpu.memory_space<vmem>>, vector<16xi32>,
        %gather3A_953 = tpu.vector_load_idx %arg11[%get3A_950] : memref<10000xf32, #tpu.memory_space<vmem>>[vector<16xi32>], vector<16xf32>,
        %gather3A_954 = tpu.vector_load_idx %arg12[%get3A_952] : memref<10000xf32, #tpu.memory_space<vmem>>[vector<16xi32>], vector<16xf32>,
        %add3A_955 = arith.addf %gather3A_953, %gather3A_954 : vector<16xf32>
        %gt3A_956 = arith.constant 0.000000e+00 : f32
        %gt3A_957 = vector.broadcast %gt3A_956 : f32 to vector<16xf32>
        %gt3A_958 = arith.cmpf ogt, %add3A_955, %gt3A_957 : vector<16xf32>
        %mul3A_959 = arith.constant 2.000000e-01 : f32
        %mul3A_960 = vector.broadcast %mul3A_959 : f32 to vector<16xf32>
        %mul3A_961 = arith.mulf %add3A_955, %mul3A_960 : vector<16xf32>
        %select_n3A_962 = arith.select %gt3A_958, %add3A_955, %mul3A_961 : vector<16xi1>, vector<16xf32>
        %exp3A_963 = math.exp %select_n3A_962 : vector<16xf32>
        %swap3A_964 = arith.constant 208 : index
        %swap3A_965 = tpu.vector_load %arg21[%swap3A_964] {strides = array<i32>} : memref<640xf32, #tpu.memory_space<vmem>>, vector<16xf32>,
        tpu.vector_store %arg21[%swap3A_964], %exp3A_963 {strides = array<i32>} : memref<640xf32, #tpu.memory_space<vmem>>, vector<16xf32>,
        %sub3A_966 = vector.broadcast %mul3A_0 : i32 to vector<16xi32>
        %sub3A_967 = arith.subi %get3A_950, %sub3A_966 : vector<16xi32>
        %ge3A_968 = arith.constant 0 : i32
        %ge3A_969 = vector.broadcast %ge3A_968 : i32 to vector<16xi32>
        %ge3A_970 = arith.cmpi sge, %sub3A_967, %ge3A_969 : vector<16xi32>
        %lt3A_971 = arith.constant 5120 : i32
        %lt3A_972 = vector.broadcast %lt3A_971 : i32 to vector<16xi32>
        %lt3A_973 = arith.cmpi slt, %sub3A_967, %lt3A_972 : vector<16xi32>
        %and3A_974 = arith.andi %ge3A_970, %lt3A_973 : vector<16xi1>
        %jit3A_975 = arith.constant 5120 : i32
        %broadcast_in_dim3A_976 = vector.broadcast %jit3A_975 : i32 to vector<16xi32>
        %select_n3A_977 = arith.select %and3A_974, %sub3A_967, %broadcast_in_dim3A_976 : vector<16xi1>, vector<16xi32>
        %swap3A_978 = arith.constant 80 : index
        %swap3A_979 = tpu.vector_load %arg18[%swap3A_978] {strides = array<i32>} : memref<112xi32, #tpu.memory_space<vmem>>, vector<16xi32>,
        tpu.vector_store %arg18[%swap3A_978], %select_n3A_977 {strides = array<i32>} : memref<112xi32, #tpu.memory_space<vmem>>, vector<16xi32>,
        %get3A_980 = arith.constant 96 : index
        %get3A_981 = tpu.vector_load %arg26[%get3A_980] {strides = array<i32>} : memref<112xi32, #tpu.memory_space<vmem>>, vector<16xi32>,
        %get3A_982 = arith.constant 96 : index
        %get3A_983 = tpu.vector_load %arg24[%get3A_982] {strides = array<i32>} : memref<112xi32, #tpu.memory_space<vmem>>, vector<16xi32>,
        %gather3A_984 = tpu.vector_load_idx %arg11[%get3A_981] : memref<10000xf32, #tpu.memory_space<vmem>>[vector<16xi32>], vector<16xf32>,
        %gather3A_985 = tpu.vector_load_idx %arg12[%get3A_983] : memref<10000xf32, #tpu.memory_space<vmem>>[vector<16xi32>], vector<16xf32>,
        %add3A_986 = arith.addf %gather3A_984, %gather3A_985 : vector<16xf32>
        %gt3A_987 = arith.constant 0.000000e+00 : f32
        %gt3A_988 = vector.broadcast %gt3A_987 : f32 to vector<16xf32>
        %gt3A_989 = arith.cmpf ogt, %add3A_986, %gt3A_988 : vector<16xf32>
        %mul3A_990 = arith.constant 2.000000e-01 : f32
        %mul3A_991 = vector.broadcast %mul3A_990 : f32 to vector<16xf32>
        %mul3A_992 = arith.mulf %add3A_986, %mul3A_991 : vector<16xf32>
        %select_n3A_993 = arith.select %gt3A_989, %add3A_986, %mul3A_992 : vector<16xi1>, vector<16xf32>
        %exp3A_994 = math.exp %select_n3A_993 : vector<16xf32>
        %swap3A_995 = arith.constant 224 : index
        %swap3A_996 = tpu.vector_load %arg21[%swap3A_995] {strides = array<i32>} : memref<640xf32, #tpu.memory_space<vmem>>, vector<16xf32>,
        tpu.vector_store %arg21[%swap3A_995], %exp3A_994 {strides = array<i32>} : memref<640xf32, #tpu.memory_space<vmem>>, vector<16xf32>,
        %sub3A_997 = vector.broadcast %mul3A_0 : i32 to vector<16xi32>
        %sub3A_998 = arith.subi %get3A_981, %sub3A_997 : vector<16xi32>
        %ge3A_999 = arith.constant 0 : i32
        %ge3A_1000 = vector.broadcast %ge3A_999 : i32 to vector<16xi32>
        %ge3A_1001 = arith.cmpi sge, %sub3A_998, %ge3A_1000 : vector<16xi32>
        %lt3A_1002 = arith.constant 5120 : i32
        %lt3A_1003 = vector.broadcast %lt3A_1002 : i32 to vector<16xi32>
        %lt3A_1004 = arith.cmpi slt, %sub3A_998, %lt3A_1003 : vector<16xi32>
        %and3A_1005 = arith.andi %ge3A_1001, %lt3A_1004 : vector<16xi1>
        %jit3A_1006 = arith.constant 5120 : i32
        %broadcast_in_dim3A_1007 = vector.broadcast %jit3A_1006 : i32 to vector<16xi32>
        %select_n3A_1008 = arith.select %and3A_1005, %sub3A_998, %broadcast_in_dim3A_1007 : vector<16xi1>, vector<16xi32>
        %swap3A_1009 = arith.constant 96 : index
        %swap3A_1010 = tpu.vector_load %arg18[%swap3A_1009] {strides = array<i32>} : memref<112xi32, #tpu.memory_space<vmem>>, vector<16xi32>,
        tpu.vector_store %arg18[%swap3A_1009], %select_n3A_1008 {strides = array<i32>} : memref<112xi32, #tpu.memory_space<vmem>>, vector<16xi32>,
        %dma_wait3A_1011 = arith.constant 0 : i32
        %dma_wait3A_1012 = arith.constant 0 : i32
        %dma_wait3A_1013 = tpu.memref_slice %arg19[%dma_wait3A_1011, %dma_wait3A_1012] : memref<240x128xf32, #tpu.memory_space<vmem>> -> memref<128x128xf32, #tpu.memory_space<vmem>>
        %dma_wait3A_1014 = arith.constant 0 : i32
        %dma_wait3A_1015 = arith.constant 0 : i32
        %dma_wait3A_1016 = tpu.memref_slice %arg2[%dma_wait3A_1014, %dma_wait3A_1015] : memref<10000x128xf32, #tpu.memory_space<hbm>> -> memref<10000x128xf32, #tpu.memory_space<hbm>>
        tpu.wait_indirect_dma semaphore(%arg29 : memref<!tpu.dma_semaphore, #tpu.memory_space<semaphore_mem>>) src(%dma_wait3A_1016 : memref<10000x128xf32, #tpu.memory_space<hbm>>) dst(%dma_wait3A_1013 : memref<128x128xf32, #tpu.memory_space<vmem>>)
        %dma_wait3A_1017 = arith.constant 128 : i32
        %dma_wait3A_1018 = arith.constant 0 : i32
        %dma_wait3A_1019 = tpu.memref_slice %arg19[%dma_wait3A_1017, %dma_wait3A_1018] : memref<240x128xf32, #tpu.memory_space<vmem>> -> memref<112x128xf32, #tpu.memory_space<vmem>>
        %dma_wait3A_1020 = arith.constant 0 : i32
        %dma_wait3A_1021 = arith.constant 0 : i32
        %dma_wait3A_1022 = tpu.memref_slice %arg2[%dma_wait3A_1020, %dma_wait3A_1021] : memref<10000x128xf32, #tpu.memory_space<hbm>> -> memref<10000x128xf32, #tpu.memory_space<hbm>>
        tpu.wait_indirect_dma semaphore(%arg29 : memref<!tpu.dma_semaphore, #tpu.memory_space<semaphore_mem>>) src(%dma_wait3A_1022 : memref<10000x128xf32, #tpu.memory_space<hbm>>) dst(%dma_wait3A_1019 : memref<112x128xf32, #tpu.memory_space<vmem>>)
        %convert_element_type3A_1023 = arith.extui %eq3A_522 : i1 to i32
        %cond3A_1024 = arith.constant 0 : i32
        %cond3A_1025 = arith.cmpi ne, %convert_element_type3A_1023, %cond3A_1024 : i32
        scf.if %cond3A_1025 {
          %dma_start3A_1065 = arith.constant 0 : i32
          %dma_start3A_1066 = tpu.memref_slice %arg7[%mul3A_515, %dma_start3A_1065] : memref<330000x128xf32, #tpu.memory_space<hbm>> -> memref<240x128xf32, #tpu.memory_space<hbm>>
          %dma_start3A_1067 = arith.constant 0 : i32
          %dma_start3A_1068 = tpu.memref_slice %arg7[%mul3A_515, %dma_start3A_1067] : memref<330000x128xf32, #tpu.memory_space<hbm>> -> memref<240x128xf32, #tpu.memory_space<hbm>>
          tpu.enqueue_dma source(%arg19 : memref<240x128xf32, #tpu.memory_space<vmem>>) target(%dma_start3A_1068 : memref<240x128xf32, #tpu.memory_space<hbm>>) target_semaphore(%arg30 : memref<!tpu.dma_semaphore, #tpu.memory_space<semaphore_mem>>)
          %dma_start3A_1069 = arith.constant 0 : i32
          %dma_start3A_1070 = tpu.memref_slice %arg21[%dma_start3A_1069] : memref<640xf32, #tpu.memory_space<vmem>> -> memref<240xf32, #tpu.memory_space<vmem>>
          %dma_start3A_1071 = tpu.memref_slice %arg8[%mul3A_515] : memref<330000xf32, #tpu.memory_space<hbm>> -> memref<240xf32, #tpu.memory_space<hbm>>
          %dma_start3A_1072 = tpu.memref_slice %arg8[%mul3A_515] : memref<330000xf32, #tpu.memory_space<hbm>> -> memref<240xf32, #tpu.memory_space<hbm>>
          %dma_start3A_1073 = arith.constant 0 : i32
          %dma_start3A_1074 = tpu.memref_slice %arg21[%dma_start3A_1073] : memref<640xf32, #tpu.memory_space<vmem>> -> memref<240xf32, #tpu.memory_space<vmem>>
          tpu.enqueue_dma source(%dma_start3A_1074 : memref<240xf32, #tpu.memory_space<vmem>>) target(%dma_start3A_1072 : memref<240xf32, #tpu.memory_space<hbm>>) target_semaphore(%arg30 : memref<!tpu.dma_semaphore, #tpu.memory_space<semaphore_mem>>)
        } else {
        }
        %parallel_loop3A = arith.constant 0 : i32
        %parallel_loop3A_1026 = arith.constant 240 : i32
        %parallel_loop3A_1027 = arith.constant 1 : i32
        scf.for %parallel_loop3A_1065 = %parallel_loop3A to %parallel_loop3A_1026 step %parallel_loop3A_1027  : i32 {
          %parallel_loop3A_1066 = vector.broadcast %parallel_loop3A_1065 : i32 to vector<16xi32>
          %parallel_loop3A_1067 = tpu.vector_load_idx %arg21[%parallel_loop3A_1066] : memref<640xf32, #tpu.memory_space<vmem>>[vector<16xi32>], vector<16xf32>,
          %parallel_loop3A_1068 = arith.index_cast %parallel_loop3A_1065 : i32 to index
          %parallel_loop3A_1069 = arith.constant 0 : index
          %parallel_loop3A_1070 = tpu.vector_load %arg19[%parallel_loop3A_1068, %parallel_loop3A_1069] {strides = array<i32>} : memref<240x128xf32, #tpu.memory_space<vmem>>, vector<16xf32>,
          %parallel_loop3A_1071 = arith.mulf %parallel_loop3A_1070, %parallel_loop3A_1067 : vector<16xf32>
          %parallel_loop3A_1072 = arith.index_cast %parallel_loop3A_1065 : i32 to index
          %parallel_loop3A_1073 = arith.constant 0 : index
          %parallel_loop3A_1074 = tpu.vector_load %arg20[%parallel_loop3A_1072, %parallel_loop3A_1073] {strides = array<i32>} : memref<240x128xf32, #tpu.memory_space<vmem>>, vector<16xf32>,
          tpu.vector_store %arg20[%parallel_loop3A_1072, %parallel_loop3A_1073], %parallel_loop3A_1071 {strides = array<i32>} : memref<240x128xf32, #tpu.memory_space<vmem>>, vector<16xf32>,
          %parallel_loop3A_1075 = arith.index_cast %parallel_loop3A_1065 : i32 to index
          %parallel_loop3A_1076 = arith.constant 16 : index
          %parallel_loop3A_1077 = tpu.vector_load %arg19[%parallel_loop3A_1075, %parallel_loop3A_1076] {strides = array<i32>} : memref<240x128xf32, #tpu.memory_space<vmem>>, vector<16xf32>,
          %parallel_loop3A_1078 = arith.mulf %parallel_loop3A_1077, %parallel_loop3A_1067 : vector<16xf32>
          %parallel_loop3A_1079 = arith.index_cast %parallel_loop3A_1065 : i32 to index
          %parallel_loop3A_1080 = arith.constant 16 : index
          %parallel_loop3A_1081 = tpu.vector_load %arg20[%parallel_loop3A_1079, %parallel_loop3A_1080] {strides = array<i32>} : memref<240x128xf32, #tpu.memory_space<vmem>>, vector<16xf32>,
          tpu.vector_store %arg20[%parallel_loop3A_1079, %parallel_loop3A_1080], %parallel_loop3A_1078 {strides = array<i32>} : memref<240x128xf32, #tpu.memory_space<vmem>>, vector<16xf32>,
          %parallel_loop3A_1082 = arith.index_cast %parallel_loop3A_1065 : i32 to index
          %parallel_loop3A_1083 = arith.constant 32 : index
          %parallel_loop3A_1084 = tpu.vector_load %arg19[%parallel_loop3A_1082, %parallel_loop3A_1083] {strides = array<i32>} : memref<240x128xf32, #tpu.memory_space<vmem>>, vector<16xf32>,
          %parallel_loop3A_1085 = arith.mulf %parallel_loop3A_1084, %parallel_loop3A_1067 : vector<16xf32>
          %parallel_loop3A_1086 = arith.index_cast %parallel_loop3A_1065 : i32 to index
          %parallel_loop3A_1087 = arith.constant 32 : index
          %parallel_loop3A_1088 = tpu.vector_load %arg20[%parallel_loop3A_1086, %parallel_loop3A_1087] {strides = array<i32>} : memref<240x128xf32, #tpu.memory_space<vmem>>, vector<16xf32>,
          tpu.vector_store %arg20[%parallel_loop3A_1086, %parallel_loop3A_1087], %parallel_loop3A_1085 {strides = array<i32>} : memref<240x128xf32, #tpu.memory_space<vmem>>, vector<16xf32>,
          %parallel_loop3A_1089 = arith.index_cast %parallel_loop3A_1065 : i32 to index
          %parallel_loop3A_1090 = arith.constant 48 : index
          %parallel_loop3A_1091 = tpu.vector_load %arg19[%parallel_loop3A_1089, %parallel_loop3A_1090] {strides = array<i32>} : memref<240x128xf32, #tpu.memory_space<vmem>>, vector<16xf32>,
          %parallel_loop3A_1092 = arith.mulf %parallel_loop3A_1091, %parallel_loop3A_1067 : vector<16xf32>
          %parallel_loop3A_1093 = arith.index_cast %parallel_loop3A_1065 : i32 to index
          %parallel_loop3A_1094 = arith.constant 48 : index
          %parallel_loop3A_1095 = tpu.vector_load %arg20[%parallel_loop3A_1093, %parallel_loop3A_1094] {strides = array<i32>} : memref<240x128xf32, #tpu.memory_space<vmem>>, vector<16xf32>,
          tpu.vector_store %arg20[%parallel_loop3A_1093, %parallel_loop3A_1094], %parallel_loop3A_1092 {strides = array<i32>} : memref<240x128xf32, #tpu.memory_space<vmem>>, vector<16xf32>,
          %parallel_loop3A_1096 = arith.index_cast %parallel_loop3A_1065 : i32 to index
          %parallel_loop3A_1097 = arith.constant 64 : index
          %parallel_loop3A_1098 = tpu.vector_load %arg19[%parallel_loop3A_1096, %parallel_loop3A_1097] {strides = array<i32>} : memref<240x128xf32, #tpu.memory_space<vmem>>, vector<16xf32>,
          %parallel_loop3A_1099 = arith.mulf %parallel_loop3A_1098, %parallel_loop3A_1067 : vector<16xf32>
          %parallel_loop3A_1100 = arith.index_cast %parallel_loop3A_1065 : i32 to index
          %parallel_loop3A_1101 = arith.constant 64 : index
          %parallel_loop3A_1102 = tpu.vector_load %arg20[%parallel_loop3A_1100, %parallel_loop3A_1101] {strides = array<i32>} : memref<240x128xf32, #tpu.memory_space<vmem>>, vector<16xf32>,
          tpu.vector_store %arg20[%parallel_loop3A_1100, %parallel_loop3A_1101], %parallel_loop3A_1099 {strides = array<i32>} : memref<240x128xf32, #tpu.memory_space<vmem>>, vector<16xf32>,
          %parallel_loop3A_1103 = arith.index_cast %parallel_loop3A_1065 : i32 to index
          %parallel_loop3A_1104 = arith.constant 80 : index
          %parallel_loop3A_1105 = tpu.vector_load %arg19[%parallel_loop3A_1103, %parallel_loop3A_1104] {strides = array<i32>} : memref<240x128xf32, #tpu.memory_space<vmem>>, vector<16xf32>,
          %parallel_loop3A_1106 = arith.mulf %parallel_loop3A_1105, %parallel_loop3A_1067 : vector<16xf32>
          %parallel_loop3A_1107 = arith.index_cast %parallel_loop3A_1065 : i32 to index
          %parallel_loop3A_1108 = arith.constant 80 : index
          %parallel_loop3A_1109 = tpu.vector_load %arg20[%parallel_loop3A_1107, %parallel_loop3A_1108] {strides = array<i32>} : memref<240x128xf32, #tpu.memory_space<vmem>>, vector<16xf32>,
          tpu.vector_store %arg20[%parallel_loop3A_1107, %parallel_loop3A_1108], %parallel_loop3A_1106 {strides = array<i32>} : memref<240x128xf32, #tpu.memory_space<vmem>>, vector<16xf32>,
          %parallel_loop3A_1110 = arith.index_cast %parallel_loop3A_1065 : i32 to index
          %parallel_loop3A_1111 = arith.constant 96 : index
          %parallel_loop3A_1112 = tpu.vector_load %arg19[%parallel_loop3A_1110, %parallel_loop3A_1111] {strides = array<i32>} : memref<240x128xf32, #tpu.memory_space<vmem>>, vector<16xf32>,
          %parallel_loop3A_1113 = arith.mulf %parallel_loop3A_1112, %parallel_loop3A_1067 : vector<16xf32>
          %parallel_loop3A_1114 = arith.index_cast %parallel_loop3A_1065 : i32 to index
          %parallel_loop3A_1115 = arith.constant 96 : index
          %parallel_loop3A_1116 = tpu.vector_load %arg20[%parallel_loop3A_1114, %parallel_loop3A_1115] {strides = array<i32>} : memref<240x128xf32, #tpu.memory_space<vmem>>, vector<16xf32>,
          tpu.vector_store %arg20[%parallel_loop3A_1114, %parallel_loop3A_1115], %parallel_loop3A_1113 {strides = array<i32>} : memref<240x128xf32, #tpu.memory_space<vmem>>, vector<16xf32>,
          %parallel_loop3A_1117 = arith.index_cast %parallel_loop3A_1065 : i32 to index
          %parallel_loop3A_1118 = arith.constant 112 : index
          %parallel_loop3A_1119 = tpu.vector_load %arg19[%parallel_loop3A_1117, %parallel_loop3A_1118] {strides = array<i32>} : memref<240x128xf32, #tpu.memory_space<vmem>>, vector<16xf32>,
          %parallel_loop3A_1120 = arith.mulf %parallel_loop3A_1119, %parallel_loop3A_1067 : vector<16xf32>
          %parallel_loop3A_1121 = arith.index_cast %parallel_loop3A_1065 : i32 to index
          %parallel_loop3A_1122 = arith.constant 112 : index
          %parallel_loop3A_1123 = tpu.vector_load %arg20[%parallel_loop3A_1121, %parallel_loop3A_1122] {strides = array<i32>} : memref<240x128xf32, #tpu.memory_space<vmem>>, vector<16xf32>,
          tpu.vector_store %arg20[%parallel_loop3A_1121, %parallel_loop3A_1122], %parallel_loop3A_1120 {strides = array<i32>} : memref<240x128xf32, #tpu.memory_space<vmem>>, vector<16xf32>,
        } {sc.loop_unroll_factor = 4 : i64, sc.parallel_access}
        %convert_element_type3A_1028 = arith.extui %eq3A_522 : i1 to i32
        %cond3A_1029 = arith.constant 0 : i32
        %cond3A_1030 = arith.cmpi ne, %convert_element_type3A_1028, %cond3A_1029 : i32
        scf.if %cond3A_1030 {
          %dma_wait3A_1065 = arith.constant 0 : i32
          %dma_wait3A_1066 = tpu.memref_slice %arg7[%mul3A_515, %dma_wait3A_1065] : memref<330000x128xf32, #tpu.memory_space<hbm>> -> memref<240x128xf32, #tpu.memory_space<hbm>>
          %dma_wait3A_1067 = arith.constant 0 : i32
          %dma_wait3A_1068 = tpu.memref_slice %arg7[%mul3A_515, %dma_wait3A_1067] : memref<330000x128xf32, #tpu.memory_space<hbm>> -> memref<240x128xf32, #tpu.memory_space<hbm>>
          tpu.wait_dma2 semaphore(%arg30 : memref<!tpu.dma_semaphore, #tpu.memory_space<semaphore_mem>>) src(%arg19 : memref<240x128xf32, #tpu.memory_space<vmem>>) dst(%dma_wait3A_1068 : memref<240x128xf32, #tpu.memory_space<hbm>>)
          %dma_wait3A_1069 = arith.constant 0 : i32
          %dma_wait3A_1070 = tpu.memref_slice %arg21[%dma_wait3A_1069] : memref<640xf32, #tpu.memory_space<vmem>> -> memref<240xf32, #tpu.memory_space<vmem>>
          %dma_wait3A_1071 = tpu.memref_slice %arg8[%mul3A_515] : memref<330000xf32, #tpu.memory_space<hbm>> -> memref<240xf32, #tpu.memory_space<hbm>>
          %dma_wait3A_1072 = tpu.memref_slice %arg8[%mul3A_515] : memref<330000xf32, #tpu.memory_space<hbm>> -> memref<240xf32, #tpu.memory_space<hbm>>
          %dma_wait3A_1073 = arith.constant 0 : i32
          %dma_wait3A_1074 = tpu.memref_slice %arg21[%dma_wait3A_1073] : memref<640xf32, #tpu.memory_space<vmem>> -> memref<240xf32, #tpu.memory_space<vmem>>
          tpu.wait_dma2 semaphore(%arg30 : memref<!tpu.dma_semaphore, #tpu.memory_space<semaphore_mem>>) src(%dma_wait3A_1074 : memref<240xf32, #tpu.memory_space<vmem>>) dst(%dma_wait3A_1072 : memref<240xf32, #tpu.memory_space<hbm>>)
        } else {
        }
        %dma_start3A_1031 = arith.constant 0 : i32
        %dma_start3A_1032 = arith.constant 0 : i32
        %dma_start3A_1033 = tpu.memref_slice %arg20[%dma_start3A_1031, %dma_start3A_1032] : memref<240x128xf32, #tpu.memory_space<vmem>> -> memref<128x128xf32, #tpu.memory_space<vmem>>
        %dma_start3A_1034 = arith.constant 0 : i32
        %dma_start3A_1035 = arith.constant 0 : i32
        %dma_start3A_1036 = tpu.memref_slice %arg27[%dma_start3A_1034, %dma_start3A_1035] : memref<5128x128xf32, #tpu.memory_space<vmem_shared>> -> memref<5128x128xf32, #tpu.memory_space<vmem_shared>>
        tpu.enqueue_indirect_dma source(%dma_start3A_1033 : memref<128x128xf32, #tpu.memory_space<vmem>>) target(%dma_start3A_1036 : memref<5128x128xf32, #tpu.memory_space<vmem_shared>>) offsets(%arg17 : memref<128xi32, #tpu.memory_space<vmem>>) semaphore(%arg29 : memref<!tpu.dma_semaphore, #tpu.memory_space<semaphore_mem>>) {add = true}
        %dma_start3A_1037 = arith.constant 128 : i32
        %dma_start3A_1038 = arith.constant 0 : i32
        %dma_start3A_1039 = tpu.memref_slice %arg20[%dma_start3A_1037, %dma_start3A_1038] : memref<240x128xf32, #tpu.memory_space<vmem>> -> memref<112x128xf32, #tpu.memory_space<vmem>>
        %dma_start3A_1040 = arith.constant 0 : i32
        %dma_start3A_1041 = arith.constant 0 : i32
        %dma_start3A_1042 = tpu.memref_slice %arg27[%dma_start3A_1040, %dma_start3A_1041] : memref<5128x128xf32, #tpu.memory_space<vmem_shared>> -> memref<5128x128xf32, #tpu.memory_space<vmem_shared>>
        tpu.enqueue_indirect_dma source(%dma_start3A_1039 : memref<112x128xf32, #tpu.memory_space<vmem>>) target(%dma_start3A_1042 : memref<5128x128xf32, #tpu.memory_space<vmem_shared>>) offsets(%arg18 : memref<112xi32, #tpu.memory_space<vmem>>) semaphore(%arg29 : memref<!tpu.dma_semaphore, #tpu.memory_space<semaphore_mem>>) {add = true}
        %eq3A_1043 = arith.constant 0 : i32
        %eq3A_1044 = arith.cmpi eq, %arg0, %eq3A_1043 : i32
        %convert_element_type3A_1045 = arith.extui %eq3A_1044 : i1 to i32
        %cond3A_1046 = arith.constant 0 : i32
        %cond3A_1047 = arith.cmpi ne, %convert_element_type3A_1045, %cond3A_1046 : i32
        scf.if %cond3A_1047 {
          %dma_start3A_1065 = arith.constant 0 : i32
          %dma_start3A_1066 = tpu.memref_slice %arg21[%dma_start3A_1065] : memref<640xf32, #tpu.memory_space<vmem>> -> memref<128xf32, #tpu.memory_space<vmem>>
          %dma_start3A_1067 = arith.constant 0 : i32
          %dma_start3A_1068 = tpu.memref_slice %arg28[%dma_start3A_1067] : memref<10240xf32, #tpu.memory_space<vmem_shared>> -> memref<10240xf32, #tpu.memory_space<vmem_shared>>
          tpu.enqueue_indirect_dma source(%dma_start3A_1066 : memref<128xf32, #tpu.memory_space<vmem>>) target(%dma_start3A_1068 : memref<10240xf32, #tpu.memory_space<vmem_shared>>) offsets(%arg25 : memref<128xi32, #tpu.memory_space<vmem>>) semaphore(%arg30 : memref<!tpu.dma_semaphore, #tpu.memory_space<semaphore_mem>>) {add = true}
          %dma_start3A_1069 = arith.constant 128 : i32
          %dma_start3A_1070 = tpu.memref_slice %arg21[%dma_start3A_1069] : memref<640xf32, #tpu.memory_space<vmem>> -> memref<112xf32, #tpu.memory_space<vmem>>
          %dma_start3A_1071 = arith.constant 0 : i32
          %dma_start3A_1072 = tpu.memref_slice %arg28[%dma_start3A_1071] : memref<10240xf32, #tpu.memory_space<vmem_shared>> -> memref<10240xf32, #tpu.memory_space<vmem_shared>>
          tpu.enqueue_indirect_dma source(%dma_start3A_1070 : memref<112xf32, #tpu.memory_space<vmem>>) target(%dma_start3A_1072 : memref<10240xf32, #tpu.memory_space<vmem_shared>>) offsets(%arg26 : memref<112xi32, #tpu.memory_space<vmem>>) semaphore(%arg30 : memref<!tpu.dma_semaphore, #tpu.memory_space<semaphore_mem>>) {add = true}
        } else {
        }
        %dma_wait3A_1048 = arith.constant 0 : i32
        %dma_wait3A_1049 = arith.constant 0 : i32
        %dma_wait3A_1050 = tpu.memref_slice %arg20[%dma_wait3A_1048, %dma_wait3A_1049] : memref<240x128xf32, #tpu.memory_space<vmem>> -> memref<128x128xf32, #tpu.memory_space<vmem>>
        %dma_wait3A_1051 = arith.constant 0 : i32
        %dma_wait3A_1052 = arith.constant 0 : i32
        %dma_wait3A_1053 = tpu.memref_slice %arg27[%dma_wait3A_1051, %dma_wait3A_1052] : memref<5128x128xf32, #tpu.memory_space<vmem_shared>> -> memref<5128x128xf32, #tpu.memory_space<vmem_shared>>
        tpu.wait_indirect_dma semaphore(%arg29 : memref<!tpu.dma_semaphore, #tpu.memory_space<semaphore_mem>>) src(%dma_wait3A_1050 : memref<128x128xf32, #tpu.memory_space<vmem>>) dst(%dma_wait3A_1053 : memref<5128x128xf32, #tpu.memory_space<vmem_shared>>)
        %dma_wait3A_1054 = arith.constant 128 : i32
        %dma_wait3A_1055 = arith.constant 0 : i32
        %dma_wait3A_1056 = tpu.memref_slice %arg20[%dma_wait3A_1054, %dma_wait3A_1055] : memref<240x128xf32, #tpu.memory_space<vmem>> -> memref<112x128xf32, #tpu.memory_space<vmem>>
        %dma_wait3A_1057 = arith.constant 0 : i32
        %dma_wait3A_1058 = arith.constant 0 : i32
        %dma_wait3A_1059 = tpu.memref_slice %arg27[%dma_wait3A_1057, %dma_wait3A_1058] : memref<5128x128xf32, #tpu.memory_space<vmem_shared>> -> memref<5128x128xf32, #tpu.memory_space<vmem_shared>>
        tpu.wait_indirect_dma semaphore(%arg29 : memref<!tpu.dma_semaphore, #tpu.memory_space<semaphore_mem>>) src(%dma_wait3A_1056 : memref<112x128xf32, #tpu.memory_space<vmem>>) dst(%dma_wait3A_1059 : memref<5128x128xf32, #tpu.memory_space<vmem_shared>>)
        %eq3A_1060 = arith.constant 0 : i32
        %eq3A_1061 = arith.cmpi eq, %arg0, %eq3A_1060 : i32
        %convert_element_type3A_1062 = arith.extui %eq3A_1061 : i1 to i32
        %cond3A_1063 = arith.constant 0 : i32
        %cond3A_1064 = arith.cmpi ne, %convert_element_type3A_1062, %cond3A_1063 : i32
        scf.if %cond3A_1064 {
          %dma_wait3A_1065 = arith.constant 0 : i32
          %dma_wait3A_1066 = tpu.memref_slice %arg21[%dma_wait3A_1065] : memref<640xf32, #tpu.memory_space<vmem>> -> memref<128xf32, #tpu.memory_space<vmem>>
          %dma_wait3A_1067 = arith.constant 0 : i32
          %dma_wait3A_1068 = tpu.memref_slice %arg28[%dma_wait3A_1067] : memref<10240xf32, #tpu.memory_space<vmem_shared>> -> memref<10240xf32, #tpu.memory_space<vmem_shared>>
          tpu.wait_indirect_dma semaphore(%arg30 : memref<!tpu.dma_semaphore, #tpu.memory_space<semaphore_mem>>) src(%dma_wait3A_1066 : memref<128xf32, #tpu.memory_space<vmem>>) dst(%dma_wait3A_1068 : memref<10240xf32, #tpu.memory_space<vmem_shared>>)
          %dma_wait3A_1069 = arith.constant 128 : i32
          %dma_wait3A_1070 = tpu.memref_slice %arg21[%dma_wait3A_1069] : memref<640xf32, #tpu.memory_space<vmem>> -> memref<112xf32, #tpu.memory_space<vmem>>
          %dma_wait3A_1071 = arith.constant 0 : i32
          %dma_wait3A_1072 = tpu.memref_slice %arg28[%dma_wait3A_1071] : memref<10240xf32, #tpu.memory_space<vmem_shared>> -> memref<10240xf32, #tpu.memory_space<vmem_shared>>
          tpu.wait_indirect_dma semaphore(%arg30 : memref<!tpu.dma_semaphore, #tpu.memory_space<semaphore_mem>>) src(%dma_wait3A_1070 : memref<112xf32, #tpu.memory_space<vmem>>) dst(%dma_wait3A_1072 : memref<10240xf32, #tpu.memory_space<vmem_shared>>)
        } else {
        }
      } else {
      }
    }
    %scan3A_245 = arith.constant 43 : i32
    %barrier3A_246 = arith.constant 0 : index
    tpu.barrier barrier_id(%barrier3A_246)
    %mul3A_247 = arith.constant 320 : i32
    %mul3A_248 = arith.muli %arg1, %mul3A_247 : i32
    %add3A_249 = arith.constant 0 : i32
    %add3A_250 = arith.addi %mul3A_248, %add3A_249 : i32
    %add3A_251 = arith.constant 0 : i32
    %add3A_252 = arith.addi %add3A_250, %add3A_251 : i32
    %broadcast_in_dim3A_253 = vector.broadcast %add3A_252 : i32 to vector<16xi32>
    %iota3A_254 = tpu.iota {dimensions = array<i32: 0>} : vector<16xi32>
    %add3A_255 = arith.addi %broadcast_in_dim3A_253, %iota3A_254 : vector<16xi32>
    %swap3A_256 = arith.constant 0 : index
    %swap3A_257 = tpu.vector_load %arg22[%swap3A_256] {strides = array<i32>} : memref<64xi32, #tpu.memory_space<vmem>>, vector<16xi32>,
    tpu.vector_store %arg22[%swap3A_256], %add3A_255 {strides = array<i32>} : memref<64xi32, #tpu.memory_space<vmem>>, vector<16xi32>,
    %mul3A_258 = arith.constant 320 : i32
    %mul3A_259 = arith.muli %arg1, %mul3A_258 : i32
    %add3A_260 = arith.constant 0 : i32
    %add3A_261 = arith.addi %mul3A_259, %add3A_260 : i32
    %add3A_262 = arith.constant 16 : i32
    %add3A_263 = arith.addi %add3A_261, %add3A_262 : i32
    %broadcast_in_dim3A_264 = vector.broadcast %add3A_263 : i32 to vector<16xi32>
    %iota3A_265 = tpu.iota {dimensions = array<i32: 0>} : vector<16xi32>
    %add3A_266 = arith.addi %broadcast_in_dim3A_264, %iota3A_265 : vector<16xi32>
    %swap3A_267 = arith.constant 16 : index
    %swap3A_268 = tpu.vector_load %arg22[%swap3A_267] {strides = array<i32>} : memref<64xi32, #tpu.memory_space<vmem>>, vector<16xi32>,
    tpu.vector_store %arg22[%swap3A_267], %add3A_266 {strides = array<i32>} : memref<64xi32, #tpu.memory_space<vmem>>, vector<16xi32>,
    %mul3A_269 = arith.constant 320 : i32
    %mul3A_270 = arith.muli %arg1, %mul3A_269 : i32
    %add3A_271 = arith.constant 0 : i32
    %add3A_272 = arith.addi %mul3A_270, %add3A_271 : i32
    %add3A_273 = arith.constant 32 : i32
    %add3A_274 = arith.addi %add3A_272, %add3A_273 : i32
    %broadcast_in_dim3A_275 = vector.broadcast %add3A_274 : i32 to vector<16xi32>
    %iota3A_276 = tpu.iota {dimensions = array<i32: 0>} : vector<16xi32>
    %add3A_277 = arith.addi %broadcast_in_dim3A_275, %iota3A_276 : vector<16xi32>
    %swap3A_278 = arith.constant 32 : index
    %swap3A_279 = tpu.vector_load %arg22[%swap3A_278] {strides = array<i32>} : memref<64xi32, #tpu.memory_space<vmem>>, vector<16xi32>,
    tpu.vector_store %arg22[%swap3A_278], %add3A_277 {strides = array<i32>} : memref<64xi32, #tpu.memory_space<vmem>>, vector<16xi32>,
    %mul3A_280 = arith.constant 320 : i32
    %mul3A_281 = arith.muli %arg1, %mul3A_280 : i32
    %add3A_282 = arith.constant 0 : i32
    %add3A_283 = arith.addi %mul3A_281, %add3A_282 : i32
    %add3A_284 = arith.constant 48 : i32
    %add3A_285 = arith.addi %add3A_283, %add3A_284 : i32
    %broadcast_in_dim3A_286 = vector.broadcast %add3A_285 : i32 to vector<16xi32>
    %iota3A_287 = tpu.iota {dimensions = array<i32: 0>} : vector<16xi32>
    %add3A_288 = arith.addi %broadcast_in_dim3A_286, %iota3A_287 : vector<16xi32>
    %swap3A_289 = arith.constant 48 : index
    %swap3A_290 = tpu.vector_load %arg22[%swap3A_289] {strides = array<i32>} : memref<64xi32, #tpu.memory_space<vmem>>, vector<16xi32>,
    tpu.vector_store %arg22[%swap3A_289], %add3A_288 {strides = array<i32>} : memref<64xi32, #tpu.memory_space<vmem>>, vector<16xi32>,
    "tpu.region"() ({
      %run_scoped3A = tpu.sem_alloc : memref<!tpu.dma_semaphore, #tpu.memory_space<semaphore_mem>>
      %dma_start3A_492 = arith.constant 0 : i32
      %dma_start3A_493 = arith.constant 0 : i32
      %dma_start3A_494 = tpu.memref_slice %arg20[%dma_start3A_492, %dma_start3A_493] : memref<240x128xf32, #tpu.memory_space<vmem>> -> memref<64x128xf32, #tpu.memory_space<vmem>>
      %dma_start3A_495 = arith.constant 0 : i32
      %dma_start3A_496 = arith.constant 0 : i32
      %dma_start3A_497 = tpu.memref_slice %arg27[%dma_start3A_495, %dma_start3A_496] : memref<5128x128xf32, #tpu.memory_space<vmem_shared>> -> memref<5128x128xf32, #tpu.memory_space<vmem_shared>>
      tpu.enqueue_indirect_dma source(%dma_start3A_497 : memref<5128x128xf32, #tpu.memory_space<vmem_shared>>) target(%dma_start3A_494 : memref<64x128xf32, #tpu.memory_space<vmem>>) offsets(%arg22 : memref<64xi32, #tpu.memory_space<vmem>>) semaphore(%run_scoped3A : memref<!tpu.dma_semaphore, #tpu.memory_space<semaphore_mem>>)
      %dma_wait3A = arith.constant 0 : i32
      %dma_wait3A_498 = arith.constant 0 : i32
      %dma_wait3A_499 = tpu.memref_slice %arg20[%dma_wait3A, %dma_wait3A_498] : memref<240x128xf32, #tpu.memory_space<vmem>> -> memref<64x128xf32, #tpu.memory_space<vmem>>
      %dma_wait3A_500 = arith.constant 0 : i32
      %dma_wait3A_501 = arith.constant 0 : i32
      %dma_wait3A_502 = tpu.memref_slice %arg27[%dma_wait3A_500, %dma_wait3A_501] : memref<5128x128xf32, #tpu.memory_space<vmem_shared>> -> memref<5128x128xf32, #tpu.memory_space<vmem_shared>>
      tpu.wait_indirect_dma semaphore(%run_scoped3A : memref<!tpu.dma_semaphore, #tpu.memory_space<semaphore_mem>>) src(%dma_wait3A_502 : memref<5128x128xf32, #tpu.memory_space<vmem_shared>>) dst(%dma_wait3A_499 : memref<64x128xf32, #tpu.memory_space<vmem>>)
      tpu.yield
    }) : () -> ()
    %mul3A_291 = arith.constant 320 : i32
    %mul3A_292 = arith.muli %arg1, %mul3A_291 : i32
    %add3A_293 = arith.constant 0 : i32
    %add3A_294 = arith.addi %mul3A_292, %add3A_293 : i32
    "tpu.region"() ({
      %run_scoped3A = tpu.sem_alloc : memref<!tpu.dma_semaphore, #tpu.memory_space<semaphore_mem>>
      %dma_start3A_492 = arith.constant 0 : i32
      %dma_start3A_493 = arith.constant 0 : i32
      %dma_start3A_494 = tpu.memref_slice %arg20[%dma_start3A_492, %dma_start3A_493] : memref<240x128xf32, #tpu.memory_space<vmem>> -> memref<64x128xf32, #tpu.memory_space<vmem>>
      %dma_start3A_495 = arith.constant 0 : i32
      %dma_start3A_496 = tpu.memref_slice %arg9[%arg0, %add3A_294, %dma_start3A_495] : memref<2x5120x128xf32, #tpu.memory_space<hbm>> -> memref<1x64x128xf32, #tpu.memory_space<hbm>>
      %dma_start3A_497 = tpu.memref_squeeze %dma_start3A_496 : memref<1x64x128xf32, #tpu.memory_space<hbm>> -> memref<64x128xf32, #tpu.memory_space<hbm>>
      %dma_start3A_498 = arith.constant 0 : i32
      %dma_start3A_499 = tpu.memref_slice %arg9[%arg0, %add3A_294, %dma_start3A_498] : memref<2x5120x128xf32, #tpu.memory_space<hbm>> -> memref<1x64x128xf32, #tpu.memory_space<hbm>>
      %dma_start3A_500 = tpu.memref_squeeze %dma_start3A_499 : memref<1x64x128xf32, #tpu.memory_space<hbm>> -> memref<64x128xf32, #tpu.memory_space<hbm>>
      %dma_start3A_501 = arith.constant 0 : i32
      %dma_start3A_502 = arith.constant 0 : i32
      %dma_start3A_503 = tpu.memref_slice %arg20[%dma_start3A_501, %dma_start3A_502] : memref<240x128xf32, #tpu.memory_space<vmem>> -> memref<64x128xf32, #tpu.memory_space<vmem>>
      tpu.enqueue_dma source(%dma_start3A_503 : memref<64x128xf32, #tpu.memory_space<vmem>>) target(%dma_start3A_500 : memref<64x128xf32, #tpu.memory_space<hbm>>) target_semaphore(%run_scoped3A : memref<!tpu.dma_semaphore, #tpu.memory_space<semaphore_mem>>)
      %dma_wait3A = arith.constant 0 : i32
      %dma_wait3A_504 = arith.constant 0 : i32
      %dma_wait3A_505 = tpu.memref_slice %arg20[%dma_wait3A, %dma_wait3A_504] : memref<240x128xf32, #tpu.memory_space<vmem>> -> memref<64x128xf32, #tpu.memory_space<vmem>>
      %dma_wait3A_506 = arith.constant 0 : i32
      %dma_wait3A_507 = tpu.memref_slice %arg9[%arg0, %add3A_294, %dma_wait3A_506] : memref<2x5120x128xf32, #tpu.memory_space<hbm>> -> memref<1x64x128xf32, #tpu.memory_space<hbm>>
      %dma_wait3A_508 = tpu.memref_squeeze %dma_wait3A_507 : memref<1x64x128xf32, #tpu.memory_space<hbm>> -> memref<64x128xf32, #tpu.memory_space<hbm>>
      %dma_wait3A_509 = arith.constant 0 : i32
      %dma_wait3A_510 = tpu.memref_slice %arg9[%arg0, %add3A_294, %dma_wait3A_509] : memref<2x5120x128xf32, #tpu.memory_space<hbm>> -> memref<1x64x128xf32, #tpu.memory_space<hbm>>
      %dma_wait3A_511 = tpu.memref_squeeze %dma_wait3A_510 : memref<1x64x128xf32, #tpu.memory_space<hbm>> -> memref<64x128xf32, #tpu.memory_space<hbm>>
      %dma_wait3A_512 = arith.constant 0 : i32
      %dma_wait3A_513 = arith.constant 0 : i32
      %dma_wait3A_514 = tpu.memref_slice %arg20[%dma_wait3A_512, %dma_wait3A_513] : memref<240x128xf32, #tpu.memory_space<vmem>> -> memref<64x128xf32, #tpu.memory_space<vmem>>
      tpu.wait_dma2 semaphore(%run_scoped3A : memref<!tpu.dma_semaphore, #tpu.memory_space<semaphore_mem>>) src(%dma_wait3A_514 : memref<64x128xf32, #tpu.memory_space<vmem>>) dst(%dma_wait3A_511 : memref<64x128xf32, #tpu.memory_space<hbm>>)
      tpu.yield
    }) : () -> ()
    %mul3A_295 = arith.constant 320 : i32
    %mul3A_296 = arith.muli %arg1, %mul3A_295 : i32
    %add3A_297 = arith.constant 64 : i32
    %add3A_298 = arith.addi %mul3A_296, %add3A_297 : i32
    %add3A_299 = arith.constant 0 : i32
    %add3A_300 = arith.addi %add3A_298, %add3A_299 : i32
    %broadcast_in_dim3A_301 = vector.broadcast %add3A_300 : i32 to vector<16xi32>
    %iota3A_302 = tpu.iota {dimensions = array<i32: 0>} : vector<16xi32>
    %add3A_303 = arith.addi %broadcast_in_dim3A_301, %iota3A_302 : vector<16xi32>
    %swap3A_304 = arith.constant 0 : index
    %swap3A_305 = tpu.vector_load %arg22[%swap3A_304] {strides = array<i32>} : memref<64xi32, #tpu.memory_space<vmem>>, vector<16xi32>,
    tpu.vector_store %arg22[%swap3A_304], %add3A_303 {strides = array<i32>} : memref<64xi32, #tpu.memory_space<vmem>>, vector<16xi32>,
    %mul3A_306 = arith.constant 320 : i32
    %mul3A_307 = arith.muli %arg1, %mul3A_306 : i32
    %add3A_308 = arith.constant 64 : i32
    %add3A_309 = arith.addi %mul3A_307, %add3A_308 : i32
    %add3A_310 = arith.constant 16 : i32
    %add3A_311 = arith.addi %add3A_309, %add3A_310 : i32
    %broadcast_in_dim3A_312 = vector.broadcast %add3A_311 : i32 to vector<16xi32>
    %iota3A_313 = tpu.iota {dimensions = array<i32: 0>} : vector<16xi32>
    %add3A_314 = arith.addi %broadcast_in_dim3A_312, %iota3A_313 : vector<16xi32>
    %swap3A_315 = arith.constant 16 : index
    %swap3A_316 = tpu.vector_load %arg22[%swap3A_315] {strides = array<i32>} : memref<64xi32, #tpu.memory_space<vmem>>, vector<16xi32>,
    tpu.vector_store %arg22[%swap3A_315], %add3A_314 {strides = array<i32>} : memref<64xi32, #tpu.memory_space<vmem>>, vector<16xi32>,
    %mul3A_317 = arith.constant 320 : i32
    %mul3A_318 = arith.muli %arg1, %mul3A_317 : i32
    %add3A_319 = arith.constant 64 : i32
    %add3A_320 = arith.addi %mul3A_318, %add3A_319 : i32
    %add3A_321 = arith.constant 32 : i32
    %add3A_322 = arith.addi %add3A_320, %add3A_321 : i32
    %broadcast_in_dim3A_323 = vector.broadcast %add3A_322 : i32 to vector<16xi32>
    %iota3A_324 = tpu.iota {dimensions = array<i32: 0>} : vector<16xi32>
    %add3A_325 = arith.addi %broadcast_in_dim3A_323, %iota3A_324 : vector<16xi32>
    %swap3A_326 = arith.constant 32 : index
    %swap3A_327 = tpu.vector_load %arg22[%swap3A_326] {strides = array<i32>} : memref<64xi32, #tpu.memory_space<vmem>>, vector<16xi32>,
    tpu.vector_store %arg22[%swap3A_326], %add3A_325 {strides = array<i32>} : memref<64xi32, #tpu.memory_space<vmem>>, vector<16xi32>,
    %mul3A_328 = arith.constant 320 : i32
    %mul3A_329 = arith.muli %arg1, %mul3A_328 : i32
    %add3A_330 = arith.constant 64 : i32
    %add3A_331 = arith.addi %mul3A_329, %add3A_330 : i32
    %add3A_332 = arith.constant 48 : i32
    %add3A_333 = arith.addi %add3A_331, %add3A_332 : i32
    %broadcast_in_dim3A_334 = vector.broadcast %add3A_333 : i32 to vector<16xi32>
    %iota3A_335 = tpu.iota {dimensions = array<i32: 0>} : vector<16xi32>
    %add3A_336 = arith.addi %broadcast_in_dim3A_334, %iota3A_335 : vector<16xi32>
    %swap3A_337 = arith.constant 48 : index
    %swap3A_338 = tpu.vector_load %arg22[%swap3A_337] {strides = array<i32>} : memref<64xi32, #tpu.memory_space<vmem>>, vector<16xi32>,
    tpu.vector_store %arg22[%swap3A_337], %add3A_336 {strides = array<i32>} : memref<64xi32, #tpu.memory_space<vmem>>, vector<16xi32>,
    "tpu.region"() ({
      %run_scoped3A = tpu.sem_alloc : memref<!tpu.dma_semaphore, #tpu.memory_space<semaphore_mem>>
      %dma_start3A_492 = arith.constant 0 : i32
      %dma_start3A_493 = arith.constant 0 : i32
      %dma_start3A_494 = tpu.memref_slice %arg20[%dma_start3A_492, %dma_start3A_493] : memref<240x128xf32, #tpu.memory_space<vmem>> -> memref<64x128xf32, #tpu.memory_space<vmem>>
      %dma_start3A_495 = arith.constant 0 : i32
      %dma_start3A_496 = arith.constant 0 : i32
      %dma_start3A_497 = tpu.memref_slice %arg27[%dma_start3A_495, %dma_start3A_496] : memref<5128x128xf32, #tpu.memory_space<vmem_shared>> -> memref<5128x128xf32, #tpu.memory_space<vmem_shared>>
      tpu.enqueue_indirect_dma source(%dma_start3A_497 : memref<5128x128xf32, #tpu.memory_space<vmem_shared>>) target(%dma_start3A_494 : memref<64x128xf32, #tpu.memory_space<vmem>>) offsets(%arg22 : memref<64xi32, #tpu.memory_space<vmem>>) semaphore(%run_scoped3A : memref<!tpu.dma_semaphore, #tpu.memory_space<semaphore_mem>>)
      %dma_wait3A = arith.constant 0 : i32
      %dma_wait3A_498 = arith.constant 0 : i32
      %dma_wait3A_499 = tpu.memref_slice %arg20[%dma_wait3A, %dma_wait3A_498] : memref<240x128xf32, #tpu.memory_space<vmem>> -> memref<64x128xf32, #tpu.memory_space<vmem>>
      %dma_wait3A_500 = arith.constant 0 : i32
      %dma_wait3A_501 = arith.constant 0 : i32
      %dma_wait3A_502 = tpu.memref_slice %arg27[%dma_wait3A_500, %dma_wait3A_501] : memref<5128x128xf32, #tpu.memory_space<vmem_shared>> -> memref<5128x128xf32, #tpu.memory_space<vmem_shared>>
      tpu.wait_indirect_dma semaphore(%run_scoped3A : memref<!tpu.dma_semaphore, #tpu.memory_space<semaphore_mem>>) src(%dma_wait3A_502 : memref<5128x128xf32, #tpu.memory_space<vmem_shared>>) dst(%dma_wait3A_499 : memref<64x128xf32, #tpu.memory_space<vmem>>)
      tpu.yield
    }) : () -> ()
    %mul3A_339 = arith.constant 320 : i32
    %mul3A_340 = arith.muli %arg1, %mul3A_339 : i32
    %add3A_341 = arith.constant 64 : i32
    %add3A_342 = arith.addi %mul3A_340, %add3A_341 : i32
    "tpu.region"() ({
      %run_scoped3A = tpu.sem_alloc : memref<!tpu.dma_semaphore, #tpu.memory_space<semaphore_mem>>
      %dma_start3A_492 = arith.constant 0 : i32
      %dma_start3A_493 = arith.constant 0 : i32
      %dma_start3A_494 = tpu.memref_slice %arg20[%dma_start3A_492, %dma_start3A_493] : memref<240x128xf32, #tpu.memory_space<vmem>> -> memref<64x128xf32, #tpu.memory_space<vmem>>
      %dma_start3A_495 = arith.constant 0 : i32
      %dma_start3A_496 = tpu.memref_slice %arg9[%arg0, %add3A_342, %dma_start3A_495] : memref<2x5120x128xf32, #tpu.memory_space<hbm>> -> memref<1x64x128xf32, #tpu.memory_space<hbm>>
      %dma_start3A_497 = tpu.memref_squeeze %dma_start3A_496 : memref<1x64x128xf32, #tpu.memory_space<hbm>> -> memref<64x128xf32, #tpu.memory_space<hbm>>
      %dma_start3A_498 = arith.constant 0 : i32
      %dma_start3A_499 = tpu.memref_slice %arg9[%arg0, %add3A_342, %dma_start3A_498] : memref<2x5120x128xf32, #tpu.memory_space<hbm>> -> memref<1x64x128xf32, #tpu.memory_space<hbm>>
      %dma_start3A_500 = tpu.memref_squeeze %dma_start3A_499 : memref<1x64x128xf32, #tpu.memory_space<hbm>> -> memref<64x128xf32, #tpu.memory_space<hbm>>
      %dma_start3A_501 = arith.constant 0 : i32
      %dma_start3A_502 = arith.constant 0 : i32
      %dma_start3A_503 = tpu.memref_slice %arg20[%dma_start3A_501, %dma_start3A_502] : memref<240x128xf32, #tpu.memory_space<vmem>> -> memref<64x128xf32, #tpu.memory_space<vmem>>
      tpu.enqueue_dma source(%dma_start3A_503 : memref<64x128xf32, #tpu.memory_space<vmem>>) target(%dma_start3A_500 : memref<64x128xf32, #tpu.memory_space<hbm>>) target_semaphore(%run_scoped3A : memref<!tpu.dma_semaphore, #tpu.memory_space<semaphore_mem>>)
      %dma_wait3A = arith.constant 0 : i32
      %dma_wait3A_504 = arith.constant 0 : i32
      %dma_wait3A_505 = tpu.memref_slice %arg20[%dma_wait3A, %dma_wait3A_504] : memref<240x128xf32, #tpu.memory_space<vmem>> -> memref<64x128xf32, #tpu.memory_space<vmem>>
      %dma_wait3A_506 = arith.constant 0 : i32
      %dma_wait3A_507 = tpu.memref_slice %arg9[%arg0, %add3A_342, %dma_wait3A_506] : memref<2x5120x128xf32, #tpu.memory_space<hbm>> -> memref<1x64x128xf32, #tpu.memory_space<hbm>>
      %dma_wait3A_508 = tpu.memref_squeeze %dma_wait3A_507 : memref<1x64x128xf32, #tpu.memory_space<hbm>> -> memref<64x128xf32, #tpu.memory_space<hbm>>
      %dma_wait3A_509 = arith.constant 0 : i32
      %dma_wait3A_510 = tpu.memref_slice %arg9[%arg0, %add3A_342, %dma_wait3A_509] : memref<2x5120x128xf32, #tpu.memory_space<hbm>> -> memref<1x64x128xf32, #tpu.memory_space<hbm>>
      %dma_wait3A_511 = tpu.memref_squeeze %dma_wait3A_510 : memref<1x64x128xf32, #tpu.memory_space<hbm>> -> memref<64x128xf32, #tpu.memory_space<hbm>>
      %dma_wait3A_512 = arith.constant 0 : i32
      %dma_wait3A_513 = arith.constant 0 : i32
      %dma_wait3A_514 = tpu.memref_slice %arg20[%dma_wait3A_512, %dma_wait3A_513] : memref<240x128xf32, #tpu.memory_space<vmem>> -> memref<64x128xf32, #tpu.memory_space<vmem>>
      tpu.wait_dma2 semaphore(%run_scoped3A : memref<!tpu.dma_semaphore, #tpu.memory_space<semaphore_mem>>) src(%dma_wait3A_514 : memref<64x128xf32, #tpu.memory_space<vmem>>) dst(%dma_wait3A_511 : memref<64x128xf32, #tpu.memory_space<hbm>>)
      tpu.yield
    }) : () -> ()
    %mul3A_343 = arith.constant 320 : i32
    %mul3A_344 = arith.muli %arg1, %mul3A_343 : i32
    %add3A_345 = arith.constant 128 : i32
    %add3A_346 = arith.addi %mul3A_344, %add3A_345 : i32
    %add3A_347 = arith.constant 0 : i32
    %add3A_348 = arith.addi %add3A_346, %add3A_347 : i32
    %broadcast_in_dim3A_349 = vector.broadcast %add3A_348 : i32 to vector<16xi32>
    %iota3A_350 = tpu.iota {dimensions = array<i32: 0>} : vector<16xi32>
    %add3A_351 = arith.addi %broadcast_in_dim3A_349, %iota3A_350 : vector<16xi32>
    %swap3A_352 = arith.constant 0 : index
    %swap3A_353 = tpu.vector_load %arg22[%swap3A_352] {strides = array<i32>} : memref<64xi32, #tpu.memory_space<vmem>>, vector<16xi32>,
    tpu.vector_store %arg22[%swap3A_352], %add3A_351 {strides = array<i32>} : memref<64xi32, #tpu.memory_space<vmem>>, vector<16xi32>,
    %mul3A_354 = arith.constant 320 : i32
    %mul3A_355 = arith.muli %arg1, %mul3A_354 : i32
    %add3A_356 = arith.constant 128 : i32
    %add3A_357 = arith.addi %mul3A_355, %add3A_356 : i32
    %add3A_358 = arith.constant 16 : i32
    %add3A_359 = arith.addi %add3A_357, %add3A_358 : i32
    %broadcast_in_dim3A_360 = vector.broadcast %add3A_359 : i32 to vector<16xi32>
    %iota3A_361 = tpu.iota {dimensions = array<i32: 0>} : vector<16xi32>
    %add3A_362 = arith.addi %broadcast_in_dim3A_360, %iota3A_361 : vector<16xi32>
    %swap3A_363 = arith.constant 16 : index
    %swap3A_364 = tpu.vector_load %arg22[%swap3A_363] {strides = array<i32>} : memref<64xi32, #tpu.memory_space<vmem>>, vector<16xi32>,
    tpu.vector_store %arg22[%swap3A_363], %add3A_362 {strides = array<i32>} : memref<64xi32, #tpu.memory_space<vmem>>, vector<16xi32>,
    %mul3A_365 = arith.constant 320 : i32
    %mul3A_366 = arith.muli %arg1, %mul3A_365 : i32
    %add3A_367 = arith.constant 128 : i32
    %add3A_368 = arith.addi %mul3A_366, %add3A_367 : i32
    %add3A_369 = arith.constant 32 : i32
    %add3A_370 = arith.addi %add3A_368, %add3A_369 : i32
    %broadcast_in_dim3A_371 = vector.broadcast %add3A_370 : i32 to vector<16xi32>
    %iota3A_372 = tpu.iota {dimensions = array<i32: 0>} : vector<16xi32>
    %add3A_373 = arith.addi %broadcast_in_dim3A_371, %iota3A_372 : vector<16xi32>
    %swap3A_374 = arith.constant 32 : index
    %swap3A_375 = tpu.vector_load %arg22[%swap3A_374] {strides = array<i32>} : memref<64xi32, #tpu.memory_space<vmem>>, vector<16xi32>,
    tpu.vector_store %arg22[%swap3A_374], %add3A_373 {strides = array<i32>} : memref<64xi32, #tpu.memory_space<vmem>>, vector<16xi32>,
    %mul3A_376 = arith.constant 320 : i32
    %mul3A_377 = arith.muli %arg1, %mul3A_376 : i32
    %add3A_378 = arith.constant 128 : i32
    %add3A_379 = arith.addi %mul3A_377, %add3A_378 : i32
    %add3A_380 = arith.constant 48 : i32
    %add3A_381 = arith.addi %add3A_379, %add3A_380 : i32
    %broadcast_in_dim3A_382 = vector.broadcast %add3A_381 : i32 to vector<16xi32>
    %iota3A_383 = tpu.iota {dimensions = array<i32: 0>} : vector<16xi32>
    %add3A_384 = arith.addi %broadcast_in_dim3A_382, %iota3A_383 : vector<16xi32>
    %swap3A_385 = arith.constant 48 : index
    %swap3A_386 = tpu.vector_load %arg22[%swap3A_385] {strides = array<i32>} : memref<64xi32, #tpu.memory_space<vmem>>, vector<16xi32>,
    tpu.vector_store %arg22[%swap3A_385], %add3A_384 {strides = array<i32>} : memref<64xi32, #tpu.memory_space<vmem>>, vector<16xi32>,
    "tpu.region"() ({
      %run_scoped3A = tpu.sem_alloc : memref<!tpu.dma_semaphore, #tpu.memory_space<semaphore_mem>>
      %dma_start3A_492 = arith.constant 0 : i32
      %dma_start3A_493 = arith.constant 0 : i32
      %dma_start3A_494 = tpu.memref_slice %arg20[%dma_start3A_492, %dma_start3A_493] : memref<240x128xf32, #tpu.memory_space<vmem>> -> memref<64x128xf32, #tpu.memory_space<vmem>>
      %dma_start3A_495 = arith.constant 0 : i32
      %dma_start3A_496 = arith.constant 0 : i32
      %dma_start3A_497 = tpu.memref_slice %arg27[%dma_start3A_495, %dma_start3A_496] : memref<5128x128xf32, #tpu.memory_space<vmem_shared>> -> memref<5128x128xf32, #tpu.memory_space<vmem_shared>>
      tpu.enqueue_indirect_dma source(%dma_start3A_497 : memref<5128x128xf32, #tpu.memory_space<vmem_shared>>) target(%dma_start3A_494 : memref<64x128xf32, #tpu.memory_space<vmem>>) offsets(%arg22 : memref<64xi32, #tpu.memory_space<vmem>>) semaphore(%run_scoped3A : memref<!tpu.dma_semaphore, #tpu.memory_space<semaphore_mem>>)
      %dma_wait3A = arith.constant 0 : i32
      %dma_wait3A_498 = arith.constant 0 : i32
      %dma_wait3A_499 = tpu.memref_slice %arg20[%dma_wait3A, %dma_wait3A_498] : memref<240x128xf32, #tpu.memory_space<vmem>> -> memref<64x128xf32, #tpu.memory_space<vmem>>
      %dma_wait3A_500 = arith.constant 0 : i32
      %dma_wait3A_501 = arith.constant 0 : i32
      %dma_wait3A_502 = tpu.memref_slice %arg27[%dma_wait3A_500, %dma_wait3A_501] : memref<5128x128xf32, #tpu.memory_space<vmem_shared>> -> memref<5128x128xf32, #tpu.memory_space<vmem_shared>>
      tpu.wait_indirect_dma semaphore(%run_scoped3A : memref<!tpu.dma_semaphore, #tpu.memory_space<semaphore_mem>>) src(%dma_wait3A_502 : memref<5128x128xf32, #tpu.memory_space<vmem_shared>>) dst(%dma_wait3A_499 : memref<64x128xf32, #tpu.memory_space<vmem>>)
      tpu.yield
    }) : () -> ()
    %mul3A_387 = arith.constant 320 : i32
    %mul3A_388 = arith.muli %arg1, %mul3A_387 : i32
    %add3A_389 = arith.constant 128 : i32
    %add3A_390 = arith.addi %mul3A_388, %add3A_389 : i32
    "tpu.region"() ({
      %run_scoped3A = tpu.sem_alloc : memref<!tpu.dma_semaphore, #tpu.memory_space<semaphore_mem>>
      %dma_start3A_492 = arith.constant 0 : i32
      %dma_start3A_493 = arith.constant 0 : i32
      %dma_start3A_494 = tpu.memref_slice %arg20[%dma_start3A_492, %dma_start3A_493] : memref<240x128xf32, #tpu.memory_space<vmem>> -> memref<64x128xf32, #tpu.memory_space<vmem>>
      %dma_start3A_495 = arith.constant 0 : i32
      %dma_start3A_496 = tpu.memref_slice %arg9[%arg0, %add3A_390, %dma_start3A_495] : memref<2x5120x128xf32, #tpu.memory_space<hbm>> -> memref<1x64x128xf32, #tpu.memory_space<hbm>>
      %dma_start3A_497 = tpu.memref_squeeze %dma_start3A_496 : memref<1x64x128xf32, #tpu.memory_space<hbm>> -> memref<64x128xf32, #tpu.memory_space<hbm>>
      %dma_start3A_498 = arith.constant 0 : i32
      %dma_start3A_499 = tpu.memref_slice %arg9[%arg0, %add3A_390, %dma_start3A_498] : memref<2x5120x128xf32, #tpu.memory_space<hbm>> -> memref<1x64x128xf32, #tpu.memory_space<hbm>>
      %dma_start3A_500 = tpu.memref_squeeze %dma_start3A_499 : memref<1x64x128xf32, #tpu.memory_space<hbm>> -> memref<64x128xf32, #tpu.memory_space<hbm>>
      %dma_start3A_501 = arith.constant 0 : i32
      %dma_start3A_502 = arith.constant 0 : i32
      %dma_start3A_503 = tpu.memref_slice %arg20[%dma_start3A_501, %dma_start3A_502] : memref<240x128xf32, #tpu.memory_space<vmem>> -> memref<64x128xf32, #tpu.memory_space<vmem>>
      tpu.enqueue_dma source(%dma_start3A_503 : memref<64x128xf32, #tpu.memory_space<vmem>>) target(%dma_start3A_500 : memref<64x128xf32, #tpu.memory_space<hbm>>) target_semaphore(%run_scoped3A : memref<!tpu.dma_semaphore, #tpu.memory_space<semaphore_mem>>)
      %dma_wait3A = arith.constant 0 : i32
      %dma_wait3A_504 = arith.constant 0 : i32
      %dma_wait3A_505 = tpu.memref_slice %arg20[%dma_wait3A, %dma_wait3A_504] : memref<240x128xf32, #tpu.memory_space<vmem>> -> memref<64x128xf32, #tpu.memory_space<vmem>>
      %dma_wait3A_506 = arith.constant 0 : i32
      %dma_wait3A_507 = tpu.memref_slice %arg9[%arg0, %add3A_390, %dma_wait3A_506] : memref<2x5120x128xf32, #tpu.memory_space<hbm>> -> memref<1x64x128xf32, #tpu.memory_space<hbm>>
      %dma_wait3A_508 = tpu.memref_squeeze %dma_wait3A_507 : memref<1x64x128xf32, #tpu.memory_space<hbm>> -> memref<64x128xf32, #tpu.memory_space<hbm>>
      %dma_wait3A_509 = arith.constant 0 : i32
      %dma_wait3A_510 = tpu.memref_slice %arg9[%arg0, %add3A_390, %dma_wait3A_509] : memref<2x5120x128xf32, #tpu.memory_space<hbm>> -> memref<1x64x128xf32, #tpu.memory_space<hbm>>
      %dma_wait3A_511 = tpu.memref_squeeze %dma_wait3A_510 : memref<1x64x128xf32, #tpu.memory_space<hbm>> -> memref<64x128xf32, #tpu.memory_space<hbm>>
      %dma_wait3A_512 = arith.constant 0 : i32
      %dma_wait3A_513 = arith.constant 0 : i32
      %dma_wait3A_514 = tpu.memref_slice %arg20[%dma_wait3A_512, %dma_wait3A_513] : memref<240x128xf32, #tpu.memory_space<vmem>> -> memref<64x128xf32, #tpu.memory_space<vmem>>
      tpu.wait_dma2 semaphore(%run_scoped3A : memref<!tpu.dma_semaphore, #tpu.memory_space<semaphore_mem>>) src(%dma_wait3A_514 : memref<64x128xf32, #tpu.memory_space<vmem>>) dst(%dma_wait3A_511 : memref<64x128xf32, #tpu.memory_space<hbm>>)
      tpu.yield
    }) : () -> ()
    %mul3A_391 = arith.constant 320 : i32
    %mul3A_392 = arith.muli %arg1, %mul3A_391 : i32
    %add3A_393 = arith.constant 192 : i32
    %add3A_394 = arith.addi %mul3A_392, %add3A_393 : i32
    %add3A_395 = arith.constant 0 : i32
    %add3A_396 = arith.addi %add3A_394, %add3A_395 : i32
    %broadcast_in_dim3A_397 = vector.broadcast %add3A_396 : i32 to vector<16xi32>
    %iota3A_398 = tpu.iota {dimensions = array<i32: 0>} : vector<16xi32>
    %add3A_399 = arith.addi %broadcast_in_dim3A_397, %iota3A_398 : vector<16xi32>
    %swap3A_400 = arith.constant 0 : index
    %swap3A_401 = tpu.vector_load %arg22[%swap3A_400] {strides = array<i32>} : memref<64xi32, #tpu.memory_space<vmem>>, vector<16xi32>,
    tpu.vector_store %arg22[%swap3A_400], %add3A_399 {strides = array<i32>} : memref<64xi32, #tpu.memory_space<vmem>>, vector<16xi32>,
    %mul3A_402 = arith.constant 320 : i32
    %mul3A_403 = arith.muli %arg1, %mul3A_402 : i32
    %add3A_404 = arith.constant 192 : i32
    %add3A_405 = arith.addi %mul3A_403, %add3A_404 : i32
    %add3A_406 = arith.constant 16 : i32
    %add3A_407 = arith.addi %add3A_405, %add3A_406 : i32
    %broadcast_in_dim3A_408 = vector.broadcast %add3A_407 : i32 to vector<16xi32>
    %iota3A_409 = tpu.iota {dimensions = array<i32: 0>} : vector<16xi32>
    %add3A_410 = arith.addi %broadcast_in_dim3A_408, %iota3A_409 : vector<16xi32>
    %swap3A_411 = arith.constant 16 : index
    %swap3A_412 = tpu.vector_load %arg22[%swap3A_411] {strides = array<i32>} : memref<64xi32, #tpu.memory_space<vmem>>, vector<16xi32>,
    tpu.vector_store %arg22[%swap3A_411], %add3A_410 {strides = array<i32>} : memref<64xi32, #tpu.memory_space<vmem>>, vector<16xi32>,
    %mul3A_413 = arith.constant 320 : i32
    %mul3A_414 = arith.muli %arg1, %mul3A_413 : i32
    %add3A_415 = arith.constant 192 : i32
    %add3A_416 = arith.addi %mul3A_414, %add3A_415 : i32
    %add3A_417 = arith.constant 32 : i32
    %add3A_418 = arith.addi %add3A_416, %add3A_417 : i32
    %broadcast_in_dim3A_419 = vector.broadcast %add3A_418 : i32 to vector<16xi32>
    %iota3A_420 = tpu.iota {dimensions = array<i32: 0>} : vector<16xi32>
    %add3A_421 = arith.addi %broadcast_in_dim3A_419, %iota3A_420 : vector<16xi32>
    %swap3A_422 = arith.constant 32 : index
    %swap3A_423 = tpu.vector_load %arg22[%swap3A_422] {strides = array<i32>} : memref<64xi32, #tpu.memory_space<vmem>>, vector<16xi32>,
    tpu.vector_store %arg22[%swap3A_422], %add3A_421 {strides = array<i32>} : memref<64xi32, #tpu.memory_space<vmem>>, vector<16xi32>,
    %mul3A_424 = arith.constant 320 : i32
    %mul3A_425 = arith.muli %arg1, %mul3A_424 : i32
    %add3A_426 = arith.constant 192 : i32
    %add3A_427 = arith.addi %mul3A_425, %add3A_426 : i32
    %add3A_428 = arith.constant 48 : i32
    %add3A_429 = arith.addi %add3A_427, %add3A_428 : i32
    %broadcast_in_dim3A_430 = vector.broadcast %add3A_429 : i32 to vector<16xi32>
    %iota3A_431 = tpu.iota {dimensions = array<i32: 0>} : vector<16xi32>
    %add3A_432 = arith.addi %broadcast_in_dim3A_430, %iota3A_431 : vector<16xi32>
    %swap3A_433 = arith.constant 48 : index
    %swap3A_434 = tpu.vector_load %arg22[%swap3A_433] {strides = array<i32>} : memref<64xi32, #tpu.memory_space<vmem>>, vector<16xi32>,
    tpu.vector_store %arg22[%swap3A_433], %add3A_432 {strides = array<i32>} : memref<64xi32, #tpu.memory_space<vmem>>, vector<16xi32>,
    "tpu.region"() ({
      %run_scoped3A = tpu.sem_alloc : memref<!tpu.dma_semaphore, #tpu.memory_space<semaphore_mem>>
      %dma_start3A_492 = arith.constant 0 : i32
      %dma_start3A_493 = arith.constant 0 : i32
      %dma_start3A_494 = tpu.memref_slice %arg20[%dma_start3A_492, %dma_start3A_493] : memref<240x128xf32, #tpu.memory_space<vmem>> -> memref<64x128xf32, #tpu.memory_space<vmem>>
      %dma_start3A_495 = arith.constant 0 : i32
      %dma_start3A_496 = arith.constant 0 : i32
      %dma_start3A_497 = tpu.memref_slice %arg27[%dma_start3A_495, %dma_start3A_496] : memref<5128x128xf32, #tpu.memory_space<vmem_shared>> -> memref<5128x128xf32, #tpu.memory_space<vmem_shared>>
      tpu.enqueue_indirect_dma source(%dma_start3A_497 : memref<5128x128xf32, #tpu.memory_space<vmem_shared>>) target(%dma_start3A_494 : memref<64x128xf32, #tpu.memory_space<vmem>>) offsets(%arg22 : memref<64xi32, #tpu.memory_space<vmem>>) semaphore(%run_scoped3A : memref<!tpu.dma_semaphore, #tpu.memory_space<semaphore_mem>>)
      %dma_wait3A = arith.constant 0 : i32
      %dma_wait3A_498 = arith.constant 0 : i32
      %dma_wait3A_499 = tpu.memref_slice %arg20[%dma_wait3A, %dma_wait3A_498] : memref<240x128xf32, #tpu.memory_space<vmem>> -> memref<64x128xf32, #tpu.memory_space<vmem>>
      %dma_wait3A_500 = arith.constant 0 : i32
      %dma_wait3A_501 = arith.constant 0 : i32
      %dma_wait3A_502 = tpu.memref_slice %arg27[%dma_wait3A_500, %dma_wait3A_501] : memref<5128x128xf32, #tpu.memory_space<vmem_shared>> -> memref<5128x128xf32, #tpu.memory_space<vmem_shared>>
      tpu.wait_indirect_dma semaphore(%run_scoped3A : memref<!tpu.dma_semaphore, #tpu.memory_space<semaphore_mem>>) src(%dma_wait3A_502 : memref<5128x128xf32, #tpu.memory_space<vmem_shared>>) dst(%dma_wait3A_499 : memref<64x128xf32, #tpu.memory_space<vmem>>)
      tpu.yield
    }) : () -> ()
    %mul3A_435 = arith.constant 320 : i32
    %mul3A_436 = arith.muli %arg1, %mul3A_435 : i32
    %add3A_437 = arith.constant 192 : i32
    %add3A_438 = arith.addi %mul3A_436, %add3A_437 : i32
    "tpu.region"() ({
      %run_scoped3A = tpu.sem_alloc : memref<!tpu.dma_semaphore, #tpu.memory_space<semaphore_mem>>
      %dma_start3A_492 = arith.constant 0 : i32
      %dma_start3A_493 = arith.constant 0 : i32
      %dma_start3A_494 = tpu.memref_slice %arg20[%dma_start3A_492, %dma_start3A_493] : memref<240x128xf32, #tpu.memory_space<vmem>> -> memref<64x128xf32, #tpu.memory_space<vmem>>
      %dma_start3A_495 = arith.constant 0 : i32
      %dma_start3A_496 = tpu.memref_slice %arg9[%arg0, %add3A_438, %dma_start3A_495] : memref<2x5120x128xf32, #tpu.memory_space<hbm>> -> memref<1x64x128xf32, #tpu.memory_space<hbm>>
      %dma_start3A_497 = tpu.memref_squeeze %dma_start3A_496 : memref<1x64x128xf32, #tpu.memory_space<hbm>> -> memref<64x128xf32, #tpu.memory_space<hbm>>
      %dma_start3A_498 = arith.constant 0 : i32
      %dma_start3A_499 = tpu.memref_slice %arg9[%arg0, %add3A_438, %dma_start3A_498] : memref<2x5120x128xf32, #tpu.memory_space<hbm>> -> memref<1x64x128xf32, #tpu.memory_space<hbm>>
      %dma_start3A_500 = tpu.memref_squeeze %dma_start3A_499 : memref<1x64x128xf32, #tpu.memory_space<hbm>> -> memref<64x128xf32, #tpu.memory_space<hbm>>
      %dma_start3A_501 = arith.constant 0 : i32
      %dma_start3A_502 = arith.constant 0 : i32
      %dma_start3A_503 = tpu.memref_slice %arg20[%dma_start3A_501, %dma_start3A_502] : memref<240x128xf32, #tpu.memory_space<vmem>> -> memref<64x128xf32, #tpu.memory_space<vmem>>
      tpu.enqueue_dma source(%dma_start3A_503 : memref<64x128xf32, #tpu.memory_space<vmem>>) target(%dma_start3A_500 : memref<64x128xf32, #tpu.memory_space<hbm>>) target_semaphore(%run_scoped3A : memref<!tpu.dma_semaphore, #tpu.memory_space<semaphore_mem>>)
      %dma_wait3A = arith.constant 0 : i32
      %dma_wait3A_504 = arith.constant 0 : i32
      %dma_wait3A_505 = tpu.memref_slice %arg20[%dma_wait3A, %dma_wait3A_504] : memref<240x128xf32, #tpu.memory_space<vmem>> -> memref<64x128xf32, #tpu.memory_space<vmem>>
      %dma_wait3A_506 = arith.constant 0 : i32
      %dma_wait3A_507 = tpu.memref_slice %arg9[%arg0, %add3A_438, %dma_wait3A_506] : memref<2x5120x128xf32, #tpu.memory_space<hbm>> -> memref<1x64x128xf32, #tpu.memory_space<hbm>>
      %dma_wait3A_508 = tpu.memref_squeeze %dma_wait3A_507 : memref<1x64x128xf32, #tpu.memory_space<hbm>> -> memref<64x128xf32, #tpu.memory_space<hbm>>
      %dma_wait3A_509 = arith.constant 0 : i32
      %dma_wait3A_510 = tpu.memref_slice %arg9[%arg0, %add3A_438, %dma_wait3A_509] : memref<2x5120x128xf32, #tpu.memory_space<hbm>> -> memref<1x64x128xf32, #tpu.memory_space<hbm>>
      %dma_wait3A_511 = tpu.memref_squeeze %dma_wait3A_510 : memref<1x64x128xf32, #tpu.memory_space<hbm>> -> memref<64x128xf32, #tpu.memory_space<hbm>>
      %dma_wait3A_512 = arith.constant 0 : i32
      %dma_wait3A_513 = arith.constant 0 : i32
      %dma_wait3A_514 = tpu.memref_slice %arg20[%dma_wait3A_512, %dma_wait3A_513] : memref<240x128xf32, #tpu.memory_space<vmem>> -> memref<64x128xf32, #tpu.memory_space<vmem>>
      tpu.wait_dma2 semaphore(%run_scoped3A : memref<!tpu.dma_semaphore, #tpu.memory_space<semaphore_mem>>) src(%dma_wait3A_514 : memref<64x128xf32, #tpu.memory_space<vmem>>) dst(%dma_wait3A_511 : memref<64x128xf32, #tpu.memory_space<hbm>>)
      tpu.yield
    }) : () -> ()
    %mul3A_439 = arith.constant 320 : i32
    %mul3A_440 = arith.muli %arg1, %mul3A_439 : i32
    %add3A_441 = arith.constant 256 : i32
    %add3A_442 = arith.addi %mul3A_440, %add3A_441 : i32
    %add3A_443 = arith.constant 0 : i32
    %add3A_444 = arith.addi %add3A_442, %add3A_443 : i32
    %broadcast_in_dim3A_445 = vector.broadcast %add3A_444 : i32 to vector<16xi32>
    %iota3A_446 = tpu.iota {dimensions = array<i32: 0>} : vector<16xi32>
    %add3A_447 = arith.addi %broadcast_in_dim3A_445, %iota3A_446 : vector<16xi32>
    %swap3A_448 = arith.constant 0 : index
    %swap3A_449 = tpu.vector_load %arg22[%swap3A_448] {strides = array<i32>} : memref<64xi32, #tpu.memory_space<vmem>>, vector<16xi32>,
    tpu.vector_store %arg22[%swap3A_448], %add3A_447 {strides = array<i32>} : memref<64xi32, #tpu.memory_space<vmem>>, vector<16xi32>,
    %mul3A_450 = arith.constant 320 : i32
    %mul3A_451 = arith.muli %arg1, %mul3A_450 : i32
    %add3A_452 = arith.constant 256 : i32
    %add3A_453 = arith.addi %mul3A_451, %add3A_452 : i32
    %add3A_454 = arith.constant 16 : i32
    %add3A_455 = arith.addi %add3A_453, %add3A_454 : i32
    %broadcast_in_dim3A_456 = vector.broadcast %add3A_455 : i32 to vector<16xi32>
    %iota3A_457 = tpu.iota {dimensions = array<i32: 0>} : vector<16xi32>
    %add3A_458 = arith.addi %broadcast_in_dim3A_456, %iota3A_457 : vector<16xi32>
    %swap3A_459 = arith.constant 16 : index
    %swap3A_460 = tpu.vector_load %arg22[%swap3A_459] {strides = array<i32>} : memref<64xi32, #tpu.memory_space<vmem>>, vector<16xi32>,
    tpu.vector_store %arg22[%swap3A_459], %add3A_458 {strides = array<i32>} : memref<64xi32, #tpu.memory_space<vmem>>, vector<16xi32>,
    %mul3A_461 = arith.constant 320 : i32
    %mul3A_462 = arith.muli %arg1, %mul3A_461 : i32
    %add3A_463 = arith.constant 256 : i32
    %add3A_464 = arith.addi %mul3A_462, %add3A_463 : i32
    %add3A_465 = arith.constant 32 : i32
    %add3A_466 = arith.addi %add3A_464, %add3A_465 : i32
    %broadcast_in_dim3A_467 = vector.broadcast %add3A_466 : i32 to vector<16xi32>
    %iota3A_468 = tpu.iota {dimensions = array<i32: 0>} : vector<16xi32>
    %add3A_469 = arith.addi %broadcast_in_dim3A_467, %iota3A_468 : vector<16xi32>
    %swap3A_470 = arith.constant 32 : index
    %swap3A_471 = tpu.vector_load %arg22[%swap3A_470] {strides = array<i32>} : memref<64xi32, #tpu.memory_space<vmem>>, vector<16xi32>,
    tpu.vector_store %arg22[%swap3A_470], %add3A_469 {strides = array<i32>} : memref<64xi32, #tpu.memory_space<vmem>>, vector<16xi32>,
    %mul3A_472 = arith.constant 320 : i32
    %mul3A_473 = arith.muli %arg1, %mul3A_472 : i32
    %add3A_474 = arith.constant 256 : i32
    %add3A_475 = arith.addi %mul3A_473, %add3A_474 : i32
    %add3A_476 = arith.constant 48 : i32
    %add3A_477 = arith.addi %add3A_475, %add3A_476 : i32
    %broadcast_in_dim3A_478 = vector.broadcast %add3A_477 : i32 to vector<16xi32>
    %iota3A_479 = tpu.iota {dimensions = array<i32: 0>} : vector<16xi32>
    %add3A_480 = arith.addi %broadcast_in_dim3A_478, %iota3A_479 : vector<16xi32>
    %swap3A_481 = arith.constant 48 : index
    %swap3A_482 = tpu.vector_load %arg22[%swap3A_481] {strides = array<i32>} : memref<64xi32, #tpu.memory_space<vmem>>, vector<16xi32>,
    tpu.vector_store %arg22[%swap3A_481], %add3A_480 {strides = array<i32>} : memref<64xi32, #tpu.memory_space<vmem>>, vector<16xi32>,
    "tpu.region"() ({
      %run_scoped3A = tpu.sem_alloc : memref<!tpu.dma_semaphore, #tpu.memory_space<semaphore_mem>>
      %dma_start3A_492 = arith.constant 0 : i32
      %dma_start3A_493 = arith.constant 0 : i32
      %dma_start3A_494 = tpu.memref_slice %arg20[%dma_start3A_492, %dma_start3A_493] : memref<240x128xf32, #tpu.memory_space<vmem>> -> memref<64x128xf32, #tpu.memory_space<vmem>>
      %dma_start3A_495 = arith.constant 0 : i32
      %dma_start3A_496 = arith.constant 0 : i32
      %dma_start3A_497 = tpu.memref_slice %arg27[%dma_start3A_495, %dma_start3A_496] : memref<5128x128xf32, #tpu.memory_space<vmem_shared>> -> memref<5128x128xf32, #tpu.memory_space<vmem_shared>>
      tpu.enqueue_indirect_dma source(%dma_start3A_497 : memref<5128x128xf32, #tpu.memory_space<vmem_shared>>) target(%dma_start3A_494 : memref<64x128xf32, #tpu.memory_space<vmem>>) offsets(%arg22 : memref<64xi32, #tpu.memory_space<vmem>>) semaphore(%run_scoped3A : memref<!tpu.dma_semaphore, #tpu.memory_space<semaphore_mem>>)
      %dma_wait3A = arith.constant 0 : i32
      %dma_wait3A_498 = arith.constant 0 : i32
      %dma_wait3A_499 = tpu.memref_slice %arg20[%dma_wait3A, %dma_wait3A_498] : memref<240x128xf32, #tpu.memory_space<vmem>> -> memref<64x128xf32, #tpu.memory_space<vmem>>
      %dma_wait3A_500 = arith.constant 0 : i32
      %dma_wait3A_501 = arith.constant 0 : i32
      %dma_wait3A_502 = tpu.memref_slice %arg27[%dma_wait3A_500, %dma_wait3A_501] : memref<5128x128xf32, #tpu.memory_space<vmem_shared>> -> memref<5128x128xf32, #tpu.memory_space<vmem_shared>>
      tpu.wait_indirect_dma semaphore(%run_scoped3A : memref<!tpu.dma_semaphore, #tpu.memory_space<semaphore_mem>>) src(%dma_wait3A_502 : memref<5128x128xf32, #tpu.memory_space<vmem_shared>>) dst(%dma_wait3A_499 : memref<64x128xf32, #tpu.memory_space<vmem>>)
      tpu.yield
    }) : () -> ()
    %mul3A_483 = arith.constant 320 : i32
    %mul3A_484 = arith.muli %arg1, %mul3A_483 : i32
    %add3A_485 = arith.constant 256 : i32
    %add3A_486 = arith.addi %mul3A_484, %add3A_485 : i32
    "tpu.region"() ({
      %run_scoped3A = tpu.sem_alloc : memref<!tpu.dma_semaphore, #tpu.memory_space<semaphore_mem>>
      %dma_start3A_492 = arith.constant 0 : i32
      %dma_start3A_493 = arith.constant 0 : i32
      %dma_start3A_494 = tpu.memref_slice %arg20[%dma_start3A_492, %dma_start3A_493] : memref<240x128xf32, #tpu.memory_space<vmem>> -> memref<64x128xf32, #tpu.memory_space<vmem>>
      %dma_start3A_495 = arith.constant 0 : i32
      %dma_start3A_496 = tpu.memref_slice %arg9[%arg0, %add3A_486, %dma_start3A_495] : memref<2x5120x128xf32, #tpu.memory_space<hbm>> -> memref<1x64x128xf32, #tpu.memory_space<hbm>>
      %dma_start3A_497 = tpu.memref_squeeze %dma_start3A_496 : memref<1x64x128xf32, #tpu.memory_space<hbm>> -> memref<64x128xf32, #tpu.memory_space<hbm>>
      %dma_start3A_498 = arith.constant 0 : i32
      %dma_start3A_499 = tpu.memref_slice %arg9[%arg0, %add3A_486, %dma_start3A_498] : memref<2x5120x128xf32, #tpu.memory_space<hbm>> -> memref<1x64x128xf32, #tpu.memory_space<hbm>>
      %dma_start3A_500 = tpu.memref_squeeze %dma_start3A_499 : memref<1x64x128xf32, #tpu.memory_space<hbm>> -> memref<64x128xf32, #tpu.memory_space<hbm>>
      %dma_start3A_501 = arith.constant 0 : i32
      %dma_start3A_502 = arith.constant 0 : i32
      %dma_start3A_503 = tpu.memref_slice %arg20[%dma_start3A_501, %dma_start3A_502] : memref<240x128xf32, #tpu.memory_space<vmem>> -> memref<64x128xf32, #tpu.memory_space<vmem>>
      tpu.enqueue_dma source(%dma_start3A_503 : memref<64x128xf32, #tpu.memory_space<vmem>>) target(%dma_start3A_500 : memref<64x128xf32, #tpu.memory_space<hbm>>) target_semaphore(%run_scoped3A : memref<!tpu.dma_semaphore, #tpu.memory_space<semaphore_mem>>)
      %dma_wait3A = arith.constant 0 : i32
      %dma_wait3A_504 = arith.constant 0 : i32
      %dma_wait3A_505 = tpu.memref_slice %arg20[%dma_wait3A, %dma_wait3A_504] : memref<240x128xf32, #tpu.memory_space<vmem>> -> memref<64x128xf32, #tpu.memory_space<vmem>>
      %dma_wait3A_506 = arith.constant 0 : i32
      %dma_wait3A_507 = tpu.memref_slice %arg9[%arg0, %add3A_486, %dma_wait3A_506] : memref<2x5120x128xf32, #tpu.memory_space<hbm>> -> memref<1x64x128xf32, #tpu.memory_space<hbm>>
      %dma_wait3A_508 = tpu.memref_squeeze %dma_wait3A_507 : memref<1x64x128xf32, #tpu.memory_space<hbm>> -> memref<64x128xf32, #tpu.memory_space<hbm>>
      %dma_wait3A_509 = arith.constant 0 : i32
      %dma_wait3A_510 = tpu.memref_slice %arg9[%arg0, %add3A_486, %dma_wait3A_509] : memref<2x5120x128xf32, #tpu.memory_space<hbm>> -> memref<1x64x128xf32, #tpu.memory_space<hbm>>
      %dma_wait3A_511 = tpu.memref_squeeze %dma_wait3A_510 : memref<1x64x128xf32, #tpu.memory_space<hbm>> -> memref<64x128xf32, #tpu.memory_space<hbm>>
      %dma_wait3A_512 = arith.constant 0 : i32
      %dma_wait3A_513 = arith.constant 0 : i32
      %dma_wait3A_514 = tpu.memref_slice %arg20[%dma_wait3A_512, %dma_wait3A_513] : memref<240x128xf32, #tpu.memory_space<vmem>> -> memref<64x128xf32, #tpu.memory_space<vmem>>
      tpu.wait_dma2 semaphore(%run_scoped3A : memref<!tpu.dma_semaphore, #tpu.memory_space<semaphore_mem>>) src(%dma_wait3A_514 : memref<64x128xf32, #tpu.memory_space<vmem>>) dst(%dma_wait3A_511 : memref<64x128xf32, #tpu.memory_space<hbm>>)
      tpu.yield
    }) : () -> ()
    %eq3A_487 = arith.constant 0 : i32
    %eq3A_488 = arith.cmpi eq, %arg0, %eq3A_487 : i32
    %convert_element_type3A_489 = arith.extui %eq3A_488 : i1 to i32
    %cond3A_490 = arith.constant 0 : i32
    %cond3A_491 = arith.cmpi ne, %convert_element_type3A_489, %cond3A_490 : i32
    scf.if %cond3A_491 {
      %mul3A_492 = arith.constant 640 : i32
      %mul3A_493 = arith.muli %arg1, %mul3A_492 : i32
      %add3A_494 = arith.constant 0 : i32
      %add3A_495 = arith.addi %mul3A_493, %add3A_494 : i32
      %add3A_496 = arith.constant 0 : i32
      %add3A_497 = arith.addi %add3A_495, %add3A_496 : i32
      %broadcast_in_dim3A_498 = vector.broadcast %add3A_497 : i32 to vector<16xi32>
      %iota3A_499 = tpu.iota {dimensions = array<i32: 0>} : vector<16xi32>
      %add3A_500 = arith.addi %broadcast_in_dim3A_498, %iota3A_499 : vector<16xi32>
      %swap3A_501 = arith.constant 0 : index
      %swap3A_502 = tpu.vector_load %arg22[%swap3A_501] {strides = array<i32>} : memref<64xi32, #tpu.memory_space<vmem>>, vector<16xi32>,
      tpu.vector_store %arg22[%swap3A_501], %add3A_500 {strides = array<i32>} : memref<64xi32, #tpu.memory_space<vmem>>, vector<16xi32>,
      %mul3A_503 = arith.constant 640 : i32
      %mul3A_504 = arith.muli %arg1, %mul3A_503 : i32
      %add3A_505 = arith.constant 0 : i32
      %add3A_506 = arith.addi %mul3A_504, %add3A_505 : i32
      %add3A_507 = arith.constant 16 : i32
      %add3A_508 = arith.addi %add3A_506, %add3A_507 : i32
      %broadcast_in_dim3A_509 = vector.broadcast %add3A_508 : i32 to vector<16xi32>
      %iota3A_510 = tpu.iota {dimensions = array<i32: 0>} : vector<16xi32>
      %add3A_511 = arith.addi %broadcast_in_dim3A_509, %iota3A_510 : vector<16xi32>
      %swap3A_512 = arith.constant 16 : index
      %swap3A_513 = tpu.vector_load %arg22[%swap3A_512] {strides = array<i32>} : memref<64xi32, #tpu.memory_space<vmem>>, vector<16xi32>,
      tpu.vector_store %arg22[%swap3A_512], %add3A_511 {strides = array<i32>} : memref<64xi32, #tpu.memory_space<vmem>>, vector<16xi32>,
      %mul3A_514 = arith.constant 640 : i32
      %mul3A_515 = arith.muli %arg1, %mul3A_514 : i32
      %add3A_516 = arith.constant 0 : i32
      %add3A_517 = arith.addi %mul3A_515, %add3A_516 : i32
      %add3A_518 = arith.constant 32 : i32
      %add3A_519 = arith.addi %add3A_517, %add3A_518 : i32
      %broadcast_in_dim3A_520 = vector.broadcast %add3A_519 : i32 to vector<16xi32>
      %iota3A_521 = tpu.iota {dimensions = array<i32: 0>} : vector<16xi32>
      %add3A_522 = arith.addi %broadcast_in_dim3A_520, %iota3A_521 : vector<16xi32>
      %swap3A_523 = arith.constant 32 : index
      %swap3A_524 = tpu.vector_load %arg22[%swap3A_523] {strides = array<i32>} : memref<64xi32, #tpu.memory_space<vmem>>, vector<16xi32>,
      tpu.vector_store %arg22[%swap3A_523], %add3A_522 {strides = array<i32>} : memref<64xi32, #tpu.memory_space<vmem>>, vector<16xi32>,
      %mul3A_525 = arith.constant 640 : i32
      %mul3A_526 = arith.muli %arg1, %mul3A_525 : i32
      %add3A_527 = arith.constant 0 : i32
      %add3A_528 = arith.addi %mul3A_526, %add3A_527 : i32
      %add3A_529 = arith.constant 48 : i32
      %add3A_530 = arith.addi %add3A_528, %add3A_529 : i32
      %broadcast_in_dim3A_531 = vector.broadcast %add3A_530 : i32 to vector<16xi32>
      %iota3A_532 = tpu.iota {dimensions = array<i32: 0>} : vector<16xi32>
      %add3A_533 = arith.addi %broadcast_in_dim3A_531, %iota3A_532 : vector<16xi32>
      %swap3A_534 = arith.constant 48 : index
      %swap3A_535 = tpu.vector_load %arg22[%swap3A_534] {strides = array<i32>} : memref<64xi32, #tpu.memory_space<vmem>>, vector<16xi32>,
      tpu.vector_store %arg22[%swap3A_534], %add3A_533 {strides = array<i32>} : memref<64xi32, #tpu.memory_space<vmem>>, vector<16xi32>,
      "tpu.region"() ({
        %run_scoped3A = tpu.sem_alloc : memref<!tpu.dma_semaphore, #tpu.memory_space<semaphore_mem>>
        %dma_start3A_972 = arith.constant 0 : i32
        %dma_start3A_973 = tpu.memref_slice %arg21[%dma_start3A_972] : memref<640xf32, #tpu.memory_space<vmem>> -> memref<64xf32, #tpu.memory_space<vmem>>
        %dma_start3A_974 = arith.constant 0 : i32
        %dma_start3A_975 = tpu.memref_slice %arg28[%dma_start3A_974] : memref<10240xf32, #tpu.memory_space<vmem_shared>> -> memref<10240xf32, #tpu.memory_space<vmem_shared>>
        tpu.enqueue_indirect_dma source(%dma_start3A_975 : memref<10240xf32, #tpu.memory_space<vmem_shared>>) target(%dma_start3A_973 : memref<64xf32, #tpu.memory_space<vmem>>) offsets(%arg22 : memref<64xi32, #tpu.memory_space<vmem>>) semaphore(%run_scoped3A : memref<!tpu.dma_semaphore, #tpu.memory_space<semaphore_mem>>)
        %dma_wait3A = arith.constant 0 : i32
        %dma_wait3A_976 = tpu.memref_slice %arg21[%dma_wait3A] : memref<640xf32, #tpu.memory_space<vmem>> -> memref<64xf32, #tpu.memory_space<vmem>>
        %dma_wait3A_977 = arith.constant 0 : i32
        %dma_wait3A_978 = tpu.memref_slice %arg28[%dma_wait3A_977] : memref<10240xf32, #tpu.memory_space<vmem_shared>> -> memref<10240xf32, #tpu.memory_space<vmem_shared>>
        tpu.wait_indirect_dma semaphore(%run_scoped3A : memref<!tpu.dma_semaphore, #tpu.memory_space<semaphore_mem>>) src(%dma_wait3A_978 : memref<10240xf32, #tpu.memory_space<vmem_shared>>) dst(%dma_wait3A_976 : memref<64xf32, #tpu.memory_space<vmem>>)
        tpu.yield
      }) : () -> ()
      %mul3A_536 = arith.constant 640 : i32
      %mul3A_537 = arith.muli %arg1, %mul3A_536 : i32
      %add3A_538 = arith.constant 0 : i32
      %add3A_539 = arith.addi %mul3A_537, %add3A_538 : i32
      "tpu.region"() ({
        %run_scoped3A = tpu.sem_alloc : memref<!tpu.dma_semaphore, #tpu.memory_space<semaphore_mem>>
        %dma_start3A_972 = arith.constant 0 : i32
        %dma_start3A_973 = tpu.memref_slice %arg21[%dma_start3A_972] : memref<640xf32, #tpu.memory_space<vmem>> -> memref<64xf32, #tpu.memory_space<vmem>>
        %dma_start3A_974 = tpu.memref_slice %arg10[%add3A_539] : memref<10240xf32, #tpu.memory_space<hbm>> -> memref<64xf32, #tpu.memory_space<hbm>>
        %dma_start3A_975 = tpu.memref_slice %arg10[%add3A_539] : memref<10240xf32, #tpu.memory_space<hbm>> -> memref<64xf32, #tpu.memory_space<hbm>>
        %dma_start3A_976 = arith.constant 0 : i32
        %dma_start3A_977 = tpu.memref_slice %arg21[%dma_start3A_976] : memref<640xf32, #tpu.memory_space<vmem>> -> memref<64xf32, #tpu.memory_space<vmem>>
        tpu.enqueue_dma source(%dma_start3A_977 : memref<64xf32, #tpu.memory_space<vmem>>) target(%dma_start3A_975 : memref<64xf32, #tpu.memory_space<hbm>>) target_semaphore(%run_scoped3A : memref<!tpu.dma_semaphore, #tpu.memory_space<semaphore_mem>>)
        %dma_wait3A = arith.constant 0 : i32
        %dma_wait3A_978 = tpu.memref_slice %arg21[%dma_wait3A] : memref<640xf32, #tpu.memory_space<vmem>> -> memref<64xf32, #tpu.memory_space<vmem>>
        %dma_wait3A_979 = tpu.memref_slice %arg10[%add3A_539] : memref<10240xf32, #tpu.memory_space<hbm>> -> memref<64xf32, #tpu.memory_space<hbm>>
        %dma_wait3A_980 = tpu.memref_slice %arg10[%add3A_539] : memref<10240xf32, #tpu.memory_space<hbm>> -> memref<64xf32, #tpu.memory_space<hbm>>
        %dma_wait3A_981 = arith.constant 0 : i32
        %dma_wait3A_982 = tpu.memref_slice %arg21[%dma_wait3A_981] : memref<640xf32, #tpu.memory_space<vmem>> -> memref<64xf32, #tpu.memory_space<vmem>>
        tpu.wait_dma2 semaphore(%run_scoped3A : memref<!tpu.dma_semaphore, #tpu.memory_space<semaphore_mem>>) src(%dma_wait3A_982 : memref<64xf32, #tpu.memory_space<vmem>>) dst(%dma_wait3A_980 : memref<64xf32, #tpu.memory_space<hbm>>)
        tpu.yield
      }) : () -> ()
      %mul3A_540 = arith.constant 640 : i32
      %mul3A_541 = arith.muli %arg1, %mul3A_540 : i32
      %add3A_542 = arith.constant 64 : i32
      %add3A_543 = arith.addi %mul3A_541, %add3A_542 : i32
      %add3A_544 = arith.constant 0 : i32
      %add3A_545 = arith.addi %add3A_543, %add3A_544 : i32
      %broadcast_in_dim3A_546 = vector.broadcast %add3A_545 : i32 to vector<16xi32>
      %iota3A_547 = tpu.iota {dimensions = array<i32: 0>} : vector<16xi32>
      %add3A_548 = arith.addi %broadcast_in_dim3A_546, %iota3A_547 : vector<16xi32>
      %swap3A_549 = arith.constant 0 : index
      %swap3A_550 = tpu.vector_load %arg22[%swap3A_549] {strides = array<i32>} : memref<64xi32, #tpu.memory_space<vmem>>, vector<16xi32>,
      tpu.vector_store %arg22[%swap3A_549], %add3A_548 {strides = array<i32>} : memref<64xi32, #tpu.memory_space<vmem>>, vector<16xi32>,
      %mul3A_551 = arith.constant 640 : i32
      %mul3A_552 = arith.muli %arg1, %mul3A_551 : i32
      %add3A_553 = arith.constant 64 : i32
      %add3A_554 = arith.addi %mul3A_552, %add3A_553 : i32
      %add3A_555 = arith.constant 16 : i32
      %add3A_556 = arith.addi %add3A_554, %add3A_555 : i32
      %broadcast_in_dim3A_557 = vector.broadcast %add3A_556 : i32 to vector<16xi32>
      %iota3A_558 = tpu.iota {dimensions = array<i32: 0>} : vector<16xi32>
      %add3A_559 = arith.addi %broadcast_in_dim3A_557, %iota3A_558 : vector<16xi32>
      %swap3A_560 = arith.constant 16 : index
      %swap3A_561 = tpu.vector_load %arg22[%swap3A_560] {strides = array<i32>} : memref<64xi32, #tpu.memory_space<vmem>>, vector<16xi32>,
      tpu.vector_store %arg22[%swap3A_560], %add3A_559 {strides = array<i32>} : memref<64xi32, #tpu.memory_space<vmem>>, vector<16xi32>,
      %mul3A_562 = arith.constant 640 : i32
      %mul3A_563 = arith.muli %arg1, %mul3A_562 : i32
      %add3A_564 = arith.constant 64 : i32
      %add3A_565 = arith.addi %mul3A_563, %add3A_564 : i32
      %add3A_566 = arith.constant 32 : i32
      %add3A_567 = arith.addi %add3A_565, %add3A_566 : i32
      %broadcast_in_dim3A_568 = vector.broadcast %add3A_567 : i32 to vector<16xi32>
      %iota3A_569 = tpu.iota {dimensions = array<i32: 0>} : vector<16xi32>
      %add3A_570 = arith.addi %broadcast_in_dim3A_568, %iota3A_569 : vector<16xi32>
      %swap3A_571 = arith.constant 32 : index
      %swap3A_572 = tpu.vector_load %arg22[%swap3A_571] {strides = array<i32>} : memref<64xi32, #tpu.memory_space<vmem>>, vector<16xi32>,
      tpu.vector_store %arg22[%swap3A_571], %add3A_570 {strides = array<i32>} : memref<64xi32, #tpu.memory_space<vmem>>, vector<16xi32>,
      %mul3A_573 = arith.constant 640 : i32
      %mul3A_574 = arith.muli %arg1, %mul3A_573 : i32
      %add3A_575 = arith.constant 64 : i32
      %add3A_576 = arith.addi %mul3A_574, %add3A_575 : i32
      %add3A_577 = arith.constant 48 : i32
      %add3A_578 = arith.addi %add3A_576, %add3A_577 : i32
      %broadcast_in_dim3A_579 = vector.broadcast %add3A_578 : i32 to vector<16xi32>
      %iota3A_580 = tpu.iota {dimensions = array<i32: 0>} : vector<16xi32>
      %add3A_581 = arith.addi %broadcast_in_dim3A_579, %iota3A_580 : vector<16xi32>
      %swap3A_582 = arith.constant 48 : index
      %swap3A_583 = tpu.vector_load %arg22[%swap3A_582] {strides = array<i32>} : memref<64xi32, #tpu.memory_space<vmem>>, vector<16xi32>,
      tpu.vector_store %arg22[%swap3A_582], %add3A_581 {strides = array<i32>} : memref<64xi32, #tpu.memory_space<vmem>>, vector<16xi32>,
      "tpu.region"() ({
        %run_scoped3A = tpu.sem_alloc : memref<!tpu.dma_semaphore, #tpu.memory_space<semaphore_mem>>
        %dma_start3A_972 = arith.constant 0 : i32
        %dma_start3A_973 = tpu.memref_slice %arg21[%dma_start3A_972] : memref<640xf32, #tpu.memory_space<vmem>> -> memref<64xf32, #tpu.memory_space<vmem>>
        %dma_start3A_974 = arith.constant 0 : i32
        %dma_start3A_975 = tpu.memref_slice %arg28[%dma_start3A_974] : memref<10240xf32, #tpu.memory_space<vmem_shared>> -> memref<10240xf32, #tpu.memory_space<vmem_shared>>
        tpu.enqueue_indirect_dma source(%dma_start3A_975 : memref<10240xf32, #tpu.memory_space<vmem_shared>>) target(%dma_start3A_973 : memref<64xf32, #tpu.memory_space<vmem>>) offsets(%arg22 : memref<64xi32, #tpu.memory_space<vmem>>) semaphore(%run_scoped3A : memref<!tpu.dma_semaphore, #tpu.memory_space<semaphore_mem>>)
        %dma_wait3A = arith.constant 0 : i32
        %dma_wait3A_976 = tpu.memref_slice %arg21[%dma_wait3A] : memref<640xf32, #tpu.memory_space<vmem>> -> memref<64xf32, #tpu.memory_space<vmem>>
        %dma_wait3A_977 = arith.constant 0 : i32
        %dma_wait3A_978 = tpu.memref_slice %arg28[%dma_wait3A_977] : memref<10240xf32, #tpu.memory_space<vmem_shared>> -> memref<10240xf32, #tpu.memory_space<vmem_shared>>
        tpu.wait_indirect_dma semaphore(%run_scoped3A : memref<!tpu.dma_semaphore, #tpu.memory_space<semaphore_mem>>) src(%dma_wait3A_978 : memref<10240xf32, #tpu.memory_space<vmem_shared>>) dst(%dma_wait3A_976 : memref<64xf32, #tpu.memory_space<vmem>>)
        tpu.yield
      }) : () -> ()
      %mul3A_584 = arith.constant 640 : i32
      %mul3A_585 = arith.muli %arg1, %mul3A_584 : i32
      %add3A_586 = arith.constant 64 : i32
      %add3A_587 = arith.addi %mul3A_585, %add3A_586 : i32
      "tpu.region"() ({
        %run_scoped3A = tpu.sem_alloc : memref<!tpu.dma_semaphore, #tpu.memory_space<semaphore_mem>>
        %dma_start3A_972 = arith.constant 0 : i32
        %dma_start3A_973 = tpu.memref_slice %arg21[%dma_start3A_972] : memref<640xf32, #tpu.memory_space<vmem>> -> memref<64xf32, #tpu.memory_space<vmem>>
        %dma_start3A_974 = tpu.memref_slice %arg10[%add3A_587] : memref<10240xf32, #tpu.memory_space<hbm>> -> memref<64xf32, #tpu.memory_space<hbm>>
        %dma_start3A_975 = tpu.memref_slice %arg10[%add3A_587] : memref<10240xf32, #tpu.memory_space<hbm>> -> memref<64xf32, #tpu.memory_space<hbm>>
        %dma_start3A_976 = arith.constant 0 : i32
        %dma_start3A_977 = tpu.memref_slice %arg21[%dma_start3A_976] : memref<640xf32, #tpu.memory_space<vmem>> -> memref<64xf32, #tpu.memory_space<vmem>>
        tpu.enqueue_dma source(%dma_start3A_977 : memref<64xf32, #tpu.memory_space<vmem>>) target(%dma_start3A_975 : memref<64xf32, #tpu.memory_space<hbm>>) target_semaphore(%run_scoped3A : memref<!tpu.dma_semaphore, #tpu.memory_space<semaphore_mem>>)
        %dma_wait3A = arith.constant 0 : i32
        %dma_wait3A_978 = tpu.memref_slice %arg21[%dma_wait3A] : memref<640xf32, #tpu.memory_space<vmem>> -> memref<64xf32, #tpu.memory_space<vmem>>
        %dma_wait3A_979 = tpu.memref_slice %arg10[%add3A_587] : memref<10240xf32, #tpu.memory_space<hbm>> -> memref<64xf32, #tpu.memory_space<hbm>>
        %dma_wait3A_980 = tpu.memref_slice %arg10[%add3A_587] : memref<10240xf32, #tpu.memory_space<hbm>> -> memref<64xf32, #tpu.memory_space<hbm>>
        %dma_wait3A_981 = arith.constant 0 : i32
        %dma_wait3A_982 = tpu.memref_slice %arg21[%dma_wait3A_981] : memref<640xf32, #tpu.memory_space<vmem>> -> memref<64xf32, #tpu.memory_space<vmem>>
        tpu.wait_dma2 semaphore(%run_scoped3A : memref<!tpu.dma_semaphore, #tpu.memory_space<semaphore_mem>>) src(%dma_wait3A_982 : memref<64xf32, #tpu.memory_space<vmem>>) dst(%dma_wait3A_980 : memref<64xf32, #tpu.memory_space<hbm>>)
        tpu.yield
      }) : () -> ()
      %mul3A_588 = arith.constant 640 : i32
      %mul3A_589 = arith.muli %arg1, %mul3A_588 : i32
      %add3A_590 = arith.constant 128 : i32
      %add3A_591 = arith.addi %mul3A_589, %add3A_590 : i32
      %add3A_592 = arith.constant 0 : i32
      %add3A_593 = arith.addi %add3A_591, %add3A_592 : i32
      %broadcast_in_dim3A_594 = vector.broadcast %add3A_593 : i32 to vector<16xi32>
      %iota3A_595 = tpu.iota {dimensions = array<i32: 0>} : vector<16xi32>
      %add3A_596 = arith.addi %broadcast_in_dim3A_594, %iota3A_595 : vector<16xi32>
      %swap3A_597 = arith.constant 0 : index
      %swap3A_598 = tpu.vector_load %arg22[%swap3A_597] {strides = array<i32>} : memref<64xi32, #tpu.memory_space<vmem>>, vector<16xi32>,
      tpu.vector_store %arg22[%swap3A_597], %add3A_596 {strides = array<i32>} : memref<64xi32, #tpu.memory_space<vmem>>, vector<16xi32>,
      %mul3A_599 = arith.constant 640 : i32
      %mul3A_600 = arith.muli %arg1, %mul3A_599 : i32
      %add3A_601 = arith.constant 128 : i32
      %add3A_602 = arith.addi %mul3A_600, %add3A_601 : i32
      %add3A_603 = arith.constant 16 : i32
      %add3A_604 = arith.addi %add3A_602, %add3A_603 : i32
      %broadcast_in_dim3A_605 = vector.broadcast %add3A_604 : i32 to vector<16xi32>
      %iota3A_606 = tpu.iota {dimensions = array<i32: 0>} : vector<16xi32>
      %add3A_607 = arith.addi %broadcast_in_dim3A_605, %iota3A_606 : vector<16xi32>
      %swap3A_608 = arith.constant 16 : index
      %swap3A_609 = tpu.vector_load %arg22[%swap3A_608] {strides = array<i32>} : memref<64xi32, #tpu.memory_space<vmem>>, vector<16xi32>,
      tpu.vector_store %arg22[%swap3A_608], %add3A_607 {strides = array<i32>} : memref<64xi32, #tpu.memory_space<vmem>>, vector<16xi32>,
      %mul3A_610 = arith.constant 640 : i32
      %mul3A_611 = arith.muli %arg1, %mul3A_610 : i32
      %add3A_612 = arith.constant 128 : i32
      %add3A_613 = arith.addi %mul3A_611, %add3A_612 : i32
      %add3A_614 = arith.constant 32 : i32
      %add3A_615 = arith.addi %add3A_613, %add3A_614 : i32
      %broadcast_in_dim3A_616 = vector.broadcast %add3A_615 : i32 to vector<16xi32>
      %iota3A_617 = tpu.iota {dimensions = array<i32: 0>} : vector<16xi32>
      %add3A_618 = arith.addi %broadcast_in_dim3A_616, %iota3A_617 : vector<16xi32>
      %swap3A_619 = arith.constant 32 : index
      %swap3A_620 = tpu.vector_load %arg22[%swap3A_619] {strides = array<i32>} : memref<64xi32, #tpu.memory_space<vmem>>, vector<16xi32>,
      tpu.vector_store %arg22[%swap3A_619], %add3A_618 {strides = array<i32>} : memref<64xi32, #tpu.memory_space<vmem>>, vector<16xi32>,
      %mul3A_621 = arith.constant 640 : i32
      %mul3A_622 = arith.muli %arg1, %mul3A_621 : i32
      %add3A_623 = arith.constant 128 : i32
      %add3A_624 = arith.addi %mul3A_622, %add3A_623 : i32
      %add3A_625 = arith.constant 48 : i32
      %add3A_626 = arith.addi %add3A_624, %add3A_625 : i32
      %broadcast_in_dim3A_627 = vector.broadcast %add3A_626 : i32 to vector<16xi32>
      %iota3A_628 = tpu.iota {dimensions = array<i32: 0>} : vector<16xi32>
      %add3A_629 = arith.addi %broadcast_in_dim3A_627, %iota3A_628 : vector<16xi32>
      %swap3A_630 = arith.constant 48 : index
      %swap3A_631 = tpu.vector_load %arg22[%swap3A_630] {strides = array<i32>} : memref<64xi32, #tpu.memory_space<vmem>>, vector<16xi32>,
      tpu.vector_store %arg22[%swap3A_630], %add3A_629 {strides = array<i32>} : memref<64xi32, #tpu.memory_space<vmem>>, vector<16xi32>,
      "tpu.region"() ({
        %run_scoped3A = tpu.sem_alloc : memref<!tpu.dma_semaphore, #tpu.memory_space<semaphore_mem>>
        %dma_start3A_972 = arith.constant 0 : i32
        %dma_start3A_973 = tpu.memref_slice %arg21[%dma_start3A_972] : memref<640xf32, #tpu.memory_space<vmem>> -> memref<64xf32, #tpu.memory_space<vmem>>
        %dma_start3A_974 = arith.constant 0 : i32
        %dma_start3A_975 = tpu.memref_slice %arg28[%dma_start3A_974] : memref<10240xf32, #tpu.memory_space<vmem_shared>> -> memref<10240xf32, #tpu.memory_space<vmem_shared>>
        tpu.enqueue_indirect_dma source(%dma_start3A_975 : memref<10240xf32, #tpu.memory_space<vmem_shared>>) target(%dma_start3A_973 : memref<64xf32, #tpu.memory_space<vmem>>) offsets(%arg22 : memref<64xi32, #tpu.memory_space<vmem>>) semaphore(%run_scoped3A : memref<!tpu.dma_semaphore, #tpu.memory_space<semaphore_mem>>)
        %dma_wait3A = arith.constant 0 : i32
        %dma_wait3A_976 = tpu.memref_slice %arg21[%dma_wait3A] : memref<640xf32, #tpu.memory_space<vmem>> -> memref<64xf32, #tpu.memory_space<vmem>>
        %dma_wait3A_977 = arith.constant 0 : i32
        %dma_wait3A_978 = tpu.memref_slice %arg28[%dma_wait3A_977] : memref<10240xf32, #tpu.memory_space<vmem_shared>> -> memref<10240xf32, #tpu.memory_space<vmem_shared>>
        tpu.wait_indirect_dma semaphore(%run_scoped3A : memref<!tpu.dma_semaphore, #tpu.memory_space<semaphore_mem>>) src(%dma_wait3A_978 : memref<10240xf32, #tpu.memory_space<vmem_shared>>) dst(%dma_wait3A_976 : memref<64xf32, #tpu.memory_space<vmem>>)
        tpu.yield
      }) : () -> ()
      %mul3A_632 = arith.constant 640 : i32
      %mul3A_633 = arith.muli %arg1, %mul3A_632 : i32
      %add3A_634 = arith.constant 128 : i32
      %add3A_635 = arith.addi %mul3A_633, %add3A_634 : i32
      "tpu.region"() ({
        %run_scoped3A = tpu.sem_alloc : memref<!tpu.dma_semaphore, #tpu.memory_space<semaphore_mem>>
        %dma_start3A_972 = arith.constant 0 : i32
        %dma_start3A_973 = tpu.memref_slice %arg21[%dma_start3A_972] : memref<640xf32, #tpu.memory_space<vmem>> -> memref<64xf32, #tpu.memory_space<vmem>>
        %dma_start3A_974 = tpu.memref_slice %arg10[%add3A_635] : memref<10240xf32, #tpu.memory_space<hbm>> -> memref<64xf32, #tpu.memory_space<hbm>>
        %dma_start3A_975 = tpu.memref_slice %arg10[%add3A_635] : memref<10240xf32, #tpu.memory_space<hbm>> -> memref<64xf32, #tpu.memory_space<hbm>>
        %dma_start3A_976 = arith.constant 0 : i32
        %dma_start3A_977 = tpu.memref_slice %arg21[%dma_start3A_976] : memref<640xf32, #tpu.memory_space<vmem>> -> memref<64xf32, #tpu.memory_space<vmem>>
        tpu.enqueue_dma source(%dma_start3A_977 : memref<64xf32, #tpu.memory_space<vmem>>) target(%dma_start3A_975 : memref<64xf32, #tpu.memory_space<hbm>>) target_semaphore(%run_scoped3A : memref<!tpu.dma_semaphore, #tpu.memory_space<semaphore_mem>>)
        %dma_wait3A = arith.constant 0 : i32
        %dma_wait3A_978 = tpu.memref_slice %arg21[%dma_wait3A] : memref<640xf32, #tpu.memory_space<vmem>> -> memref<64xf32, #tpu.memory_space<vmem>>
        %dma_wait3A_979 = tpu.memref_slice %arg10[%add3A_635] : memref<10240xf32, #tpu.memory_space<hbm>> -> memref<64xf32, #tpu.memory_space<hbm>>
        %dma_wait3A_980 = tpu.memref_slice %arg10[%add3A_635] : memref<10240xf32, #tpu.memory_space<hbm>> -> memref<64xf32, #tpu.memory_space<hbm>>
        %dma_wait3A_981 = arith.constant 0 : i32
        %dma_wait3A_982 = tpu.memref_slice %arg21[%dma_wait3A_981] : memref<640xf32, #tpu.memory_space<vmem>> -> memref<64xf32, #tpu.memory_space<vmem>>
        tpu.wait_dma2 semaphore(%run_scoped3A : memref<!tpu.dma_semaphore, #tpu.memory_space<semaphore_mem>>) src(%dma_wait3A_982 : memref<64xf32, #tpu.memory_space<vmem>>) dst(%dma_wait3A_980 : memref<64xf32, #tpu.memory_space<hbm>>)
        tpu.yield
      }) : () -> ()
      %mul3A_636 = arith.constant 640 : i32
      %mul3A_637 = arith.muli %arg1, %mul3A_636 : i32
      %add3A_638 = arith.constant 192 : i32
      %add3A_639 = arith.addi %mul3A_637, %add3A_638 : i32
      %add3A_640 = arith.constant 0 : i32
      %add3A_641 = arith.addi %add3A_639, %add3A_640 : i32
      %broadcast_in_dim3A_642 = vector.broadcast %add3A_641 : i32 to vector<16xi32>
      %iota3A_643 = tpu.iota {dimensions = array<i32: 0>} : vector<16xi32>
      %add3A_644 = arith.addi %broadcast_in_dim3A_642, %iota3A_643 : vector<16xi32>
      %swap3A_645 = arith.constant 0 : index
      %swap3A_646 = tpu.vector_load %arg22[%swap3A_645] {strides = array<i32>} : memref<64xi32, #tpu.memory_space<vmem>>, vector<16xi32>,
      tpu.vector_store %arg22[%swap3A_645], %add3A_644 {strides = array<i32>} : memref<64xi32, #tpu.memory_space<vmem>>, vector<16xi32>,
      %mul3A_647 = arith.constant 640 : i32
      %mul3A_648 = arith.muli %arg1, %mul3A_647 : i32
      %add3A_649 = arith.constant 192 : i32
      %add3A_650 = arith.addi %mul3A_648, %add3A_649 : i32
      %add3A_651 = arith.constant 16 : i32
      %add3A_652 = arith.addi %add3A_650, %add3A_651 : i32
      %broadcast_in_dim3A_653 = vector.broadcast %add3A_652 : i32 to vector<16xi32>
      %iota3A_654 = tpu.iota {dimensions = array<i32: 0>} : vector<16xi32>
      %add3A_655 = arith.addi %broadcast_in_dim3A_653, %iota3A_654 : vector<16xi32>
      %swap3A_656 = arith.constant 16 : index
      %swap3A_657 = tpu.vector_load %arg22[%swap3A_656] {strides = array<i32>} : memref<64xi32, #tpu.memory_space<vmem>>, vector<16xi32>,
      tpu.vector_store %arg22[%swap3A_656], %add3A_655 {strides = array<i32>} : memref<64xi32, #tpu.memory_space<vmem>>, vector<16xi32>,
      %mul3A_658 = arith.constant 640 : i32
      %mul3A_659 = arith.muli %arg1, %mul3A_658 : i32
      %add3A_660 = arith.constant 192 : i32
      %add3A_661 = arith.addi %mul3A_659, %add3A_660 : i32
      %add3A_662 = arith.constant 32 : i32
      %add3A_663 = arith.addi %add3A_661, %add3A_662 : i32
      %broadcast_in_dim3A_664 = vector.broadcast %add3A_663 : i32 to vector<16xi32>
      %iota3A_665 = tpu.iota {dimensions = array<i32: 0>} : vector<16xi32>
      %add3A_666 = arith.addi %broadcast_in_dim3A_664, %iota3A_665 : vector<16xi32>
      %swap3A_667 = arith.constant 32 : index
      %swap3A_668 = tpu.vector_load %arg22[%swap3A_667] {strides = array<i32>} : memref<64xi32, #tpu.memory_space<vmem>>, vector<16xi32>,
      tpu.vector_store %arg22[%swap3A_667], %add3A_666 {strides = array<i32>} : memref<64xi32, #tpu.memory_space<vmem>>, vector<16xi32>,
      %mul3A_669 = arith.constant 640 : i32
      %mul3A_670 = arith.muli %arg1, %mul3A_669 : i32
      %add3A_671 = arith.constant 192 : i32
      %add3A_672 = arith.addi %mul3A_670, %add3A_671 : i32
      %add3A_673 = arith.constant 48 : i32
      %add3A_674 = arith.addi %add3A_672, %add3A_673 : i32
      %broadcast_in_dim3A_675 = vector.broadcast %add3A_674 : i32 to vector<16xi32>
      %iota3A_676 = tpu.iota {dimensions = array<i32: 0>} : vector<16xi32>
      %add3A_677 = arith.addi %broadcast_in_dim3A_675, %iota3A_676 : vector<16xi32>
      %swap3A_678 = arith.constant 48 : index
      %swap3A_679 = tpu.vector_load %arg22[%swap3A_678] {strides = array<i32>} : memref<64xi32, #tpu.memory_space<vmem>>, vector<16xi32>,
      tpu.vector_store %arg22[%swap3A_678], %add3A_677 {strides = array<i32>} : memref<64xi32, #tpu.memory_space<vmem>>, vector<16xi32>,
      "tpu.region"() ({
        %run_scoped3A = tpu.sem_alloc : memref<!tpu.dma_semaphore, #tpu.memory_space<semaphore_mem>>
        %dma_start3A_972 = arith.constant 0 : i32
        %dma_start3A_973 = tpu.memref_slice %arg21[%dma_start3A_972] : memref<640xf32, #tpu.memory_space<vmem>> -> memref<64xf32, #tpu.memory_space<vmem>>
        %dma_start3A_974 = arith.constant 0 : i32
        %dma_start3A_975 = tpu.memref_slice %arg28[%dma_start3A_974] : memref<10240xf32, #tpu.memory_space<vmem_shared>> -> memref<10240xf32, #tpu.memory_space<vmem_shared>>
        tpu.enqueue_indirect_dma source(%dma_start3A_975 : memref<10240xf32, #tpu.memory_space<vmem_shared>>) target(%dma_start3A_973 : memref<64xf32, #tpu.memory_space<vmem>>) offsets(%arg22 : memref<64xi32, #tpu.memory_space<vmem>>) semaphore(%run_scoped3A : memref<!tpu.dma_semaphore, #tpu.memory_space<semaphore_mem>>)
        %dma_wait3A = arith.constant 0 : i32
        %dma_wait3A_976 = tpu.memref_slice %arg21[%dma_wait3A] : memref<640xf32, #tpu.memory_space<vmem>> -> memref<64xf32, #tpu.memory_space<vmem>>
        %dma_wait3A_977 = arith.constant 0 : i32
        %dma_wait3A_978 = tpu.memref_slice %arg28[%dma_wait3A_977] : memref<10240xf32, #tpu.memory_space<vmem_shared>> -> memref<10240xf32, #tpu.memory_space<vmem_shared>>
        tpu.wait_indirect_dma semaphore(%run_scoped3A : memref<!tpu.dma_semaphore, #tpu.memory_space<semaphore_mem>>) src(%dma_wait3A_978 : memref<10240xf32, #tpu.memory_space<vmem_shared>>) dst(%dma_wait3A_976 : memref<64xf32, #tpu.memory_space<vmem>>)
        tpu.yield
      }) : () -> ()
      %mul3A_680 = arith.constant 640 : i32
      %mul3A_681 = arith.muli %arg1, %mul3A_680 : i32
      %add3A_682 = arith.constant 192 : i32
      %add3A_683 = arith.addi %mul3A_681, %add3A_682 : i32
      "tpu.region"() ({
        %run_scoped3A = tpu.sem_alloc : memref<!tpu.dma_semaphore, #tpu.memory_space<semaphore_mem>>
        %dma_start3A_972 = arith.constant 0 : i32
        %dma_start3A_973 = tpu.memref_slice %arg21[%dma_start3A_972] : memref<640xf32, #tpu.memory_space<vmem>> -> memref<64xf32, #tpu.memory_space<vmem>>
        %dma_start3A_974 = tpu.memref_slice %arg10[%add3A_683] : memref<10240xf32, #tpu.memory_space<hbm>> -> memref<64xf32, #tpu.memory_space<hbm>>
        %dma_start3A_975 = tpu.memref_slice %arg10[%add3A_683] : memref<10240xf32, #tpu.memory_space<hbm>> -> memref<64xf32, #tpu.memory_space<hbm>>
        %dma_start3A_976 = arith.constant 0 : i32
        %dma_start3A_977 = tpu.memref_slice %arg21[%dma_start3A_976] : memref<640xf32, #tpu.memory_space<vmem>> -> memref<64xf32, #tpu.memory_space<vmem>>
        tpu.enqueue_dma source(%dma_start3A_977 : memref<64xf32, #tpu.memory_space<vmem>>) target(%dma_start3A_975 : memref<64xf32, #tpu.memory_space<hbm>>) target_semaphore(%run_scoped3A : memref<!tpu.dma_semaphore, #tpu.memory_space<semaphore_mem>>)
        %dma_wait3A = arith.constant 0 : i32
        %dma_wait3A_978 = tpu.memref_slice %arg21[%dma_wait3A] : memref<640xf32, #tpu.memory_space<vmem>> -> memref<64xf32, #tpu.memory_space<vmem>>
        %dma_wait3A_979 = tpu.memref_slice %arg10[%add3A_683] : memref<10240xf32, #tpu.memory_space<hbm>> -> memref<64xf32, #tpu.memory_space<hbm>>
        %dma_wait3A_980 = tpu.memref_slice %arg10[%add3A_683] : memref<10240xf32, #tpu.memory_space<hbm>> -> memref<64xf32, #tpu.memory_space<hbm>>
        %dma_wait3A_981 = arith.constant 0 : i32
        %dma_wait3A_982 = tpu.memref_slice %arg21[%dma_wait3A_981] : memref<640xf32, #tpu.memory_space<vmem>> -> memref<64xf32, #tpu.memory_space<vmem>>
        tpu.wait_dma2 semaphore(%run_scoped3A : memref<!tpu.dma_semaphore, #tpu.memory_space<semaphore_mem>>) src(%dma_wait3A_982 : memref<64xf32, #tpu.memory_space<vmem>>) dst(%dma_wait3A_980 : memref<64xf32, #tpu.memory_space<hbm>>)
        tpu.yield
      }) : () -> ()
      %mul3A_684 = arith.constant 640 : i32
      %mul3A_685 = arith.muli %arg1, %mul3A_684 : i32
      %add3A_686 = arith.constant 256 : i32
      %add3A_687 = arith.addi %mul3A_685, %add3A_686 : i32
      %add3A_688 = arith.constant 0 : i32
      %add3A_689 = arith.addi %add3A_687, %add3A_688 : i32
      %broadcast_in_dim3A_690 = vector.broadcast %add3A_689 : i32 to vector<16xi32>
      %iota3A_691 = tpu.iota {dimensions = array<i32: 0>} : vector<16xi32>
      %add3A_692 = arith.addi %broadcast_in_dim3A_690, %iota3A_691 : vector<16xi32>
      %swap3A_693 = arith.constant 0 : index
      %swap3A_694 = tpu.vector_load %arg22[%swap3A_693] {strides = array<i32>} : memref<64xi32, #tpu.memory_space<vmem>>, vector<16xi32>,
      tpu.vector_store %arg22[%swap3A_693], %add3A_692 {strides = array<i32>} : memref<64xi32, #tpu.memory_space<vmem>>, vector<16xi32>,
      %mul3A_695 = arith.constant 640 : i32
      %mul3A_696 = arith.muli %arg1, %mul3A_695 : i32
      %add3A_697 = arith.constant 256 : i32
      %add3A_698 = arith.addi %mul3A_696, %add3A_697 : i32
      %add3A_699 = arith.constant 16 : i32
      %add3A_700 = arith.addi %add3A_698, %add3A_699 : i32
      %broadcast_in_dim3A_701 = vector.broadcast %add3A_700 : i32 to vector<16xi32>
      %iota3A_702 = tpu.iota {dimensions = array<i32: 0>} : vector<16xi32>
      %add3A_703 = arith.addi %broadcast_in_dim3A_701, %iota3A_702 : vector<16xi32>
      %swap3A_704 = arith.constant 16 : index
      %swap3A_705 = tpu.vector_load %arg22[%swap3A_704] {strides = array<i32>} : memref<64xi32, #tpu.memory_space<vmem>>, vector<16xi32>,
      tpu.vector_store %arg22[%swap3A_704], %add3A_703 {strides = array<i32>} : memref<64xi32, #tpu.memory_space<vmem>>, vector<16xi32>,
      %mul3A_706 = arith.constant 640 : i32
      %mul3A_707 = arith.muli %arg1, %mul3A_706 : i32
      %add3A_708 = arith.constant 256 : i32
      %add3A_709 = arith.addi %mul3A_707, %add3A_708 : i32
      %add3A_710 = arith.constant 32 : i32
      %add3A_711 = arith.addi %add3A_709, %add3A_710 : i32
      %broadcast_in_dim3A_712 = vector.broadcast %add3A_711 : i32 to vector<16xi32>
      %iota3A_713 = tpu.iota {dimensions = array<i32: 0>} : vector<16xi32>
      %add3A_714 = arith.addi %broadcast_in_dim3A_712, %iota3A_713 : vector<16xi32>
      %swap3A_715 = arith.constant 32 : index
      %swap3A_716 = tpu.vector_load %arg22[%swap3A_715] {strides = array<i32>} : memref<64xi32, #tpu.memory_space<vmem>>, vector<16xi32>,
      tpu.vector_store %arg22[%swap3A_715], %add3A_714 {strides = array<i32>} : memref<64xi32, #tpu.memory_space<vmem>>, vector<16xi32>,
      %mul3A_717 = arith.constant 640 : i32
      %mul3A_718 = arith.muli %arg1, %mul3A_717 : i32
      %add3A_719 = arith.constant 256 : i32
      %add3A_720 = arith.addi %mul3A_718, %add3A_719 : i32
      %add3A_721 = arith.constant 48 : i32
      %add3A_722 = arith.addi %add3A_720, %add3A_721 : i32
      %broadcast_in_dim3A_723 = vector.broadcast %add3A_722 : i32 to vector<16xi32>
      %iota3A_724 = tpu.iota {dimensions = array<i32: 0>} : vector<16xi32>
      %add3A_725 = arith.addi %broadcast_in_dim3A_723, %iota3A_724 : vector<16xi32>
      %swap3A_726 = arith.constant 48 : index
      %swap3A_727 = tpu.vector_load %arg22[%swap3A_726] {strides = array<i32>} : memref<64xi32, #tpu.memory_space<vmem>>, vector<16xi32>,
      tpu.vector_store %arg22[%swap3A_726], %add3A_725 {strides = array<i32>} : memref<64xi32, #tpu.memory_space<vmem>>, vector<16xi32>,
      "tpu.region"() ({
        %run_scoped3A = tpu.sem_alloc : memref<!tpu.dma_semaphore, #tpu.memory_space<semaphore_mem>>
        %dma_start3A_972 = arith.constant 0 : i32
        %dma_start3A_973 = tpu.memref_slice %arg21[%dma_start3A_972] : memref<640xf32, #tpu.memory_space<vmem>> -> memref<64xf32, #tpu.memory_space<vmem>>
        %dma_start3A_974 = arith.constant 0 : i32
        %dma_start3A_975 = tpu.memref_slice %arg28[%dma_start3A_974] : memref<10240xf32, #tpu.memory_space<vmem_shared>> -> memref<10240xf32, #tpu.memory_space<vmem_shared>>
        tpu.enqueue_indirect_dma source(%dma_start3A_975 : memref<10240xf32, #tpu.memory_space<vmem_shared>>) target(%dma_start3A_973 : memref<64xf32, #tpu.memory_space<vmem>>) offsets(%arg22 : memref<64xi32, #tpu.memory_space<vmem>>) semaphore(%run_scoped3A : memref<!tpu.dma_semaphore, #tpu.memory_space<semaphore_mem>>)
        %dma_wait3A = arith.constant 0 : i32
        %dma_wait3A_976 = tpu.memref_slice %arg21[%dma_wait3A] : memref<640xf32, #tpu.memory_space<vmem>> -> memref<64xf32, #tpu.memory_space<vmem>>
        %dma_wait3A_977 = arith.constant 0 : i32
        %dma_wait3A_978 = tpu.memref_slice %arg28[%dma_wait3A_977] : memref<10240xf32, #tpu.memory_space<vmem_shared>> -> memref<10240xf32, #tpu.memory_space<vmem_shared>>
        tpu.wait_indirect_dma semaphore(%run_scoped3A : memref<!tpu.dma_semaphore, #tpu.memory_space<semaphore_mem>>) src(%dma_wait3A_978 : memref<10240xf32, #tpu.memory_space<vmem_shared>>) dst(%dma_wait3A_976 : memref<64xf32, #tpu.memory_space<vmem>>)
        tpu.yield
      }) : () -> ()
      %mul3A_728 = arith.constant 640 : i32
      %mul3A_729 = arith.muli %arg1, %mul3A_728 : i32
      %add3A_730 = arith.constant 256 : i32
      %add3A_731 = arith.addi %mul3A_729, %add3A_730 : i32
      "tpu.region"() ({
        %run_scoped3A = tpu.sem_alloc : memref<!tpu.dma_semaphore, #tpu.memory_space<semaphore_mem>>
        %dma_start3A_972 = arith.constant 0 : i32
        %dma_start3A_973 = tpu.memref_slice %arg21[%dma_start3A_972] : memref<640xf32, #tpu.memory_space<vmem>> -> memref<64xf32, #tpu.memory_space<vmem>>
        %dma_start3A_974 = tpu.memref_slice %arg10[%add3A_731] : memref<10240xf32, #tpu.memory_space<hbm>> -> memref<64xf32, #tpu.memory_space<hbm>>
        %dma_start3A_975 = tpu.memref_slice %arg10[%add3A_731] : memref<10240xf32, #tpu.memory_space<hbm>> -> memref<64xf32, #tpu.memory_space<hbm>>
        %dma_start3A_976 = arith.constant 0 : i32
        %dma_start3A_977 = tpu.memref_slice %arg21[%dma_start3A_976] : memref<640xf32, #tpu.memory_space<vmem>> -> memref<64xf32, #tpu.memory_space<vmem>>
        tpu.enqueue_dma source(%dma_start3A_977 : memref<64xf32, #tpu.memory_space<vmem>>) target(%dma_start3A_975 : memref<64xf32, #tpu.memory_space<hbm>>) target_semaphore(%run_scoped3A : memref<!tpu.dma_semaphore, #tpu.memory_space<semaphore_mem>>)
        %dma_wait3A = arith.constant 0 : i32
        %dma_wait3A_978 = tpu.memref_slice %arg21[%dma_wait3A] : memref<640xf32, #tpu.memory_space<vmem>> -> memref<64xf32, #tpu.memory_space<vmem>>
        %dma_wait3A_979 = tpu.memref_slice %arg10[%add3A_731] : memref<10240xf32, #tpu.memory_space<hbm>> -> memref<64xf32, #tpu.memory_space<hbm>>
        %dma_wait3A_980 = tpu.memref_slice %arg10[%add3A_731] : memref<10240xf32, #tpu.memory_space<hbm>> -> memref<64xf32, #tpu.memory_space<hbm>>
        %dma_wait3A_981 = arith.constant 0 : i32
        %dma_wait3A_982 = tpu.memref_slice %arg21[%dma_wait3A_981] : memref<640xf32, #tpu.memory_space<vmem>> -> memref<64xf32, #tpu.memory_space<vmem>>
        tpu.wait_dma2 semaphore(%run_scoped3A : memref<!tpu.dma_semaphore, #tpu.memory_space<semaphore_mem>>) src(%dma_wait3A_982 : memref<64xf32, #tpu.memory_space<vmem>>) dst(%dma_wait3A_980 : memref<64xf32, #tpu.memory_space<hbm>>)
        tpu.yield
      }) : () -> ()
      %mul3A_732 = arith.constant 640 : i32
      %mul3A_733 = arith.muli %arg1, %mul3A_732 : i32
      %add3A_734 = arith.constant 320 : i32
      %add3A_735 = arith.addi %mul3A_733, %add3A_734 : i32
      %add3A_736 = arith.constant 0 : i32
      %add3A_737 = arith.addi %add3A_735, %add3A_736 : i32
      %broadcast_in_dim3A_738 = vector.broadcast %add3A_737 : i32 to vector<16xi32>
      %iota3A_739 = tpu.iota {dimensions = array<i32: 0>} : vector<16xi32>
      %add3A_740 = arith.addi %broadcast_in_dim3A_738, %iota3A_739 : vector<16xi32>
      %swap3A_741 = arith.constant 0 : index
      %swap3A_742 = tpu.vector_load %arg22[%swap3A_741] {strides = array<i32>} : memref<64xi32, #tpu.memory_space<vmem>>, vector<16xi32>,
      tpu.vector_store %arg22[%swap3A_741], %add3A_740 {strides = array<i32>} : memref<64xi32, #tpu.memory_space<vmem>>, vector<16xi32>,
      %mul3A_743 = arith.constant 640 : i32
      %mul3A_744 = arith.muli %arg1, %mul3A_743 : i32
      %add3A_745 = arith.constant 320 : i32
      %add3A_746 = arith.addi %mul3A_744, %add3A_745 : i32
      %add3A_747 = arith.constant 16 : i32
      %add3A_748 = arith.addi %add3A_746, %add3A_747 : i32
      %broadcast_in_dim3A_749 = vector.broadcast %add3A_748 : i32 to vector<16xi32>
      %iota3A_750 = tpu.iota {dimensions = array<i32: 0>} : vector<16xi32>
      %add3A_751 = arith.addi %broadcast_in_dim3A_749, %iota3A_750 : vector<16xi32>
      %swap3A_752 = arith.constant 16 : index
      %swap3A_753 = tpu.vector_load %arg22[%swap3A_752] {strides = array<i32>} : memref<64xi32, #tpu.memory_space<vmem>>, vector<16xi32>,
      tpu.vector_store %arg22[%swap3A_752], %add3A_751 {strides = array<i32>} : memref<64xi32, #tpu.memory_space<vmem>>, vector<16xi32>,
      %mul3A_754 = arith.constant 640 : i32
      %mul3A_755 = arith.muli %arg1, %mul3A_754 : i32
      %add3A_756 = arith.constant 320 : i32
      %add3A_757 = arith.addi %mul3A_755, %add3A_756 : i32
      %add3A_758 = arith.constant 32 : i32
      %add3A_759 = arith.addi %add3A_757, %add3A_758 : i32
      %broadcast_in_dim3A_760 = vector.broadcast %add3A_759 : i32 to vector<16xi32>
      %iota3A_761 = tpu.iota {dimensions = array<i32: 0>} : vector<16xi32>
      %add3A_762 = arith.addi %broadcast_in_dim3A_760, %iota3A_761 : vector<16xi32>
      %swap3A_763 = arith.constant 32 : index
      %swap3A_764 = tpu.vector_load %arg22[%swap3A_763] {strides = array<i32>} : memref<64xi32, #tpu.memory_space<vmem>>, vector<16xi32>,
      tpu.vector_store %arg22[%swap3A_763], %add3A_762 {strides = array<i32>} : memref<64xi32, #tpu.memory_space<vmem>>, vector<16xi32>,
      %mul3A_765 = arith.constant 640 : i32
      %mul3A_766 = arith.muli %arg1, %mul3A_765 : i32
      %add3A_767 = arith.constant 320 : i32
      %add3A_768 = arith.addi %mul3A_766, %add3A_767 : i32
      %add3A_769 = arith.constant 48 : i32
      %add3A_770 = arith.addi %add3A_768, %add3A_769 : i32
      %broadcast_in_dim3A_771 = vector.broadcast %add3A_770 : i32 to vector<16xi32>
      %iota3A_772 = tpu.iota {dimensions = array<i32: 0>} : vector<16xi32>
      %add3A_773 = arith.addi %broadcast_in_dim3A_771, %iota3A_772 : vector<16xi32>
      %swap3A_774 = arith.constant 48 : index
      %swap3A_775 = tpu.vector_load %arg22[%swap3A_774] {strides = array<i32>} : memref<64xi32, #tpu.memory_space<vmem>>, vector<16xi32>,
      tpu.vector_store %arg22[%swap3A_774], %add3A_773 {strides = array<i32>} : memref<64xi32, #tpu.memory_space<vmem>>, vector<16xi32>,
      "tpu.region"() ({
        %run_scoped3A = tpu.sem_alloc : memref<!tpu.dma_semaphore, #tpu.memory_space<semaphore_mem>>
        %dma_start3A_972 = arith.constant 0 : i32
        %dma_start3A_973 = tpu.memref_slice %arg21[%dma_start3A_972] : memref<640xf32, #tpu.memory_space<vmem>> -> memref<64xf32, #tpu.memory_space<vmem>>
        %dma_start3A_974 = arith.constant 0 : i32
        %dma_start3A_975 = tpu.memref_slice %arg28[%dma_start3A_974] : memref<10240xf32, #tpu.memory_space<vmem_shared>> -> memref<10240xf32, #tpu.memory_space<vmem_shared>>
        tpu.enqueue_indirect_dma source(%dma_start3A_975 : memref<10240xf32, #tpu.memory_space<vmem_shared>>) target(%dma_start3A_973 : memref<64xf32, #tpu.memory_space<vmem>>) offsets(%arg22 : memref<64xi32, #tpu.memory_space<vmem>>) semaphore(%run_scoped3A : memref<!tpu.dma_semaphore, #tpu.memory_space<semaphore_mem>>)
        %dma_wait3A = arith.constant 0 : i32
        %dma_wait3A_976 = tpu.memref_slice %arg21[%dma_wait3A] : memref<640xf32, #tpu.memory_space<vmem>> -> memref<64xf32, #tpu.memory_space<vmem>>
        %dma_wait3A_977 = arith.constant 0 : i32
        %dma_wait3A_978 = tpu.memref_slice %arg28[%dma_wait3A_977] : memref<10240xf32, #tpu.memory_space<vmem_shared>> -> memref<10240xf32, #tpu.memory_space<vmem_shared>>
        tpu.wait_indirect_dma semaphore(%run_scoped3A : memref<!tpu.dma_semaphore, #tpu.memory_space<semaphore_mem>>) src(%dma_wait3A_978 : memref<10240xf32, #tpu.memory_space<vmem_shared>>) dst(%dma_wait3A_976 : memref<64xf32, #tpu.memory_space<vmem>>)
        tpu.yield
      }) : () -> ()
      %mul3A_776 = arith.constant 640 : i32
      %mul3A_777 = arith.muli %arg1, %mul3A_776 : i32
      %add3A_778 = arith.constant 320 : i32
      %add3A_779 = arith.addi %mul3A_777, %add3A_778 : i32
      "tpu.region"() ({
        %run_scoped3A = tpu.sem_alloc : memref<!tpu.dma_semaphore, #tpu.memory_space<semaphore_mem>>
        %dma_start3A_972 = arith.constant 0 : i32
        %dma_start3A_973 = tpu.memref_slice %arg21[%dma_start3A_972] : memref<640xf32, #tpu.memory_space<vmem>> -> memref<64xf32, #tpu.memory_space<vmem>>
        %dma_start3A_974 = tpu.memref_slice %arg10[%add3A_779] : memref<10240xf32, #tpu.memory_space<hbm>> -> memref<64xf32, #tpu.memory_space<hbm>>
        %dma_start3A_975 = tpu.memref_slice %arg10[%add3A_779] : memref<10240xf32, #tpu.memory_space<hbm>> -> memref<64xf32, #tpu.memory_space<hbm>>
        %dma_start3A_976 = arith.constant 0 : i32
        %dma_start3A_977 = tpu.memref_slice %arg21[%dma_start3A_976] : memref<640xf32, #tpu.memory_space<vmem>> -> memref<64xf32, #tpu.memory_space<vmem>>
        tpu.enqueue_dma source(%dma_start3A_977 : memref<64xf32, #tpu.memory_space<vmem>>) target(%dma_start3A_975 : memref<64xf32, #tpu.memory_space<hbm>>) target_semaphore(%run_scoped3A : memref<!tpu.dma_semaphore, #tpu.memory_space<semaphore_mem>>)
        %dma_wait3A = arith.constant 0 : i32
        %dma_wait3A_978 = tpu.memref_slice %arg21[%dma_wait3A] : memref<640xf32, #tpu.memory_space<vmem>> -> memref<64xf32, #tpu.memory_space<vmem>>
        %dma_wait3A_979 = tpu.memref_slice %arg10[%add3A_779] : memref<10240xf32, #tpu.memory_space<hbm>> -> memref<64xf32, #tpu.memory_space<hbm>>
        %dma_wait3A_980 = tpu.memref_slice %arg10[%add3A_779] : memref<10240xf32, #tpu.memory_space<hbm>> -> memref<64xf32, #tpu.memory_space<hbm>>
        %dma_wait3A_981 = arith.constant 0 : i32
        %dma_wait3A_982 = tpu.memref_slice %arg21[%dma_wait3A_981] : memref<640xf32, #tpu.memory_space<vmem>> -> memref<64xf32, #tpu.memory_space<vmem>>
        tpu.wait_dma2 semaphore(%run_scoped3A : memref<!tpu.dma_semaphore, #tpu.memory_space<semaphore_mem>>) src(%dma_wait3A_982 : memref<64xf32, #tpu.memory_space<vmem>>) dst(%dma_wait3A_980 : memref<64xf32, #tpu.memory_space<hbm>>)
        tpu.yield
      }) : () -> ()
      %mul3A_780 = arith.constant 640 : i32
      %mul3A_781 = arith.muli %arg1, %mul3A_780 : i32
      %add3A_782 = arith.constant 384 : i32
      %add3A_783 = arith.addi %mul3A_781, %add3A_782 : i32
      %add3A_784 = arith.constant 0 : i32
      %add3A_785 = arith.addi %add3A_783, %add3A_784 : i32
      %broadcast_in_dim3A_786 = vector.broadcast %add3A_785 : i32 to vector<16xi32>
      %iota3A_787 = tpu.iota {dimensions = array<i32: 0>} : vector<16xi32>
      %add3A_788 = arith.addi %broadcast_in_dim3A_786, %iota3A_787 : vector<16xi32>
      %swap3A_789 = arith.constant 0 : index
      %swap3A_790 = tpu.vector_load %arg22[%swap3A_789] {strides = array<i32>} : memref<64xi32, #tpu.memory_space<vmem>>, vector<16xi32>,
      tpu.vector_store %arg22[%swap3A_789], %add3A_788 {strides = array<i32>} : memref<64xi32, #tpu.memory_space<vmem>>, vector<16xi32>,
      %mul3A_791 = arith.constant 640 : i32
      %mul3A_792 = arith.muli %arg1, %mul3A_791 : i32
      %add3A_793 = arith.constant 384 : i32
      %add3A_794 = arith.addi %mul3A_792, %add3A_793 : i32
      %add3A_795 = arith.constant 16 : i32
      %add3A_796 = arith.addi %add3A_794, %add3A_795 : i32
      %broadcast_in_dim3A_797 = vector.broadcast %add3A_796 : i32 to vector<16xi32>
      %iota3A_798 = tpu.iota {dimensions = array<i32: 0>} : vector<16xi32>
      %add3A_799 = arith.addi %broadcast_in_dim3A_797, %iota3A_798 : vector<16xi32>
      %swap3A_800 = arith.constant 16 : index
      %swap3A_801 = tpu.vector_load %arg22[%swap3A_800] {strides = array<i32>} : memref<64xi32, #tpu.memory_space<vmem>>, vector<16xi32>,
      tpu.vector_store %arg22[%swap3A_800], %add3A_799 {strides = array<i32>} : memref<64xi32, #tpu.memory_space<vmem>>, vector<16xi32>,
      %mul3A_802 = arith.constant 640 : i32
      %mul3A_803 = arith.muli %arg1, %mul3A_802 : i32
      %add3A_804 = arith.constant 384 : i32
      %add3A_805 = arith.addi %mul3A_803, %add3A_804 : i32
      %add3A_806 = arith.constant 32 : i32
      %add3A_807 = arith.addi %add3A_805, %add3A_806 : i32
      %broadcast_in_dim3A_808 = vector.broadcast %add3A_807 : i32 to vector<16xi32>
      %iota3A_809 = tpu.iota {dimensions = array<i32: 0>} : vector<16xi32>
      %add3A_810 = arith.addi %broadcast_in_dim3A_808, %iota3A_809 : vector<16xi32>
      %swap3A_811 = arith.constant 32 : index
      %swap3A_812 = tpu.vector_load %arg22[%swap3A_811] {strides = array<i32>} : memref<64xi32, #tpu.memory_space<vmem>>, vector<16xi32>,
      tpu.vector_store %arg22[%swap3A_811], %add3A_810 {strides = array<i32>} : memref<64xi32, #tpu.memory_space<vmem>>, vector<16xi32>,
      %mul3A_813 = arith.constant 640 : i32
      %mul3A_814 = arith.muli %arg1, %mul3A_813 : i32
      %add3A_815 = arith.constant 384 : i32
      %add3A_816 = arith.addi %mul3A_814, %add3A_815 : i32
      %add3A_817 = arith.constant 48 : i32
      %add3A_818 = arith.addi %add3A_816, %add3A_817 : i32
      %broadcast_in_dim3A_819 = vector.broadcast %add3A_818 : i32 to vector<16xi32>
      %iota3A_820 = tpu.iota {dimensions = array<i32: 0>} : vector<16xi32>
      %add3A_821 = arith.addi %broadcast_in_dim3A_819, %iota3A_820 : vector<16xi32>
      %swap3A_822 = arith.constant 48 : index
      %swap3A_823 = tpu.vector_load %arg22[%swap3A_822] {strides = array<i32>} : memref<64xi32, #tpu.memory_space<vmem>>, vector<16xi32>,
      tpu.vector_store %arg22[%swap3A_822], %add3A_821 {strides = array<i32>} : memref<64xi32, #tpu.memory_space<vmem>>, vector<16xi32>,
      "tpu.region"() ({
        %run_scoped3A = tpu.sem_alloc : memref<!tpu.dma_semaphore, #tpu.memory_space<semaphore_mem>>
        %dma_start3A_972 = arith.constant 0 : i32
        %dma_start3A_973 = tpu.memref_slice %arg21[%dma_start3A_972] : memref<640xf32, #tpu.memory_space<vmem>> -> memref<64xf32, #tpu.memory_space<vmem>>
        %dma_start3A_974 = arith.constant 0 : i32
        %dma_start3A_975 = tpu.memref_slice %arg28[%dma_start3A_974] : memref<10240xf32, #tpu.memory_space<vmem_shared>> -> memref<10240xf32, #tpu.memory_space<vmem_shared>>
        tpu.enqueue_indirect_dma source(%dma_start3A_975 : memref<10240xf32, #tpu.memory_space<vmem_shared>>) target(%dma_start3A_973 : memref<64xf32, #tpu.memory_space<vmem>>) offsets(%arg22 : memref<64xi32, #tpu.memory_space<vmem>>) semaphore(%run_scoped3A : memref<!tpu.dma_semaphore, #tpu.memory_space<semaphore_mem>>)
        %dma_wait3A = arith.constant 0 : i32
        %dma_wait3A_976 = tpu.memref_slice %arg21[%dma_wait3A] : memref<640xf32, #tpu.memory_space<vmem>> -> memref<64xf32, #tpu.memory_space<vmem>>
        %dma_wait3A_977 = arith.constant 0 : i32
        %dma_wait3A_978 = tpu.memref_slice %arg28[%dma_wait3A_977] : memref<10240xf32, #tpu.memory_space<vmem_shared>> -> memref<10240xf32, #tpu.memory_space<vmem_shared>>
        tpu.wait_indirect_dma semaphore(%run_scoped3A : memref<!tpu.dma_semaphore, #tpu.memory_space<semaphore_mem>>) src(%dma_wait3A_978 : memref<10240xf32, #tpu.memory_space<vmem_shared>>) dst(%dma_wait3A_976 : memref<64xf32, #tpu.memory_space<vmem>>)
        tpu.yield
      }) : () -> ()
      %mul3A_824 = arith.constant 640 : i32
      %mul3A_825 = arith.muli %arg1, %mul3A_824 : i32
      %add3A_826 = arith.constant 384 : i32
      %add3A_827 = arith.addi %mul3A_825, %add3A_826 : i32
      "tpu.region"() ({
        %run_scoped3A = tpu.sem_alloc : memref<!tpu.dma_semaphore, #tpu.memory_space<semaphore_mem>>
        %dma_start3A_972 = arith.constant 0 : i32
        %dma_start3A_973 = tpu.memref_slice %arg21[%dma_start3A_972] : memref<640xf32, #tpu.memory_space<vmem>> -> memref<64xf32, #tpu.memory_space<vmem>>
        %dma_start3A_974 = tpu.memref_slice %arg10[%add3A_827] : memref<10240xf32, #tpu.memory_space<hbm>> -> memref<64xf32, #tpu.memory_space<hbm>>
        %dma_start3A_975 = tpu.memref_slice %arg10[%add3A_827] : memref<10240xf32, #tpu.memory_space<hbm>> -> memref<64xf32, #tpu.memory_space<hbm>>
        %dma_start3A_976 = arith.constant 0 : i32
        %dma_start3A_977 = tpu.memref_slice %arg21[%dma_start3A_976] : memref<640xf32, #tpu.memory_space<vmem>> -> memref<64xf32, #tpu.memory_space<vmem>>
        tpu.enqueue_dma source(%dma_start3A_977 : memref<64xf32, #tpu.memory_space<vmem>>) target(%dma_start3A_975 : memref<64xf32, #tpu.memory_space<hbm>>) target_semaphore(%run_scoped3A : memref<!tpu.dma_semaphore, #tpu.memory_space<semaphore_mem>>)
        %dma_wait3A = arith.constant 0 : i32
        %dma_wait3A_978 = tpu.memref_slice %arg21[%dma_wait3A] : memref<640xf32, #tpu.memory_space<vmem>> -> memref<64xf32, #tpu.memory_space<vmem>>
        %dma_wait3A_979 = tpu.memref_slice %arg10[%add3A_827] : memref<10240xf32, #tpu.memory_space<hbm>> -> memref<64xf32, #tpu.memory_space<hbm>>
        %dma_wait3A_980 = tpu.memref_slice %arg10[%add3A_827] : memref<10240xf32, #tpu.memory_space<hbm>> -> memref<64xf32, #tpu.memory_space<hbm>>
        %dma_wait3A_981 = arith.constant 0 : i32
        %dma_wait3A_982 = tpu.memref_slice %arg21[%dma_wait3A_981] : memref<640xf32, #tpu.memory_space<vmem>> -> memref<64xf32, #tpu.memory_space<vmem>>
        tpu.wait_dma2 semaphore(%run_scoped3A : memref<!tpu.dma_semaphore, #tpu.memory_space<semaphore_mem>>) src(%dma_wait3A_982 : memref<64xf32, #tpu.memory_space<vmem>>) dst(%dma_wait3A_980 : memref<64xf32, #tpu.memory_space<hbm>>)
        tpu.yield
      }) : () -> ()
      %mul3A_828 = arith.constant 640 : i32
      %mul3A_829 = arith.muli %arg1, %mul3A_828 : i32
      %add3A_830 = arith.constant 448 : i32
      %add3A_831 = arith.addi %mul3A_829, %add3A_830 : i32
      %add3A_832 = arith.constant 0 : i32
      %add3A_833 = arith.addi %add3A_831, %add3A_832 : i32
      %broadcast_in_dim3A_834 = vector.broadcast %add3A_833 : i32 to vector<16xi32>
      %iota3A_835 = tpu.iota {dimensions = array<i32: 0>} : vector<16xi32>
      %add3A_836 = arith.addi %broadcast_in_dim3A_834, %iota3A_835 : vector<16xi32>
      %swap3A_837 = arith.constant 0 : index
      %swap3A_838 = tpu.vector_load %arg22[%swap3A_837] {strides = array<i32>} : memref<64xi32, #tpu.memory_space<vmem>>, vector<16xi32>,
      tpu.vector_store %arg22[%swap3A_837], %add3A_836 {strides = array<i32>} : memref<64xi32, #tpu.memory_space<vmem>>, vector<16xi32>,
      %mul3A_839 = arith.constant 640 : i32
      %mul3A_840 = arith.muli %arg1, %mul3A_839 : i32
      %add3A_841 = arith.constant 448 : i32
      %add3A_842 = arith.addi %mul3A_840, %add3A_841 : i32
      %add3A_843 = arith.constant 16 : i32
      %add3A_844 = arith.addi %add3A_842, %add3A_843 : i32
      %broadcast_in_dim3A_845 = vector.broadcast %add3A_844 : i32 to vector<16xi32>
      %iota3A_846 = tpu.iota {dimensions = array<i32: 0>} : vector<16xi32>
      %add3A_847 = arith.addi %broadcast_in_dim3A_845, %iota3A_846 : vector<16xi32>
      %swap3A_848 = arith.constant 16 : index
      %swap3A_849 = tpu.vector_load %arg22[%swap3A_848] {strides = array<i32>} : memref<64xi32, #tpu.memory_space<vmem>>, vector<16xi32>,
      tpu.vector_store %arg22[%swap3A_848], %add3A_847 {strides = array<i32>} : memref<64xi32, #tpu.memory_space<vmem>>, vector<16xi32>,
      %mul3A_850 = arith.constant 640 : i32
      %mul3A_851 = arith.muli %arg1, %mul3A_850 : i32
      %add3A_852 = arith.constant 448 : i32
      %add3A_853 = arith.addi %mul3A_851, %add3A_852 : i32
      %add3A_854 = arith.constant 32 : i32
      %add3A_855 = arith.addi %add3A_853, %add3A_854 : i32
      %broadcast_in_dim3A_856 = vector.broadcast %add3A_855 : i32 to vector<16xi32>
      %iota3A_857 = tpu.iota {dimensions = array<i32: 0>} : vector<16xi32>
      %add3A_858 = arith.addi %broadcast_in_dim3A_856, %iota3A_857 : vector<16xi32>
      %swap3A_859 = arith.constant 32 : index
      %swap3A_860 = tpu.vector_load %arg22[%swap3A_859] {strides = array<i32>} : memref<64xi32, #tpu.memory_space<vmem>>, vector<16xi32>,
      tpu.vector_store %arg22[%swap3A_859], %add3A_858 {strides = array<i32>} : memref<64xi32, #tpu.memory_space<vmem>>, vector<16xi32>,
      %mul3A_861 = arith.constant 640 : i32
      %mul3A_862 = arith.muli %arg1, %mul3A_861 : i32
      %add3A_863 = arith.constant 448 : i32
      %add3A_864 = arith.addi %mul3A_862, %add3A_863 : i32
      %add3A_865 = arith.constant 48 : i32
      %add3A_866 = arith.addi %add3A_864, %add3A_865 : i32
      %broadcast_in_dim3A_867 = vector.broadcast %add3A_866 : i32 to vector<16xi32>
      %iota3A_868 = tpu.iota {dimensions = array<i32: 0>} : vector<16xi32>
      %add3A_869 = arith.addi %broadcast_in_dim3A_867, %iota3A_868 : vector<16xi32>
      %swap3A_870 = arith.constant 48 : index
      %swap3A_871 = tpu.vector_load %arg22[%swap3A_870] {strides = array<i32>} : memref<64xi32, #tpu.memory_space<vmem>>, vector<16xi32>,
      tpu.vector_store %arg22[%swap3A_870], %add3A_869 {strides = array<i32>} : memref<64xi32, #tpu.memory_space<vmem>>, vector<16xi32>,
      "tpu.region"() ({
        %run_scoped3A = tpu.sem_alloc : memref<!tpu.dma_semaphore, #tpu.memory_space<semaphore_mem>>
        %dma_start3A_972 = arith.constant 0 : i32
        %dma_start3A_973 = tpu.memref_slice %arg21[%dma_start3A_972] : memref<640xf32, #tpu.memory_space<vmem>> -> memref<64xf32, #tpu.memory_space<vmem>>
        %dma_start3A_974 = arith.constant 0 : i32
        %dma_start3A_975 = tpu.memref_slice %arg28[%dma_start3A_974] : memref<10240xf32, #tpu.memory_space<vmem_shared>> -> memref<10240xf32, #tpu.memory_space<vmem_shared>>
        tpu.enqueue_indirect_dma source(%dma_start3A_975 : memref<10240xf32, #tpu.memory_space<vmem_shared>>) target(%dma_start3A_973 : memref<64xf32, #tpu.memory_space<vmem>>) offsets(%arg22 : memref<64xi32, #tpu.memory_space<vmem>>) semaphore(%run_scoped3A : memref<!tpu.dma_semaphore, #tpu.memory_space<semaphore_mem>>)
        %dma_wait3A = arith.constant 0 : i32
        %dma_wait3A_976 = tpu.memref_slice %arg21[%dma_wait3A] : memref<640xf32, #tpu.memory_space<vmem>> -> memref<64xf32, #tpu.memory_space<vmem>>
        %dma_wait3A_977 = arith.constant 0 : i32
        %dma_wait3A_978 = tpu.memref_slice %arg28[%dma_wait3A_977] : memref<10240xf32, #tpu.memory_space<vmem_shared>> -> memref<10240xf32, #tpu.memory_space<vmem_shared>>
        tpu.wait_indirect_dma semaphore(%run_scoped3A : memref<!tpu.dma_semaphore, #tpu.memory_space<semaphore_mem>>) src(%dma_wait3A_978 : memref<10240xf32, #tpu.memory_space<vmem_shared>>) dst(%dma_wait3A_976 : memref<64xf32, #tpu.memory_space<vmem>>)
        tpu.yield
      }) : () -> ()
      %mul3A_872 = arith.constant 640 : i32
      %mul3A_873 = arith.muli %arg1, %mul3A_872 : i32
      %add3A_874 = arith.constant 448 : i32
      %add3A_875 = arith.addi %mul3A_873, %add3A_874 : i32
      "tpu.region"() ({
        %run_scoped3A = tpu.sem_alloc : memref<!tpu.dma_semaphore, #tpu.memory_space<semaphore_mem>>
        %dma_start3A_972 = arith.constant 0 : i32
        %dma_start3A_973 = tpu.memref_slice %arg21[%dma_start3A_972] : memref<640xf32, #tpu.memory_space<vmem>> -> memref<64xf32, #tpu.memory_space<vmem>>
        %dma_start3A_974 = tpu.memref_slice %arg10[%add3A_875] : memref<10240xf32, #tpu.memory_space<hbm>> -> memref<64xf32, #tpu.memory_space<hbm>>
        %dma_start3A_975 = tpu.memref_slice %arg10[%add3A_875] : memref<10240xf32, #tpu.memory_space<hbm>> -> memref<64xf32, #tpu.memory_space<hbm>>
        %dma_start3A_976 = arith.constant 0 : i32
        %dma_start3A_977 = tpu.memref_slice %arg21[%dma_start3A_976] : memref<640xf32, #tpu.memory_space<vmem>> -> memref<64xf32, #tpu.memory_space<vmem>>
        tpu.enqueue_dma source(%dma_start3A_977 : memref<64xf32, #tpu.memory_space<vmem>>) target(%dma_start3A_975 : memref<64xf32, #tpu.memory_space<hbm>>) target_semaphore(%run_scoped3A : memref<!tpu.dma_semaphore, #tpu.memory_space<semaphore_mem>>)
        %dma_wait3A = arith.constant 0 : i32
        %dma_wait3A_978 = tpu.memref_slice %arg21[%dma_wait3A] : memref<640xf32, #tpu.memory_space<vmem>> -> memref<64xf32, #tpu.memory_space<vmem>>
        %dma_wait3A_979 = tpu.memref_slice %arg10[%add3A_875] : memref<10240xf32, #tpu.memory_space<hbm>> -> memref<64xf32, #tpu.memory_space<hbm>>
        %dma_wait3A_980 = tpu.memref_slice %arg10[%add3A_875] : memref<10240xf32, #tpu.memory_space<hbm>> -> memref<64xf32, #tpu.memory_space<hbm>>
        %dma_wait3A_981 = arith.constant 0 : i32
        %dma_wait3A_982 = tpu.memref_slice %arg21[%dma_wait3A_981] : memref<640xf32, #tpu.memory_space<vmem>> -> memref<64xf32, #tpu.memory_space<vmem>>
        tpu.wait_dma2 semaphore(%run_scoped3A : memref<!tpu.dma_semaphore, #tpu.memory_space<semaphore_mem>>) src(%dma_wait3A_982 : memref<64xf32, #tpu.memory_space<vmem>>) dst(%dma_wait3A_980 : memref<64xf32, #tpu.memory_space<hbm>>)
        tpu.yield
      }) : () -> ()
      %mul3A_876 = arith.constant 640 : i32
      %mul3A_877 = arith.muli %arg1, %mul3A_876 : i32
      %add3A_878 = arith.constant 512 : i32
      %add3A_879 = arith.addi %mul3A_877, %add3A_878 : i32
      %add3A_880 = arith.constant 0 : i32
      %add3A_881 = arith.addi %add3A_879, %add3A_880 : i32
      %broadcast_in_dim3A_882 = vector.broadcast %add3A_881 : i32 to vector<16xi32>
      %iota3A_883 = tpu.iota {dimensions = array<i32: 0>} : vector<16xi32>
      %add3A_884 = arith.addi %broadcast_in_dim3A_882, %iota3A_883 : vector<16xi32>
      %swap3A_885 = arith.constant 0 : index
      %swap3A_886 = tpu.vector_load %arg22[%swap3A_885] {strides = array<i32>} : memref<64xi32, #tpu.memory_space<vmem>>, vector<16xi32>,
      tpu.vector_store %arg22[%swap3A_885], %add3A_884 {strides = array<i32>} : memref<64xi32, #tpu.memory_space<vmem>>, vector<16xi32>,
      %mul3A_887 = arith.constant 640 : i32
      %mul3A_888 = arith.muli %arg1, %mul3A_887 : i32
      %add3A_889 = arith.constant 512 : i32
      %add3A_890 = arith.addi %mul3A_888, %add3A_889 : i32
      %add3A_891 = arith.constant 16 : i32
      %add3A_892 = arith.addi %add3A_890, %add3A_891 : i32
      %broadcast_in_dim3A_893 = vector.broadcast %add3A_892 : i32 to vector<16xi32>
      %iota3A_894 = tpu.iota {dimensions = array<i32: 0>} : vector<16xi32>
      %add3A_895 = arith.addi %broadcast_in_dim3A_893, %iota3A_894 : vector<16xi32>
      %swap3A_896 = arith.constant 16 : index
      %swap3A_897 = tpu.vector_load %arg22[%swap3A_896] {strides = array<i32>} : memref<64xi32, #tpu.memory_space<vmem>>, vector<16xi32>,
      tpu.vector_store %arg22[%swap3A_896], %add3A_895 {strides = array<i32>} : memref<64xi32, #tpu.memory_space<vmem>>, vector<16xi32>,
      %mul3A_898 = arith.constant 640 : i32
      %mul3A_899 = arith.muli %arg1, %mul3A_898 : i32
      %add3A_900 = arith.constant 512 : i32
      %add3A_901 = arith.addi %mul3A_899, %add3A_900 : i32
      %add3A_902 = arith.constant 32 : i32
      %add3A_903 = arith.addi %add3A_901, %add3A_902 : i32
      %broadcast_in_dim3A_904 = vector.broadcast %add3A_903 : i32 to vector<16xi32>
      %iota3A_905 = tpu.iota {dimensions = array<i32: 0>} : vector<16xi32>
      %add3A_906 = arith.addi %broadcast_in_dim3A_904, %iota3A_905 : vector<16xi32>
      %swap3A_907 = arith.constant 32 : index
      %swap3A_908 = tpu.vector_load %arg22[%swap3A_907] {strides = array<i32>} : memref<64xi32, #tpu.memory_space<vmem>>, vector<16xi32>,
      tpu.vector_store %arg22[%swap3A_907], %add3A_906 {strides = array<i32>} : memref<64xi32, #tpu.memory_space<vmem>>, vector<16xi32>,
      %mul3A_909 = arith.constant 640 : i32
      %mul3A_910 = arith.muli %arg1, %mul3A_909 : i32
      %add3A_911 = arith.constant 512 : i32
      %add3A_912 = arith.addi %mul3A_910, %add3A_911 : i32
      %add3A_913 = arith.constant 48 : i32
      %add3A_914 = arith.addi %add3A_912, %add3A_913 : i32
      %broadcast_in_dim3A_915 = vector.broadcast %add3A_914 : i32 to vector<16xi32>
      %iota3A_916 = tpu.iota {dimensions = array<i32: 0>} : vector<16xi32>
      %add3A_917 = arith.addi %broadcast_in_dim3A_915, %iota3A_916 : vector<16xi32>
      %swap3A_918 = arith.constant 48 : index
      %swap3A_919 = tpu.vector_load %arg22[%swap3A_918] {strides = array<i32>} : memref<64xi32, #tpu.memory_space<vmem>>, vector<16xi32>,
      tpu.vector_store %arg22[%swap3A_918], %add3A_917 {strides = array<i32>} : memref<64xi32, #tpu.memory_space<vmem>>, vector<16xi32>,
      "tpu.region"() ({
        %run_scoped3A = tpu.sem_alloc : memref<!tpu.dma_semaphore, #tpu.memory_space<semaphore_mem>>
        %dma_start3A_972 = arith.constant 0 : i32
        %dma_start3A_973 = tpu.memref_slice %arg21[%dma_start3A_972] : memref<640xf32, #tpu.memory_space<vmem>> -> memref<64xf32, #tpu.memory_space<vmem>>
        %dma_start3A_974 = arith.constant 0 : i32
        %dma_start3A_975 = tpu.memref_slice %arg28[%dma_start3A_974] : memref<10240xf32, #tpu.memory_space<vmem_shared>> -> memref<10240xf32, #tpu.memory_space<vmem_shared>>
        tpu.enqueue_indirect_dma source(%dma_start3A_975 : memref<10240xf32, #tpu.memory_space<vmem_shared>>) target(%dma_start3A_973 : memref<64xf32, #tpu.memory_space<vmem>>) offsets(%arg22 : memref<64xi32, #tpu.memory_space<vmem>>) semaphore(%run_scoped3A : memref<!tpu.dma_semaphore, #tpu.memory_space<semaphore_mem>>)
        %dma_wait3A = arith.constant 0 : i32
        %dma_wait3A_976 = tpu.memref_slice %arg21[%dma_wait3A] : memref<640xf32, #tpu.memory_space<vmem>> -> memref<64xf32, #tpu.memory_space<vmem>>
        %dma_wait3A_977 = arith.constant 0 : i32
        %dma_wait3A_978 = tpu.memref_slice %arg28[%dma_wait3A_977] : memref<10240xf32, #tpu.memory_space<vmem_shared>> -> memref<10240xf32, #tpu.memory_space<vmem_shared>>
        tpu.wait_indirect_dma semaphore(%run_scoped3A : memref<!tpu.dma_semaphore, #tpu.memory_space<semaphore_mem>>) src(%dma_wait3A_978 : memref<10240xf32, #tpu.memory_space<vmem_shared>>) dst(%dma_wait3A_976 : memref<64xf32, #tpu.memory_space<vmem>>)
        tpu.yield
      }) : () -> ()
      %mul3A_920 = arith.constant 640 : i32
      %mul3A_921 = arith.muli %arg1, %mul3A_920 : i32
      %add3A_922 = arith.constant 512 : i32
      %add3A_923 = arith.addi %mul3A_921, %add3A_922 : i32
      "tpu.region"() ({
        %run_scoped3A = tpu.sem_alloc : memref<!tpu.dma_semaphore, #tpu.memory_space<semaphore_mem>>
        %dma_start3A_972 = arith.constant 0 : i32
        %dma_start3A_973 = tpu.memref_slice %arg21[%dma_start3A_972] : memref<640xf32, #tpu.memory_space<vmem>> -> memref<64xf32, #tpu.memory_space<vmem>>
        %dma_start3A_974 = tpu.memref_slice %arg10[%add3A_923] : memref<10240xf32, #tpu.memory_space<hbm>> -> memref<64xf32, #tpu.memory_space<hbm>>
        %dma_start3A_975 = tpu.memref_slice %arg10[%add3A_923] : memref<10240xf32, #tpu.memory_space<hbm>> -> memref<64xf32, #tpu.memory_space<hbm>>
        %dma_start3A_976 = arith.constant 0 : i32
        %dma_start3A_977 = tpu.memref_slice %arg21[%dma_start3A_976] : memref<640xf32, #tpu.memory_space<vmem>> -> memref<64xf32, #tpu.memory_space<vmem>>
        tpu.enqueue_dma source(%dma_start3A_977 : memref<64xf32, #tpu.memory_space<vmem>>) target(%dma_start3A_975 : memref<64xf32, #tpu.memory_space<hbm>>) target_semaphore(%run_scoped3A : memref<!tpu.dma_semaphore, #tpu.memory_space<semaphore_mem>>)
        %dma_wait3A = arith.constant 0 : i32
        %dma_wait3A_978 = tpu.memref_slice %arg21[%dma_wait3A] : memref<640xf32, #tpu.memory_space<vmem>> -> memref<64xf32, #tpu.memory_space<vmem>>
        %dma_wait3A_979 = tpu.memref_slice %arg10[%add3A_923] : memref<10240xf32, #tpu.memory_space<hbm>> -> memref<64xf32, #tpu.memory_space<hbm>>
        %dma_wait3A_980 = tpu.memref_slice %arg10[%add3A_923] : memref<10240xf32, #tpu.memory_space<hbm>> -> memref<64xf32, #tpu.memory_space<hbm>>
        %dma_wait3A_981 = arith.constant 0 : i32
        %dma_wait3A_982 = tpu.memref_slice %arg21[%dma_wait3A_981] : memref<640xf32, #tpu.memory_space<vmem>> -> memref<64xf32, #tpu.memory_space<vmem>>
        tpu.wait_dma2 semaphore(%run_scoped3A : memref<!tpu.dma_semaphore, #tpu.memory_space<semaphore_mem>>) src(%dma_wait3A_982 : memref<64xf32, #tpu.memory_space<vmem>>) dst(%dma_wait3A_980 : memref<64xf32, #tpu.memory_space<hbm>>)
        tpu.yield
      }) : () -> ()
      %mul3A_924 = arith.constant 640 : i32
      %mul3A_925 = arith.muli %arg1, %mul3A_924 : i32
      %add3A_926 = arith.constant 576 : i32
      %add3A_927 = arith.addi %mul3A_925, %add3A_926 : i32
      %add3A_928 = arith.constant 0 : i32
      %add3A_929 = arith.addi %add3A_927, %add3A_928 : i32
      %broadcast_in_dim3A_930 = vector.broadcast %add3A_929 : i32 to vector<16xi32>
      %iota3A_931 = tpu.iota {dimensions = array<i32: 0>} : vector<16xi32>
      %add3A_932 = arith.addi %broadcast_in_dim3A_930, %iota3A_931 : vector<16xi32>
      %swap3A_933 = arith.constant 0 : index
      %swap3A_934 = tpu.vector_load %arg22[%swap3A_933] {strides = array<i32>} : memref<64xi32, #tpu.memory_space<vmem>>, vector<16xi32>,
      tpu.vector_store %arg22[%swap3A_933], %add3A_932 {strides = array<i32>} : memref<64xi32, #tpu.memory_space<vmem>>, vector<16xi32>,
      %mul3A_935 = arith.constant 640 : i32
      %mul3A_936 = arith.muli %arg1, %mul3A_935 : i32
      %add3A_937 = arith.constant 576 : i32
      %add3A_938 = arith.addi %mul3A_936, %add3A_937 : i32
      %add3A_939 = arith.constant 16 : i32
      %add3A_940 = arith.addi %add3A_938, %add3A_939 : i32
      %broadcast_in_dim3A_941 = vector.broadcast %add3A_940 : i32 to vector<16xi32>
      %iota3A_942 = tpu.iota {dimensions = array<i32: 0>} : vector<16xi32>
      %add3A_943 = arith.addi %broadcast_in_dim3A_941, %iota3A_942 : vector<16xi32>
      %swap3A_944 = arith.constant 16 : index
      %swap3A_945 = tpu.vector_load %arg22[%swap3A_944] {strides = array<i32>} : memref<64xi32, #tpu.memory_space<vmem>>, vector<16xi32>,
      tpu.vector_store %arg22[%swap3A_944], %add3A_943 {strides = array<i32>} : memref<64xi32, #tpu.memory_space<vmem>>, vector<16xi32>,
      %mul3A_946 = arith.constant 640 : i32
      %mul3A_947 = arith.muli %arg1, %mul3A_946 : i32
      %add3A_948 = arith.constant 576 : i32
      %add3A_949 = arith.addi %mul3A_947, %add3A_948 : i32
      %add3A_950 = arith.constant 32 : i32
      %add3A_951 = arith.addi %add3A_949, %add3A_950 : i32
      %broadcast_in_dim3A_952 = vector.broadcast %add3A_951 : i32 to vector<16xi32>
      %iota3A_953 = tpu.iota {dimensions = array<i32: 0>} : vector<16xi32>
      %add3A_954 = arith.addi %broadcast_in_dim3A_952, %iota3A_953 : vector<16xi32>
      %swap3A_955 = arith.constant 32 : index
      %swap3A_956 = tpu.vector_load %arg22[%swap3A_955] {strides = array<i32>} : memref<64xi32, #tpu.memory_space<vmem>>, vector<16xi32>,
      tpu.vector_store %arg22[%swap3A_955], %add3A_954 {strides = array<i32>} : memref<64xi32, #tpu.memory_space<vmem>>, vector<16xi32>,
      %mul3A_957 = arith.constant 640 : i32
      %mul3A_958 = arith.muli %arg1, %mul3A_957 : i32
      %add3A_959 = arith.constant 576 : i32
      %add3A_960 = arith.addi %mul3A_958, %add3A_959 : i32
      %add3A_961 = arith.constant 48 : i32
      %add3A_962 = arith.addi %add3A_960, %add3A_961 : i32
      %broadcast_in_dim3A_963 = vector.broadcast %add3A_962 : i32 to vector<16xi32>
      %iota3A_964 = tpu.iota {dimensions = array<i32: 0>} : vector<16xi32>
      %add3A_965 = arith.addi %broadcast_in_dim3A_963, %iota3A_964 : vector<16xi32>
      %swap3A_966 = arith.constant 48 : index
      %swap3A_967 = tpu.vector_load %arg22[%swap3A_966] {strides = array<i32>} : memref<64xi32, #tpu.memory_space<vmem>>, vector<16xi32>,
      tpu.vector_store %arg22[%swap3A_966], %add3A_965 {strides = array<i32>} : memref<64xi32, #tpu.memory_space<vmem>>, vector<16xi32>,
      "tpu.region"() ({
        %run_scoped3A = tpu.sem_alloc : memref<!tpu.dma_semaphore, #tpu.memory_space<semaphore_mem>>
        %dma_start3A_972 = arith.constant 0 : i32
        %dma_start3A_973 = tpu.memref_slice %arg21[%dma_start3A_972] : memref<640xf32, #tpu.memory_space<vmem>> -> memref<64xf32, #tpu.memory_space<vmem>>
        %dma_start3A_974 = arith.constant 0 : i32
        %dma_start3A_975 = tpu.memref_slice %arg28[%dma_start3A_974] : memref<10240xf32, #tpu.memory_space<vmem_shared>> -> memref<10240xf32, #tpu.memory_space<vmem_shared>>
        tpu.enqueue_indirect_dma source(%dma_start3A_975 : memref<10240xf32, #tpu.memory_space<vmem_shared>>) target(%dma_start3A_973 : memref<64xf32, #tpu.memory_space<vmem>>) offsets(%arg22 : memref<64xi32, #tpu.memory_space<vmem>>) semaphore(%run_scoped3A : memref<!tpu.dma_semaphore, #tpu.memory_space<semaphore_mem>>)
        %dma_wait3A = arith.constant 0 : i32
        %dma_wait3A_976 = tpu.memref_slice %arg21[%dma_wait3A] : memref<640xf32, #tpu.memory_space<vmem>> -> memref<64xf32, #tpu.memory_space<vmem>>
        %dma_wait3A_977 = arith.constant 0 : i32
        %dma_wait3A_978 = tpu.memref_slice %arg28[%dma_wait3A_977] : memref<10240xf32, #tpu.memory_space<vmem_shared>> -> memref<10240xf32, #tpu.memory_space<vmem_shared>>
        tpu.wait_indirect_dma semaphore(%run_scoped3A : memref<!tpu.dma_semaphore, #tpu.memory_space<semaphore_mem>>) src(%dma_wait3A_978 : memref<10240xf32, #tpu.memory_space<vmem_shared>>) dst(%dma_wait3A_976 : memref<64xf32, #tpu.memory_space<vmem>>)
        tpu.yield
      }) : () -> ()
      %mul3A_968 = arith.constant 640 : i32
      %mul3A_969 = arith.muli %arg1, %mul3A_968 : i32
      %add3A_970 = arith.constant 576 : i32
      %add3A_971 = arith.addi %mul3A_969, %add3A_970 : i32
      "tpu.region"() ({
        %run_scoped3A = tpu.sem_alloc : memref<!tpu.dma_semaphore, #tpu.memory_space<semaphore_mem>>
        %dma_start3A_972 = arith.constant 0 : i32
        %dma_start3A_973 = tpu.memref_slice %arg21[%dma_start3A_972] : memref<640xf32, #tpu.memory_space<vmem>> -> memref<64xf32, #tpu.memory_space<vmem>>
        %dma_start3A_974 = tpu.memref_slice %arg10[%add3A_971] : memref<10240xf32, #tpu.memory_space<hbm>> -> memref<64xf32, #tpu.memory_space<hbm>>
        %dma_start3A_975 = tpu.memref_slice %arg10[%add3A_971] : memref<10240xf32, #tpu.memory_space<hbm>> -> memref<64xf32, #tpu.memory_space<hbm>>
        %dma_start3A_976 = arith.constant 0 : i32
        %dma_start3A_977 = tpu.memref_slice %arg21[%dma_start3A_976] : memref<640xf32, #tpu.memory_space<vmem>> -> memref<64xf32, #tpu.memory_space<vmem>>
        tpu.enqueue_dma source(%dma_start3A_977 : memref<64xf32, #tpu.memory_space<vmem>>) target(%dma_start3A_975 : memref<64xf32, #tpu.memory_space<hbm>>) target_semaphore(%run_scoped3A : memref<!tpu.dma_semaphore, #tpu.memory_space<semaphore_mem>>)
        %dma_wait3A = arith.constant 0 : i32
        %dma_wait3A_978 = tpu.memref_slice %arg21[%dma_wait3A] : memref<640xf32, #tpu.memory_space<vmem>> -> memref<64xf32, #tpu.memory_space<vmem>>
        %dma_wait3A_979 = tpu.memref_slice %arg10[%add3A_971] : memref<10240xf32, #tpu.memory_space<hbm>> -> memref<64xf32, #tpu.memory_space<hbm>>
        %dma_wait3A_980 = tpu.memref_slice %arg10[%add3A_971] : memref<10240xf32, #tpu.memory_space<hbm>> -> memref<64xf32, #tpu.memory_space<hbm>>
        %dma_wait3A_981 = arith.constant 0 : i32
        %dma_wait3A_982 = tpu.memref_slice %arg21[%dma_wait3A_981] : memref<640xf32, #tpu.memory_space<vmem>> -> memref<64xf32, #tpu.memory_space<vmem>>
        tpu.wait_dma2 semaphore(%run_scoped3A : memref<!tpu.dma_semaphore, #tpu.memory_space<semaphore_mem>>) src(%dma_wait3A_982 : memref<64xf32, #tpu.memory_space<vmem>>) dst(%dma_wait3A_980 : memref<64xf32, #tpu.memory_space<hbm>>)
        tpu.yield
      }) : () -> ()
    } else {
    }
    return
  }
}

module attributes {stable_mosaic.version = 14 : i64} {
  func.func @_mm_body(%arg0: i32, %arg1: memref<1000x128xf32, #tpu.memory_space<vmem>>, %arg2: memref<128x128xf32, #tpu.memory_space<vmem>>, %arg3: memref<128x128xf32, #tpu.memory_space<vmem>>, %arg4: memref<1000x128xf32, #tpu.memory_space<vmem>>, %arg5: memref<1000x128xf32, #tpu.memory_space<vmem>>) attributes {dimension_semantics = [#tpu.dimension_semantics<arbitrary>], iteration_bounds = array<i64: 10>, scalar_prefetch = 0 : i64, scratch_operands = 0 : i64, tpu.core_type = #tpu.core_type<tc>, window_params = [{transform_indices = @transform_0, window_bounds = array<i64: 1000, 128>}, {pipeline_mode = #tpu.pipeline_mode<synchronous>, transform_indices = @transform_1, window_bounds = array<i64: 128, 128>}, {pipeline_mode = #tpu.pipeline_mode<synchronous>, transform_indices = @transform_2, window_bounds = array<i64: 128, 128>}, {transform_indices = @transform_3, window_bounds = array<i64: 1000, 128>}, {transform_indices = @transform_4, window_bounds = array<i64: 1000, 128>}]} {
    %get3A = arith.constant 0 : index
    %get3A_0 = arith.constant 0 : index
    %get3A_1 = vector.load %arg1[%get3A, %get3A_0] : memref<1000x128xf32, #tpu.memory_space<vmem>>, vector<1000x128xf32>
    %get3A_2 = arith.constant 0 : index
    %get3A_3 = arith.constant 0 : index
    %get3A_4 = vector.load %arg2[%get3A_2, %get3A_3] : memref<128x128xf32, #tpu.memory_space<vmem>>, vector<128x128xf32>
    %dot_general3A = arith.constant dense<0.000000e+00> : vector<1000x128xf32>
    %dot_general3A_5 = tpu.matmul %get3A_1, %get3A_4, %dot_general3A {dimension_numbers = #tpu.dot_dimension_numbers<[1], [1], [0], [0], [0, 0, 1, 0], [], []>, transpose_lhs_hint = false} : vector<1000x128xf32>, vector<128x128xf32>, vector<1000x128xf32> -> vector<1000x128xf32>
    %swap3A = arith.constant 0 : index
    %swap3A_6 = arith.constant 0 : index
    %swap3A_7 = vector.load %arg4[%swap3A, %swap3A_6] : memref<1000x128xf32, #tpu.memory_space<vmem>>, vector<1000x128xf32>
    tpu.vector_store %arg4[%swap3A, %swap3A_6], %dot_general3A_5 {strides = array<i32>} : memref<1000x128xf32, #tpu.memory_space<vmem>>, vector<1000x128xf32>,
    %get3A_8 = arith.constant 0 : index
    %get3A_9 = arith.constant 0 : index
    %get3A_10 = vector.load %arg3[%get3A_8, %get3A_9] : memref<128x128xf32, #tpu.memory_space<vmem>>, vector<128x128xf32>
    %dot_general3A_11 = arith.constant dense<0.000000e+00> : vector<1000x128xf32>
    %dot_general3A_12 = tpu.matmul %dot_general3A_5, %get3A_10, %dot_general3A_11 {dimension_numbers = #tpu.dot_dimension_numbers<[1], [0], [0], [1], [0, 0, 1, 1], [], []>, transpose_lhs_hint = false} : vector<1000x128xf32>, vector<128x128xf32>, vector<1000x128xf32> -> vector<1000x128xf32>
    %swap3A_13 = arith.constant 0 : index
    %swap3A_14 = arith.constant 0 : index
    %swap3A_15 = vector.load %arg5[%swap3A_13, %swap3A_14] : memref<1000x128xf32, #tpu.memory_space<vmem>>, vector<1000x128xf32>
    tpu.vector_store %arg5[%swap3A_13, %swap3A_14], %dot_general3A_12 {strides = array<i32>} : memref<1000x128xf32, #tpu.memory_space<vmem>>, vector<1000x128xf32>,
    return
  }
  func.func @transform_0(%arg0: i32) -> (i32, i32) {
    %c0_i32 = arith.constant 0 : i32
    %c0_i32_0 = arith.constant 0 : i32
    return %arg0, %c0_i32 : i32, i32
  }
  func.func @transform_1(%arg0: i32) -> (i32, i32) {
    %c0_i32 = arith.constant 0 : i32
    %c0_i32_0 = arith.constant 0 : i32
    %c0_i32_1 = arith.constant 0 : i32
    return %c0_i32, %c0_i32_0 : i32, i32
  }
  func.func @transform_2(%arg0: i32) -> (i32, i32) {
    %c0_i32 = arith.constant 0 : i32
    %c0_i32_0 = arith.constant 0 : i32
    %c0_i32_1 = arith.constant 0 : i32
    return %c0_i32, %c0_i32_0 : i32, i32
  }
  func.func @transform_3(%arg0: i32) -> (i32, i32) {
    %c0_i32 = arith.constant 0 : i32
    %c0_i32_0 = arith.constant 0 : i32
    return %arg0, %c0_i32 : i32, i32
  }
  func.func @transform_4(%arg0: i32) -> (i32, i32) {
    %c0_i32 = arith.constant 0 : i32
    %c0_i32_0 = arith.constant 0 : i32
    return %arg0, %c0_i32 : i32, i32
  }
}

module attributes {stable_mosaic.version = 14 : i64} {
  func.func @_combine_body(%arg0: i32, %arg1: memref<1000x128xf32, #tpu.memory_space<vmem>>, %arg2: memref<1000x1xf32, #tpu.memory_space<vmem>>, %arg3: memref<1000x128xf32, #tpu.memory_space<vmem>>, %arg4: memref<1000x1xf32, #tpu.memory_space<vmem>>) attributes {dimension_semantics = [#tpu.dimension_semantics<arbitrary>], iteration_bounds = array<i64: 10>, scalar_prefetch = 0 : i64, scratch_operands = 0 : i64, tpu.core_type = #tpu.core_type<tc>, window_params = [{transform_indices = @transform_0, window_bounds = array<i64: 1000, 128>}, {transform_indices = @transform_1, window_bounds = array<i64: 1000, 1>}, {transform_indices = @transform_2, window_bounds = array<i64: 1000, 128>}, {transform_indices = @transform_3, window_bounds = array<i64: 1000, 1>}]} {
    %get3A = arith.constant 0 : index
    %get3A_0 = arith.constant 0 : index
    %get3A_1 = vector.load %arg2[%get3A, %get3A_0] : memref<1000x1xf32, #tpu.memory_space<vmem>>, vector<1000x1xf32>
    %swap3A = arith.constant 0 : index
    %swap3A_2 = arith.constant 0 : index
    %swap3A_3 = vector.load %arg4[%swap3A, %swap3A_2] : memref<1000x1xf32, #tpu.memory_space<vmem>>, vector<1000x1xf32>
    tpu.vector_store %arg4[%swap3A, %swap3A_2], %get3A_1 {strides = array<i32>} : memref<1000x1xf32, #tpu.memory_space<vmem>>, vector<1000x1xf32>,
    %get3A_4 = arith.constant 0 : index
    %get3A_5 = arith.constant 0 : index
    %get3A_6 = vector.load %arg1[%get3A_4, %get3A_5] : memref<1000x128xf32, #tpu.memory_space<vmem>>, vector<1000x128xf32>
    %div3A = vector.broadcast %get3A_1 : vector<1000x1xf32> to vector<1000x128xf32>
    %div3A_7 = arith.divf %get3A_6, %div3A : vector<1000x128xf32>
    %swap3A_8 = arith.constant 0 : index
    %swap3A_9 = arith.constant 0 : index
    %swap3A_10 = vector.load %arg3[%swap3A_8, %swap3A_9] : memref<1000x128xf32, #tpu.memory_space<vmem>>, vector<1000x128xf32>
    tpu.vector_store %arg3[%swap3A_8, %swap3A_9], %div3A_7 {strides = array<i32>} : memref<1000x128xf32, #tpu.memory_space<vmem>>, vector<1000x128xf32>,
    return
  }
  func.func @transform_0(%arg0: i32) -> (i32, i32) {
    %c0_i32 = arith.constant 0 : i32
    %c0_i32_0 = arith.constant 0 : i32
    return %arg0, %c0_i32 : i32, i32
  }
  func.func @transform_1(%arg0: i32) -> (i32, i32) {
    %c0_i32 = arith.constant 0 : i32
    %c0_i32_0 = arith.constant 0 : i32
    return %arg0, %c0_i32 : i32, i32
  }
  func.func @transform_2(%arg0: i32) -> (i32, i32) {
    %c0_i32 = arith.constant 0 : i32
    %c0_i32_0 = arith.constant 0 : i32
    return %arg0, %c0_i32 : i32, i32
  }
  func.func @transform_3(%arg0: i32) -> (i32, i32) {
    %c0_i32 = arith.constant 0 : i32
    %c0_i32_0 = arith.constant 0 : i32
    return %arg0, %c0_i32 : i32, i32
  }
}

</mosaic_0001>

<sc_bundles>
// kernel: kernel.5.cloned.1.call-start
scs
__scs_entry_jumppad:
0x0: {  	(pc) =	sbr.rel $0x88, $3  }
0x1: {  	(tag) =	ssettag $0x0;
	lr =	simm.s32 $0x1  }
0x2: {  	[smem:$0x3F9D] =	sst lr;
	_ =	strace $0xD0000000  }
0x3: {  	_ = 	snop  }
0x4: {  	_ = 	snop  }
0x5: {  	_ = 	snop  }
0x6: {  	_ = 	snop  }
0x7: {  	_ = 	snop  }
__scs_overlays_trampoline_lowered:
0x8: {  	[smem:$0x3FAC] =	sst s0  }
0x9: {  	[smem:$0x3FAD] =	sst s1  }
0xa: {  	[smem:$0x3FAE] =	sst s2  }
0xb: {  	[smem:$0x3FAF] =	sst s3  }
0xc: {  	[smem:$0x3FB0] =	sst s4  }
0xd: {  	[smem:$0x3FB1] =	sst s5  }
0xe: {  	[smem:$0x3FB2] =	sst s6  }
0xf: {  	[smem:$0x3FB3] =	sst s7  }
0x10: {  	[smem:$0x3FB4] =	sst s8  }
0x11: {  	[smem:$0x3FB5] =	sst s9;
	s0 =	simm.s32 @!p0 $0x0  }
0x12: {  	s1 =	sld [smem:$0x3F9B];
	s0 =	simm.s32 @p0 $0x1  }
0x13: {  	[smem:$0x3FB6] =	sst s0;
	s0 =	simm.s32 @!p1 $0x0  }
0x14: {  	s2 =	sld [smem:$0x3F9A];
	s0 =	simm.s32 @p1 $0x1  }
0x15: {  	[smem:$0x3FB7] =	sst s0;
	s0 =	simm.s32 @!p2 $0x0  }
0x16: {  	s3 =	sld [smem:$0x3FDB];
	s0 =	simm.s32 @p2 $0x1  }
0x17: {  	s4 =	simm.s32 $0x1BF5;
	[smem:$0x3FB9] =	sst s0  }
0x18: {  	s0 =	sld [smem:$0x3F9C];
	_ =	swait.ge [sflag:s4], $0x0  }
0x19: {  	s7 =	sld [smem:$0x3F9D]  }
0x1a: {  	s8 =	sadd.s32 $0xFFFFE003, lr  }
0x1b: {  	s9 =	sadd.s32 $0xFFFFFEF7, lr;
	s5 =	simm.s32 $0xFFFFFFFF;
	p2 =	slt.u32 s8, $0xFFFFF086  }
0x1c: {  	p1 =	slt.u32 s9, $0xF7A;
	s5 =	simm.s32 @!p2 $0x0  }
0x1d: {  	s5 =	simm.s32 @p1 $0x1;
	p0 =	seq.s32 s7, s2  }
0x1e: {  	s7 =	smul.u32 @!p0 $0xF7A, s2;
	p2 =	seq.s32 @!p0 s5, $0x0  }
0x1f: {  	s9 =	smul.u32 $0xF7A, s1;
	s8 =	simm.s32 @!p0 $0x1BF5;
	p2 =	por !p2, p0  }
0x20: {  	[sflag:s8] =	ssyncset.s32 @!p0 $0xFFFFF086;
	s6 =	sadd.s32 @!p0 s3, s7;
	s7 =	simm.s32 @!p0 $0x108  }
0x21: {  	s3 =	sadd.s32 s3, s9;
	s6 =	sadd.s32 @!p0 $0x88, s6;
	s7 =	simm.s32 @p2 $0x1082  }
0x22: {  	[simem:s7], [sflag:s8] =	dma.local @!p0 [hbm:s6], $0xF7A  }
0x23: {  	s9 =	sor.u32 $0xD0000000, s2;
	s6 =	simm.s32 $0x108;
	_ =	swait.ge @!p0 [sflag:s8], $0x0  }
0x24: {  	s3 =	sadd.s32 $0x88, s3;
	s6 =	simm.s32 @!p1 $0x1082;
	[sflag:s4] =	ssyncset.s32 $0xFFFFF086  }
0x25: {  	[simem:s6], [sflag:s4] =	dma.local [hbm:s3], $0xF7A  }
0x26: {  	[smem:$0x3F9D] =	sst s1;
	(tag) =	ssettag s2;
	_ =	strace s9  }
0x27: {  	s1 =	sld [smem:$0x3FAD]  }
0x28: {  	s2 =	sld [smem:$0x3FAE]  }
0x29: {  	s4 =	sld [smem:$0x3FB0]  }
0x2a: {  	p0 =	seq.s32 s5, $0x0;
	s5 =	sld [smem:$0x3FB1]  }
0x2b: {  	s6 =	sld [smem:$0x3FB2]  }
0x2c: {  	s7 =	sld [smem:$0x3FB3]  }
0x2d: {  	s3 =	simm.s32 $0x108;
	s8 =	sld [smem:$0x3FB4]  }
0x2e: {  	s3 =	simm.s32 @!p0 $0x1082;
	s9 =	sld [smem:$0x3FB5]  }
0x2f: {  	lr =	sadd.s32 s0, s3;
	s0 =	sld [smem:$0x3FAC]  }
0x30: {  	s3 =	sld [smem:$0x3FAF]  }
0x31: {  	[smem:$0x3FB8] =	sst s10  }
0x32: {  	s10 =	sld [smem:$0x3FB6];
	_ =	sdelay $0x3  }
0x33: {  	p0 =	seq.s32 s10, $0x1;
	s10 =	sld [smem:$0x3FB8];
	_ =	sdelay $0x3  }
0x34: {  	[smem:$0x3FB8] =	sst s10  }
0x35: {  	s10 =	sld [smem:$0x3FB7];
	_ =	sdelay $0x3  }
0x36: {  	p1 =	seq.s32 s10, $0x1;
	s10 =	sld [smem:$0x3FB8];
	_ =	sdelay $0x3  }
0x37: {  	[smem:$0x3FB8] =	sst s10  }
0x38: {  	s10 =	sld [smem:$0x3FB9]  }
0x39: {  	_ = 	snop;
	(pc) =	sbr.ind lr, $3  }
0x3a: {  	_ = 	snop  }
0x3b: {  	_ = 	snop  }
0x3c: {  	p2 =	seq.s32 s10, $0x1;
	s10 =	sld [smem:$0x3FB8]  }
0x3d: {  	_ =	shalt  }
0x3e: {  	_ =	shalt  }
0x3f: {  	_ =	shalt  }
0x40: {  	_ =	shalt  }
0x41: {  	_ =	shalt  }
0x42: {  	_ =	shalt  }
0x43: {  	_ =	shalt  }
0x44: {  	_ =	shalt  }
0x45: {  	_ =	shalt  }
0x46: {  	_ =	shalt  }
0x47: {  	_ =	shalt  }
0x48: {  	_ =	shalt  }
0x49: {  	_ =	shalt  }
0x4a: {  	_ =	shalt  }
0x4b: {  	_ =	shalt  }
0x4c: {  	_ =	shalt  }
0x4d: {  	_ =	shalt  }
0x4e: {  	_ =	shalt  }
0x4f: {  	_ =	shalt  }
0x50: {  	_ =	shalt  }
0x51: {  	_ =	shalt  }
0x52: {  	_ =	shalt  }
0x53: {  	_ =	shalt  }
0x54: {  	_ =	shalt  }
0x55: {  	_ =	shalt  }
0x56: {  	_ =	shalt  }
0x57: {  	_ =	shalt  }
0x58: {  	_ =	shalt  }
0x59: {  	_ =	shalt  }
0x5a: {  	_ =	shalt  }
0x5b: {  	_ =	shalt  }
0x5c: {  	_ =	shalt  }
0x5d: {  	_ =	shalt  }
0x5e: {  	_ =	shalt  }
0x5f: {  	_ =	shalt  }
0x60: {  	_ =	shalt  }
0x61: {  	_ =	shalt  }
0x62: {  	_ =	shalt  }
0x63: {  	_ =	shalt  }
0x64: {  	_ =	shalt  }
0x65: {  	_ =	shalt  }
0x66: {  	_ =	shalt  }
0x67: {  	_ =	shalt  }
0x68: {  	_ =	shalt  }
0x69: {  	_ =	shalt  }
0x6a: {  	_ =	shalt  }
0x6b: {  	_ =	shalt  }
0x6c: {  	_ =	shalt  }
0x6d: {  	_ =	shalt  }
0x6e: {  	_ =	shalt  }
0x6f: {  	_ =	shalt  }
0x70: {  	_ =	shalt  }
0x71: {  	_ =	shalt  }
0x72: {  	_ =	shalt  }
0x73: {  	_ =	shalt  }
0x74: {  	_ =	shalt  }
0x75: {  	_ =	shalt  }
0x76: {  	_ =	shalt  }
0x77: {  	_ =	shalt  }
0x78: {  	_ =	shalt  }
0x79: {  	_ =	shalt  }
0x7a: {  	_ =	shalt  }
0x7b: {  	_ =	shalt  }
0x7c: {  	_ =	shalt  }
0x7d: {  	_ =	shalt  }
0x7e: {  	_ =	shalt  }
0x7f: {  	_ =	shalt  }
0x80: {  	_ =	shalt  }
0x81: {  	_ =	shalt  }
0x82: {  	_ =	shalt  }
0x83: {  	_ =	shalt  }
0x84: {  	_ =	shalt  }
0x85: {  	_ =	shalt  }
0x86: {  	_ =	shalt  }
0x87: {  	_ =	shalt  }
.Lfunc_end0:
.L_simem_size_0:
called_computation_lowered:
.L_overlay_start_0:
0x88: {  	s2 =	sld [smem:$0x3FD9]  }
0x89: {  	s3 =	sld [smem:$0x3FFE];
	_ =	sdelay $0x1  }
0x8a: {  	s1 =	srdreg.scid  }
0x8b: {  	s0 =	sand.u32 $0x1, s1  }
0x8c: {  	s14 =	sshll.u32 s0, $0xA;
	s2 =	sadd.s32 s3, s2  }
0x8d: {  	s2 =	sadd.s32 s2, s14  }
0x8e: {  	[smem:$0x3FC4] =	sst s2  }
0x8f: {  	_ = 	snop  }
0x90: {  	s2 =	sld [smem:$0x3FD0];
	_ =	sdelay $0x2  }
0x91: {  	s15 =	simm.s32 $0xA;
	s4 =	simm.s32 $0x10  }
0x92: {  	[smem:s4], [sflag:s15] =	dma.local [hbm:s2], $0x1  }
0x93: {  	_ =	swait.eq [sflag:s15], $0x1  }
0x94: {  	s16 =	sld [smem:$0x10]  }
0x95: {  	s17 =	sld [smem:$0x11];
	[sflag:s15] =	ssyncset.done $0x0  }
0x96: {  	s5 =	sld [smem:$0x12];
	[sflag:s15] =	ssyncadd.s32 $0xFFFFFFFF  }
0x97: {  	s18 =	sld [smem:$0x13];
	(tm) =	ssettm $0x1  }
0x98: {  	s6 =	sld [smem:$0x3FFB];
	_ =	sdelay $0x3  }
0x99: {  	_ =	strace s6  }
0x9a: {  	s6 =	sld [smem:$0x3FFC];
	_ =	sdelay $0x3  }
0x9b: {  	_ =	strace s6  }
0x9c: {  	s6 =	sld [smem:$0x3FFD];
	_ =	sdelay $0x3  }
0x9d: {  	_ =	strace s6  }
0x9e: {  	_ =	strace $0x8FFFFFFF  }
0x9f: {  	s19 =	sld [smem:$0x3FDB];
	_ =	sdelay $0x1  }
0xa0: {  	s7 =	simm.s32 $_scs_section_size  }
0xa1: {  	s8 =	simm.s32 $_size__tile_overlayer_lowered;
	s9 =	simm.s32 $_tile_overlayer_lowered  }
0xa2: {  	s22 =	simm.s32 $0x1BFF;
	s21 =	sshll.u32 s9, $0x1;
	s6 =	sadd.s32 s7, s19  }
0xa3: {  	s10 =	simm.s32 $0x0;
	s20 =	sshll.u32 s8, $0x1;
	s8 =	sadd.s32 s21, s6  }
0xa4: {  	[timem:s10], [sflag:s22] =	dma.local [hbm:s8], s20  }
0xa5: {  	_ =	swait.ge [sflag:s22], s20  }
0xa6: {  	s7 =	ssub.s32 $0x0, s20;
	[sflag:s22] =	ssyncset.done $0x0  }
0xa7: {  	[sflag:s22] =	ssyncadd.s32 s7;
	_ =	sdelay $0x1  }
0xa8: {  	s23 =	simm.s32 $0x1B8B  }
0xa9: {  	_ =	swait.ge [sflag:s23], $0x1  }
0xaa: {  	[sflag:s23] =	ssyncset.done $0x0  }
0xab: {  	s25 =	simm.s32 $0x1B8E;
	s24 =	sld [smem:$0x3FFE];
	[sflag:s23] =	ssyncadd.s32 $0xFFFFFFFF  }
0xac: {  	s26 =	simm.s32 $execute0_lowered;
	[smem:$0x3FD2] =	sst s25  }
0xad: {  	s8 =	sshll.u32 s26, $0x1;
	_ =	strace $0x80000046;
	[dreg:$0x1] =	wrdreg $0xFFFFFFFF  }
0xae: {  	s28 =	simm.s32 $_size_execute0_lowered;
	s6 =	sadd.s32 s6, s8;
	[dreg:$0x0] =	wrdreg $0x0  }
0xaf: {  	s8 =	sshll.u32 s28, $0x1;
	[dreg:$0x2] =	wrdreg s6  }
0xb0: {  	[dreg:$0x3] =	wrdreg s8  }
0xb1: {  	[dreg:$0x4] =	wrdreg $0xC0  }
0xb2: {  	_ =	task [dreg:s10], $0x5FFFF  }
0xb3: {  	[dreg:$0x1] =	wrdreg $0xFFFFFFFF  }
0xb4: {  	[dreg:$0x0] =	wrdreg $0x60  }
0xb5: {  	[dreg:$0x2] =	wrdreg s16  }
0xb6: {  	[dreg:$0x3] =	wrdreg s24  }
0xb7: {  	[dreg:$0x4] =	wrdreg s5  }
0xb8: {  	[dreg:$0x5] =	wrdreg s18  }
0xb9: {  	[dreg:$0x6] =	wrdreg s17  }
0xba: {  	[dreg:$0x7] =	wrdreg $0x147000  }
0xbb: {  	[dreg:$0x8] =	wrdreg $0x1E7400  }
0xbc: {  	[dreg:$0x9] =	wrdreg $0x9  }
0xbd: {  	_ =	task.clear_ibuf [dreg:s10], $0xAFFFF;
	_ =	strace $0x90000046  }
0xbe: {  	s29 =	simm.s32 $0x9;
	_ =	strace $0x80000048  }
0xbf: {  	_ =	swait.ge [sflag:s29], $0x1  }
0xc0: {  	[sflag:s29] =	ssyncadd.s32 $0xFFFFFFFF  }
0xc1: {  	_ =	strace $0x90000048  }
0xc2: {  	_ =	sfence  }
0xc3: {  	s30 =	sld [smem:$0x0];
	_ =	sdelay $0x2  }
0xc4: {  	s31 =	sshll.u32 s1, $0xD;
	s1 =	sshrl.u32 s1, $0x2  }
0xc5: {  	s3 =	sand.u32 $0x4000, s31;
	s1 =	sadd.s32 s1, s30  }
0xc6: {  	s0 =	sor.u32 s3, s0;
	s1 =	sshll.u32 s1, $0x11  }
0xc7: {  	s0 =	sor.u32 s1, s0  }
0xc8: {  	s0 =	sadd.s32 $0x8F2B, s0  }
0xc9: {  	[sflag:s0] =	ssyncadd.remote.s32 $0x1  }
0xca: {  	_ =	sfence.sel $0xFFFF  }
0xcb: {  	[dreg:$0x0] =	wrdreg $0xFFFFFFFF;
	(pc) =	sbr.abs _section_cstart, $3  }
0xcc: {  	[dreg:$0x1] =	wrdreg $0xFFFFFFFF  }
0xcd: {  	_ =	task.clear_ibuf [dreg:s10], $0x2FFFF;
	_ =	strace $0x9FFFFFFF  }
0xce: {  	(tm) =	ssettm $0x7FFFFFFF  }
0xcf: {  	_ =	shalt  }
tec
execute0_lowered:
.L_overlay_start_1:
0x0: {  	(tag) =	ssettag $0x1  }
0x1: {  	s0 =	srdreg.scid  }
0x2: {  	s9 =	sand.u32 $0x1, s0;
	s0 =	stileid.u32  }
0x3: {  	s20 =	smul.u32 $0x140, s0  }
0x4: {  	s4 =	rddreg [dreg:$0x1];
	s2 =	simm.s32 $0x0;
	s5 =	smul.u32 $0x280, s0  }
0x5: {  	[smem:$0x7FF] =	sst s2;
	s6 =	sadd.s32 $0x15000, s4;
	s10 =	smul.u32 $0xA0000, s9  }
0x6: {  	s23 =	sadd.s32 $0x14A00, s4;
	s1 =	ssub.s32 $0x2, s9;
	s12 =	smul.u32 $0xA000, s0  }
0x7: {  	p0 =	sne.s32 s9, $0x0;
	p1 =	seq.s32 s9, $0x0;
	s3 =	sshrl.u32 s1, $0x1  }
0x8: {  	s1 =	ssub.s32 s1, s3;
	s19 =	sadd.s32 $0x40, s20;
	s18 =	sadd.s32 $0x80, s20  }
0x9: {  	s16 =	sadd.s32 $0xC0, s20;
	s15 =	sadd.s32 $0x100, s20;
	s17 =	sor.u32 $0x40, s5  }
0xa: {  	s8 =	sadd.s32 $0x80, s5;
	s7 =	sadd.s32 $0xC0, s5;
	[dreg:$0x1d] =	wrdreg s1  }
0xb: {  	s4 =	sadd.s32 $0x100, s5;
	s3 =	sadd.s32 $0x140, s5;
	[smem:$0x7F4] =	sst s8  }
0xc: {  	s12 =	sadd.s32 s12, s10;
	s30 =	sshrl.u32 s5, $0x3;
	[smem:$0x7F5] =	sst s7  }
0xd: {  	s28 =	sadd.s32 $0x60, s20;
	[smem:$0x7F6] =	sst s4;
	s13 =	sshll.u32 s19, $0x7  }
0xe: {  	[smem:$0x7F7] =	sst s3;
	s12 =	sshrl.u32 s12, $0x3;
	s14 =	sshll.u32 s18, $0x7  }
0xf: {  	v20 =	vlaneseq.u32;
	s24 =	sshll.u32 s16, $0x7;
	s25 =	sshll.u32 s15, $0x7;
	s11 =	sadd.s32 s23, s30  }
0x10: {  	s1 =	sor.u32 $0x30, s20;
	v6 =	vor.u32 s28, v20;
	s28 =	sadd.s32 $0xA0, s5;
	v8 =	vor.u32 s18, v20;
	s18 =	sadd.s32 $0xD0, s5  }
0x11: {  	v4 =	vor.u32 s19, v20;
	v12 =	vor.u32 s16, v20;
	s16 =	sadd.s32 $0x130, s5;
	v16 =	vor.u32 s15, v20;
	s15 =	sadd.s32 $0x1B0, s5;
	s19 =	sadd.s32 $0x210, s5  }
0x12: {  	s13 =	sadd.s32 s10, s13;
	s12 =	sadd.s32 s6, s12;
	s22 =	sadd.s32 s10, s14  }
0x13: {  	s29 =	sadd.s32 s10, s24;
	s10 =	sadd.s32 s10, s25;
	[dreg:$0xd] =	wrdreg s11  }
0x14: {  	s14 =	sshrl.u32 s7, $0x3;
	s25 =	sshrl.u32 s4, $0x3;
	v3 =	vor.u32 s1, v20;
	s1 =	sadd.s32 $0x110, s5  }
0x15: {  	s13 =	sshrl.u32 s13, $0x3;
	[dreg:$0x8] =	wrdreg s12;
	s24 =	sadd.s32 s23, s14  }
0x16: {  	s12 =	sshrl.u32 s22, $0x3;
	s21 =	sadd.s32 s6, s13;
	[dreg:$0x10] =	wrdreg s24  }
0x17: {  	s10 =	sshrl.u32 s10, $0x3;
	s26 =	sadd.s32 s6, s12;
	[dreg:$0x9] =	wrdreg s21  }
0x18: {  	s12 =	sshrl.u32 s29, $0x3;
	s10 =	sadd.s32 s6, s10;
	[dreg:$0xa] =	wrdreg s26  }
0x19: {  	s13 =	sshrl.u32 s8, $0x3;
	s29 =	sadd.s32 s23, s25;
	[dreg:$0xc] =	wrdreg s10  }
0x1a: {  	s8 =	sadd.s32 $0x200, s5;
	s31 =	sadd.s32 s6, s12;
	[dreg:$0x11] =	wrdreg s29  }
0x1b: {  	s12 =	sshrl.u32 s17, $0x3;
	s22 =	sadd.s32 s23, s13;
	[smem:$0x7FA] =	sst s8  }
0x1c: {  	s26 =	sshrl.u32 s3, $0x3;
	s13 =	sadd.s32 $0x180, s5;
	[dreg:$0xb] =	wrdreg s31  }
0x1d: {  	s10 =	sadd.s32 $0x240, s5;
	s24 =	sshrl.u32 s8, $0x3;
	[dreg:$0xf] =	wrdreg s22  }
0x1e: {  	s29 =	sadd.s32 $0x70, s20;
	s21 =	sadd.s32 s23, s12;
	s12 =	rddreg [dreg:$0x0]  }
0x1f: {  	v47 =	vor.u32 s17, v20;
	s8 =	sadd.s32 $0x120, s20;
	s17 =	sadd.s32 $0x220, s5;
	s22 =	rddreg [dreg:$0x6]  }
0x20: {  	s30 =	sadd.s32 s23, s26;
	s31 =	sadd.s32 $0x1C0, s5;
	[dreg:$0x1f] =	wrdreg s10  }
0x21: {  	s3 =	sshrl.u32 s13, $0x3;
	s25 =	sshrl.u32 s10, $0x3;
	[dreg:$0xe] =	wrdreg s21  }
0x22: {  	s11 =	sadd.s32 s23, s24;
	s24 =	sor.u32 $0x10, s20;
	[dreg:$0x12] =	wrdreg s30  }
0x23: {  	s26 =	sadd.s32 $0x50, s20;
	s10 =	sor.u32 $0x30, s5;
	[smem:$0x7F9] =	sst s31  }
0x24: {  	v7 =	vor.u32 s29, v20;
	s29 =	sadd.s32 $0xB0, s5;
	s4 =	sshrl.u32 s31, $0x3;
	s21 =	rddreg [dreg:$0x5]  }
0x25: {  	s6 =	sadd.s32 s23, s3;
	[dreg:$0x15] =	wrdreg s11;
	s14 =	sadd.s32 s23, s25  }
0x26: {  	s25 =	sor.u32 $0x20, s20;
	s30 =	sadd.s32 $0x90, s20;
	s31 =	sadd.s32 $0xA0, s20  }
0x27: {  	s3 =	sadd.s32 $0xB0, s20;
	s11 =	sadd.s32 $0xF0, s20;
	v1 =	vor.u32 s24, v20;
	s24 =	sor.u32 $0x50, s5  }
0x28: {  	v5 =	vor.u32 s26, v20;
	s26 =	sadd.s32 $0x90, s5;
	v46 =	vor.u32 s10, v20;
	s10 =	sadd.s32 $0x1D0, s5;
	[dreg:$0x13] =	wrdreg s6  }
0x29: {  	v54 =	vor.u32 s29, v20;
	s29 =	sadd.s32 $0x270, s5;
	s7 =	sadd.s32 s23, s4;
	[dreg:$0x16] =	wrdreg s14  }
0x2a: {  	s23 =	smul.u32 $0x1400, s9;
	s4 =	sadd.s32 $0xD0, s20;
	s6 =	sadd.s32 $0xE0, s20  }
0x2b: {  	s9 =	sadd.s32 $0x130, s20;
	v2 =	vor.u32 s25, v20;
	s25 =	sor.u32 $0x60, s5;
	s14 =	sor.u32 $0x70, s5  }
0x2c: {  	v9 =	vor.u32 s30, v20;
	v10 =	vor.u32 s31, v20;
	s30 =	sadd.s32 $0xE0, s5;
	s31 =	sadd.s32 $0xF0, s5;
	v11 =	vor.u32 s3, v20;
	s3 =	sadd.s32 $0x120, s5  }
0x2d: {  	v15 =	vor.u32 s11, v20;
	s11 =	sadd.s32 $0x170, s5;
	v48 =	vor.u32 s24, v20;
	s24 =	smul.u32 $0xF0, s0;
	[dreg:$0x14] =	wrdreg s7  }
0x2e: {  	v52 =	vor.u32 s26, v20;
	s26 =	sadd.s32 $0x250, s5;
	_ =	strace $0x80000047;
	[dreg:$0x1e] =	wrdreg s23  }
0x2f: {  	v0 =	vor.u32 s20, v20;
	s7 =	sadd.s32 $0x110, s20;
	s20 =	sor.u32 $0x10, s5;
	[smem:$0x7F8] =	sst s15  }
0x30: {  	v13 =	vor.u32 s4, v20;
	v14 =	vor.u32 s6, v20;
	s4 =	sadd.s32 $0x150, s5;
	s6 =	sadd.s32 $0x160, s5;
	[smem:$0x7FB] =	sst s17  }
0x31: {  	v19 =	vor.u32 s9, v20;
	s9 =	sadd.s32 $0x1A0, s5;
	v50 =	vor.u32 s14, v20;
	s14 =	sadd.s32 $0x230, s5;
	[smem:$0x7FC] =	sst s26  }
0x32: {  	v49 =	vor.u32 s25, v20;
	s23 =	sor.u32 $0x20, s5;
	[tilespmem:$0x1FEE0] =	vst v46;
	s17 =	sadd.s32 $0x260, s5;
	s25 =	sld [smem:$0x7F4]  }
0x33: {  	v17 =	vor.u32 s7, v20;
	s7 =	sadd.s32 $0x190, s5;
	v21 =	vor.u32 s20, v20;
	s20 =	sadd.s32 $0x1E0, s5;
	[tilespmem:$0x1FEF0] =	vst v47;
	[smem:$0x7FD] =	sst s17  }
0x34: {  	v55 =	vor.u32 s5, v20;
	[tilespmem:$0x1FF00] =	vst v48;
	v45 =	vor.u32 s23, v20;
	s23 =	sadd.s32 $0x1F0, s5;
	s5 =	sshrl.u32 s24, $0x3;
	s24 =	rddreg [dreg:$0x1]  }
0x35: {  	[tilespmem:$0x1FF10] =	vst v49;
	s26 =	sld [smem:$0x7F5]  }
0x36: {  	v57 =	vor.u32 s18, v20;
	[tilespmem:$0x1FF20] =	vst v50;
	s18 =	sld [smem:$0x7F6]  }
0x37: {  	v53 =	vor.u32 s28, v20;
	v62 =	vor.u32 s3, v20;
	[tilespmem:$0x1FF40] =	vst v52;
	s3 =	sld [smem:$0x7F7]  }
0x38: {  	v63 =	vor.u32 s16, v20;
	s16 =	simm.s32 $0x40;
	[tilespmem:$0x1FF50] =	vst v53;
	v42 =	vor.u32 s6, v20;
	s6 =	sld [smem:$0x7F8]  }
0x39: {  	s28 =	simm.s32 $0x4;
	v18 =	vor.u32 s8, v20;
	s8 =	simm.s32 $0x2780;
	v44 =	vor.u32 s13, v20;
	[tilespmem:$0x1FF60] =	vst v54;
	v46 =	vor.u32 s9, v20;
	s9 =	sld [smem:$0x7FA]  }
0x3a: {  	s13 =	simm.s32 $0x14200;
	v58 =	vor.u32 s30, v20;
	v43 =	vor.u32 s11, v20;
	s11 =	simm.s32 $0xCA00;
	[tilespmem:$0x1FF70] =	vst v55;
	v49 =	vor.u32 s10, v20;
	s10 =	sld [smem:$0x7FB]  }
0x3b: {  	[tilespmem:$0x1FF90] =	vst v57;
	v41 =	vor.u32 s4, v20;
	v53 =	vor.u32 s19, v20;
	s4 =	simm.s32 $0x1;
	v50 =	vor.u32 s20, v20;
	s20 =	simm.s32 $0x80;
	s19 =	sld [smem:$0x7FC]  }
0x3c: {  	v59 =	vor.u32 s31, v20;
	[tilespmem:$0x1FED0] =	vst v45;
	s17 =	sadd.s32 $0x10, s5;
	v45 =	vor.u32 s7, v20;
	s7 =	sld [smem:$0x7F9];
	v51 =	vor.u32 s25, v20;
	s25 =	sadd.s32 $0xA800, s24  }
0x3d: {  	[tilespmem:$0x1FFA0] =	vst v58;
	v56 =	vor.u32 s26, v20;
	s26 =	sadd.s32 $0x600, s24;
	v60 =	vor.u32 s18, v20;
	v40 =	vor.u32 s3, v20;
	s3 =	simm.s32 $0x9200;
	s18 =	rddreg [dreg:$0x1f]  }
0x3e: {  	v61 =	vor.u32 s1, v20;
	[tilespmem:$0x1FFB0] =	vst v59;
	s15 =	sadd.s32 s25, s5;
	s24 =	sadd.s32 s26, s5;
	s5 =	rddreg [dreg:$0x1d]  }
0x3f: {  	[tilespmem:$0x1FFD0] =	vst v61;
	v47 =	vor.u32 s6, v20;
	v54 =	vor.u32 s10, v20;
	s6 =	simm.s32 $0x5180;
	s10 =	simm.s32 $0x0;
	[dreg:$0x17] =	wrdreg s15  }
0x40: {  	[tilespmem:$0x1FFE0] =	vst v62;
	s30 =	sadd.s32 s25, s17;
	s31 =	sadd.s32 s26, s17;
	[dreg:$0x18] =	wrdreg s24  }
.Ltmp0:
0x41: {  	[tilespmem:$0x1FFF0] =	vst v63;
	s17 =	simm.s32 $0x14480;
	[dreg:$0x19] =	wrdreg s30;
	(pc) =	sbr.rel .LBB2_1-.Ltmp0, $4  }
0x42: {  	[tilespmem:$0x1FF30] =	vst v51;
	v48 =	vor.u32 s7, v20;
	v51 =	vor.u32 s23, v20;
	s23 =	simm.s32 $0x5200;
	s7 =	simm.s32 $0x10A00;
	s30 =	sld [smem:$0x7FD]  }
0x43: {  	v55 =	vor.u32 s14, v20;
	[tilespmem:$0x1FF80] =	vst v56;
	v56 =	vor.u32 s18, v20;
	s18 =	simm.s32 $0x0;
	[dreg:$0x1a] =	wrdreg s31;
	s1 =	smax.u32 s5, $0x1  }
0x44: {  	v59 =	vor.u32 s29, v20;
	v61 =	vimm.f32 $0.0e+00;
	[tilespmem:$0x1FEC0] =	vst v21;
	v52 =	vor.u32 s9, v20;
	s15 =	simm.s32 $0x5;
	s24 =	simm.s32 $0x3;
	s31 =	rddreg [dreg:$0x1e]  }
0x45: {  	v57 =	vor.u32 s19, v20;
	[tilespmem:$0x1FFC0] =	vst v60;
	s5 =	simm.s32 $0x5100;
	[dreg:$0x1b] =	wrdreg s1;
	s1 =	simm.s32 $0x70;
	v60 =	vmov s31;
	v58 =	vor.u32 s30, v20  }
.LBB2_15:
0x46: {  	s10 =	sadd.s32 $0x1, s10;
	s9 =	rddreg [dreg:$0x1b]  }
0x47: {  	p2 =	sne.s32 s10, s9  }
.Ltmp1:
0x48: {  	_ = 	snop;
	(pc) =	sbr.rel @!p2 .LBB2_16-.Ltmp1, $1  }
0x49: {  	_ =	sdelay $0x3  }
.LBB2_1:
0x4a: {  	[dreg:$0x1c] =	wrdreg s10  }
0x4b: {  	s9 =	rddreg [dreg:$0x1]  }
0x4c: {  	[tilespmem:s2], [sflag:$0x5] =	stream.linear.gather [hbm4b:s9+s2], $0x2780, $0x38;
	[tilespmem:$0x1E9C0] =	vst v63  }
0x4d: {  	_ =	swait.ge [sflag:s15], $0x2780  }
0x4e: {  	[sflag:s15] =	ssyncset.done $0x0  }
0x4f: {  	[sflag:s15] =	ssyncadd.s32 $0xFFFFD880  }
0x50: {  	s31 =	rddreg [dreg:$0x2]  }
0x51: {  	[tilespmem:s8], [sflag:$0x5] =	stream.linear.gather [hbm4b:s31+s2], $0x2780, $0x38;
	[tilespmem:$0x1E9C0] =	vst v63  }
0x52: {  	_ =	swait.ge [sflag:s15], $0x2780  }
0x53: {  	[sflag:s15] =	ssyncset.done $0x0  }
0x54: {  	[sflag:s15] =	ssyncadd.s32 $0xFFFFD880  }
0x55: {  	[tilespmem:$0x14200] =	vst v61  }
0x56: {  	[tilespmem:$0x14210] =	vst v61  }
0x57: {  	[tilespmem:$0x14220] =	vst v61  }
0x58: {  	[tilespmem:$0x14230] =	vst v61  }
0x59: {  	[tilespmem:$0x14240] =	vst v61  }
0x5a: {  	[tilespmem:$0x14250] =	vst v61  }
0x5b: {  	[tilespmem:$0x14260] =	vst v61  }
0x5c: {  	[tilespmem:$0x14270] =	vst v61  }
0x5d: {  	[tilespmem:$0x14280] =	vst v61  }
0x5e: {  	[tilespmem:$0x14290] =	vst v61  }
0x5f: {  	[tilespmem:$0x142A0] =	vst v61  }
0x60: {  	[tilespmem:$0x142B0] =	vst v61  }
0x61: {  	[tilespmem:$0x142C0] =	vst v61  }
0x62: {  	[tilespmem:$0x142D0] =	vst v61  }
0x63: {  	[tilespmem:$0x142E0] =	vst v61  }
0x64: {  	[tilespmem:$0x142F0] =	vst v61  }
0x65: {  	[tilespmem:$0x14300] =	vst v61  }
0x66: {  	[tilespmem:$0x14310] =	vst v61  }
0x67: {  	[tilespmem:$0x14320] =	vst v61  }
0x68: {  	[tilespmem:$0x14330] =	vst v61  }
0x69: {  	[tilespmem:$0x14340] =	vst v61  }
0x6a: {  	[tilespmem:$0x14350] =	vst v61  }
0x6b: {  	[tilespmem:$0x14360] =	vst v61  }
0x6c: {  	[tilespmem:$0x14370] =	vst v61  }
0x6d: {  	[tilespmem:$0x14380] =	vst v61  }
0x6e: {  	[tilespmem:$0x14390] =	vst v61  }
0x6f: {  	[tilespmem:$0x143A0] =	vst v61  }
0x70: {  	[tilespmem:$0x143B0] =	vst v61  }
0x71: {  	[tilespmem:$0x143C0] =	vst v61  }
0x72: {  	[tilespmem:$0x143D0] =	vst v61  }
0x73: {  	[tilespmem:$0x143E0] =	vst v61  }
0x74: {  	[tilespmem:$0x143F0] =	vst v61  }
0x75: {  	[tilespmem:$0x14400] =	vst v61  }
0x76: {  	[tilespmem:$0x14410] =	vst v61  }
0x77: {  	[tilespmem:$0x14420] =	vst v61  }
0x78: {  	[tilespmem:$0x14430] =	vst v61  }
0x79: {  	[tilespmem:$0x14440] =	vst v61  }
0x7a: {  	[tilespmem:$0x14450] =	vst v61  }
0x7b: {  	[tilespmem:$0x14460] =	vst v61  }
0x7c: {  	s10 =	simm.s32 $0x200;
	s9 =	simm.s32 $0x0;
	[tilespmem:$0x14470] =	vst v61  }
.LBB2_2:
0x7d: {  	p2 =	sne.s32 s10, $0x7E00;
	[tilespmem:s9+$0xCA70] =	vst v61  }
0x7e: {  	[tilespmem:s9+$0xCA00] =	vst v61  }
0x7f: {  	[tilespmem:s9+$0xCA10] =	vst v61  }
.Ltmp2:
0x80: {  	[tilespmem:s9+$0xCA20] =	vst v61;
	(pc) =	sbr.rel @p2 .LBB2_2-.Ltmp2, $4  }
0x81: {  	[tilespmem:s9+$0xCA30] =	vst v61  }
0x82: {  	[tilespmem:s9+$0xCA40] =	vst v61  }
0x83: {  	[tilespmem:s9+$0xCA50] =	vst v61  }
0x84: {  	[tilespmem:s9+$0xCA60] =	vst v61;
	s9 =	sshra.s32 s10, $0x2;
	s10 =	sadd.s32 $0x200, s10  }
0x85: {  	[tilespmem:s9+$0xCA70] =	vst v61  }
0x86: {  	[tilespmem:s9+$0xCA00] =	vst v61  }
0x87: {  	[tilespmem:s9+$0xCA10] =	vst v61  }
0x88: {  	[tilespmem:s9+$0xCA20] =	vst v61  }
0x89: {  	[tilespmem:s9+$0xCA30] =	vst v61  }
0x8a: {  	[tilespmem:s9+$0xCA40] =	vst v61  }
0x8b: {  	[tilespmem:s9+$0xCA50] =	vst v61  }
0x8c: {  	[tilespmem:s9+$0xCA60] =	vst v61  }
0x8d: {  	[tilespmem:$0x14480] =	vst v0  }
0x8e: {  	[tilespmem:$0x14490] =	vst v1  }
0x8f: {  	[tilespmem:$0x144A0] =	vst v2  }
0x90: {  	[tilespmem:$0x144B0] =	vst v3  }
0x91: {  	[spmem:s21] =	stream.indirect.scatter [tilespmem:s11], [sflag:$0x5], $0x80, s17, s16, $0xb8;
	[tilespmem:$0x1E9C0] =	vst v63  }
0x92: {  	_ =	swait.ge [sflag:s15], $0x2000  }
0x93: {  	[sflag:s15] =	ssyncset.done $0x0  }
0x94: {  	[sflag:s15] =	ssyncadd.s32 $0xFFFFE000  }
0x95: {  	[tilespmem:$0x14480] =	vst v4  }
0x96: {  	[tilespmem:$0x14490] =	vst v5  }
0x97: {  	[tilespmem:$0x144A0] =	vst v6  }
0x98: {  	[tilespmem:$0x144B0] =	vst v7  }
0x99: {  	[spmem:s21] =	stream.indirect.scatter [tilespmem:s11], [sflag:$0x5], $0x80, s17, s16, $0xb8;
	[tilespmem:$0x1E9C0] =	vst v63  }
0x9a: {  	_ =	swait.ge [sflag:s15], $0x2000  }
0x9b: {  	[sflag:s15] =	ssyncset.done $0x0  }
0x9c: {  	[sflag:s15] =	ssyncadd.s32 $0xFFFFE000  }
0x9d: {  	[tilespmem:$0x14480] =	vst v8  }
0x9e: {  	[tilespmem:$0x14490] =	vst v9  }
0x9f: {  	[tilespmem:$0x144A0] =	vst v10  }
0xa0: {  	[tilespmem:$0x144B0] =	vst v11  }
0xa1: {  	[spmem:s21] =	stream.indirect.scatter [tilespmem:s11], [sflag:$0x5], $0x80, s17, s16, $0xb8;
	[tilespmem:$0x1E9C0] =	vst v63  }
0xa2: {  	_ =	swait.ge [sflag:s15], $0x2000  }
0xa3: {  	[sflag:s15] =	ssyncset.done $0x0  }
0xa4: {  	[sflag:s15] =	ssyncadd.s32 $0xFFFFE000  }
0xa5: {  	[tilespmem:$0x14480] =	vst v12  }
0xa6: {  	[tilespmem:$0x14490] =	vst v13  }
0xa7: {  	[tilespmem:$0x144A0] =	vst v14  }
0xa8: {  	[tilespmem:$0x144B0] =	vst v15  }
0xa9: {  	[spmem:s21] =	stream.indirect.scatter [tilespmem:s11], [sflag:$0x5], $0x80, s17, s16, $0xb8;
	[tilespmem:$0x1E9C0] =	vst v63  }
0xaa: {  	_ =	swait.ge [sflag:s15], $0x2000  }
0xab: {  	[sflag:s15] =	ssyncset.done $0x0  }
0xac: {  	[sflag:s15] =	ssyncadd.s32 $0xFFFFE000  }
0xad: {  	[tilespmem:$0x14480] =	vst v16  }
0xae: {  	[tilespmem:$0x14490] =	vst v17  }
0xaf: {  	[tilespmem:$0x144A0] =	vst v18  }
.Ltmp3:
0xb0: {  	[tilespmem:$0x144B0] =	vst v19;
	(pc) =	sbr.rel @p0 .LBB2_5-.Ltmp3, $4  }
0xb1: {  	[spmem:s21] =	stream.indirect.scatter [tilespmem:s11], [sflag:$0x5], $0x80, s17, s16, $0xb8;
	[tilespmem:$0x1E9C0] =	vst v63  }
0xb2: {  	_ =	swait.ge [sflag:s15], $0x2000  }
0xb3: {  	[sflag:s15] =	ssyncset.done $0x0  }
0xb4: {  	[sflag:s15] =	ssyncadd.s32 $0xFFFFE000  }
0xb5: {  	v20 =	vld [tilespmem:$0x1FF70];
	_ =	sdelay $0x4  }
0xb6: {  	[tilespmem:$0x14480] =	vst v20;
	v20 =	vld [tilespmem:$0x1FEC0];
	_ =	sdelay $0x4  }
0xb7: {  	[tilespmem:$0x14490] =	vst v20;
	v20 =	vld [tilespmem:$0x1FED0];
	_ =	sdelay $0x4  }
0xb8: {  	[tilespmem:$0x144A0] =	vst v20;
	v20 =	vld [tilespmem:$0x1FEE0];
	_ =	sdelay $0x4  }
0xb9: {  	[tilespmem:$0x144B0] =	vst v20  }
0xba: {  	[spmem:s22] =	stream.indirect.scatter [tilespmem:s13], [sflag:$0x5], $0x1, s17, s16, $0xb8;
	[tilespmem:$0x1E9C0] =	vst v63  }
0xbb: {  	_ =	swait.ge [sflag:s15], $0x40  }
0xbc: {  	v20 =	vld [tilespmem:$0x1FEF0];
	_ =	sdelay $0x2  }
0xbd: {  	[sflag:s15] =	ssyncset.done $0x0  }
0xbe: {  	[sflag:s15] =	ssyncadd.s32 $0xFFFFFFC0  }
0xbf: {  	[tilespmem:$0x14480] =	vst v20;
	v20 =	vld [tilespmem:$0x1FF00];
	_ =	sdelay $0x4  }
0xc0: {  	[tilespmem:$0x14490] =	vst v20;
	v20 =	vld [tilespmem:$0x1FF10];
	_ =	sdelay $0x4  }
0xc1: {  	[tilespmem:$0x144A0] =	vst v20;
	v20 =	vld [tilespmem:$0x1FF20];
	_ =	sdelay $0x4  }
0xc2: {  	[tilespmem:$0x144B0] =	vst v20  }
0xc3: {  	[spmem:s22] =	stream.indirect.scatter [tilespmem:s13], [sflag:$0x5], $0x1, s17, s16, $0xb8;
	[tilespmem:$0x1E9C0] =	vst v63  }
0xc4: {  	_ =	swait.ge [sflag:s15], $0x40  }
0xc5: {  	v20 =	vld [tilespmem:$0x1FF30];
	_ =	sdelay $0x2  }
0xc6: {  	[sflag:s15] =	ssyncset.done $0x0  }
0xc7: {  	[sflag:s15] =	ssyncadd.s32 $0xFFFFFFC0  }
0xc8: {  	[tilespmem:$0x14480] =	vst v20;
	v20 =	vld [tilespmem:$0x1FF40];
	_ =	sdelay $0x4  }
0xc9: {  	[tilespmem:$0x14490] =	vst v20;
	v20 =	vld [tilespmem:$0x1FF50];
	_ =	sdelay $0x4  }
0xca: {  	[tilespmem:$0x144A0] =	vst v20;
	v20 =	vld [tilespmem:$0x1FF60];
	_ =	sdelay $0x4  }
0xcb: {  	[tilespmem:$0x144B0] =	vst v20  }
0xcc: {  	[spmem:s22] =	stream.indirect.scatter [tilespmem:s13], [sflag:$0x5], $0x1, s17, s16, $0xb8;
	[tilespmem:$0x1E9C0] =	vst v63  }
0xcd: {  	_ =	swait.ge [sflag:s15], $0x40  }
0xce: {  	v20 =	vld [tilespmem:$0x1FF80];
	_ =	sdelay $0x2  }
0xcf: {  	[sflag:s15] =	ssyncset.done $0x0  }
0xd0: {  	[sflag:s15] =	ssyncadd.s32 $0xFFFFFFC0  }
0xd1: {  	[tilespmem:$0x14480] =	vst v20;
	v20 =	vld [tilespmem:$0x1FF90];
	_ =	sdelay $0x4  }
0xd2: {  	[tilespmem:$0x14490] =	vst v20;
	v20 =	vld [tilespmem:$0x1FFA0];
	_ =	sdelay $0x4  }
0xd3: {  	[tilespmem:$0x144A0] =	vst v20;
	v20 =	vld [tilespmem:$0x1FFB0];
	_ =	sdelay $0x4  }
0xd4: {  	[tilespmem:$0x144B0] =	vst v20  }
0xd5: {  	[spmem:s22] =	stream.indirect.scatter [tilespmem:s13], [sflag:$0x5], $0x1, s17, s16, $0xb8;
	[tilespmem:$0x1E9C0] =	vst v63  }
0xd6: {  	_ =	swait.ge [sflag:s15], $0x40  }
0xd7: {  	v20 =	vld [tilespmem:$0x1FFC0];
	_ =	sdelay $0x2  }
0xd8: {  	[sflag:s15] =	ssyncset.done $0x0  }
0xd9: {  	[sflag:s15] =	ssyncadd.s32 $0xFFFFFFC0  }
0xda: {  	[tilespmem:$0x14480] =	vst v20;
	v20 =	vld [tilespmem:$0x1FFD0];
	_ =	sdelay $0x4  }
0xdb: {  	[tilespmem:$0x14490] =	vst v20;
	v20 =	vld [tilespmem:$0x1FFE0];
	_ =	sdelay $0x4  }
0xdc: {  	[tilespmem:$0x144A0] =	vst v20;
	v20 =	vld [tilespmem:$0x1FFF0];
	_ =	sdelay $0x4  }
0xdd: {  	[tilespmem:$0x144B0] =	vst v20  }
0xde: {  	[spmem:s22] =	stream.indirect.scatter [tilespmem:s13], [sflag:$0x5], $0x1, s17, s16, $0xb8;
	[tilespmem:$0x1E9C0] =	vst v63  }
0xdf: {  	_ =	swait.ge [sflag:s15], $0x40  }
0xe0: {  	[sflag:s15] =	ssyncset.done $0x0  }
0xe1: {  	[sflag:s15] =	ssyncadd.s32 $0xFFFFFFC0  }
0xe2: {  	[tilespmem:$0x14480] =	vst v40  }
0xe3: {  	[tilespmem:$0x14490] =	vst v41  }
0xe4: {  	[tilespmem:$0x144A0] =	vst v42  }
0xe5: {  	[tilespmem:$0x144B0] =	vst v43  }
0xe6: {  	[spmem:s22] =	stream.indirect.scatter [tilespmem:s13], [sflag:$0x5], $0x1, s17, s16, $0xb8;
	[tilespmem:$0x1E9C0] =	vst v63  }
0xe7: {  	_ =	swait.ge [sflag:s15], $0x40  }
0xe8: {  	[sflag:s15] =	ssyncset.done $0x0  }
0xe9: {  	[sflag:s15] =	ssyncadd.s32 $0xFFFFFFC0  }
0xea: {  	[tilespmem:$0x14480] =	vst v44  }
0xeb: {  	[tilespmem:$0x14490] =	vst v45  }
0xec: {  	[tilespmem:$0x144A0] =	vst v46  }
0xed: {  	[tilespmem:$0x144B0] =	vst v47  }
0xee: {  	[spmem:s22] =	stream.indirect.scatter [tilespmem:s13], [sflag:$0x5], $0x1, s17, s16, $0xb8;
	[tilespmem:$0x1E9C0] =	vst v63  }
0xef: {  	_ =	swait.ge [sflag:s15], $0x40  }
0xf0: {  	[sflag:s15] =	ssyncset.done $0x0  }
0xf1: {  	[sflag:s15] =	ssyncadd.s32 $0xFFFFFFC0  }
0xf2: {  	[tilespmem:$0x14480] =	vst v48  }
0xf3: {  	[tilespmem:$0x14490] =	vst v49  }
0xf4: {  	[tilespmem:$0x144A0] =	vst v50  }
0xf5: {  	[tilespmem:$0x144B0] =	vst v51  }
0xf6: {  	[spmem:s22] =	stream.indirect.scatter [tilespmem:s13], [sflag:$0x5], $0x1, s17, s16, $0xb8;
	[tilespmem:$0x1E9C0] =	vst v63  }
0xf7: {  	_ =	swait.ge [sflag:s15], $0x40  }
0xf8: {  	[sflag:s15] =	ssyncset.done $0x0  }
0xf9: {  	[sflag:s15] =	ssyncadd.s32 $0xFFFFFFC0  }
0xfa: {  	[tilespmem:$0x14480] =	vst v52  }
0xfb: {  	[tilespmem:$0x14490] =	vst v53  }
0xfc: {  	[tilespmem:$0x144A0] =	vst v54  }
0xfd: {  	[tilespmem:$0x144B0] =	vst v55  }
0xfe: {  	[spmem:s22] =	stream.indirect.scatter [tilespmem:s13], [sflag:$0x5], $0x1, s17, s16, $0xb8;
	[tilespmem:$0x1E9C0] =	vst v63  }
0xff: {  	_ =	swait.ge [sflag:s15], $0x40  }
0x100: {  	[sflag:s15] =	ssyncset.done $0x0  }
0x101: {  	[sflag:s15] =	ssyncadd.s32 $0xFFFFFFC0  }
0x102: {  	[tilespmem:$0x14480] =	vst v56  }
0x103: {  	[tilespmem:$0x14490] =	vst v57  }
0x104: {  	[tilespmem:$0x144A0] =	vst v58  }
0x105: {  	[tilespmem:$0x144B0] =	vst v59  }
0x106: {  	[spmem:s22] =	stream.indirect.scatter [tilespmem:s13], [sflag:$0x5], $0x1, s17, s16, $0xb8;
	[tilespmem:$0x1E9C0] =	vst v63  }
0x107: {  	_ =	swait.ge [sflag:s15], $0x40  }
0x108: {  	[sflag:s15] =	ssyncset.done $0x0  }
0x109: {  	[sflag:s15] =	ssyncadd.s32 $0xFFFFFFC0  }
.LBB2_5:
0x10a: {  	[bflag:$0x0] =	sbarrier.arrive $0xFFFF  }
0x10b: {  	s10 =	simm.s32 $0x4F00;
	s9 =	rddreg [dreg:$0x17]  }
0x10c: {  	[tilespmem:s10], [sflag:$0x3] =	stream.linear.gather [hbm4b:s9+s18], $0x80, $0x38;
	[tilespmem:$0x1E9C0] =	vst v63  }
0x10d: {  	s16 =	simm.s32 $0x4F80;
	s14 =	rddreg [dreg:$0x19]  }
0x10e: {  	[tilespmem:s16], [sflag:$0x3] =	stream.linear.gather [hbm4b:s14+s18], $0x70, $0x38;
	[tilespmem:$0x1E9C0] =	vst v63  }
.Ltmp4:
0x10f: {  	_ = 	snop;
	(pc) =	sbr.rel .LBB2_6-.Ltmp4, $4  }
0x110: {  	s19 =	simm.s32 $0x5000;
	s17 =	rddreg [dreg:$0x18]  }
0x111: {  	[tilespmem:s19], [sflag:$0x3] =	stream.linear.gather [hbm4b:s17+s18], $0x80, $0x38;
	[tilespmem:$0x1E9C0] =	vst v63  }
0x112: {  	s30 =	simm.s32 $0x5080;
	s31 =	simm.s32 $0x0;
	s29 =	rddreg [dreg:$0x1a]  }
0x113: {  	[tilespmem:s30], [sflag:$0x3] =	stream.linear.gather [hbm4b:s29+s18], $0x70, $0x38;
	[tilespmem:$0x1E9C0] =	vst v63  }
.LBB2_12:
0x114: {  	s31 =	sadd.s32 $0x1, s31  }
0x115: {  	p2 =	sne.s32 s31, $0x2B  }
.Ltmp5:
0x116: {  	_ = 	snop;
	(pc) =	sbr.rel @!p2 .LBB2_13-.Ltmp5, $1  }
0x117: {  	_ =	sdelay $0x3  }
.LBB2_6:
0x118: {  	_ =	swait.ge [sflag:s24], $0x80  }
0x119: {  	[sflag:s24] =	ssyncset.done $0x0  }
0x11a: {  	[sflag:s24] =	ssyncadd.s32 $0xFFFFFF80  }
0x11b: {  	_ =	swait.ge [sflag:s24], $0x70  }
0x11c: {  	[sflag:s24] =	ssyncset.done $0x0  }
0x11d: {  	[sflag:s24] =	ssyncadd.s32 $0xFFFFFF90  }
0x11e: {  	_ =	swait.ge [sflag:s24], $0x80  }
0x11f: {  	[sflag:s24] =	ssyncset.done $0x0  }
0x120: {  	[sflag:s24] =	ssyncadd.s32 $0xFFFFFF80  }
0x121: {  	_ =	swait.ge [sflag:s24], $0x70  }
0x122: {  	s29 =	sshll.u32 s31, $0x5;
	[sflag:s24] =	ssyncset.done $0x0  }
0x123: {  	s10 =	simm.s32 $0x4F00;
	s9 =	sor.u32 s0, s29;
	[sflag:s24] =	ssyncadd.s32 $0xFFFFFF90  }
0x124: {  	[tilespmem:s23], [sflag:$0x1] =	stream.indirect.gather [hbm4b:s12+s20], $0x80, s10, s20, $0xb8;
	[tilespmem:$0x1E9C0] =	vst v63  }
0x125: {  	s10 =	sor.u32 $0x10, s9  }
0x126: {  	p2 =	sgt.u32 s10, $0x55E  }
0x127: {  	s14 =	simm.s32 $0x4F80;
	s10 =	smul.u32 @!p2 $0xF0, s10  }
0x128: {  	[tilespmem:s3], [sflag:$0x1] =	stream.indirect.gather [hbm4b:s12+s1], $0x80, s14, s1, $0xb8;
	[tilespmem:$0x1E9C0] =	vst v63  }
0x129: {  	s10 =	sshrl.u32 @!p2 s10, $0x3  }
0x12a: {  	s16 =	simm.s32 @!p2 $0x0;
	s19 =	simm.s32 @!p2 $0x14500;
	s14 =	sadd.s32 @!p2 s25, s10  }
0x12b: {  	[tilespmem:s19], [sflag:$0x4] =	stream.linear.gather @!p2 [hbm4b:s14+s16], $0x80, $0x38;
	[tilespmem:$0x1E9C0] =	vst v63  }
0x12c: {  	s14 =	sadd.s32 @!p2 $0x10, s10  }
0x12d: {  	s30 =	simm.s32 @!p2 $0x14580;
	s19 =	sadd.s32 @!p2 s25, s14  }
0x12e: {  	[tilespmem:s30], [sflag:$0x4] =	stream.linear.gather @!p2 [hbm4b:s19+s16], $0x70, $0x38;
	[tilespmem:$0x1E9C0] =	vst v63  }
0x12f: {  	s10 =	sadd.s32 @!p2 s26, s10;
	s19 =	simm.s32 @!p2 $0x14600  }
0x130: {  	[tilespmem:s19], [sflag:$0x4] =	stream.linear.gather @!p2 [hbm4b:s10+s16], $0x80, $0x38;
	[tilespmem:$0x1E9C0] =	vst v63  }
0x131: {  	s10 =	sadd.s32 @!p2 s26, s14;
	s14 =	simm.s32 @!p2 $0x14680  }
0x132: {  	[tilespmem:s14], [sflag:$0x4] =	stream.linear.gather @!p2 [hbm4b:s10+s16], $0x70, $0x38;
	[tilespmem:$0x1E9C0] =	vst v63  }
0x133: {  	v20 =	vld [tilespmem:$0x5000]  }
0x134: {  	v21 =	vld [tilespmem:$0x4F00];
	_ =	sdelay $0x6  }
0x135: {  	v22 =	vld.idx.msk [tilespmem:v20+s2+$0x0], $0xffff  }
0x136: {  	v21 =	vld.idx.msk [tilespmem:v21+s8+$0x0], $0xffff;
	_ =	sdelay $0x4  }
0x137: {  	v21 =	vadd.f32 v21, v22;
	_ =	sdelay $0x1  }
0x138: {  	v22 =	vmul.f32 $2.000000030e-01, v21  }
0x139: {  	vm0 =	vgt.f32 v21, $0.0e+00  }
0x13a: {  	v21 =	vsel vm0, v21, v22  }
0x13b: {  	v21 =	vmul.f32 $1.442695020e+00, v21;
	_ =	sdelay $0x1  }
0x13c: {  	(erf) = vpow2.f32 v21;
	_ =	sdelay $0x2  }
0x13d: {  	v21 =	vld [tilespmem:$0x5010]  }
0x13e: {  	v22 =	vld [tilespmem:$0x4F10];
	_ =	sdelay $0x2  }
0x13f: {  	v20 =	vsub.s32 v20, v60  }
0x140: {  	v20 =	vmin.u32 v20, $0x1400  }
0x141: {  	[tilespmem:$0x5100] =	vst v20;
	v23 =	vpop (erf)  }
0x142: {  	[tilespmem:$0x14200] =	vst v23  }
0x143: {  	v20 =	vld.idx.msk [tilespmem:v21+s2+$0x0], $0xffff  }
0x144: {  	v22 =	vld.idx.msk [tilespmem:v22+s8+$0x0], $0xffff;
	_ =	sdelay $0x4  }
0x145: {  	v20 =	vadd.f32 v22, v20;
	_ =	sdelay $0x1  }
0x146: {  	v22 =	vmul.f32 $2.000000030e-01, v20  }
0x147: {  	vm14 =	vgt.f32 v20, $0.0e+00  }
0x148: {  	v20 =	vsel vm14, v20, v22  }
0x149: {  	v20 =	vmul.f32 $1.442695020e+00, v20;
	_ =	sdelay $0x1  }
0x14a: {  	(erf) = vpow2.f32 v20;
	_ =	sdelay $0x2  }
0x14b: {  	v20 =	vld [tilespmem:$0x5020]  }
0x14c: {  	v22 =	vld [tilespmem:$0x4F20];
	_ =	sdelay $0x2  }
0x14d: {  	v21 =	vsub.s32 v21, v60  }
0x14e: {  	v21 =	vmin.u32 v21, $0x1400  }
0x14f: {  	[tilespmem:$0x5110] =	vst v21;
	v23 =	vpop (erf)  }
0x150: {  	[tilespmem:$0x14210] =	vst v23  }
0x151: {  	v21 =	vld.idx.msk [tilespmem:v20+s2+$0x0], $0xffff  }
0x152: {  	v22 =	vld.idx.msk [tilespmem:v22+s8+$0x0], $0xffff;
	_ =	sdelay $0x4  }
0x153: {  	v21 =	vadd.f32 v22, v21;
	_ =	sdelay $0x1  }
0x154: {  	v22 =	vmul.f32 $2.000000030e-01, v21  }
0x155: {  	vm15 =	vgt.f32 v21, $0.0e+00  }
0x156: {  	v21 =	vsel vm15, v21, v22  }
0x157: {  	v21 =	vmul.f32 $1.442695020e+00, v21;
	_ =	sdelay $0x1  }
0x158: {  	(erf) = vpow2.f32 v21;
	_ =	sdelay $0x2  }
0x159: {  	v21 =	vld [tilespmem:$0x5030]  }
0x15a: {  	v22 =	vld [tilespmem:$0x4F30];
	_ =	sdelay $0x2  }
0x15b: {  	v20 =	vsub.s32 v20, v60  }
0x15c: {  	v20 =	vmin.u32 v20, $0x1400  }
0x15d: {  	[tilespmem:$0x5120] =	vst v20;
	v23 =	vpop (erf)  }
0x15e: {  	[tilespmem:$0x14220] =	vst v23  }
0x15f: {  	v20 =	vld.idx.msk [tilespmem:v21+s2+$0x0], $0xffff  }
0x160: {  	v22 =	vld.idx.msk [tilespmem:v22+s8+$0x0], $0xffff;
	_ =	sdelay $0x4  }
0x161: {  	v20 =	vadd.f32 v22, v20;
	_ =	sdelay $0x1  }
0x162: {  	v22 =	vmul.f32 $2.000000030e-01, v20  }
0x163: {  	vm4 =	vgt.f32 v20, $0.0e+00  }
0x164: {  	v20 =	vsel vm4, v20, v22  }
0x165: {  	v20 =	vmul.f32 $1.442695020e+00, v20;
	_ =	sdelay $0x1  }
0x166: {  	(erf) = vpow2.f32 v20;
	_ =	sdelay $0x2  }
0x167: {  	v20 =	vld [tilespmem:$0x5040]  }
0x168: {  	v22 =	vld [tilespmem:$0x4F40];
	_ =	sdelay $0x2  }
0x169: {  	v21 =	vsub.s32 v21, v60  }
0x16a: {  	v21 =	vmin.u32 v21, $0x1400  }
0x16b: {  	[tilespmem:$0x5130] =	vst v21;
	v23 =	vpop (erf)  }
0x16c: {  	[tilespmem:$0x14230] =	vst v23  }
0x16d: {  	v21 =	vld.idx.msk [tilespmem:v20+s2+$0x0], $0xffff  }
0x16e: {  	v22 =	vld.idx.msk [tilespmem:v22+s8+$0x0], $0xffff;
	_ =	sdelay $0x4  }
0x16f: {  	v21 =	vadd.f32 v22, v21;
	_ =	sdelay $0x1  }
0x170: {  	v22 =	vmul.f32 $2.000000030e-01, v21  }
0x171: {  	vm5 =	vgt.f32 v21, $0.0e+00  }
0x172: {  	v21 =	vsel vm5, v21, v22  }
0x173: {  	v21 =	vmul.f32 $1.442695020e+00, v21;
	_ =	sdelay $0x1  }
0x174: {  	(erf) = vpow2.f32 v21;
	_ =	sdelay $0x2  }
0x175: {  	v21 =	vld [tilespmem:$0x5050]  }
0x176: {  	v22 =	vld [tilespmem:$0x4F50];
	_ =	sdelay $0x2  }
0x177: {  	v20 =	vsub.s32 v20, v60  }
0x178: {  	v20 =	vmin.u32 v20, $0x1400  }
0x179: {  	[tilespmem:$0x5140] =	vst v20;
	v23 =	vpop (erf)  }
0x17a: {  	[tilespmem:$0x14240] =	vst v23  }
0x17b: {  	v20 =	vld.idx.msk [tilespmem:v21+s2+$0x0], $0xffff  }
0x17c: {  	v22 =	vld.idx.msk [tilespmem:v22+s8+$0x0], $0xffff;
	_ =	sdelay $0x4  }
0x17d: {  	v20 =	vadd.f32 v22, v20;
	_ =	sdelay $0x1  }
0x17e: {  	v22 =	vmul.f32 $2.000000030e-01, v20  }
0x17f: {  	vm6 =	vgt.f32 v20, $0.0e+00  }
0x180: {  	v20 =	vsel vm6, v20, v22  }
0x181: {  	v20 =	vmul.f32 $1.442695020e+00, v20;
	_ =	sdelay $0x1  }
0x182: {  	(erf) = vpow2.f32 v20;
	_ =	sdelay $0x2  }
0x183: {  	v20 =	vld [tilespmem:$0x5060]  }
0x184: {  	v22 =	vld [tilespmem:$0x4F60];
	_ =	sdelay $0x2  }
0x185: {  	v21 =	vsub.s32 v21, v60  }
0x186: {  	v21 =	vmin.u32 v21, $0x1400  }
0x187: {  	[tilespmem:$0x5150] =	vst v21;
	v23 =	vpop (erf)  }
0x188: {  	[tilespmem:$0x14250] =	vst v23  }
0x189: {  	v21 =	vld.idx.msk [tilespmem:v20+s2+$0x0], $0xffff  }
0x18a: {  	v22 =	vld.idx.msk [tilespmem:v22+s8+$0x0], $0xffff;
	_ =	sdelay $0x4  }
0x18b: {  	v21 =	vadd.f32 v22, v21;
	_ =	sdelay $0x1  }
0x18c: {  	v22 =	vmul.f32 $2.000000030e-01, v21  }
0x18d: {  	vm7 =	vgt.f32 v21, $0.0e+00  }
0x18e: {  	v21 =	vsel vm7, v21, v22  }
0x18f: {  	v21 =	vmul.f32 $1.442695020e+00, v21;
	_ =	sdelay $0x1  }
0x190: {  	(erf) = vpow2.f32 v21;
	_ =	sdelay $0x2  }
0x191: {  	v21 =	vld [tilespmem:$0x5070]  }
0x192: {  	v22 =	vld [tilespmem:$0x4F70];
	_ =	sdelay $0x2  }
0x193: {  	v20 =	vsub.s32 v20, v60  }
0x194: {  	v20 =	vmin.u32 v20, $0x1400  }
0x195: {  	[tilespmem:$0x5160] =	vst v20;
	v23 =	vpop (erf)  }
0x196: {  	[tilespmem:$0x14260] =	vst v23  }
0x197: {  	v20 =	vld.idx.msk [tilespmem:v21+s2+$0x0], $0xffff  }
0x198: {  	v22 =	vld.idx.msk [tilespmem:v22+s8+$0x0], $0xffff;
	_ =	sdelay $0x4  }
0x199: {  	v20 =	vadd.f32 v22, v20;
	_ =	sdelay $0x1  }
0x19a: {  	v22 =	vmul.f32 $2.000000030e-01, v20  }
0x19b: {  	vm8 =	vgt.f32 v20, $0.0e+00  }
0x19c: {  	v20 =	vsel vm8, v20, v22  }
0x19d: {  	v20 =	vmul.f32 $1.442695020e+00, v20;
	_ =	sdelay $0x1  }
0x19e: {  	(erf) = vpow2.f32 v20;
	_ =	sdelay $0x2  }
0x19f: {  	v20 =	vld [tilespmem:$0x5080]  }
0x1a0: {  	v22 =	vld [tilespmem:$0x4F80];
	_ =	sdelay $0x2  }
0x1a1: {  	v21 =	vsub.s32 v21, v60  }
0x1a2: {  	v21 =	vmin.u32 v21, $0x1400  }
0x1a3: {  	[tilespmem:$0x5170] =	vst v21;
	v23 =	vpop (erf)  }
0x1a4: {  	[tilespmem:$0x14270] =	vst v23  }
0x1a5: {  	v21 =	vld.idx.msk [tilespmem:v20+s2+$0x0], $0xffff  }
0x1a6: {  	v22 =	vld.idx.msk [tilespmem:v22+s8+$0x0], $0xffff;
	_ =	sdelay $0x4  }
0x1a7: {  	v21 =	vadd.f32 v22, v21;
	_ =	sdelay $0x1  }
0x1a8: {  	v22 =	vmul.f32 $2.000000030e-01, v21  }
0x1a9: {  	vm9 =	vgt.f32 v21, $0.0e+00  }
0x1aa: {  	v21 =	vsel vm9, v21, v22  }
0x1ab: {  	v21 =	vmul.f32 $1.442695020e+00, v21;
	_ =	sdelay $0x1  }
0x1ac: {  	(erf) = vpow2.f32 v21;
	_ =	sdelay $0x2  }
0x1ad: {  	v21 =	vld [tilespmem:$0x5090]  }
0x1ae: {  	v22 =	vld [tilespmem:$0x4F90];
	_ =	sdelay $0x2  }
0x1af: {  	v20 =	vsub.s32 v20, v60  }
0x1b0: {  	v20 =	vmin.u32 v20, $0x1400  }
0x1b1: {  	[tilespmem:$0x5180] =	vst v20;
	v23 =	vpop (erf)  }
0x1b2: {  	[tilespmem:$0x14280] =	vst v23  }
0x1b3: {  	v20 =	vld.idx.msk [tilespmem:v21+s2+$0x0], $0xffff  }
0x1b4: {  	v22 =	vld.idx.msk [tilespmem:v22+s8+$0x0], $0xffff;
	_ =	sdelay $0x4  }
0x1b5: {  	v20 =	vadd.f32 v22, v20;
	_ =	sdelay $0x1  }
0x1b6: {  	v22 =	vmul.f32 $2.000000030e-01, v20  }
0x1b7: {  	vm10 =	vgt.f32 v20, $0.0e+00  }
0x1b8: {  	v20 =	vsel vm10, v20, v22  }
0x1b9: {  	v20 =	vmul.f32 $1.442695020e+00, v20;
	_ =	sdelay $0x1  }
0x1ba: {  	(erf) = vpow2.f32 v20;
	_ =	sdelay $0x2  }
0x1bb: {  	v20 =	vld [tilespmem:$0x50A0]  }
0x1bc: {  	v22 =	vld [tilespmem:$0x4FA0];
	_ =	sdelay $0x2  }
0x1bd: {  	v21 =	vsub.s32 v21, v60  }
0x1be: {  	v21 =	vmin.u32 v21, $0x1400  }
0x1bf: {  	[tilespmem:$0x5190] =	vst v21;
	v23 =	vpop (erf)  }
0x1c0: {  	[tilespmem:$0x14290] =	vst v23  }
0x1c1: {  	v21 =	vld.idx.msk [tilespmem:v20+s2+$0x0], $0xffff  }
0x1c2: {  	v22 =	vld.idx.msk [tilespmem:v22+s8+$0x0], $0xffff;
	_ =	sdelay $0x4  }
0x1c3: {  	v21 =	vadd.f32 v22, v21;
	_ =	sdelay $0x1  }
0x1c4: {  	v22 =	vmul.f32 $2.000000030e-01, v21  }
0x1c5: {  	vm11 =	vgt.f32 v21, $0.0e+00  }
0x1c6: {  	v21 =	vsel vm11, v21, v22  }
0x1c7: {  	v21 =	vmul.f32 $1.442695020e+00, v21;
	_ =	sdelay $0x1  }
0x1c8: {  	(erf) = vpow2.f32 v21;
	_ =	sdelay $0x2  }
0x1c9: {  	v21 =	vld [tilespmem:$0x50B0]  }
0x1ca: {  	v22 =	vld [tilespmem:$0x4FB0];
	_ =	sdelay $0x2  }
0x1cb: {  	v20 =	vsub.s32 v20, v60  }
0x1cc: {  	v20 =	vmin.u32 v20, $0x1400  }
0x1cd: {  	[tilespmem:$0x51A0] =	vst v20;
	v23 =	vpop (erf)  }
0x1ce: {  	[tilespmem:$0x142A0] =	vst v23  }
0x1cf: {  	v20 =	vld.idx.msk [tilespmem:v21+s2+$0x0], $0xffff  }
0x1d0: {  	v22 =	vld.idx.msk [tilespmem:v22+s8+$0x0], $0xffff;
	_ =	sdelay $0x4  }
0x1d1: {  	v20 =	vadd.f32 v22, v20;
	_ =	sdelay $0x1  }
0x1d2: {  	v22 =	vmul.f32 $2.000000030e-01, v20  }
0x1d3: {  	vm12 =	vgt.f32 v20, $0.0e+00  }
0x1d4: {  	v20 =	vsel vm12, v20, v22  }
0x1d5: {  	v20 =	vmul.f32 $1.442695020e+00, v20;
	_ =	sdelay $0x1  }
0x1d6: {  	(erf) = vpow2.f32 v20;
	_ =	sdelay $0x2  }
0x1d7: {  	v20 =	vld [tilespmem:$0x50C0]  }
0x1d8: {  	v22 =	vld [tilespmem:$0x4FC0];
	_ =	sdelay $0x2  }
0x1d9: {  	v21 =	vsub.s32 v21, v60  }
0x1da: {  	v21 =	vmin.u32 v21, $0x1400  }
0x1db: {  	[tilespmem:$0x51B0] =	vst v21;
	v23 =	vpop (erf)  }
0x1dc: {  	[tilespmem:$0x142B0] =	vst v23  }
0x1dd: {  	v21 =	vld.idx.msk [tilespmem:v20+s2+$0x0], $0xffff  }
0x1de: {  	v22 =	vld.idx.msk [tilespmem:v22+s8+$0x0], $0xffff;
	_ =	sdelay $0x4  }
0x1df: {  	v21 =	vadd.f32 v22, v21;
	_ =	sdelay $0x1  }
0x1e0: {  	v22 =	vmul.f32 $2.000000030e-01, v21  }
0x1e1: {  	vm13 =	vgt.f32 v21, $0.0e+00  }
0x1e2: {  	v21 =	vsel vm13, v21, v22  }
0x1e3: {  	v21 =	vmul.f32 $1.442695020e+00, v21;
	_ =	sdelay $0x1  }
0x1e4: {  	(erf) = vpow2.f32 v21;
	_ =	sdelay $0x2  }
0x1e5: {  	v21 =	vld [tilespmem:$0x50D0]  }
0x1e6: {  	v22 =	vld [tilespmem:$0x4FD0];
	_ =	sdelay $0x2  }
0x1e7: {  	v20 =	vsub.s32 v20, v60  }
0x1e8: {  	v20 =	vmin.u32 v20, $0x1400  }
0x1e9: {  	[tilespmem:$0x51C0] =	vst v20;
	v23 =	vpop (erf)  }
0x1ea: {  	[tilespmem:$0x142C0] =	vst v23  }
0x1eb: {  	v20 =	vld.idx.msk [tilespmem:v21+s2+$0x0], $0xffff  }
0x1ec: {  	v22 =	vld.idx.msk [tilespmem:v22+s8+$0x0], $0xffff;
	_ =	sdelay $0x4  }
0x1ed: {  	v20 =	vadd.f32 v22, v20;
	_ =	sdelay $0x1  }
0x1ee: {  	v22 =	vmul.f32 $2.000000030e-01, v20  }
0x1ef: {  	vm14 =	vgt.f32 v20, $0.0e+00  }
0x1f0: {  	v20 =	vsel vm14, v20, v22  }
0x1f1: {  	v20 =	vmul.f32 $1.442695020e+00, v20;
	_ =	sdelay $0x1  }
0x1f2: {  	(erf) = vpow2.f32 v20;
	_ =	sdelay $0x2  }
0x1f3: {  	v20 =	vld [tilespmem:$0x50E0]  }
0x1f4: {  	v22 =	vld [tilespmem:$0x4FE0];
	_ =	sdelay $0x2  }
0x1f5: {  	v21 =	vsub.s32 v21, v60  }
0x1f6: {  	v21 =	vmin.u32 v21, $0x1400  }
0x1f7: {  	[tilespmem:$0x51D0] =	vst v21;
	v23 =	vpop (erf)  }
0x1f8: {  	[tilespmem:$0x142D0] =	vst v23  }
0x1f9: {  	v21 =	vld.idx.msk [tilespmem:v20+s2+$0x0], $0xffff  }
0x1fa: {  	v22 =	vld.idx.msk [tilespmem:v22+s8+$0x0], $0xffff;
	_ =	sdelay $0x4  }
0x1fb: {  	v21 =	vadd.f32 v22, v21;
	_ =	sdelay $0x1  }
0x1fc: {  	v22 =	vmul.f32 $2.000000030e-01, v21  }
0x1fd: {  	vm15 =	vgt.f32 v21, $0.0e+00  }
0x1fe: {  	v21 =	vsel vm15, v21, v22  }
0x1ff: {  	v21 =	vmul.f32 $1.442695020e+00, v21;
	_ =	sdelay $0x1  }
0x200: {  	(erf) = vpow2.f32 v21;
	_ =	sdelay $0x6  }
0x201: {  	v20 =	vsub.s32 v20, v60  }
0x202: {  	v20 =	vmin.u32 v20, $0x1400  }
0x203: {  	[tilespmem:$0x51E0] =	vst v20;
	v21 =	vpop (erf)  }
0x204: {  	[tilespmem:$0x142E0] =	vst v21  }
0x205: {  	_ =	swait.ge [sflag:s4], $0x4000  }
0x206: {  	[sflag:s4] =	ssyncset.done $0x0  }
0x207: {  	p3 =	sgt.u32 s31, $0x15;
	[sflag:s4] =	ssyncadd.s32 $0xFFFFC000  }
0x208: {  	p2 =	por !p3, !p3;
	_ =	swait.ge [sflag:s4], $0x3800  }
0x209: {  	s17 =	simm.s32 $0x1;
	p2 =	por @!p1 p3, p3;
	v20 =	vmov s18;
	[sflag:s4] =	ssyncset.done $0x0  }
0x20a: {  	s19 =	simm.s32 $0x2;
	s14 =	smul.u32 @p2 $0xF00, s9;
	v20 =	vand.u32 $0xFFFFFFFC, v20;
	v21 =	vmov s17;
	[sflag:s4] =	ssyncadd.s32 $0xFFFFC800  }
0x20b: {  	s16 =	simm.s32 @p2 $0x5200;
	v20 =	vbroadcast v20, $0x0;
	v22 =	vmov s19;
	v21 =	vand.u32 $0xFFFFFFFD, v21;
	s10 =	rddreg [dreg:$0x3]  }
0x20c: {  	s9 =	smul.u32 @p2 $0x1E, s9;
	v22 =	vand.u32 $0xFFFFFFFE, v22;
	v21 =	vbroadcast v21, $0x0;
	s10 =	sadd.s32 @p2 s10, s14;
	s14 =	simm.s32 @p2 $0x0  }
0x20d: {  	v22 =	vbroadcast v22, $0x0;
	[hbm4b:s10+s14] =	stream.linear.scatter @p2 [tilespmem:s16], [sflag:$0x2], $0x7800, $0x38;
	[tilespmem:$0x1E9C0] =	vst v63  }
0x20e: {  	s10 =	rddreg [dreg:$0x4]  }
0x20f: {  	s9 =	sadd.s32 @p2 s10, s9;
	s10 =	simm.s32 @p2 $0x14200  }
0x210: {  	[hbm4b:s9+s14] =	stream.linear.scatter @p2 [tilespmem:s10], [sflag:$0x2], $0xF0, $0x38;
	[tilespmem:$0x1E9C0] =	vst v63  }
0x211: {  	v23 =	vld.idx.msk [tilespmem:v20+s13+$0x0], $0xffff  }
0x212: {  	s14 =	simm.s32 $0x3;
	v24 =	vld.idx.msk [tilespmem:v21+s13+$0x0], $0xffff  }
0x213: {  	v20 =	vmov s14;
	s14 =	simm.s32 $0x5300;
	v25 =	vld.idx.msk [tilespmem:v22+s13+$0x0], $0xffff  }
0x214: {  	v21 =	vld [tilespmem:s14+$0x0]  }
0x215: {  	v26 =	vld [tilespmem:s14+$0xFFFFFF00]  }
0x216: {  	v27 =	vld [tilespmem:s14+$0xFFFFFF80];
	_ =	sdelay $0x2  }
0x217: {  	v22 =	vld.idx.msk [tilespmem:v20+s13+$0x0], $0xffff;
	v21 =	vmul.f32 v21, v25  }
0x218: {  	s10 =	simm.s32 $0xCB00;
	v20 =	vld [tilespmem:s14+$0x80];
	v26 =	vmul.f32 v26, v23  }
0x219: {  	v27 =	vmul.f32 v27, v24;
	[tilespmem:s10+$0x0] =	vst v21  }
0x21a: {  	[tilespmem:s10+$0xFFFFFF00] =	vst v26;
	v21 =	vld [tilespmem:s14+$0x10]  }
0x21b: {  	[tilespmem:s10+$0xFFFFFF80] =	vst v27;
	v26 =	vld [tilespmem:s14+$0xFFFFFF10]  }
0x21c: {  	v27 =	vld [tilespmem:s14+$0xFFFFFF90]  }
0x21d: {  	v20 =	vmul.f32 v20, v22;
	_ =	sdelay $0x1  }
0x21e: {  	[tilespmem:s10+$0x80] =	vst v20;
	v21 =	vmul.f32 v21, v25  }
0x21f: {  	v20 =	vld [tilespmem:s14+$0x90];
	v26 =	vmul.f32 v26, v23  }
0x220: {  	v27 =	vmul.f32 v27, v24;
	[tilespmem:s10+$0x10] =	vst v21  }
0x221: {  	[tilespmem:s10+$0xFFFFFF10] =	vst v26;
	v21 =	vld [tilespmem:s14+$0x20]  }
0x222: {  	[tilespmem:s10+$0xFFFFFF90] =	vst v27;
	v26 =	vld [tilespmem:s14+$0xFFFFFF20]  }
0x223: {  	v27 =	vld [tilespmem:s14+$0xFFFFFFA0]  }
0x224: {  	v20 =	vmul.f32 v20, v22  }
0x225: {  	s16 =	simm.s32 $0x4  }
0x226: {  	v28 =	vmov s16;
	[tilespmem:s10+$0x90] =	vst v20;
	v21 =	vmul.f32 v21, v25  }
0x227: {  	v28 =	vand.u32 $0xFFFFFFFC, v28;
	v20 =	vld [tilespmem:s14+$0xA0];
	v26 =	vmul.f32 v26, v23  }
0x228: {  	s17 =	simm.s32 $0x5;
	v28 =	vbroadcast v28, $0x0;
	v27 =	vmul.f32 v27, v24;
	[tilespmem:s10+$0x20] =	vst v21  }
0x229: {  	v29 =	vmov s17;
	[tilespmem:s10+$0xFFFFFF20] =	vst v26  }
0x22a: {  	s19 =	simm.s32 $0x7;
	v29 =	vand.u32 $0xFFFFFFFD, v29;
	[tilespmem:s10+$0xFFFFFFA0] =	vst v27;
	v26 =	vld [tilespmem:s14+$0x30]  }
0x22b: {  	v29 =	vbroadcast v29, $0x0;
	v21 =	vmov s19;
	v27 =	vld [tilespmem:s14+$0xFFFFFFB0]  }
0x22c: {  	v20 =	vmul.f32 v20, v22  }
0x22d: {  	s17 =	simm.s32 $0x6;
	v30 =	vld [tilespmem:s14+$0xFFFFFF30]  }
0x22e: {  	v63 =	vld.idx.msk [tilespmem:v28+s13+$0x0], $0xffff;
	[tilespmem:s10+$0xA0] =	vst v20;
	v20 =	vmov s17  }
0x22f: {  	v31 =	vld [tilespmem:s14+$0xB0];
	v20 =	vand.u32 $0xFFFFFFFE, v20;
	v26 =	vmul.f32 v26, v25  }
0x230: {  	v62 =	vld.idx.msk [tilespmem:v21+s13+$0x0], $0xffff;
	v20 =	vbroadcast v20, $0x0;
	v27 =	vmul.f32 v27, v24  }
0x231: {  	v21 =	vld.idx.msk [tilespmem:v29+s13+$0x0], $0xffff;
	[tilespmem:s10+$0x30] =	vst v26  }
0x232: {  	v28 =	vmul.f32 v30, v23;
	[tilespmem:s10+$0xFFFFFFB0] =	vst v27;
	v26 =	vld [tilespmem:s14+$0x40]  }
0x233: {  	s9 =	simm.s32 $0x5500;
	v27 =	vld [tilespmem:s14+$0xFFFFFFC0]  }
0x234: {  	v29 =	vld [tilespmem:s9+$0x0];
	[tilespmem:s10+$0xFFFFFF30] =	vst v28  }
0x235: {  	v28 =	vld [tilespmem:s14+$0xFFFFFF40]  }
0x236: {  	v31 =	vmul.f32 v31, v22;
	v20 =	vld.idx.msk [tilespmem:v20+s13+$0x0], $0xffff  }
0x237: {  	v30 =	vld [tilespmem:s9+$0xFFFFFF00];
	v26 =	vmul.f32 v26, v25  }
0x238: {  	v33 =	vld [tilespmem:s9+$0x80];
	[tilespmem:s10+$0xB0] =	vst v31;
	v27 =	vmul.f32 v27, v24  }
0x239: {  	v32 =	vld [tilespmem:s9+$0xFFFFFF80];
	[tilespmem:s10+$0x40] =	vst v26  }
0x23a: {  	v26 =	vmul.f32 v28, v23;
	[tilespmem:s10+$0xFFFFFFC0] =	vst v27;
	v27 =	vld [tilespmem:s14+$0xC0]  }
0x23b: {  	v28 =	vld [tilespmem:s14+$0x50];
	v29 =	vmul.f32 v29, v20  }
0x23c: {  	s30 =	simm.s32 $0xCD00;
	[tilespmem:s10+$0xFFFFFF40] =	vst v26;
	v26 =	vmul.f32 v30, v63;
	v30 =	vld [tilespmem:s14+$0xFFFFFFD0]  }
0x23d: {  	v37 =	vmul.f32 v33, v62;
	[tilespmem:s30+$0x0] =	vst v29;
	v29 =	vld [tilespmem:s14+$0xFFFFFF50]  }
0x23e: {  	v31 =	vmul.f32 v32, v21;
	[tilespmem:s30+$0xFFFFFF00] =	vst v26;
	v26 =	vld [tilespmem:s9+$0x10]  }
0x23f: {  	[tilespmem:s30+$0x80] =	vst v37;
	v38 =	vld [tilespmem:s9+$0xFFFFFF10];
	v27 =	vmul.f32 v27, v22  }
0x240: {  	v32 =	vld [tilespmem:s9+$0x90];
	[tilespmem:s30+$0xFFFFFF80] =	vst v31;
	v28 =	vmul.f32 v28, v25  }
0x241: {  	v31 =	vld [tilespmem:s9+$0xFFFFFF90];
	v30 =	vmul.f32 v30, v24;
	[tilespmem:s10+$0xC0] =	vst v27  }
0x242: {  	[tilespmem:s10+$0x50] =	vst v28;
	v28 =	vmul.f32 v29, v23;
	v27 =	vld [tilespmem:s14+$0xD0]  }
0x243: {  	v29 =	vld [tilespmem:s14+$0x60];
	v26 =	vmul.f32 v26, v20;
	[tilespmem:s10+$0xFFFFFFD0] =	vst v30  }
0x244: {  	v30 =	vmul.f32 v38, v63;
	[tilespmem:s10+$0xFFFFFF50] =	vst v28;
	v28 =	vld [tilespmem:s14+$0xFFFFFFE0]  }
0x245: {  	v32 =	vmul.f32 v32, v62;
	[tilespmem:s30+$0x10] =	vst v26;
	v26 =	vld [tilespmem:s14+$0xFFFFFF60]  }
0x246: {  	v31 =	vmul.f32 v31, v21;
	[tilespmem:s30+$0xFFFFFF10] =	vst v30;
	v30 =	vld [tilespmem:s9+$0x20]  }
0x247: {  	[tilespmem:s30+$0x90] =	vst v32;
	v33 =	vld [tilespmem:s9+$0xFFFFFF20];
	v27 =	vmul.f32 v27, v22  }
0x248: {  	[tilespmem:s30+$0xFFFFFF90] =	vst v31;
	v29 =	vmul.f32 v29, v25  }
0x249: {  	v34 =	vld [tilespmem:s9+$0xFFFFFFA0];
	v28 =	vmul.f32 v28, v24;
	[tilespmem:s10+$0xD0] =	vst v27  }
0x24a: {  	v35 =	vld [tilespmem:s9+$0xA0];
	[tilespmem:s10+$0x60] =	vst v29;
	v26 =	vmul.f32 v26, v23  }
0x24b: {  	v36 =	vld [tilespmem:s14+$0x70];
	v27 =	vmul.f32 v30, v20;
	[tilespmem:s10+$0xFFFFFFE0] =	vst v28  }
0x24c: {  	s19 =	simm.s32 $0x8;
	s17 =	simm.s32 $0x9;
	v37 =	vld [tilespmem:s14+$0xE0];
	v28 =	vmul.f32 v33, v63;
	[tilespmem:s10+$0xFFFFFF60] =	vst v26  }
0x24d: {  	v29 =	vmov s17;
	v31 =	vld [tilespmem:s14+$0xFFFFFFF0];
	v26 =	vmov s19;
	s19 =	simm.s32 $0xB;
	[tilespmem:s30+$0x20] =	vst v27  }
0x24e: {  	v30 =	vmul.f32 v34, v21;
	v32 =	vld [tilespmem:s14+$0xFFFFFF70];
	v26 =	vand.u32 $0xFFFFFFFC, v26;
	[tilespmem:s30+$0xFFFFFF20] =	vst v28;
	v28 =	vmov s19  }
0x24f: {  	v39 =	vmul.f32 v35, v62;
	v27 =	vand.u32 $0xFFFFFFFD, v29;
	v33 =	vld [tilespmem:s9+$0x30];
	v26 =	vbroadcast v26, $0x0  }
0x250: {  	[tilespmem:s30+$0xFFFFFFA0] =	vst v30;
	v27 =	vbroadcast v27, $0x0;
	v29 =	vld [tilespmem:s9+$0xFFFFFF30];
	v35 =	vmul.f32 v36, v25  }
0x251: {  	s16 =	simm.s32 $0xA;
	[tilespmem:s30+$0xA0] =	vst v39;
	s19 =	simm.s32 $0xC;
	v30 =	vld [tilespmem:s9+$0xFFFFFFB0];
	v34 =	vmul.f32 v37, v22  }
.LBB2_7:
0x252: {  	p3 =	slt.u32 s19, $0xEC;
	v25 =	vmov s16;
	v36 =	vld [tilespmem:s9+$0xB0];
	v31 =	vmul.f32 v31, v24;
	[tilespmem:s10+$0x70] =	vst v35;
	v24 =	vmov v21  }
0x253: {  	v21 =	vand.u32 $0xFFFFFFFE, v25;
	v25 =	vld.idx.msk [tilespmem:v28+s13+$0x0], $0xffff;
	v28 =	vmul.f32 v32, v23;
	[tilespmem:s10+$0xE0] =	vst v34;
	v23 =	vmov v63  }
0x254: {  	v32 =	vbroadcast v21, $0x0;
	v33 =	vmul.f32 v33, v20;
	[tilespmem:s10+$0xFFFFFFF0] =	vst v31;
	v31 =	vld [tilespmem:s14+$0xF0];
	s14 =	smov.u32 s9  }
0x255: {  	v63 =	vld.idx.msk [tilespmem:v26+s13+$0x0], $0xffff;
	v26 =	vmul.f32 v29, v23;
	[tilespmem:s10+$0xFFFFFF70] =	vst v28  }
0x256: {  	v21 =	vld.idx.msk [tilespmem:v27+s13+$0x0], $0xffff;
	v27 =	vmul.f32 v30, v24;
	[tilespmem:s30+$0x30] =	vst v33  }
0x257: {  	[tilespmem:s30+$0xFFFFFF30] =	vst v26;
	v26 =	vld [tilespmem:s9+$0x40];
	v28 =	vmul.f32 v36, v62  }
0x258: {  	v29 =	vld [tilespmem:s9+$0xFFFFFF40];
	[tilespmem:s30+$0xFFFFFFB0] =	vst v27  }
0x259: {  	v27 =	vld [tilespmem:s9+$0xFFFFFFC0];
	[tilespmem:s30+$0xB0] =	vst v28;
	v28 =	vmul.f32 v31, v22;
	v22 =	vmov v62;
	v62 =	vmov v25  }
0x25a: {  	s9 =	sadd.s32 $0x200, s9;
	v25 =	vld.idx.msk [tilespmem:v32+s13+$0x0], $0xffff  }
0x25b: {  	v30 =	vld [tilespmem:s9+$0x0];
	[tilespmem:s10+$0xF0] =	vst v28;
	s10 =	smov.u32 s30  }
0x25c: {  	v28 =	vld [tilespmem:s9+$0xFFFFFF00];
	v26 =	vmul.f32 v26, v20  }
0x25d: {  	v31 =	vld [tilespmem:s9+$0xFFFFFF80];
	v29 =	vmul.f32 v29, v23  }
0x25e: {  	v32 =	vld [tilespmem:s9+$0x80];
	v27 =	vmul.f32 v27, v24;
	[tilespmem:s30+$0x40] =	vst v26  }
0x25f: {  	[tilespmem:s30+$0xFFFFFF40] =	vst v29;
	v26 =	vld [tilespmem:s14+$0x50]  }
0x260: {  	v29 =	vmul.f32 v30, v25;
	[tilespmem:s30+$0xFFFFFFC0] =	vst v27;
	v27 =	vld [tilespmem:s14+$0xC0]  }
0x261: {  	s30 =	sadd.s32 $0x200, s30;
	v28 =	vmul.f32 v28, v63;
	v30 =	vld [tilespmem:s14+$0xFFFFFFD0]  }
0x262: {  	v31 =	vmul.f32 v31, v21;
	[tilespmem:s30+$0x0] =	vst v29;
	v29 =	vld [tilespmem:s14+$0xFFFFFF50]  }
0x263: {  	[tilespmem:s30+$0xFFFFFF00] =	vst v28;
	v28 =	vld [tilespmem:s9+$0x10];
	v32 =	vmul.f32 v32, v62  }
0x264: {  	v33 =	vld [tilespmem:s9+$0xFFFFFF10];
	[tilespmem:s30+$0xFFFFFF80] =	vst v31;
	v26 =	vmul.f32 v26, v20  }
0x265: {  	v31 =	vld [tilespmem:s9+$0xFFFFFF90];
	[tilespmem:s30+$0x80] =	vst v32;
	v27 =	vmul.f32 v27, v22  }
0x266: {  	v32 =	vld [tilespmem:s9+$0x90];
	v30 =	vmul.f32 v30, v24;
	[tilespmem:s10+$0x50] =	vst v26  }
0x267: {  	v26 =	vmul.f32 v29, v23;
	v29 =	vld [tilespmem:s14+$0x60];
	[tilespmem:s10+$0xC0] =	vst v27  }
0x268: {  	v27 =	vmul.f32 v28, v25;
	[tilespmem:s10+$0xFFFFFFD0] =	vst v30;
	v28 =	vld [tilespmem:s14+$0xD0]  }
0x269: {  	v30 =	vmul.f32 v33, v63;
	[tilespmem:s10+$0xFFFFFF50] =	vst v26;
	v26 =	vld [tilespmem:s14+$0xFFFFFFE0]  }
0x26a: {  	v31 =	vmul.f32 v31, v21;
	[tilespmem:s30+$0x10] =	vst v27;
	v27 =	vld [tilespmem:s14+$0xFFFFFF60]  }
0x26b: {  	[tilespmem:s30+$0xFFFFFF10] =	vst v30;
	v30 =	vld [tilespmem:s9+$0x20];
	v32 =	vmul.f32 v32, v62  }
0x26c: {  	v33 =	vld [tilespmem:s9+$0xFFFFFF20];
	[tilespmem:s30+$0xFFFFFF90] =	vst v31;
	v29 =	vmul.f32 v29, v20  }
0x26d: {  	v34 =	vld [tilespmem:s9+$0xFFFFFFA0];
	[tilespmem:s30+$0x90] =	vst v32;
	v28 =	vmul.f32 v28, v22  }
0x26e: {  	v35 =	vld [tilespmem:s9+$0xA0];
	v26 =	vmul.f32 v26, v24;
	[tilespmem:s10+$0x60] =	vst v29  }
0x26f: {  	v27 =	vmul.f32 v27, v23;
	v36 =	vld [tilespmem:s14+$0x70];
	[tilespmem:s10+$0xD0] =	vst v28  }
0x270: {  	s16 =	sadd.s32 $0x3, s19;
	v29 =	vmul.f32 v30, v25;
	[tilespmem:s10+$0xFFFFFFE0] =	vst v26;
	v37 =	vld [tilespmem:s14+$0xE0]  }
.Ltmp6:
0x271: {  	s17 =	sadd.s32 $0x1, s19;
	v28 =	vmov s16;
	v26 =	vmov s19;
	v30 =	vmul.f32 v33, v63;
	[tilespmem:s10+$0xFFFFFF60] =	vst v27;
	v31 =	vld [tilespmem:s14+$0xFFFFFFF0];
	(pc) =	sbr.rel @p3 .LBB2_7-.Ltmp6, $4  }
0x272: {  	v26 =	vand.u32 $0xFFFFFFFC, v26;
	v27 =	vmov s17;
	v34 =	vmul.f32 v34, v21;
	[tilespmem:s30+$0x20] =	vst v29;
	v32 =	vld [tilespmem:s14+$0xFFFFFF70]  }
0x273: {  	v26 =	vbroadcast v26, $0x0;
	v27 =	vand.u32 $0xFFFFFFFD, v27;
	[tilespmem:s30+$0xFFFFFF20] =	vst v30;
	v33 =	vld [tilespmem:s9+$0x30];
	v38 =	vmul.f32 v35, v62  }
0x274: {  	v27 =	vbroadcast v27, $0x0;
	v29 =	vld [tilespmem:s9+$0xFFFFFF30];
	[tilespmem:s30+$0xFFFFFFA0] =	vst v34;
	v35 =	vmul.f32 v36, v20;
	v20 =	vmov v25  }
0x275: {  	s16 =	sadd.s32 $0x2, s19;
	s19 =	sadd.s32 $0x4, s19;
	v30 =	vld [tilespmem:s9+$0xFFFFFFB0];
	[tilespmem:s30+$0xA0] =	vst v38;
	v34 =	vmul.f32 v37, v22  }
0x276: {  	v25 =	vmov s16  }
0x277: {  	v25 =	vand.u32 $0xFFFFFFFE, v25  }
0x278: {  	v36 =	vbroadcast v25, $0x0;
	_ =	sdelay $0x1  }
0x279: {  	v27 =	vld.idx.msk [tilespmem:v27+s13+$0x0], $0xffff;
	s17 =	sadd.s32 $0x200, s9  }
0x27a: {  	v37 =	vld [tilespmem:s17+$0xFFFFFF80]  }
0x27b: {  	v39 =	vld [tilespmem:s17+$0x80]  }
0x27c: {  	v25 =	vld.idx.msk [tilespmem:v28+s13+$0x0], $0xffff  }
0x27d: {  	v28 =	vld.idx.msk [tilespmem:v36+s13+$0x0], $0xffff  }
0x27e: {  	v36 =	vld [tilespmem:s17+$0x0]  }
0x27f: {  	v26 =	vld.idx.msk [tilespmem:v26+s13+$0x0], $0xffff  }
0x280: {  	v38 =	vld [tilespmem:s17+$0xFFFFFF00]  }
0x281: {  	v37 =	vmul.f32 v37, v27  }
0x282: {  	s19 =	sadd.s32 $0x200, s30;
	v39 =	vmul.f32 v39, v25  }
0x283: {  	[tilespmem:s19+$0xFFFFFF80] =	vst v37;
	v36 =	vmul.f32 v36, v28  }
0x284: {  	v37 =	vld [tilespmem:s17+$0xFFFFFF90];
	[tilespmem:s19+$0x80] =	vst v39  }
0x285: {  	v38 =	vmul.f32 v38, v26;
	v39 =	vld [tilespmem:s17+$0x90];
	[tilespmem:s19+$0x0] =	vst v36  }
0x286: {  	v36 =	vld [tilespmem:s17+$0x10]  }
0x287: {  	[tilespmem:s19+$0xFFFFFF00] =	vst v38  }
0x288: {  	v38 =	vld [tilespmem:s17+$0xFFFFFF10];
	_ =	sdelay $0x1  }
0x289: {  	[tilespmem:s10+$0x70] =	vst v35;
	v35 =	vmul.f32 v37, v27;
	v37 =	vmul.f32 v39, v25  }
0x28a: {  	v36 =	vmul.f32 v36, v28  }
0x28b: {  	[tilespmem:s19+$0x90] =	vst v37  }
0x28c: {  	v37 =	vld [tilespmem:s17+$0xA0];
	[tilespmem:s19+$0x10] =	vst v36;
	v36 =	vmul.f32 v38, v26  }
0x28d: {  	[tilespmem:s19+$0xFFFFFF90] =	vst v35;
	v35 =	vld [tilespmem:s17+$0x20]  }
0x28e: {  	v24 =	vmul.f32 v31, v24;
	[tilespmem:s19+$0xFFFFFF10] =	vst v36;
	v36 =	vld [tilespmem:s17+$0xFFFFFFA0]  }
0x28f: {  	[tilespmem:s10+$0xE0] =	vst v34;
	v30 =	vmul.f32 v30, v21  }
0x290: {  	v23 =	vmul.f32 v32, v23;
	[tilespmem:s10+$0xFFFFFFF0] =	vst v24;
	v31 =	vld [tilespmem:s17+$0xFFFFFF20]  }
0x291: {  	v34 =	vld [tilespmem:s14+$0xF0];
	[tilespmem:s30+$0xFFFFFFB0] =	vst v30;
	v32 =	vmul.f32 v37, v25  }
0x292: {  	[tilespmem:s10+$0xFFFFFF70] =	vst v23;
	v30 =	vld [tilespmem:s9+$0xFFFFFFC0];
	v38 =	vmul.f32 v35, v28  }
0x293: {  	v39 =	vld [tilespmem:s9+$0xB0];
	[tilespmem:s19+$0xA0] =	vst v32;
	v36 =	vmul.f32 v36, v27  }
0x294: {  	v33 =	vmul.f32 v33, v20;
	[tilespmem:s19+$0x20] =	vst v38;
	v38 =	vld [tilespmem:s17+$0xB0]  }
0x295: {  	v31 =	vmul.f32 v31, v26;
	v23 =	vld [tilespmem:s17+$0x30];
	[tilespmem:s19+$0xFFFFFFA0] =	vst v36  }
0x296: {  	v29 =	vmul.f32 v29, v63;
	[tilespmem:s30+$0x30] =	vst v33;
	v37 =	vld [tilespmem:s17+$0xFFFFFFB0]  }
0x297: {  	v22 =	vmul.f32 v34, v22;
	[tilespmem:s19+$0xFFFFFF20] =	vst v31  }
0x298: {  	[tilespmem:s30+$0xFFFFFF30] =	vst v29;
	v24 =	vmul.f32 v39, v62;
	v33 =	vld [tilespmem:s17+$0xFFFFFF30]  }
0x299: {  	[tilespmem:s10+$0xF0] =	vst v22;
	v39 =	vld [tilespmem:s9+$0x40];
	v29 =	vmul.f32 v38, v25  }
0x29a: {  	[tilespmem:s30+$0xB0] =	vst v24;
	v24 =	vld [tilespmem:s9+$0xFFFFFF40];
	v23 =	vmul.f32 v23, v28  }
0x29b: {  	v30 =	vmul.f32 v30, v21;
	v36 =	vmul.f32 v37, v27;
	v37 =	vld [tilespmem:s9+$0xC0];
	[tilespmem:s19+$0xB0] =	vst v29  }
0x29c: {  	[tilespmem:s19+$0x30] =	vst v23;
	v22 =	vld [tilespmem:s17+$0xC0]  }
0x29d: {  	[tilespmem:s30+$0xFFFFFFC0] =	vst v30;
	v33 =	vmul.f32 v33, v26;
	v23 =	vld [tilespmem:s17+$0x40]  }
0x29e: {  	v38 =	vmul.f32 v39, v20;
	[tilespmem:s19+$0xFFFFFFB0] =	vst v36;
	v36 =	vld [tilespmem:s9+$0xFFFFFFD0]  }
0x29f: {  	[tilespmem:s19+$0xFFFFFF30] =	vst v33;
	v39 =	vld [tilespmem:s17+$0xFFFFFFC0]  }
0x2a0: {  	v24 =	vmul.f32 v24, v63;
	[tilespmem:s30+$0x40] =	vst v38;
	v33 =	vld [tilespmem:s17+$0xFFFFFF40]  }
0x2a1: {  	v29 =	vld [tilespmem:s9+$0x50];
	v35 =	vmul.f32 v37, v62  }
0x2a2: {  	[tilespmem:s30+$0xFFFFFF40] =	vst v24;
	v22 =	vmul.f32 v22, v25  }
0x2a3: {  	v37 =	vld [tilespmem:s9+$0xFFFFFF50];
	v23 =	vmul.f32 v23, v28;
	[tilespmem:s30+$0xC0] =	vst v35  }
0x2a4: {  	v38 =	vmul.f32 v39, v27;
	v39 =	vld [tilespmem:s9+$0xD0];
	[tilespmem:s19+$0xC0] =	vst v22  }
0x2a5: {  	v24 =	vmul.f32 v36, v21;
	v33 =	vmul.f32 v33, v26;
	[tilespmem:s19+$0x40] =	vst v23;
	v36 =	vld [tilespmem:s17+$0xD0]  }
0x2a6: {  	v29 =	vmul.f32 v29, v20;
	v23 =	vld [tilespmem:s17+$0x50];
	[tilespmem:s19+$0xFFFFFFC0] =	vst v38  }
0x2a7: {  	[tilespmem:s19+$0xFFFFFF40] =	vst v33;
	v30 =	vld [tilespmem:s17+$0xFFFFFFD0]  }
0x2a8: {  	[tilespmem:s30+$0x50] =	vst v29;
	v35 =	vmul.f32 v37, v63;
	v33 =	vld [tilespmem:s17+$0xFFFFFF50]  }
0x2a9: {  	v31 =	vld [tilespmem:s9+$0x60];
	[tilespmem:s30+$0xFFFFFFD0] =	vst v24;
	v37 =	vmul.f32 v39, v62  }
0x2aa: {  	v22 =	vld [tilespmem:s9+$0xFFFFFFE0];
	[tilespmem:s30+$0xFFFFFF50] =	vst v35;
	v36 =	vmul.f32 v36, v25  }
0x2ab: {  	v32 =	vld [tilespmem:s9+$0xFFFFFF60];
	v23 =	vmul.f32 v23, v28;
	[tilespmem:s30+$0xD0] =	vst v37  }
0x2ac: {  	v38 =	vmul.f32 v30, v27;
	v30 =	vld [tilespmem:s9+$0xE0];
	[tilespmem:s19+$0xD0] =	vst v36  }
0x2ad: {  	[tilespmem:s19+$0x50] =	vst v23;
	v39 =	vmul.f32 v33, v26;
	v29 =	vld [tilespmem:s17+$0xE0]  }
0x2ae: {  	v37 =	vmul.f32 v31, v20;
	v33 =	vld [tilespmem:s17+$0x60];
	[tilespmem:s19+$0xFFFFFFD0] =	vst v38  }
0x2af: {  	v22 =	vmul.f32 v22, v21;
	[tilespmem:s19+$0xFFFFFF50] =	vst v39;
	v38 =	vld [tilespmem:s17+$0xFFFFFFE0]  }
0x2b0: {  	[tilespmem:s30+$0x60] =	vst v37;
	v39 =	vmul.f32 v32, v63;
	v31 =	vld [tilespmem:s17+$0xFFFFFF60]  }
0x2b1: {  	[tilespmem:s30+$0xFFFFFFE0] =	vst v22;
	v32 =	vld [tilespmem:s9+$0x70];
	v36 =	vmul.f32 v30, v62  }
0x2b2: {  	v24 =	vld [tilespmem:s9+$0xFFFFFFF0];
	[tilespmem:s30+$0xFFFFFF60] =	vst v39;
	v35 =	vmul.f32 v29, v25  }
0x2b3: {  	v37 =	vmul.f32 v33, v28;
	v33 =	vld [tilespmem:s9+$0xFFFFFF70];
	[tilespmem:s30+$0xE0] =	vst v36  }
0x2b4: {  	v38 =	vmul.f32 v38, v27;
	v23 =	vld [tilespmem:s9+$0xF0];
	[tilespmem:s19+$0xE0] =	vst v35  }
0x2b5: {  	[tilespmem:s19+$0x60] =	vst v37;
	v39 =	vmul.f32 v31, v26;
	v22 =	vld [tilespmem:s17+$0xF0]  }
0x2b6: {  	v20 =	vmul.f32 v32, v20;
	v34 =	vld [tilespmem:s17+$0x70];
	[tilespmem:s19+$0xFFFFFFE0] =	vst v38  }
0x2b7: {  	v37 =	vmul.f32 v24, v21;
	[tilespmem:s19+$0xFFFFFF60] =	vst v39;
	v36 =	vld [tilespmem:s17+$0xFFFFFFF0]  }
0x2b8: {  	[tilespmem:s30+$0x70] =	vst v20;
	v38 =	vld [tilespmem:s17+$0xFFFFFF70];
	v20 =	vmul.f32 v33, v63  }
0x2b9: {  	[tilespmem:s30+$0xFFFFFFF0] =	vst v37;
	v39 =	vmul.f32 v23, v62  }
0x2ba: {  	[tilespmem:s30+$0xFFFFFF70] =	vst v20;
	v63 =	vmul.f32 v22, v25  }
0x2bb: {  	v20 =	vmul.f32 v34, v28;
	[tilespmem:s30+$0xF0] =	vst v39  }
0x2bc: {  	v62 =	vmul.f32 v36, v27;
	[tilespmem:s19+$0xF0] =	vst v63  }
0x2bd: {  	[tilespmem:s19+$0x70] =	vst v20;
	v20 =	vmul.f32 v38, v26  }
0x2be: {  	[tilespmem:s19+$0xFFFFFFF0] =	vst v62  }
0x2bf: {  	s9 =	simm.s32 @p2 $0x2;
	[tilespmem:s19+$0xFFFFFF70] =	vst v20  }
0x2c0: {  	_ =	swait.ge @p2 [sflag:s9], $0x7800  }
0x2c1: {  	[sflag:s9] =	ssyncset.done @p2 $0x0  }
0x2c2: {  	[sflag:s9] =	ssyncadd.s32 @p2 $0xFFFF8800  }
0x2c3: {  	_ =	swait.ge @p2 [sflag:s9], $0xF0  }
0x2c4: {  	[sflag:s9] =	ssyncset.done @p2 $0x0  }
0x2c5: {  	[sflag:s9] =	ssyncadd.s32 @p2 $0xFFFFFF10  }
0x2c6: {  	[spmem:s21] =	stream.indirect.scatter.add.f32 [tilespmem:s11], [sflag:$0x1], $0x80, s5, s20, $0xb8;
	[tilespmem:$0x1E9C0] =	vst v63  }
0x2c7: {  	s9 =	simm.s32 @p0 $0x1  }
0x2c8: {  	[spmem:s21] =	stream.indirect.scatter.add.f32 [tilespmem:s7], [sflag:$0x1], $0x80, s6, s1, $0xb8;
	[tilespmem:$0x1E9C0] =	vst v63  }
0x2c9: {  	_ =	swait.ge @p0 [sflag:s9], $0x4000  }
0x2ca: {  	[sflag:s9] =	ssyncset.done @p0 $0x0  }
0x2cb: {  	[sflag:s9] =	ssyncadd.s32 @p0 $0xFFFFC000  }
0x2cc: {  	_ =	swait.ge @p0 [sflag:s9], $0x3800  }
0x2cd: {  	s14 =	simm.s32 @!p0 $0x14200;
	[sflag:s9] =	ssyncset.done @p0 $0x0  }
0x2ce: {  	s10 =	simm.s32 @!p0 $0x5000;
	[sflag:s9] =	ssyncadd.s32 @p0 $0xFFFFC800;
	s9 =	simm.s32 @!p0 $0x80  }
0x2cf: {  	[spmem:s22] =	stream.indirect.scatter.add.f32 @!p0 [tilespmem:s14], [sflag:$0x2], $0x1, s10, s9, $0xb8;
	[tilespmem:$0x1E9C0] =	vst v63  }
0x2d0: {  	s9 =	simm.s32 @!p0 $0x70;
	s10 =	simm.s32 @!p0 $0x5080;
	s14 =	simm.s32 @!p0 $0x14280  }
0x2d1: {  	[spmem:s22] =	stream.indirect.scatter.add.f32 @!p0 [tilespmem:s14], [sflag:$0x2], $0x1, s10, s9, $0xb8;
	[tilespmem:$0x1E9C0] =	vst v63  }
0x2d2: {  	s9 =	simm.s32 @!p0 $0x1  }
0x2d3: {  	_ =	swait.ge @!p0 [sflag:s9], $0x4000  }
0x2d4: {  	[sflag:s9] =	ssyncset.done @!p0 $0x0  }
0x2d5: {  	[sflag:s9] =	ssyncadd.s32 @!p0 $0xFFFFC000  }
0x2d6: {  	_ =	swait.ge @!p0 [sflag:s9], $0x3800  }
0x2d7: {  	s10 =	sor.u32 $0x10, s29;
	[sflag:s9] =	ssyncset.done @!p0 $0x0  }
0x2d8: {  	s14 =	simm.s32 @!p0 $0x2;
	[sflag:s9] =	ssyncadd.s32 @!p0 $0xFFFFC800;
	s9 =	sor.u32 s0, s10  }
0x2d9: {  	_ =	swait.ge @!p0 [sflag:s14], $0x80;
	p2 =	sgt.u32 s9, $0x55E  }
.Ltmp7:
0x2da: {  	[sflag:s14] =	ssyncset.done @!p0 $0x0;
	(pc) =	sbr.rel @p2 .LBB2_12-.Ltmp7, $4  }
0x2db: {  	[sflag:s14] =	ssyncadd.s32 @!p0 $0xFFFFFF80  }
0x2dc: {  	_ =	swait.ge @!p0 [sflag:s14], $0x70  }
0x2dd: {  	[sflag:s14] =	ssyncset.done @!p0 $0x0  }
0x2de: {  	[sflag:s14] =	ssyncadd.s32 @!p0 $0xFFFFFF90  }
0x2df: {  	_ =	swait.ge [sflag:s28], $0x80  }
0x2e0: {  	[sflag:s28] =	ssyncset.done $0x0  }
0x2e1: {  	[sflag:s28] =	ssyncadd.s32 $0xFFFFFF80  }
0x2e2: {  	_ =	swait.ge [sflag:s28], $0x70  }
0x2e3: {  	[sflag:s28] =	ssyncset.done $0x0  }
0x2e4: {  	[sflag:s28] =	ssyncadd.s32 $0xFFFFFF90  }
0x2e5: {  	_ =	swait.ge [sflag:s28], $0x80  }
0x2e6: {  	[sflag:s28] =	ssyncset.done $0x0  }
0x2e7: {  	[sflag:s28] =	ssyncadd.s32 $0xFFFFFF80  }
0x2e8: {  	_ =	swait.ge [sflag:s28], $0x70  }
0x2e9: {  	[sflag:s28] =	ssyncset.done $0x0  }
0x2ea: {  	s14 =	simm.s32 $0x14500;
	p2 =	sgt.u32 s9, $0x54E;
	[sflag:s28] =	ssyncadd.s32 $0xFFFFFF90  }
0x2eb: {  	[tilespmem:s23], [sflag:$0x1] =	stream.indirect.gather [hbm4b:s12+s20], $0x80, s14, s20, $0xb8;
	[tilespmem:$0x1E9C0] =	vst v63  }
0x2ec: {  	s16 =	simm.s32 $0x14580;
	s14 =	smul.u32 @!p2 $0xF0, s9  }
0x2ed: {  	[tilespmem:s3], [sflag:$0x1] =	stream.indirect.gather [hbm4b:s12+s1], $0x80, s16, s1, $0xb8;
	[tilespmem:$0x1E9C0] =	vst v63  }
0x2ee: {  	s14 =	sshrl.u32 @!p2 s14, $0x3  }
0x2ef: {  	s19 =	simm.s32 @!p2 $0x0;
	s16 =	sadd.s32 @!p2 $0x1E0, s14  }
0x2f0: {  	s29 =	simm.s32 @!p2 $0x4F00;
	s14 =	sadd.s32 @!p2 $0x1F0, s14;
	s17 =	sadd.s32 @!p2 s25, s16  }
0x2f1: {  	[tilespmem:s29], [sflag:$0x3] =	stream.linear.gather @!p2 [hbm4b:s17+s19], $0x80, $0x38;
	[tilespmem:$0x1E9C0] =	vst v63  }
0x2f2: {  	s17 =	sadd.s32 @!p2 s25, s14;
	s29 =	simm.s32 @!p2 $0x4F80  }
0x2f3: {  	[tilespmem:s29], [sflag:$0x3] =	stream.linear.gather @!p2 [hbm4b:s17+s19], $0x70, $0x38;
	[tilespmem:$0x1E9C0] =	vst v63  }
0x2f4: {  	s16 =	sadd.s32 @!p2 s26, s16;
	s17 =	simm.s32 @!p2 $0x5000  }
0x2f5: {  	[tilespmem:s17], [sflag:$0x3] =	stream.linear.gather @!p2 [hbm4b:s16+s19], $0x80, $0x38;
	[tilespmem:$0x1E9C0] =	vst v63  }
0x2f6: {  	s14 =	sadd.s32 @!p2 s26, s14;
	s16 =	simm.s32 @!p2 $0x5080  }
0x2f7: {  	[tilespmem:s16], [sflag:$0x3] =	stream.linear.gather @!p2 [hbm4b:s14+s19], $0x70, $0x38;
	[tilespmem:$0x1E9C0] =	vst v63  }
0x2f8: {  	v20 =	vld [tilespmem:$0x14600]  }
0x2f9: {  	v21 =	vld [tilespmem:$0x14500];
	_ =	sdelay $0x6  }
0x2fa: {  	v22 =	vld.idx.msk [tilespmem:v20+s2+$0x0], $0xffff  }
0x2fb: {  	v21 =	vld.idx.msk [tilespmem:v21+s8+$0x0], $0xffff;
	_ =	sdelay $0x4  }
0x2fc: {  	v21 =	vadd.f32 v21, v22;
	_ =	sdelay $0x1  }
0x2fd: {  	v22 =	vmul.f32 $2.000000030e-01, v21  }
0x2fe: {  	vm0 =	vgt.f32 v21, $0.0e+00  }
0x2ff: {  	v21 =	vsel vm0, v21, v22  }
0x300: {  	v21 =	vmul.f32 $1.442695020e+00, v21;
	_ =	sdelay $0x1  }
0x301: {  	(erf) = vpow2.f32 v21;
	_ =	sdelay $0x2  }
0x302: {  	v21 =	vld [tilespmem:$0x14610]  }
0x303: {  	v22 =	vld [tilespmem:$0x14510];
	_ =	sdelay $0x2  }
0x304: {  	v20 =	vsub.s32 v20, v60  }
0x305: {  	v20 =	vmin.u32 v20, $0x1400  }
0x306: {  	[tilespmem:$0x5100] =	vst v20;
	v23 =	vpop (erf)  }
0x307: {  	[tilespmem:$0x14200] =	vst v23  }
0x308: {  	v20 =	vld.idx.msk [tilespmem:v21+s2+$0x0], $0xffff  }
0x309: {  	v22 =	vld.idx.msk [tilespmem:v22+s8+$0x0], $0xffff;
	_ =	sdelay $0x4  }
0x30a: {  	v20 =	vadd.f32 v22, v20;
	_ =	sdelay $0x1  }
0x30b: {  	v22 =	vmul.f32 $2.000000030e-01, v20  }
0x30c: {  	vm14 =	vgt.f32 v20, $0.0e+00  }
0x30d: {  	v20 =	vsel vm14, v20, v22  }
0x30e: {  	v20 =	vmul.f32 $1.442695020e+00, v20;
	_ =	sdelay $0x1  }
0x30f: {  	(erf) = vpow2.f32 v20;
	_ =	sdelay $0x2  }
0x310: {  	v20 =	vld [tilespmem:$0x14620]  }
0x311: {  	v22 =	vld [tilespmem:$0x14520];
	_ =	sdelay $0x2  }
0x312: {  	v21 =	vsub.s32 v21, v60  }
0x313: {  	v21 =	vmin.u32 v21, $0x1400  }
0x314: {  	[tilespmem:$0x5110] =	vst v21;
	v23 =	vpop (erf)  }
0x315: {  	[tilespmem:$0x14210] =	vst v23  }
0x316: {  	v21 =	vld.idx.msk [tilespmem:v20+s2+$0x0], $0xffff  }
0x317: {  	v22 =	vld.idx.msk [tilespmem:v22+s8+$0x0], $0xffff;
	_ =	sdelay $0x4  }
0x318: {  	v21 =	vadd.f32 v22, v21;
	_ =	sdelay $0x1  }
0x319: {  	v22 =	vmul.f32 $2.000000030e-01, v21  }
0x31a: {  	vm15 =	vgt.f32 v21, $0.0e+00  }
0x31b: {  	v21 =	vsel vm15, v21, v22  }
0x31c: {  	v21 =	vmul.f32 $1.442695020e+00, v21;
	_ =	sdelay $0x1  }
0x31d: {  	(erf) = vpow2.f32 v21;
	_ =	sdelay $0x2  }
0x31e: {  	v21 =	vld [tilespmem:$0x14630]  }
0x31f: {  	v22 =	vld [tilespmem:$0x14530];
	_ =	sdelay $0x2  }
0x320: {  	v20 =	vsub.s32 v20, v60  }
0x321: {  	v20 =	vmin.u32 v20, $0x1400  }
0x322: {  	[tilespmem:$0x5120] =	vst v20;
	v23 =	vpop (erf)  }
0x323: {  	[tilespmem:$0x14220] =	vst v23  }
0x324: {  	v20 =	vld.idx.msk [tilespmem:v21+s2+$0x0], $0xffff  }
0x325: {  	v22 =	vld.idx.msk [tilespmem:v22+s8+$0x0], $0xffff;
	_ =	sdelay $0x4  }
0x326: {  	v20 =	vadd.f32 v22, v20;
	_ =	sdelay $0x1  }
0x327: {  	v22 =	vmul.f32 $2.000000030e-01, v20  }
0x328: {  	vm4 =	vgt.f32 v20, $0.0e+00  }
0x329: {  	v20 =	vsel vm4, v20, v22  }
0x32a: {  	v20 =	vmul.f32 $1.442695020e+00, v20;
	_ =	sdelay $0x1  }
0x32b: {  	(erf) = vpow2.f32 v20;
	_ =	sdelay $0x2  }
0x32c: {  	v20 =	vld [tilespmem:$0x14640]  }
0x32d: {  	v22 =	vld [tilespmem:$0x14540];
	_ =	sdelay $0x2  }
0x32e: {  	v21 =	vsub.s32 v21, v60  }
0x32f: {  	v21 =	vmin.u32 v21, $0x1400  }
0x330: {  	[tilespmem:$0x5130] =	vst v21;
	v23 =	vpop (erf)  }
0x331: {  	[tilespmem:$0x14230] =	vst v23  }
0x332: {  	v21 =	vld.idx.msk [tilespmem:v20+s2+$0x0], $0xffff  }
0x333: {  	v22 =	vld.idx.msk [tilespmem:v22+s8+$0x0], $0xffff;
	_ =	sdelay $0x4  }
0x334: {  	v21 =	vadd.f32 v22, v21;
	_ =	sdelay $0x1  }
0x335: {  	v22 =	vmul.f32 $2.000000030e-01, v21  }
0x336: {  	vm5 =	vgt.f32 v21, $0.0e+00  }
0x337: {  	v21 =	vsel vm5, v21, v22  }
0x338: {  	v21 =	vmul.f32 $1.442695020e+00, v21;
	_ =	sdelay $0x1  }
0x339: {  	(erf) = vpow2.f32 v21;
	_ =	sdelay $0x2  }
0x33a: {  	v21 =	vld [tilespmem:$0x14650]  }
0x33b: {  	v22 =	vld [tilespmem:$0x14550];
	_ =	sdelay $0x2  }
0x33c: {  	v20 =	vsub.s32 v20, v60  }
0x33d: {  	v20 =	vmin.u32 v20, $0x1400  }
0x33e: {  	[tilespmem:$0x5140] =	vst v20;
	v23 =	vpop (erf)  }
0x33f: {  	[tilespmem:$0x14240] =	vst v23  }
0x340: {  	v20 =	vld.idx.msk [tilespmem:v21+s2+$0x0], $0xffff  }
0x341: {  	v22 =	vld.idx.msk [tilespmem:v22+s8+$0x0], $0xffff;
	_ =	sdelay $0x4  }
0x342: {  	v20 =	vadd.f32 v22, v20;
	_ =	sdelay $0x1  }
0x343: {  	v22 =	vmul.f32 $2.000000030e-01, v20  }
0x344: {  	vm6 =	vgt.f32 v20, $0.0e+00  }
0x345: {  	v20 =	vsel vm6, v20, v22  }
0x346: {  	v20 =	vmul.f32 $1.442695020e+00, v20;
	_ =	sdelay $0x1  }
0x347: {  	(erf) = vpow2.f32 v20;
	_ =	sdelay $0x2  }
0x348: {  	v20 =	vld [tilespmem:$0x14660]  }
0x349: {  	v22 =	vld [tilespmem:$0x14560];
	_ =	sdelay $0x2  }
0x34a: {  	v21 =	vsub.s32 v21, v60  }
0x34b: {  	v21 =	vmin.u32 v21, $0x1400  }
0x34c: {  	[tilespmem:$0x5150] =	vst v21;
	v23 =	vpop (erf)  }
0x34d: {  	[tilespmem:$0x14250] =	vst v23  }
0x34e: {  	v21 =	vld.idx.msk [tilespmem:v20+s2+$0x0], $0xffff  }
0x34f: {  	v22 =	vld.idx.msk [tilespmem:v22+s8+$0x0], $0xffff;
	_ =	sdelay $0x4  }
0x350: {  	v21 =	vadd.f32 v22, v21;
	_ =	sdelay $0x1  }
0x351: {  	v22 =	vmul.f32 $2.000000030e-01, v21  }
0x352: {  	vm7 =	vgt.f32 v21, $0.0e+00  }
0x353: {  	v21 =	vsel vm7, v21, v22  }
0x354: {  	v21 =	vmul.f32 $1.442695020e+00, v21;
	_ =	sdelay $0x1  }
0x355: {  	(erf) = vpow2.f32 v21;
	_ =	sdelay $0x2  }
0x356: {  	v21 =	vld [tilespmem:$0x14670]  }
0x357: {  	v22 =	vld [tilespmem:$0x14570];
	_ =	sdelay $0x2  }
0x358: {  	v20 =	vsub.s32 v20, v60  }
0x359: {  	v20 =	vmin.u32 v20, $0x1400  }
0x35a: {  	[tilespmem:$0x5160] =	vst v20;
	v23 =	vpop (erf)  }
0x35b: {  	[tilespmem:$0x14260] =	vst v23  }
0x35c: {  	v20 =	vld.idx.msk [tilespmem:v21+s2+$0x0], $0xffff  }
0x35d: {  	v22 =	vld.idx.msk [tilespmem:v22+s8+$0x0], $0xffff;
	_ =	sdelay $0x4  }
0x35e: {  	v20 =	vadd.f32 v22, v20;
	_ =	sdelay $0x1  }
0x35f: {  	v22 =	vmul.f32 $2.000000030e-01, v20  }
0x360: {  	vm8 =	vgt.f32 v20, $0.0e+00  }
0x361: {  	v20 =	vsel vm8, v20, v22  }
0x362: {  	v20 =	vmul.f32 $1.442695020e+00, v20;
	_ =	sdelay $0x1  }
0x363: {  	(erf) = vpow2.f32 v20;
	_ =	sdelay $0x2  }
0x364: {  	v20 =	vld [tilespmem:$0x14680]  }
0x365: {  	v22 =	vld [tilespmem:$0x14580];
	_ =	sdelay $0x2  }
0x366: {  	v21 =	vsub.s32 v21, v60  }
0x367: {  	v21 =	vmin.u32 v21, $0x1400  }
0x368: {  	[tilespmem:$0x5170] =	vst v21;
	v23 =	vpop (erf)  }
0x369: {  	[tilespmem:$0x14270] =	vst v23  }
0x36a: {  	v21 =	vld.idx.msk [tilespmem:v20+s2+$0x0], $0xffff  }
0x36b: {  	v22 =	vld.idx.msk [tilespmem:v22+s8+$0x0], $0xffff;
	_ =	sdelay $0x4  }
0x36c: {  	v21 =	vadd.f32 v22, v21;
	_ =	sdelay $0x1  }
0x36d: {  	v22 =	vmul.f32 $2.000000030e-01, v21  }
0x36e: {  	vm9 =	vgt.f32 v21, $0.0e+00  }
0x36f: {  	v21 =	vsel vm9, v21, v22  }
0x370: {  	v21 =	vmul.f32 $1.442695020e+00, v21;
	_ =	sdelay $0x1  }
0x371: {  	(erf) = vpow2.f32 v21;
	_ =	sdelay $0x2  }
0x372: {  	v21 =	vld [tilespmem:$0x14690]  }
0x373: {  	v22 =	vld [tilespmem:$0x14590];
	_ =	sdelay $0x2  }
0x374: {  	v20 =	vsub.s32 v20, v60  }
0x375: {  	v20 =	vmin.u32 v20, $0x1400  }
0x376: {  	[tilespmem:$0x5180] =	vst v20;
	v23 =	vpop (erf)  }
0x377: {  	[tilespmem:$0x14280] =	vst v23  }
0x378: {  	v20 =	vld.idx.msk [tilespmem:v21+s2+$0x0], $0xffff  }
0x379: {  	v22 =	vld.idx.msk [tilespmem:v22+s8+$0x0], $0xffff;
	_ =	sdelay $0x4  }
0x37a: {  	v20 =	vadd.f32 v22, v20;
	_ =	sdelay $0x1  }
0x37b: {  	v22 =	vmul.f32 $2.000000030e-01, v20  }
0x37c: {  	vm10 =	vgt.f32 v20, $0.0e+00  }
0x37d: {  	v20 =	vsel vm10, v20, v22  }
0x37e: {  	v20 =	vmul.f32 $1.442695020e+00, v20;
	_ =	sdelay $0x1  }
0x37f: {  	(erf) = vpow2.f32 v20;
	_ =	sdelay $0x2  }
0x380: {  	v20 =	vld [tilespmem:$0x146A0]  }
0x381: {  	v22 =	vld [tilespmem:$0x145A0];
	_ =	sdelay $0x2  }
0x382: {  	v21 =	vsub.s32 v21, v60  }
0x383: {  	v21 =	vmin.u32 v21, $0x1400  }
0x384: {  	[tilespmem:$0x5190] =	vst v21;
	v23 =	vpop (erf)  }
0x385: {  	[tilespmem:$0x14290] =	vst v23  }
0x386: {  	v21 =	vld.idx.msk [tilespmem:v20+s2+$0x0], $0xffff  }
0x387: {  	v22 =	vld.idx.msk [tilespmem:v22+s8+$0x0], $0xffff;
	_ =	sdelay $0x4  }
0x388: {  	v21 =	vadd.f32 v22, v21;
	_ =	sdelay $0x1  }
0x389: {  	v22 =	vmul.f32 $2.000000030e-01, v21  }
0x38a: {  	vm11 =	vgt.f32 v21, $0.0e+00  }
0x38b: {  	v21 =	vsel vm11, v21, v22  }
0x38c: {  	v21 =	vmul.f32 $1.442695020e+00, v21;
	_ =	sdelay $0x1  }
0x38d: {  	(erf) = vpow2.f32 v21;
	_ =	sdelay $0x2  }
0x38e: {  	v21 =	vld [tilespmem:$0x146B0]  }
0x38f: {  	v22 =	vld [tilespmem:$0x145B0];
	_ =	sdelay $0x2  }
0x390: {  	v20 =	vsub.s32 v20, v60  }
0x391: {  	v20 =	vmin.u32 v20, $0x1400  }
0x392: {  	[tilespmem:$0x51A0] =	vst v20;
	v23 =	vpop (erf)  }
0x393: {  	[tilespmem:$0x142A0] =	vst v23  }
0x394: {  	v20 =	vld.idx.msk [tilespmem:v21+s2+$0x0], $0xffff  }
0x395: {  	v22 =	vld.idx.msk [tilespmem:v22+s8+$0x0], $0xffff;
	_ =	sdelay $0x4  }
0x396: {  	v20 =	vadd.f32 v22, v20;
	_ =	sdelay $0x1  }
0x397: {  	v22 =	vmul.f32 $2.000000030e-01, v20  }
0x398: {  	vm12 =	vgt.f32 v20, $0.0e+00  }
0x399: {  	v20 =	vsel vm12, v20, v22  }
0x39a: {  	v20 =	vmul.f32 $1.442695020e+00, v20;
	_ =	sdelay $0x1  }
0x39b: {  	(erf) = vpow2.f32 v20;
	_ =	sdelay $0x2  }
0x39c: {  	v20 =	vld [tilespmem:$0x146C0]  }
0x39d: {  	v22 =	vld [tilespmem:$0x145C0];
	_ =	sdelay $0x2  }
0x39e: {  	v21 =	vsub.s32 v21, v60  }
0x39f: {  	v21 =	vmin.u32 v21, $0x1400  }
0x3a0: {  	[tilespmem:$0x51B0] =	vst v21;
	v23 =	vpop (erf)  }
0x3a1: {  	[tilespmem:$0x142B0] =	vst v23  }
0x3a2: {  	v21 =	vld.idx.msk [tilespmem:v20+s2+$0x0], $0xffff  }
0x3a3: {  	v22 =	vld.idx.msk [tilespmem:v22+s8+$0x0], $0xffff;
	_ =	sdelay $0x4  }
0x3a4: {  	v21 =	vadd.f32 v22, v21;
	_ =	sdelay $0x1  }
0x3a5: {  	v22 =	vmul.f32 $2.000000030e-01, v21  }
0x3a6: {  	vm13 =	vgt.f32 v21, $0.0e+00  }
0x3a7: {  	v21 =	vsel vm13, v21, v22  }
0x3a8: {  	v21 =	vmul.f32 $1.442695020e+00, v21;
	_ =	sdelay $0x1  }
0x3a9: {  	(erf) = vpow2.f32 v21;
	_ =	sdelay $0x2  }
0x3aa: {  	v21 =	vld [tilespmem:$0x146D0]  }
0x3ab: {  	v22 =	vld [tilespmem:$0x145D0];
	_ =	sdelay $0x2  }
0x3ac: {  	v20 =	vsub.s32 v20, v60  }
0x3ad: {  	v20 =	vmin.u32 v20, $0x1400  }
0x3ae: {  	[tilespmem:$0x51C0] =	vst v20;
	v23 =	vpop (erf)  }
0x3af: {  	[tilespmem:$0x142C0] =	vst v23  }
0x3b0: {  	v20 =	vld.idx.msk [tilespmem:v21+s2+$0x0], $0xffff  }
0x3b1: {  	v22 =	vld.idx.msk [tilespmem:v22+s8+$0x0], $0xffff;
	_ =	sdelay $0x4  }
0x3b2: {  	v20 =	vadd.f32 v22, v20;
	_ =	sdelay $0x1  }
0x3b3: {  	v22 =	vmul.f32 $2.000000030e-01, v20  }
0x3b4: {  	vm14 =	vgt.f32 v20, $0.0e+00  }
0x3b5: {  	v20 =	vsel vm14, v20, v22  }
0x3b6: {  	v20 =	vmul.f32 $1.442695020e+00, v20;
	_ =	sdelay $0x1  }
0x3b7: {  	(erf) = vpow2.f32 v20;
	_ =	sdelay $0x2  }
0x3b8: {  	v20 =	vld [tilespmem:$0x146E0]  }
0x3b9: {  	v22 =	vld [tilespmem:$0x145E0];
	_ =	sdelay $0x2  }
0x3ba: {  	v21 =	vsub.s32 v21, v60  }
0x3bb: {  	v21 =	vmin.u32 v21, $0x1400  }
0x3bc: {  	[tilespmem:$0x51D0] =	vst v21;
	v23 =	vpop (erf)  }
0x3bd: {  	[tilespmem:$0x142D0] =	vst v23  }
0x3be: {  	v21 =	vld.idx.msk [tilespmem:v20+s2+$0x0], $0xffff  }
0x3bf: {  	v22 =	vld.idx.msk [tilespmem:v22+s8+$0x0], $0xffff;
	_ =	sdelay $0x4  }
0x3c0: {  	v21 =	vadd.f32 v22, v21;
	_ =	sdelay $0x1  }
0x3c1: {  	v22 =	vmul.f32 $2.000000030e-01, v21  }
0x3c2: {  	vm15 =	vgt.f32 v21, $0.0e+00  }
0x3c3: {  	v21 =	vsel vm15, v21, v22  }
0x3c4: {  	v21 =	vmul.f32 $1.442695020e+00, v21;
	_ =	sdelay $0x1  }
0x3c5: {  	(erf) = vpow2.f32 v21;
	_ =	sdelay $0x6  }
0x3c6: {  	v20 =	vsub.s32 v20, v60  }
0x3c7: {  	v20 =	vmin.u32 v20, $0x1400  }
0x3c8: {  	[tilespmem:$0x51E0] =	vst v20;
	v21 =	vpop (erf)  }
0x3c9: {  	[tilespmem:$0x142E0] =	vst v21  }
0x3ca: {  	_ =	swait.ge [sflag:s4], $0x4000  }
0x3cb: {  	[sflag:s4] =	ssyncset.done $0x0  }
0x3cc: {  	p3 =	sgt.u32 s10, $0x2AF;
	[sflag:s4] =	ssyncadd.s32 $0xFFFFC000  }
0x3cd: {  	s17 =	simm.s32 $0x0;
	p2 =	por !p3, !p3;
	_ =	swait.ge [sflag:s4], $0x3800  }
0x3ce: {  	s19 =	simm.s32 $0x1;
	p2 =	por @!p1 p3, p3;
	v20 =	vmov s17;
	[sflag:s4] =	ssyncset.done $0x0  }
0x3cf: {  	s30 =	simm.s32 $0x2;
	s14 =	smul.u32 @p2 $0xF00, s9;
	v20 =	vand.u32 $0xFFFFFFFC, v20;
	v21 =	vmov s19;
	[sflag:s4] =	ssyncadd.s32 $0xFFFFC800  }
0x3d0: {  	s16 =	simm.s32 @p2 $0x5200;
	v20 =	vbroadcast v20, $0x0;
	v22 =	vmov s30;
	v21 =	vand.u32 $0xFFFFFFFD, v21;
	s10 =	rddreg [dreg:$0x3]  }
0x3d1: {  	s9 =	smul.u32 @p2 $0x1E, s9;
	v22 =	vand.u32 $0xFFFFFFFE, v22;
	v21 =	vbroadcast v21, $0x0;
	s10 =	sadd.s32 @p2 s10, s14;
	s14 =	simm.s32 @p2 $0x0  }
0x3d2: {  	v22 =	vbroadcast v22, $0x0;
	[hbm4b:s10+s14] =	stream.linear.scatter @p2 [tilespmem:s16], [sflag:$0x2], $0x7800, $0x38;
	[tilespmem:$0x1E9C0] =	vst v63  }
0x3d3: {  	s10 =	rddreg [dreg:$0x4]  }
0x3d4: {  	s9 =	sadd.s32 @p2 s10, s9;
	s10 =	simm.s32 @p2 $0x14200  }
0x3d5: {  	[hbm4b:s9+s14] =	stream.linear.scatter @p2 [tilespmem:s10], [sflag:$0x2], $0xF0, $0x38;
	[tilespmem:$0x1E9C0] =	vst v63  }
0x3d6: {  	v23 =	vld.idx.msk [tilespmem:v20+s13+$0x0], $0xffff  }
0x3d7: {  	v24 =	vld.idx.msk [tilespmem:v21+s13+$0x0], $0xffff  }
0x3d8: {  	s16 =	simm.s32 $0x3;
	s14 =	simm.s32 $0x5300;
	v25 =	vld.idx.msk [tilespmem:v22+s13+$0x0], $0xffff  }
0x3d9: {  	v20 =	vmov s16;
	v21 =	vld [tilespmem:s14+$0x0]  }
0x3da: {  	v26 =	vld [tilespmem:s14+$0xFFFFFF00]  }
0x3db: {  	v27 =	vld [tilespmem:s14+$0xFFFFFF80];
	_ =	sdelay $0x2  }
0x3dc: {  	v22 =	vld.idx.msk [tilespmem:v20+s13+$0x0], $0xffff;
	v21 =	vmul.f32 v21, v25  }
0x3dd: {  	s10 =	simm.s32 $0xCB00;
	v20 =	vld [tilespmem:s14+$0x80];
	v26 =	vmul.f32 v26, v23  }
0x3de: {  	v27 =	vmul.f32 v27, v24;
	[tilespmem:s10+$0x0] =	vst v21  }
0x3df: {  	[tilespmem:s10+$0xFFFFFF00] =	vst v26;
	v21 =	vld [tilespmem:s14+$0x10]  }
0x3e0: {  	[tilespmem:s10+$0xFFFFFF80] =	vst v27;
	v26 =	vld [tilespmem:s14+$0xFFFFFF10]  }
0x3e1: {  	v27 =	vld [tilespmem:s14+$0xFFFFFF90]  }
0x3e2: {  	v20 =	vmul.f32 v20, v22;
	_ =	sdelay $0x1  }
0x3e3: {  	[tilespmem:s10+$0x80] =	vst v20;
	v21 =	vmul.f32 v21, v25  }
0x3e4: {  	v20 =	vld [tilespmem:s14+$0x90];
	v26 =	vmul.f32 v26, v23  }
0x3e5: {  	v27 =	vmul.f32 v27, v24;
	[tilespmem:s10+$0x10] =	vst v21  }
0x3e6: {  	[tilespmem:s10+$0xFFFFFF10] =	vst v26;
	v21 =	vld [tilespmem:s14+$0x20]  }
0x3e7: {  	[tilespmem:s10+$0xFFFFFF90] =	vst v27;
	v26 =	vld [tilespmem:s14+$0xFFFFFF20]  }
0x3e8: {  	v27 =	vld [tilespmem:s14+$0xFFFFFFA0]  }
0x3e9: {  	v20 =	vmul.f32 v20, v22  }
0x3ea: {  	s17 =	simm.s32 $0x4  }
0x3eb: {  	v28 =	vmov s17;
	[tilespmem:s10+$0x90] =	vst v20;
	v21 =	vmul.f32 v21, v25  }
0x3ec: {  	v28 =	vand.u32 $0xFFFFFFFC, v28;
	s19 =	simm.s32 $0x5;
	v20 =	vld [tilespmem:s14+$0xA0];
	v26 =	vmul.f32 v26, v23  }
0x3ed: {  	v28 =	vbroadcast v28, $0x0;
	v29 =	vmov s19;
	v27 =	vmul.f32 v27, v24;
	[tilespmem:s10+$0x20] =	vst v21  }
0x3ee: {  	s30 =	simm.s32 $0x7;
	v29 =	vand.u32 $0xFFFFFFFD, v29;
	[tilespmem:s10+$0xFFFFFF20] =	vst v26  }
0x3ef: {  	v29 =	vbroadcast v29, $0x0;
	v21 =	vmov s30;
	[tilespmem:s10+$0xFFFFFFA0] =	vst v27;
	v26 =	vld [tilespmem:s14+$0x30]  }
0x3f0: {  	v27 =	vld [tilespmem:s14+$0xFFFFFFB0]  }
0x3f1: {  	v20 =	vmul.f32 v20, v22  }
0x3f2: {  	s16 =	simm.s32 $0x6;
	v30 =	vld [tilespmem:s14+$0xFFFFFF30]  }
0x3f3: {  	v63 =	vld.idx.msk [tilespmem:v28+s13+$0x0], $0xffff;
	[tilespmem:s10+$0xA0] =	vst v20;
	v20 =	vmov s16  }
0x3f4: {  	v62 =	vld.idx.msk [tilespmem:v21+s13+$0x0], $0xffff;
	v20 =	vand.u32 $0xFFFFFFFE, v20;
	v26 =	vmul.f32 v26, v25  }
0x3f5: {  	v21 =	vld.idx.msk [tilespmem:v29+s13+$0x0], $0xffff;
	v27 =	vmul.f32 v27, v24;
	v20 =	vbroadcast v20, $0x0  }
0x3f6: {  	v31 =	vld [tilespmem:s14+$0xB0];
	[tilespmem:s10+$0x30] =	vst v26  }
0x3f7: {  	v28 =	vmul.f32 v30, v23;
	[tilespmem:s10+$0xFFFFFFB0] =	vst v27;
	v26 =	vld [tilespmem:s14+$0x40]  }
0x3f8: {  	s9 =	simm.s32 $0x5500;
	v27 =	vld [tilespmem:s14+$0xFFFFFFC0]  }
0x3f9: {  	v29 =	vld [tilespmem:s9+$0x0];
	[tilespmem:s10+$0xFFFFFF30] =	vst v28  }
0x3fa: {  	v28 =	vld [tilespmem:s14+$0xFFFFFF40]  }
0x3fb: {  	v31 =	vmul.f32 v31, v22;
	v20 =	vld.idx.msk [tilespmem:v20+s13+$0x0], $0xffff  }
0x3fc: {  	v30 =	vld [tilespmem:s9+$0xFFFFFF00];
	v26 =	vmul.f32 v26, v25  }
0x3fd: {  	v33 =	vld [tilespmem:s9+$0x80];
	[tilespmem:s10+$0xB0] =	vst v31;
	v27 =	vmul.f32 v27, v24  }
0x3fe: {  	v32 =	vld [tilespmem:s9+$0xFFFFFF80];
	[tilespmem:s10+$0x40] =	vst v26  }
0x3ff: {  	v26 =	vmul.f32 v28, v23;
	[tilespmem:s10+$0xFFFFFFC0] =	vst v27;
	v27 =	vld [tilespmem:s14+$0xC0]  }
0x400: {  	v28 =	vld [tilespmem:s14+$0x50];
	v29 =	vmul.f32 v29, v20  }
0x401: {  	s29 =	simm.s32 $0xCD00;
	[tilespmem:s10+$0xFFFFFF40] =	vst v26;
	v26 =	vmul.f32 v30, v63;
	v30 =	vld [tilespmem:s14+$0xFFFFFFD0]  }
0x402: {  	v37 =	vmul.f32 v33, v62;
	[tilespmem:s29+$0x0] =	vst v29;
	v29 =	vld [tilespmem:s14+$0xFFFFFF50]  }
0x403: {  	v31 =	vmul.f32 v32, v21;
	[tilespmem:s29+$0xFFFFFF00] =	vst v26;
	v26 =	vld [tilespmem:s9+$0x10]  }
0x404: {  	[tilespmem:s29+$0x80] =	vst v37;
	v38 =	vld [tilespmem:s9+$0xFFFFFF10];
	v27 =	vmul.f32 v27, v22  }
0x405: {  	v32 =	vld [tilespmem:s9+$0x90];
	[tilespmem:s29+$0xFFFFFF80] =	vst v31;
	v28 =	vmul.f32 v28, v25  }
0x406: {  	v31 =	vld [tilespmem:s9+$0xFFFFFF90];
	v30 =	vmul.f32 v30, v24;
	[tilespmem:s10+$0xC0] =	vst v27  }
0x407: {  	[tilespmem:s10+$0x50] =	vst v28;
	v27 =	vld [tilespmem:s14+$0xD0];
	v28 =	vmul.f32 v29, v23  }
0x408: {  	v29 =	vld [tilespmem:s14+$0x60];
	[tilespmem:s10+$0xFFFFFFD0] =	vst v30;
	v26 =	vmul.f32 v26, v20  }
0x409: {  	v30 =	vmul.f32 v38, v63;
	[tilespmem:s10+$0xFFFFFF50] =	vst v28;
	v28 =	vld [tilespmem:s14+$0xFFFFFFE0]  }
0x40a: {  	v32 =	vmul.f32 v32, v62;
	[tilespmem:s29+$0x10] =	vst v26;
	v26 =	vld [tilespmem:s14+$0xFFFFFF60]  }
0x40b: {  	v31 =	vmul.f32 v31, v21;
	[tilespmem:s29+$0xFFFFFF10] =	vst v30;
	v30 =	vld [tilespmem:s9+$0x20]  }
0x40c: {  	[tilespmem:s29+$0x90] =	vst v32;
	v33 =	vld [tilespmem:s9+$0xFFFFFF20];
	v27 =	vmul.f32 v27, v22  }
0x40d: {  	[tilespmem:s29+$0xFFFFFF90] =	vst v31;
	v29 =	vmul.f32 v29, v25  }
0x40e: {  	v34 =	vld [tilespmem:s9+$0xFFFFFFA0];
	[tilespmem:s10+$0xD0] =	vst v27;
	v28 =	vmul.f32 v28, v24  }
0x40f: {  	v35 =	vld [tilespmem:s9+$0xA0];
	[tilespmem:s10+$0x60] =	vst v29;
	v26 =	vmul.f32 v26, v23  }
0x410: {  	v36 =	vld [tilespmem:s14+$0x70];
	v27 =	vmul.f32 v30, v20;
	[tilespmem:s10+$0xFFFFFFE0] =	vst v28  }
0x411: {  	s17 =	simm.s32 $0x8;
	s19 =	simm.s32 $0x9;
	v37 =	vld [tilespmem:s14+$0xE0];
	v28 =	vmul.f32 v33, v63;
	[tilespmem:s10+$0xFFFFFF60] =	vst v26  }
0x412: {  	s30 =	simm.s32 $0xB;
	v29 =	vmov s19;
	v31 =	vld [tilespmem:s14+$0xFFFFFFF0];
	v26 =	vmov s17;
	[tilespmem:s29+$0x20] =	vst v27  }
0x413: {  	v30 =	vmul.f32 v34, v21;
	v32 =	vld [tilespmem:s14+$0xFFFFFF70];
	v26 =	vand.u32 $0xFFFFFFFC, v26;
	[tilespmem:s29+$0xFFFFFF20] =	vst v28;
	v28 =	vmov s30  }
0x414: {  	v39 =	vmul.f32 v35, v62;
	v27 =	vand.u32 $0xFFFFFFFD, v29;
	v33 =	vld [tilespmem:s9+$0x30];
	v26 =	vbroadcast v26, $0x0  }
0x415: {  	[tilespmem:s29+$0xFFFFFFA0] =	vst v30;
	v27 =	vbroadcast v27, $0x0;
	v29 =	vld [tilespmem:s9+$0xFFFFFF30];
	v35 =	vmul.f32 v36, v25  }
0x416: {  	s16 =	simm.s32 $0xA;
	[tilespmem:s29+$0xA0] =	vst v39;
	s19 =	simm.s32 $0xC;
	v30 =	vld [tilespmem:s9+$0xFFFFFFB0];
	v34 =	vmul.f32 v37, v22  }
.LBB2_10:
0x417: {  	p3 =	slt.u32 s19, $0xEC;
	v25 =	vmov s16;
	v36 =	vld [tilespmem:s9+$0xB0];
	v31 =	vmul.f32 v31, v24;
	[tilespmem:s10+$0x70] =	vst v35;
	v24 =	vmov v21  }
0x418: {  	v21 =	vand.u32 $0xFFFFFFFE, v25;
	v25 =	vld.idx.msk [tilespmem:v28+s13+$0x0], $0xffff;
	v28 =	vmul.f32 v32, v23;
	[tilespmem:s10+$0xE0] =	vst v34;
	v23 =	vmov v63  }
0x419: {  	v32 =	vbroadcast v21, $0x0;
	v33 =	vmul.f32 v33, v20;
	[tilespmem:s10+$0xFFFFFFF0] =	vst v31;
	v31 =	vld [tilespmem:s14+$0xF0];
	s14 =	smov.u32 s9  }
0x41a: {  	v63 =	vld.idx.msk [tilespmem:v26+s13+$0x0], $0xffff;
	v26 =	vmul.f32 v29, v23;
	[tilespmem:s10+$0xFFFFFF70] =	vst v28  }
0x41b: {  	v21 =	vld.idx.msk [tilespmem:v27+s13+$0x0], $0xffff;
	v27 =	vmul.f32 v30, v24;
	[tilespmem:s29+$0x30] =	vst v33  }
0x41c: {  	[tilespmem:s29+$0xFFFFFF30] =	vst v26;
	v26 =	vld [tilespmem:s9+$0x40];
	v28 =	vmul.f32 v36, v62  }
0x41d: {  	v29 =	vld [tilespmem:s9+$0xFFFFFF40];
	[tilespmem:s29+$0xFFFFFFB0] =	vst v27  }
0x41e: {  	v27 =	vld [tilespmem:s9+$0xFFFFFFC0];
	[tilespmem:s29+$0xB0] =	vst v28;
	v28 =	vmul.f32 v31, v22;
	v22 =	vmov v62;
	v62 =	vmov v25  }
0x41f: {  	s9 =	sadd.s32 $0x200, s9;
	v25 =	vld.idx.msk [tilespmem:v32+s13+$0x0], $0xffff  }
0x420: {  	v30 =	vld [tilespmem:s9+$0x0];
	[tilespmem:s10+$0xF0] =	vst v28;
	s10 =	smov.u32 s29  }
0x421: {  	v28 =	vld [tilespmem:s9+$0xFFFFFF00];
	v26 =	vmul.f32 v26, v20  }
0x422: {  	v31 =	vld [tilespmem:s9+$0xFFFFFF80];
	v29 =	vmul.f32 v29, v23  }
0x423: {  	v32 =	vld [tilespmem:s9+$0x80];
	v27 =	vmul.f32 v27, v24;
	[tilespmem:s29+$0x40] =	vst v26  }
0x424: {  	[tilespmem:s29+$0xFFFFFF40] =	vst v29;
	v26 =	vld [tilespmem:s14+$0x50]  }
0x425: {  	v29 =	vmul.f32 v30, v25;
	[tilespmem:s29+$0xFFFFFFC0] =	vst v27;
	v27 =	vld [tilespmem:s14+$0xC0]  }
0x426: {  	s29 =	sadd.s32 $0x200, s29;
	v28 =	vmul.f32 v28, v63;
	v30 =	vld [tilespmem:s14+$0xFFFFFFD0]  }
0x427: {  	v31 =	vmul.f32 v31, v21;
	[tilespmem:s29+$0x0] =	vst v29;
	v29 =	vld [tilespmem:s14+$0xFFFFFF50]  }
0x428: {  	[tilespmem:s29+$0xFFFFFF00] =	vst v28;
	v28 =	vld [tilespmem:s9+$0x10];
	v32 =	vmul.f32 v32, v62  }
0x429: {  	v33 =	vld [tilespmem:s9+$0xFFFFFF10];
	[tilespmem:s29+$0xFFFFFF80] =	vst v31;
	v26 =	vmul.f32 v26, v20  }
0x42a: {  	v31 =	vld [tilespmem:s9+$0xFFFFFF90];
	[tilespmem:s29+$0x80] =	vst v32;
	v27 =	vmul.f32 v27, v22  }
0x42b: {  	v32 =	vld [tilespmem:s9+$0x90];
	v30 =	vmul.f32 v30, v24;
	[tilespmem:s10+$0x50] =	vst v26  }
0x42c: {  	v26 =	vmul.f32 v29, v23;
	v29 =	vld [tilespmem:s14+$0x60];
	[tilespmem:s10+$0xC0] =	vst v27  }
0x42d: {  	v27 =	vmul.f32 v28, v25;
	[tilespmem:s10+$0xFFFFFFD0] =	vst v30;
	v28 =	vld [tilespmem:s14+$0xD0]  }
0x42e: {  	v30 =	vmul.f32 v33, v63;
	[tilespmem:s10+$0xFFFFFF50] =	vst v26;
	v26 =	vld [tilespmem:s14+$0xFFFFFFE0]  }
0x42f: {  	v31 =	vmul.f32 v31, v21;
	[tilespmem:s29+$0x10] =	vst v27;
	v27 =	vld [tilespmem:s14+$0xFFFFFF60]  }
0x430: {  	[tilespmem:s29+$0xFFFFFF10] =	vst v30;
	v30 =	vld [tilespmem:s9+$0x20];
	v32 =	vmul.f32 v32, v62  }
0x431: {  	v33 =	vld [tilespmem:s9+$0xFFFFFF20];
	[tilespmem:s29+$0xFFFFFF90] =	vst v31;
	v29 =	vmul.f32 v29, v20  }
0x432: {  	v34 =	vld [tilespmem:s9+$0xFFFFFFA0];
	[tilespmem:s29+$0x90] =	vst v32;
	v28 =	vmul.f32 v28, v22  }
0x433: {  	v35 =	vld [tilespmem:s9+$0xA0];
	v26 =	vmul.f32 v26, v24;
	[tilespmem:s10+$0x60] =	vst v29  }
0x434: {  	v27 =	vmul.f32 v27, v23;
	v36 =	vld [tilespmem:s14+$0x70];
	[tilespmem:s10+$0xD0] =	vst v28  }
0x435: {  	s16 =	sadd.s32 $0x3, s19;
	v29 =	vmul.f32 v30, v25;
	[tilespmem:s10+$0xFFFFFFE0] =	vst v26;
	v37 =	vld [tilespmem:s14+$0xE0]  }
.Ltmp8:
0x436: {  	s17 =	sadd.s32 $0x1, s19;
	v28 =	vmov s16;
	v26 =	vmov s19;
	v30 =	vmul.f32 v33, v63;
	[tilespmem:s10+$0xFFFFFF60] =	vst v27;
	v31 =	vld [tilespmem:s14+$0xFFFFFFF0];
	(pc) =	sbr.rel @p3 .LBB2_10-.Ltmp8, $4  }
0x437: {  	v26 =	vand.u32 $0xFFFFFFFC, v26;
	v27 =	vmov s17;
	v34 =	vmul.f32 v34, v21;
	[tilespmem:s29+$0x20] =	vst v29;
	v32 =	vld [tilespmem:s14+$0xFFFFFF70]  }
0x438: {  	v26 =	vbroadcast v26, $0x0;
	v27 =	vand.u32 $0xFFFFFFFD, v27;
	[tilespmem:s29+$0xFFFFFF20] =	vst v30;
	v33 =	vld [tilespmem:s9+$0x30];
	v38 =	vmul.f32 v35, v62  }
0x439: {  	v27 =	vbroadcast v27, $0x0;
	v29 =	vld [tilespmem:s9+$0xFFFFFF30];
	[tilespmem:s29+$0xFFFFFFA0] =	vst v34;
	v35 =	vmul.f32 v36, v20;
	v20 =	vmov v25  }
0x43a: {  	s16 =	sadd.s32 $0x2, s19;
	s19 =	sadd.s32 $0x4, s19;
	v30 =	vld [tilespmem:s9+$0xFFFFFFB0];
	[tilespmem:s29+$0xA0] =	vst v38;
	v34 =	vmul.f32 v37, v22  }
0x43b: {  	v25 =	vmov s16  }
0x43c: {  	v25 =	vand.u32 $0xFFFFFFFE, v25  }
0x43d: {  	v36 =	vbroadcast v25, $0x0;
	_ =	sdelay $0x1  }
0x43e: {  	v27 =	vld.idx.msk [tilespmem:v27+s13+$0x0], $0xffff;
	s30 =	sadd.s32 $0x200, s9  }
0x43f: {  	v37 =	vld [tilespmem:s30+$0xFFFFFF80]  }
0x440: {  	v39 =	vld [tilespmem:s30+$0x80]  }
0x441: {  	v25 =	vld.idx.msk [tilespmem:v28+s13+$0x0], $0xffff  }
0x442: {  	v28 =	vld.idx.msk [tilespmem:v36+s13+$0x0], $0xffff  }
0x443: {  	v36 =	vld [tilespmem:s30+$0x0]  }
0x444: {  	v26 =	vld.idx.msk [tilespmem:v26+s13+$0x0], $0xffff  }
0x445: {  	v38 =	vld [tilespmem:s30+$0xFFFFFF00]  }
0x446: {  	v37 =	vmul.f32 v37, v27  }
0x447: {  	s19 =	sadd.s32 $0x200, s29;
	v39 =	vmul.f32 v39, v25  }
0x448: {  	[tilespmem:s19+$0xFFFFFF80] =	vst v37;
	v36 =	vmul.f32 v36, v28  }
0x449: {  	v37 =	vld [tilespmem:s30+$0xFFFFFF90];
	[tilespmem:s19+$0x80] =	vst v39  }
0x44a: {  	v38 =	vmul.f32 v38, v26;
	v39 =	vld [tilespmem:s30+$0x90];
	[tilespmem:s19+$0x0] =	vst v36  }
0x44b: {  	v36 =	vld [tilespmem:s30+$0x10]  }
0x44c: {  	[tilespmem:s19+$0xFFFFFF00] =	vst v38  }
0x44d: {  	v38 =	vld [tilespmem:s30+$0xFFFFFF10];
	_ =	sdelay $0x1  }
0x44e: {  	[tilespmem:s10+$0x70] =	vst v35;
	v35 =	vmul.f32 v37, v27;
	v37 =	vmul.f32 v39, v25  }
0x44f: {  	v36 =	vmul.f32 v36, v28  }
0x450: {  	[tilespmem:s19+$0x90] =	vst v37  }
0x451: {  	v37 =	vld [tilespmem:s30+$0xA0];
	[tilespmem:s19+$0x10] =	vst v36;
	v36 =	vmul.f32 v38, v26  }
0x452: {  	[tilespmem:s19+$0xFFFFFF90] =	vst v35;
	v35 =	vld [tilespmem:s30+$0x20]  }
0x453: {  	v24 =	vmul.f32 v31, v24;
	[tilespmem:s19+$0xFFFFFF10] =	vst v36;
	v36 =	vld [tilespmem:s30+$0xFFFFFFA0]  }
0x454: {  	[tilespmem:s10+$0xE0] =	vst v34;
	v30 =	vmul.f32 v30, v21  }
0x455: {  	v23 =	vmul.f32 v32, v23;
	[tilespmem:s10+$0xFFFFFFF0] =	vst v24;
	v31 =	vld [tilespmem:s30+$0xFFFFFF20]  }
0x456: {  	v34 =	vld [tilespmem:s14+$0xF0];
	[tilespmem:s29+$0xFFFFFFB0] =	vst v30;
	v32 =	vmul.f32 v37, v25  }
0x457: {  	[tilespmem:s10+$0xFFFFFF70] =	vst v23;
	v30 =	vld [tilespmem:s9+$0xFFFFFFC0];
	v38 =	vmul.f32 v35, v28  }
0x458: {  	v39 =	vld [tilespmem:s9+$0xB0];
	[tilespmem:s19+$0xA0] =	vst v32;
	v36 =	vmul.f32 v36, v27  }
0x459: {  	v33 =	vmul.f32 v33, v20;
	[tilespmem:s19+$0x20] =	vst v38;
	v38 =	vld [tilespmem:s30+$0xB0]  }
0x45a: {  	v31 =	vmul.f32 v31, v26;
	v23 =	vld [tilespmem:s30+$0x30];
	[tilespmem:s19+$0xFFFFFFA0] =	vst v36  }
0x45b: {  	v29 =	vmul.f32 v29, v63;
	[tilespmem:s29+$0x30] =	vst v33;
	v37 =	vld [tilespmem:s30+$0xFFFFFFB0]  }
0x45c: {  	v22 =	vmul.f32 v34, v22;
	[tilespmem:s19+$0xFFFFFF20] =	vst v31  }
0x45d: {  	[tilespmem:s29+$0xFFFFFF30] =	vst v29;
	v24 =	vmul.f32 v39, v62;
	v33 =	vld [tilespmem:s30+$0xFFFFFF30]  }
0x45e: {  	[tilespmem:s10+$0xF0] =	vst v22;
	v39 =	vld [tilespmem:s9+$0x40];
	v29 =	vmul.f32 v38, v25  }
0x45f: {  	[tilespmem:s29+$0xB0] =	vst v24;
	v24 =	vld [tilespmem:s9+$0xFFFFFF40];
	v23 =	vmul.f32 v23, v28  }
0x460: {  	v30 =	vmul.f32 v30, v21;
	v36 =	vmul.f32 v37, v27;
	v37 =	vld [tilespmem:s9+$0xC0];
	[tilespmem:s19+$0xB0] =	vst v29  }
0x461: {  	[tilespmem:s19+$0x30] =	vst v23;
	v22 =	vld [tilespmem:s30+$0xC0]  }
0x462: {  	[tilespmem:s29+$0xFFFFFFC0] =	vst v30;
	v33 =	vmul.f32 v33, v26;
	v23 =	vld [tilespmem:s30+$0x40]  }
0x463: {  	v38 =	vmul.f32 v39, v20;
	[tilespmem:s19+$0xFFFFFFB0] =	vst v36;
	v36 =	vld [tilespmem:s9+$0xFFFFFFD0]  }
0x464: {  	[tilespmem:s19+$0xFFFFFF30] =	vst v33;
	v39 =	vld [tilespmem:s30+$0xFFFFFFC0]  }
0x465: {  	v24 =	vmul.f32 v24, v63;
	[tilespmem:s29+$0x40] =	vst v38;
	v33 =	vld [tilespmem:s30+$0xFFFFFF40]  }
0x466: {  	v29 =	vld [tilespmem:s9+$0x50];
	v35 =	vmul.f32 v37, v62  }
0x467: {  	[tilespmem:s29+$0xFFFFFF40] =	vst v24;
	v22 =	vmul.f32 v22, v25  }
0x468: {  	v37 =	vld [tilespmem:s9+$0xFFFFFF50];
	v23 =	vmul.f32 v23, v28;
	[tilespmem:s29+$0xC0] =	vst v35  }
0x469: {  	v38 =	vmul.f32 v39, v27;
	v39 =	vld [tilespmem:s9+$0xD0];
	[tilespmem:s19+$0xC0] =	vst v22  }
0x46a: {  	v24 =	vmul.f32 v36, v21;
	v33 =	vmul.f32 v33, v26;
	[tilespmem:s19+$0x40] =	vst v23;
	v36 =	vld [tilespmem:s30+$0xD0]  }
0x46b: {  	v29 =	vmul.f32 v29, v20;
	v23 =	vld [tilespmem:s30+$0x50];
	[tilespmem:s19+$0xFFFFFFC0] =	vst v38  }
0x46c: {  	[tilespmem:s19+$0xFFFFFF40] =	vst v33;
	v30 =	vld [tilespmem:s30+$0xFFFFFFD0]  }
0x46d: {  	[tilespmem:s29+$0x50] =	vst v29;
	v35 =	vmul.f32 v37, v63;
	v33 =	vld [tilespmem:s30+$0xFFFFFF50]  }
0x46e: {  	v31 =	vld [tilespmem:s9+$0x60];
	[tilespmem:s29+$0xFFFFFFD0] =	vst v24;
	v37 =	vmul.f32 v39, v62  }
0x46f: {  	v22 =	vld [tilespmem:s9+$0xFFFFFFE0];
	[tilespmem:s29+$0xFFFFFF50] =	vst v35;
	v36 =	vmul.f32 v36, v25  }
0x470: {  	v32 =	vld [tilespmem:s9+$0xFFFFFF60];
	v23 =	vmul.f32 v23, v28;
	[tilespmem:s29+$0xD0] =	vst v37  }
0x471: {  	v38 =	vmul.f32 v30, v27;
	v30 =	vld [tilespmem:s9+$0xE0];
	[tilespmem:s19+$0xD0] =	vst v36  }
0x472: {  	[tilespmem:s19+$0x50] =	vst v23;
	v39 =	vmul.f32 v33, v26;
	v29 =	vld [tilespmem:s30+$0xE0]  }
0x473: {  	v37 =	vmul.f32 v31, v20;
	v33 =	vld [tilespmem:s30+$0x60];
	[tilespmem:s19+$0xFFFFFFD0] =	vst v38  }
0x474: {  	v22 =	vmul.f32 v22, v21;
	[tilespmem:s19+$0xFFFFFF50] =	vst v39;
	v38 =	vld [tilespmem:s30+$0xFFFFFFE0]  }
0x475: {  	[tilespmem:s29+$0x60] =	vst v37;
	v39 =	vmul.f32 v32, v63;
	v31 =	vld [tilespmem:s30+$0xFFFFFF60]  }
0x476: {  	[tilespmem:s29+$0xFFFFFFE0] =	vst v22;
	v32 =	vld [tilespmem:s9+$0x70];
	v36 =	vmul.f32 v30, v62  }
0x477: {  	v24 =	vld [tilespmem:s9+$0xFFFFFFF0];
	[tilespmem:s29+$0xFFFFFF60] =	vst v39;
	v35 =	vmul.f32 v29, v25  }
0x478: {  	v37 =	vmul.f32 v33, v28;
	v33 =	vld [tilespmem:s9+$0xFFFFFF70];
	[tilespmem:s29+$0xE0] =	vst v36  }
0x479: {  	v38 =	vmul.f32 v38, v27;
	v23 =	vld [tilespmem:s9+$0xF0];
	[tilespmem:s19+$0xE0] =	vst v35  }
0x47a: {  	[tilespmem:s19+$0x60] =	vst v37;
	v39 =	vmul.f32 v31, v26;
	v22 =	vld [tilespmem:s30+$0xF0]  }
0x47b: {  	v20 =	vmul.f32 v32, v20;
	v34 =	vld [tilespmem:s30+$0x70];
	[tilespmem:s19+$0xFFFFFFE0] =	vst v38  }
0x47c: {  	v37 =	vmul.f32 v24, v21;
	[tilespmem:s19+$0xFFFFFF60] =	vst v39;
	v36 =	vld [tilespmem:s30+$0xFFFFFFF0]  }
0x47d: {  	[tilespmem:s29+$0x70] =	vst v20;
	v38 =	vld [tilespmem:s30+$0xFFFFFF70];
	v20 =	vmul.f32 v33, v63  }
0x47e: {  	[tilespmem:s29+$0xFFFFFFF0] =	vst v37;
	v39 =	vmul.f32 v23, v62  }
0x47f: {  	[tilespmem:s29+$0xFFFFFF70] =	vst v20;
	v63 =	vmul.f32 v22, v25  }
0x480: {  	v20 =	vmul.f32 v34, v28;
	[tilespmem:s29+$0xF0] =	vst v39  }
0x481: {  	v62 =	vmul.f32 v36, v27;
	[tilespmem:s19+$0xF0] =	vst v63  }
0x482: {  	[tilespmem:s19+$0x70] =	vst v20;
	v20 =	vmul.f32 v38, v26  }
0x483: {  	[tilespmem:s19+$0xFFFFFFF0] =	vst v62  }
0x484: {  	s9 =	simm.s32 @p2 $0x2;
	[tilespmem:s19+$0xFFFFFF70] =	vst v20  }
0x485: {  	_ =	swait.ge @p2 [sflag:s9], $0x7800  }
0x486: {  	[sflag:s9] =	ssyncset.done @p2 $0x0  }
0x487: {  	[sflag:s9] =	ssyncadd.s32 @p2 $0xFFFF8800  }
0x488: {  	_ =	swait.ge @p2 [sflag:s9], $0xF0  }
0x489: {  	[sflag:s9] =	ssyncset.done @p2 $0x0  }
0x48a: {  	[sflag:s9] =	ssyncadd.s32 @p2 $0xFFFFFF10  }
0x48b: {  	[spmem:s21] =	stream.indirect.scatter.add.f32 [tilespmem:s11], [sflag:$0x1], $0x80, s5, s20, $0xb8;
	[tilespmem:$0x1E9C0] =	vst v63  }
0x48c: {  	s9 =	simm.s32 @p0 $0x1  }
0x48d: {  	[spmem:s21] =	stream.indirect.scatter.add.f32 [tilespmem:s7], [sflag:$0x1], $0x80, s6, s1, $0xb8;
	[tilespmem:$0x1E9C0] =	vst v63  }
0x48e: {  	_ =	swait.ge @p0 [sflag:s9], $0x4000  }
0x48f: {  	[sflag:s9] =	ssyncset.done @p0 $0x0  }
0x490: {  	[sflag:s9] =	ssyncadd.s32 @p0 $0xFFFFC000  }
0x491: {  	_ =	swait.ge @p0 [sflag:s9], $0x3800  }
0x492: {  	s14 =	simm.s32 @!p0 $0x14200;
	[sflag:s9] =	ssyncset.done @p0 $0x0  }
0x493: {  	s10 =	simm.s32 @!p0 $0x14600;
	[sflag:s9] =	ssyncadd.s32 @p0 $0xFFFFC800;
	s9 =	simm.s32 @!p0 $0x80  }
0x494: {  	[spmem:s22] =	stream.indirect.scatter.add.f32 @!p0 [tilespmem:s14], [sflag:$0x2], $0x1, s10, s9, $0xb8;
	[tilespmem:$0x1E9C0] =	vst v63  }
0x495: {  	s9 =	simm.s32 @!p0 $0x70;
	s10 =	simm.s32 @!p0 $0x14680;
	s14 =	simm.s32 @!p0 $0x14280  }
0x496: {  	[spmem:s22] =	stream.indirect.scatter.add.f32 @!p0 [tilespmem:s14], [sflag:$0x2], $0x1, s10, s9, $0xb8;
	[tilespmem:$0x1E9C0] =	vst v63  }
0x497: {  	s9 =	simm.s32 @!p0 $0x1  }
0x498: {  	_ =	swait.ge @!p0 [sflag:s9], $0x4000  }
0x499: {  	[sflag:s9] =	ssyncset.done @!p0 $0x0  }
0x49a: {  	[sflag:s9] =	ssyncadd.s32 @!p0 $0xFFFFC000  }
0x49b: {  	_ =	swait.ge @!p0 [sflag:s9], $0x3800  }
0x49c: {  	[sflag:s9] =	ssyncset.done @!p0 $0x0  }
0x49d: {  	[sflag:s9] =	ssyncadd.s32 @!p0 $0xFFFFC800;
	s9 =	simm.s32 @!p0 $0x2  }
0x49e: {  	_ =	swait.ge @!p0 [sflag:s9], $0x80  }
.Ltmp9:
0x49f: {  	[sflag:s9] =	ssyncset.done @!p0 $0x0;
	(pc) =	sbr.rel .LBB2_12-.Ltmp9, $4  }
0x4a0: {  	[sflag:s9] =	ssyncadd.s32 @!p0 $0xFFFFFF80  }
0x4a1: {  	_ =	swait.ge @!p0 [sflag:s9], $0x70  }
0x4a2: {  	[sflag:s9] =	ssyncset.done @!p0 $0x0  }
0x4a3: {  	[sflag:s9] =	ssyncadd.s32 @!p0 $0xFFFFFF90  }
.LBB2_13:
0x4a4: {  	[bflag:$0x0] =	sbarrier.arrive $0xFFFF  }
0x4a5: {  	[tilespmem:$0x14480] =	vst v0  }
0x4a6: {  	[tilespmem:$0x14490] =	vst v1  }
0x4a7: {  	[tilespmem:$0x144A0] =	vst v2  }
0x4a8: {  	s16 =	simm.s32 $0x40;
	s17 =	simm.s32 $0x14480;
	[tilespmem:$0x144B0] =	vst v3  }
0x4a9: {  	[tilespmem:s11], [sflag:$0x5] =	stream.indirect.gather [spmem:s21], $0x80, s17, s16, $0xb8;
	[tilespmem:$0x1E9C0] =	vst v63  }
0x4aa: {  	_ =	swait.ge [sflag:s15], $0x2000  }
0x4ab: {  	[sflag:s15] =	ssyncset.done $0x0  }
0x4ac: {  	s9 =	rddreg [dreg:$0x8];
	[sflag:s15] =	ssyncadd.s32 $0xFFFFE000  }
0x4ad: {  	[hbm4b:s9+s2] =	stream.linear.scatter [tilespmem:s11], [sflag:$0x5], $0x2000, $0x38;
	[tilespmem:$0x1E9C0] =	vst v63  }
0x4ae: {  	_ =	swait.ge [sflag:s15], $0x2000  }
0x4af: {  	[sflag:s15] =	ssyncset.done $0x0  }
0x4b0: {  	[sflag:s15] =	ssyncadd.s32 $0xFFFFE000  }
0x4b1: {  	[tilespmem:$0x14480] =	vst v4  }
0x4b2: {  	[tilespmem:$0x14490] =	vst v5  }
0x4b3: {  	[tilespmem:$0x144A0] =	vst v6  }
0x4b4: {  	[tilespmem:$0x144B0] =	vst v7  }
0x4b5: {  	[tilespmem:s11], [sflag:$0x5] =	stream.indirect.gather [spmem:s21], $0x80, s17, s16, $0xb8;
	[tilespmem:$0x1E9C0] =	vst v63  }
0x4b6: {  	_ =	swait.ge [sflag:s15], $0x2000  }
0x4b7: {  	[sflag:s15] =	ssyncset.done $0x0  }
0x4b8: {  	s19 =	rddreg [dreg:$0x9];
	[sflag:s15] =	ssyncadd.s32 $0xFFFFE000  }
0x4b9: {  	[hbm4b:s19+s2] =	stream.linear.scatter [tilespmem:s11], [sflag:$0x5], $0x2000, $0x38;
	[tilespmem:$0x1E9C0] =	vst v63  }
0x4ba: {  	_ =	swait.ge [sflag:s15], $0x2000  }
0x4bb: {  	[sflag:s15] =	ssyncset.done $0x0  }
0x4bc: {  	[sflag:s15] =	ssyncadd.s32 $0xFFFFE000  }
0x4bd: {  	[tilespmem:$0x14480] =	vst v8  }
0x4be: {  	[tilespmem:$0x14490] =	vst v9  }
0x4bf: {  	[tilespmem:$0x144A0] =	vst v10  }
0x4c0: {  	[tilespmem:$0x144B0] =	vst v11  }
0x4c1: {  	[tilespmem:s11], [sflag:$0x5] =	stream.indirect.gather [spmem:s21], $0x80, s17, s16, $0xb8;
	[tilespmem:$0x1E9C0] =	vst v63  }
0x4c2: {  	_ =	swait.ge [sflag:s15], $0x2000  }
0x4c3: {  	[sflag:s15] =	ssyncset.done $0x0  }
0x4c4: {  	s29 =	rddreg [dreg:$0xa];
	[sflag:s15] =	ssyncadd.s32 $0xFFFFE000  }
0x4c5: {  	[hbm4b:s29+s2] =	stream.linear.scatter [tilespmem:s11], [sflag:$0x5], $0x2000, $0x38;
	[tilespmem:$0x1E9C0] =	vst v63  }
0x4c6: {  	_ =	swait.ge [sflag:s15], $0x2000  }
0x4c7: {  	[sflag:s15] =	ssyncset.done $0x0  }
0x4c8: {  	[sflag:s15] =	ssyncadd.s32 $0xFFFFE000  }
0x4c9: {  	[tilespmem:$0x14480] =	vst v12  }
0x4ca: {  	[tilespmem:$0x14490] =	vst v13  }
0x4cb: {  	[tilespmem:$0x144A0] =	vst v14  }
0x4cc: {  	[tilespmem:$0x144B0] =	vst v15  }
0x4cd: {  	[tilespmem:s11], [sflag:$0x5] =	stream.indirect.gather [spmem:s21], $0x80, s17, s16, $0xb8;
	[tilespmem:$0x1E9C0] =	vst v63  }
0x4ce: {  	_ =	swait.ge [sflag:s15], $0x2000  }
0x4cf: {  	[sflag:s15] =	ssyncset.done $0x0  }
0x4d0: {  	s30 =	rddreg [dreg:$0xb];
	[sflag:s15] =	ssyncadd.s32 $0xFFFFE000  }
0x4d1: {  	[hbm4b:s30+s2] =	stream.linear.scatter [tilespmem:s11], [sflag:$0x5], $0x2000, $0x38;
	[tilespmem:$0x1E9C0] =	vst v63  }
0x4d2: {  	_ =	swait.ge [sflag:s15], $0x2000  }
0x4d3: {  	[sflag:s15] =	ssyncset.done $0x0  }
0x4d4: {  	[sflag:s15] =	ssyncadd.s32 $0xFFFFE000  }
0x4d5: {  	[tilespmem:$0x14480] =	vst v16  }
0x4d6: {  	[tilespmem:$0x14490] =	vst v17  }
0x4d7: {  	[tilespmem:$0x144A0] =	vst v18  }
0x4d8: {  	[tilespmem:$0x144B0] =	vst v19  }
0x4d9: {  	[tilespmem:s11], [sflag:$0x5] =	stream.indirect.gather [spmem:s21], $0x80, s17, s16, $0xb8;
	[tilespmem:$0x1E9C0] =	vst v63  }
0x4da: {  	_ =	swait.ge [sflag:s15], $0x2000  }
0x4db: {  	[sflag:s15] =	ssyncset.done $0x0  }
.Ltmp10:
0x4dc: {  	s31 =	rddreg [dreg:$0xc];
	[sflag:s15] =	ssyncadd.s32 $0xFFFFE000;
	(pc) =	sbr.rel @p0 .LBB2_15-.Ltmp10, $4  }
0x4dd: {  	[hbm4b:s31+s2] =	stream.linear.scatter [tilespmem:s11], [sflag:$0x5], $0x2000, $0x38;
	[tilespmem:$0x1E9C0] =	vst v63  }
0x4de: {  	_ =	swait.ge [sflag:s15], $0x2000  }
0x4df: {  	[sflag:s15] =	ssyncset.done $0x0  }
0x4e0: {  	s10 =	rddreg [dreg:$0x1c];
	[sflag:s15] =	ssyncadd.s32 $0xFFFFE000  }
0x4e1: {  	v20 =	vld [tilespmem:$0x1FF70];
	_ =	sdelay $0x4  }
0x4e2: {  	[tilespmem:$0x14480] =	vst v20;
	v20 =	vld [tilespmem:$0x1FEC0];
	_ =	sdelay $0x4  }
0x4e3: {  	[tilespmem:$0x14490] =	vst v20;
	v20 =	vld [tilespmem:$0x1FED0];
	_ =	sdelay $0x4  }
0x4e4: {  	[tilespmem:$0x144A0] =	vst v20;
	v20 =	vld [tilespmem:$0x1FEE0];
	_ =	sdelay $0x4  }
0x4e5: {  	[tilespmem:$0x144B0] =	vst v20  }
0x4e6: {  	[tilespmem:s13], [sflag:$0x5] =	stream.indirect.gather [spmem:s22], $0x1, s17, s16, $0xb8;
	[tilespmem:$0x1E9C0] =	vst v63  }
0x4e7: {  	_ =	swait.ge [sflag:s15], $0x40  }
0x4e8: {  	[sflag:s15] =	ssyncset.done $0x0  }
0x4e9: {  	s9 =	rddreg [dreg:$0xd];
	[sflag:s15] =	ssyncadd.s32 $0xFFFFFFC0  }
0x4ea: {  	[hbm4b:s9+s2] =	stream.linear.scatter [tilespmem:s13], [sflag:$0x5], $0x40, $0x38;
	[tilespmem:$0x1E9C0] =	vst v63  }
0x4eb: {  	_ =	swait.ge [sflag:s15], $0x40  }
0x4ec: {  	v20 =	vld [tilespmem:$0x1FEF0];
	_ =	sdelay $0x2  }
0x4ed: {  	[sflag:s15] =	ssyncset.done $0x0  }
0x4ee: {  	[sflag:s15] =	ssyncadd.s32 $0xFFFFFFC0  }
0x4ef: {  	[tilespmem:$0x14480] =	vst v20;
	v20 =	vld [tilespmem:$0x1FF00];
	_ =	sdelay $0x4  }
0x4f0: {  	[tilespmem:$0x14490] =	vst v20;
	v20 =	vld [tilespmem:$0x1FF10];
	_ =	sdelay $0x4  }
0x4f1: {  	[tilespmem:$0x144A0] =	vst v20;
	v20 =	vld [tilespmem:$0x1FF20];
	_ =	sdelay $0x4  }
0x4f2: {  	[tilespmem:$0x144B0] =	vst v20  }
0x4f3: {  	[tilespmem:s13], [sflag:$0x5] =	stream.indirect.gather [spmem:s22], $0x1, s17, s16, $0xb8;
	[tilespmem:$0x1E9C0] =	vst v63  }
0x4f4: {  	_ =	swait.ge [sflag:s15], $0x40  }
0x4f5: {  	[sflag:s15] =	ssyncset.done $0x0  }
0x4f6: {  	s19 =	rddreg [dreg:$0xe];
	[sflag:s15] =	ssyncadd.s32 $0xFFFFFFC0  }
0x4f7: {  	[hbm4b:s19+s2] =	stream.linear.scatter [tilespmem:s13], [sflag:$0x5], $0x40, $0x38;
	[tilespmem:$0x1E9C0] =	vst v63  }
0x4f8: {  	_ =	swait.ge [sflag:s15], $0x40  }
0x4f9: {  	v20 =	vld [tilespmem:$0x1FF30];
	_ =	sdelay $0x2  }
0x4fa: {  	[sflag:s15] =	ssyncset.done $0x0  }
0x4fb: {  	[sflag:s15] =	ssyncadd.s32 $0xFFFFFFC0  }
0x4fc: {  	[tilespmem:$0x14480] =	vst v20;
	v20 =	vld [tilespmem:$0x1FF40];
	_ =	sdelay $0x4  }
0x4fd: {  	[tilespmem:$0x14490] =	vst v20;
	v20 =	vld [tilespmem:$0x1FF50];
	_ =	sdelay $0x4  }
0x4fe: {  	[tilespmem:$0x144A0] =	vst v20;
	v20 =	vld [tilespmem:$0x1FF60];
	_ =	sdelay $0x4  }
0x4ff: {  	[tilespmem:$0x144B0] =	vst v20  }
0x500: {  	[tilespmem:s13], [sflag:$0x5] =	stream.indirect.gather [spmem:s22], $0x1, s17, s16, $0xb8;
	[tilespmem:$0x1E9C0] =	vst v63  }
0x501: {  	_ =	swait.ge [sflag:s15], $0x40  }
0x502: {  	[sflag:s15] =	ssyncset.done $0x0  }
0x503: {  	s29 =	rddreg [dreg:$0xf];
	[sflag:s15] =	ssyncadd.s32 $0xFFFFFFC0  }
0x504: {  	[hbm4b:s29+s2] =	stream.linear.scatter [tilespmem:s13], [sflag:$0x5], $0x40, $0x38;
	[tilespmem:$0x1E9C0] =	vst v63  }
0x505: {  	_ =	swait.ge [sflag:s15], $0x40  }
0x506: {  	v20 =	vld [tilespmem:$0x1FF80];
	_ =	sdelay $0x2  }
0x507: {  	[sflag:s15] =	ssyncset.done $0x0  }
0x508: {  	[sflag:s15] =	ssyncadd.s32 $0xFFFFFFC0  }
0x509: {  	[tilespmem:$0x14480] =	vst v20;
	v20 =	vld [tilespmem:$0x1FF90];
	_ =	sdelay $0x4  }
0x50a: {  	[tilespmem:$0x14490] =	vst v20;
	v20 =	vld [tilespmem:$0x1FFA0];
	_ =	sdelay $0x4  }
0x50b: {  	[tilespmem:$0x144A0] =	vst v20;
	v20 =	vld [tilespmem:$0x1FFB0];
	_ =	sdelay $0x4  }
0x50c: {  	[tilespmem:$0x144B0] =	vst v20  }
0x50d: {  	[tilespmem:s13], [sflag:$0x5] =	stream.indirect.gather [spmem:s22], $0x1, s17, s16, $0xb8;
	[tilespmem:$0x1E9C0] =	vst v63  }
0x50e: {  	_ =	swait.ge [sflag:s15], $0x40  }
0x50f: {  	[sflag:s15] =	ssyncset.done $0x0  }
0x510: {  	s30 =	rddreg [dreg:$0x10];
	[sflag:s15] =	ssyncadd.s32 $0xFFFFFFC0  }
0x511: {  	[hbm4b:s30+s2] =	stream.linear.scatter [tilespmem:s13], [sflag:$0x5], $0x40, $0x38;
	[tilespmem:$0x1E9C0] =	vst v63  }
0x512: {  	_ =	swait.ge [sflag:s15], $0x40  }
0x513: {  	v20 =	vld [tilespmem:$0x1FFC0];
	_ =	sdelay $0x2  }
0x514: {  	[sflag:s15] =	ssyncset.done $0x0  }
0x515: {  	[sflag:s15] =	ssyncadd.s32 $0xFFFFFFC0  }
0x516: {  	[tilespmem:$0x14480] =	vst v20;
	v20 =	vld [tilespmem:$0x1FFD0];
	_ =	sdelay $0x4  }
0x517: {  	[tilespmem:$0x14490] =	vst v20;
	v20 =	vld [tilespmem:$0x1FFE0];
	_ =	sdelay $0x4  }
0x518: {  	[tilespmem:$0x144A0] =	vst v20;
	v20 =	vld [tilespmem:$0x1FFF0];
	_ =	sdelay $0x4  }
0x519: {  	[tilespmem:$0x144B0] =	vst v20  }
0x51a: {  	[tilespmem:s13], [sflag:$0x5] =	stream.indirect.gather [spmem:s22], $0x1, s17, s16, $0xb8;
	[tilespmem:$0x1E9C0] =	vst v63  }
0x51b: {  	_ =	swait.ge [sflag:s15], $0x40  }
0x51c: {  	[sflag:s15] =	ssyncset.done $0x0  }
0x51d: {  	s31 =	rddreg [dreg:$0x11];
	[sflag:s15] =	ssyncadd.s32 $0xFFFFFFC0  }
0x51e: {  	[hbm4b:s31+s2] =	stream.linear.scatter [tilespmem:s13], [sflag:$0x5], $0x40, $0x38;
	[tilespmem:$0x1E9C0] =	vst v63  }
0x51f: {  	_ =	swait.ge [sflag:s15], $0x40  }
0x520: {  	[sflag:s15] =	ssyncset.done $0x0  }
0x521: {  	[sflag:s15] =	ssyncadd.s32 $0xFFFFFFC0  }
0x522: {  	[tilespmem:$0x14480] =	vst v40  }
0x523: {  	[tilespmem:$0x14490] =	vst v41  }
0x524: {  	[tilespmem:$0x144A0] =	vst v42  }
0x525: {  	[tilespmem:$0x144B0] =	vst v43  }
0x526: {  	[tilespmem:s13], [sflag:$0x5] =	stream.indirect.gather [spmem:s22], $0x1, s17, s16, $0xb8;
	[tilespmem:$0x1E9C0] =	vst v63  }
0x527: {  	_ =	swait.ge [sflag:s15], $0x40  }
0x528: {  	[sflag:s15] =	ssyncset.done $0x0  }
0x529: {  	s14 =	rddreg [dreg:$0x12];
	[sflag:s15] =	ssyncadd.s32 $0xFFFFFFC0  }
0x52a: {  	[hbm4b:s14+s2] =	stream.linear.scatter [tilespmem:s13], [sflag:$0x5], $0x40, $0x38;
	[tilespmem:$0x1E9C0] =	vst v63  }
0x52b: {  	_ =	swait.ge [sflag:s15], $0x40  }
0x52c: {  	[sflag:s15] =	ssyncset.done $0x0  }
0x52d: {  	[sflag:s15] =	ssyncadd.s32 $0xFFFFFFC0  }
0x52e: {  	[tilespmem:$0x14480] =	vst v44  }
0x52f: {  	[tilespmem:$0x14490] =	vst v45  }
0x530: {  	[tilespmem:$0x144A0] =	vst v46  }
0x531: {  	[tilespmem:$0x144B0] =	vst v47  }
0x532: {  	[tilespmem:s13], [sflag:$0x5] =	stream.indirect.gather [spmem:s22], $0x1, s17, s16, $0xb8;
	[tilespmem:$0x1E9C0] =	vst v63  }
0x533: {  	_ =	swait.ge [sflag:s15], $0x40  }
0x534: {  	[sflag:s15] =	ssyncset.done $0x0  }
0x535: {  	s19 =	rddreg [dreg:$0x13];
	[sflag:s15] =	ssyncadd.s32 $0xFFFFFFC0  }
0x536: {  	[hbm4b:s19+s2] =	stream.linear.scatter [tilespmem:s13], [sflag:$0x5], $0x40, $0x38;
	[tilespmem:$0x1E9C0] =	vst v63  }
0x537: {  	_ =	swait.ge [sflag:s15], $0x40  }
0x538: {  	[sflag:s15] =	ssyncset.done $0x0  }
0x539: {  	[sflag:s15] =	ssyncadd.s32 $0xFFFFFFC0  }
0x53a: {  	[tilespmem:$0x14480] =	vst v48  }
0x53b: {  	[tilespmem:$0x14490] =	vst v49  }
0x53c: {  	[tilespmem:$0x144A0] =	vst v50  }
0x53d: {  	[tilespmem:$0x144B0] =	vst v51  }
0x53e: {  	[tilespmem:s13], [sflag:$0x5] =	stream.indirect.gather [spmem:s22], $0x1, s17, s16, $0xb8;
	[tilespmem:$0x1E9C0] =	vst v63  }
0x53f: {  	_ =	swait.ge [sflag:s15], $0x40  }
0x540: {  	[sflag:s15] =	ssyncset.done $0x0  }
0x541: {  	s29 =	rddreg [dreg:$0x14];
	[sflag:s15] =	ssyncadd.s32 $0xFFFFFFC0  }
0x542: {  	[hbm4b:s29+s2] =	stream.linear.scatter [tilespmem:s13], [sflag:$0x5], $0x40, $0x38;
	[tilespmem:$0x1E9C0] =	vst v63  }
0x543: {  	_ =	swait.ge [sflag:s15], $0x40  }
0x544: {  	[sflag:s15] =	ssyncset.done $0x0  }
0x545: {  	[sflag:s15] =	ssyncadd.s32 $0xFFFFFFC0  }
0x546: {  	[tilespmem:$0x14480] =	vst v52  }
0x547: {  	[tilespmem:$0x14490] =	vst v53  }
0x548: {  	[tilespmem:$0x144A0] =	vst v54  }
0x549: {  	[tilespmem:$0x144B0] =	vst v55  }
0x54a: {  	[tilespmem:s13], [sflag:$0x5] =	stream.indirect.gather [spmem:s22], $0x1, s17, s16, $0xb8;
	[tilespmem:$0x1E9C0] =	vst v63  }
0x54b: {  	_ =	swait.ge [sflag:s15], $0x40  }
0x54c: {  	[sflag:s15] =	ssyncset.done $0x0  }
0x54d: {  	s30 =	rddreg [dreg:$0x15];
	[sflag:s15] =	ssyncadd.s32 $0xFFFFFFC0  }
0x54e: {  	[hbm4b:s30+s2] =	stream.linear.scatter [tilespmem:s13], [sflag:$0x5], $0x40, $0x38;
	[tilespmem:$0x1E9C0] =	vst v63  }
0x54f: {  	_ =	swait.ge [sflag:s15], $0x40  }
0x550: {  	[sflag:s15] =	ssyncset.done $0x0  }
0x551: {  	[sflag:s15] =	ssyncadd.s32 $0xFFFFFFC0  }
0x552: {  	[tilespmem:$0x14480] =	vst v56  }
0x553: {  	[tilespmem:$0x14490] =	vst v57  }
0x554: {  	[tilespmem:$0x144A0] =	vst v58  }
0x555: {  	[tilespmem:$0x144B0] =	vst v59  }
0x556: {  	[tilespmem:s13], [sflag:$0x5] =	stream.indirect.gather [spmem:s22], $0x1, s17, s16, $0xb8;
	[tilespmem:$0x1E9C0] =	vst v63  }
0x557: {  	_ =	swait.ge [sflag:s15], $0x40  }
0x558: {  	[sflag:s15] =	ssyncset.done $0x0  }
.Ltmp11:
0x559: {  	s31 =	rddreg [dreg:$0x16];
	[sflag:s15] =	ssyncadd.s32 $0xFFFFFFC0;
	(pc) =	sbr.rel .LBB2_15-.Ltmp11, $4  }
0x55a: {  	[hbm4b:s31+s2] =	stream.linear.scatter [tilespmem:s13], [sflag:$0x5], $0x40, $0x38;
	[tilespmem:$0x1E9C0] =	vst v63  }
0x55b: {  	_ =	swait.ge [sflag:s15], $0x40  }
0x55c: {  	[sflag:s15] =	ssyncset.done $0x0  }
0x55d: {  	[sflag:s15] =	ssyncadd.s32 $0xFFFFFFC0  }
.LBB2_16:
0x55e: {  	_ =	sfence.sel $0x180000  }
0x55f: {  	[bflag:$0x0] =	sbarrier.arrive $0xFFFF  }
0x560: {  	_ =	strace $0x90000047  }
0x561: {  	[bflag:$0x2] =	sbarrier.arrive $0xFFFF  }
0x562: {  	p0 =	sne.s32 s0, $0x0;
	s0 =	rddreg [dreg:$0x7]  }
0x563: {  	s0 =	sadd.s32 @!p0 $0x100000, s0  }
0x564: {  	[sflag:s0] =	ssyncadd.tile.s32 @!p0 $0x1;
	_ =	shalt  }
.Lfunc_end2:
_tile_overlayer_lowered:
.L_overlay_start_2:
0x565: {  	(tag) =	ssettag $0x2  }
0x566: {  	s0 =	rddreg [dreg:$0x0];
	s2 =	stileid.u32  }
0x567: {  	s1 =	rddreg [dreg:$0x1];
	p0 =	sne.s32 s2, $0x0  }
0x568: {  	s3 =	rddreg [dreg:$0x2];
	[bflag:$0x3] =	sbarrier.arrive $0xFFFF;
	s2 =	simm.s32 @!p0 $0x1C05  }
0x569: {  	[timem:s3], [sflag:s2] =	dma.local @!p0 [hbm:s0], s1  }
0x56a: {  	s0 =	simm.s32 @!p0 $0x5  }
0x56b: {  	_ =	swait.ge @!p0 [sflag:s0], s1  }
0x56c: {  	s1 =	ssub.s32 @!p0 $0x0, s1;
	[sflag:s0] =	ssyncset.done @!p0 $0x0  }
0x56d: {  	[sflag:s0] =	ssyncadd.s32 @!p0 s1  }
0x56e: {  	[bflag:$0x3] =	sbarrier.arrive $0xFFFF  }
0x56f: {  	_ =	shalt  }

</sc_bundles>
